<compile_context>
chip_gen: v7x
topology: tpu7x:2x2x1
jax: 0.10.2.dev20260603
libtpu: 0.0.44.dev20260713+nightly
codegen_flags: <defaults>
</compile_context>

<pallas_src>
import functools

import jax
import jax.numpy as jnp
from jax import lax
from jax.experimental import pallas as pl
from jax.experimental.pallas import tpu as pltpu
from jax.experimental.pallas import tpu_sc as plsc

N = 10000
D = 128
E = 320000

NC = 2
NS = 16
NW = NC * NS
EPB = 128
NBUF = 4
NB_PER_W = 80
E_PAD = NB_PER_W * NW * EPB
PAD = E_PAD - E
ACC_ROWS = 10240
TRASH = N
RPS = ACC_ROWS // NS
ZROWS = 64
DEGW = 128
NBT = E_PAD // EPB
NB0 = 156
NB1 = NBT // NS - NB0

BR = 1000

_MESH = dict(core_axis_name="c", subcore_axis_name="s")


def _sc_degree(dp):

    @functools.partial(
        pl.kernel,
        out_type=jax.ShapeDtypeStruct((NC, ACC_ROWS, DEGW), jnp.float32),
        mesh=plsc.VectorSubcoreMesh(**_MESH),
        scratch_types=[pltpu.VMEM((EPB, DEGW), jnp.float32)]
        + [pltpu.VMEM((EPB,), jnp.int32)] * 4
        + [pltpu.VMEM_SHARED((ACC_ROWS, DEGW), jnp.float32)]
        + [pltpu.SemaphoreType.DMA] * 8,
    )
    def k(dp_hbm, out_hbm, *bufs):
        ones = bufs[0]
        didx = bufs[1:5]
        acc = bufs[5]
        isem, ssem = bufs[6:10], bufs[10:14]
        cid = lax.axis_index("c")
        sid = lax.axis_index("s")
        gwid = cid * NS + sid

        def issue_idx(b, ji):
            pltpu.async_copy(dp_hbm.at[gwid, b], didx[ji], isem[ji])

        def wait_idx(b, ji):
            pltpu.make_async_copy(dp_hbm.at[gwid, b], didx[ji],
                                  isem[ji]).wait()

        def issue_s(ji):
            pltpu.async_copy(ones, acc.at[didx[ji]], ssem[ji], add=True)

        def wait_s(ji):
            pltpu.make_async_copy(ones, acc.at[didx[ji]], ssem[ji]).wait()

        issue_idx(0, 0)

        @pl.loop(0, EPB)
        def _(r):
            @pl.loop(0, DEGW // 16)
            def _(c):
                ones[r, pl.ds(c * 16, 16)] = jnp.ones((16,), jnp.float32)

        @pl.loop(0, RPS // ZROWS)
        def _(i):
            pltpu.sync_copy(ones.at[pl.ds(0, ZROWS)],
                            acc.at[pl.ds(sid * RPS + i * ZROWS, ZROWS)])

        plsc.subcore_barrier()

        @pl.loop(0, NB_PER_W // 4)
        def _(g):
            for j in range(4):
                b = g * 4 + j
                ji1, ji3 = (j + 1) % 4, (j + 3) % 4

                @pl.when(b >= 3)
                def _():
                    wait_s(ji1)

                @pl.when(b + 1 < NB_PER_W)
                def _():
                    issue_idx(b + 1, ji1)

                wait_idx(b, j)
                issue_s(j)

        for j in (1, 2, 3):
            wait_s(j)

        plsc.subcore_barrier()

        @pl.loop(0, RPS // ZROWS)
        def _(i):
            off = sid * RPS + i * ZROWS
            pltpu.sync_copy(acc.at[pl.ds(off, ZROWS)],
                            out_hbm.at[cid, pl.ds(off, ZROWS)])

    return k(dp)


def _sc_propagate(table, sp, dp):

    @functools.partial(
        pl.kernel,
        out_type=jax.ShapeDtypeStruct((NC, ACC_ROWS, D), jnp.float32),
        mesh=plsc.VectorSubcoreMesh(**_MESH),
        scratch_types=[pltpu.VMEM((EPB, D), jnp.float32)] * 2
        + [pltpu.VMEM((EPB // 2,), jnp.int32)] * 8
        + [pltpu.VMEM((EPB,), jnp.int32)] * 4
        + [pltpu.VMEM_SHARED((ACC_ROWS, D), jnp.float32)]
        + [pltpu.SemaphoreType.DMA] * 8,
    )
    def k(tab_hbm, sp_hbm, dp_hbm, out_hbm, *bufs):
        rows = bufs[0:2]
        sidx = bufs[2:10]
        didx = bufs[10:14]
        acc = bufs[14]
        gsem, ssem = bufs[15:17], bufs[17:19]
        isem = bufs[19:23]
        cid = lax.axis_index("c")
        sid = lax.axis_index("s")
        nb = jnp.where(cid == 0, NB0, NB1)
        base = jnp.where(cid == 0, sid * NB0, NS * NB0 + sid * NB1)
        H = EPB // 2

        def issue_idx(b, ji):
            pltpu.async_copy(sp_hbm.at[base + b, pl.ds(0, H)],
                             sidx[2 * ji], isem[ji])
            pltpu.async_copy(sp_hbm.at[base + b, pl.ds(H, H)],
                             sidx[2 * ji + 1], isem[ji])
            pltpu.async_copy(dp_hbm.at[base + b], didx[ji], isem[ji])

        def wait_idx(b, ji):
            pltpu.make_async_copy(sp_hbm.at[base + b, pl.ds(0, H)],
                                  sidx[2 * ji], isem[ji]).wait()
            pltpu.make_async_copy(sp_hbm.at[base + b, pl.ds(H, H)],
                                  sidx[2 * ji + 1], isem[ji]).wait()
            pltpu.make_async_copy(dp_hbm.at[base + b], didx[ji],
                                  isem[ji]).wait()

        def issue_g(jr, ji):
            pltpu.async_copy(tab_hbm.at[sidx[2 * ji]],
                             rows[jr].at[pl.ds(0, H)], gsem[jr])
            pltpu.async_copy(tab_hbm.at[sidx[2 * ji + 1]],
                             rows[jr].at[pl.ds(H, H)], gsem[jr])

        def wait_g(jr, ji):
            pltpu.make_async_copy(tab_hbm.at[sidx[2 * ji]],
                                  rows[jr].at[pl.ds(0, H)], gsem[jr]).wait()
            pltpu.make_async_copy(tab_hbm.at[sidx[2 * ji + 1]],
                                  rows[jr].at[pl.ds(H, H)], gsem[jr]).wait()

        def issue_s(jr, ji):
            pltpu.async_copy(rows[jr], acc.at[didx[ji]], ssem[jr], add=True)

        def wait_s(jr, ji):
            pltpu.make_async_copy(rows[jr], acc.at[didx[ji]],
                                  ssem[jr]).wait()

        for j in range(4):
            issue_idx(j, j)

        @pl.loop(0, EPB)
        def _(r):
            @pl.loop(0, D // 16)
            def _(c):
                rows[0][r, pl.ds(c * 16, 16)] = jnp.zeros((16,), jnp.float32)

        @pl.loop(0, RPS // EPB)
        def _(i):
            pltpu.sync_copy(rows[0], acc.at[pl.ds(sid * RPS + i * EPB, EPB)])

        plsc.subcore_barrier()
        wait_idx(0, 0)
        issue_g(0, 0)

        @pl.loop(0, nb // 4)
        def _(g):
            for j in range(4):
                b = g * 4 + j
                jr, jr1 = j % 2, (j + 1) % 2
                ji, ji1, ji3 = j, (j + 1) % 4, (j + 3) % 4

                @pl.when(b >= 1)
                def _():
                    wait_s(jr1, ji3)

                    @pl.when(b + 3 < nb)
                    def _():
                        issue_idx(b + 3, ji3)

                @pl.when(b + 1 < nb)
                def _():
                    wait_idx(b + 1, ji1)
                    issue_g(jr1, ji1)

                wait_g(jr, ji)
                issue_s(jr, ji)

        wait_s(1, 3)
        plsc.subcore_barrier()

        @pl.loop(0, RPS // EPB)
        def _(i):
            off = sid * RPS + i * EPB
            pltpu.sync_copy(acc.at[pl.ds(off, EPB)],
                            out_hbm.at[cid, pl.ds(off, EPB)])

    return k(table, sp, dp)


def _tc_pre(accd, x):

    def body(accd_ref, x_ref, xs_ref, d_ref):
        deg = accd_ref[0, :, 0:1] + accd_ref[1, :, 0:1] - 1.0
        d = lax.rsqrt(deg)
        d_ref[...] = d
        xs_ref[...] = x_ref[...] * d

    return pl.pallas_call(
        body,
        grid=(N // BR,),
        in_specs=[
            pl.BlockSpec((NC, BR, DEGW), lambda i: (0, i, 0)),
            pl.BlockSpec((BR, D), lambda i: (i, 0)),
        ],
        out_specs=[
            pl.BlockSpec((BR, D), lambda i: (i, 0)),
            pl.BlockSpec((BR, 1), lambda i: (i, 0)),
        ],
        out_shape=[
            jax.ShapeDtypeStruct((N, D), jnp.float32),
            jax.ShapeDtypeStruct((N, 1), jnp.float32),
        ],
    )(accd, x)


def _tc_mid(acc, xs, d, W1, b1):

    def body(acc_ref, xs_ref, d_ref, w_ref, b_ref, emb_ref, es_ref):
        d = d_ref[...]
        h = (acc_ref[0] + acc_ref[1] + xs_ref[...]) * d
        e = lax.dot_general(h, w_ref[...],
                            dimension_numbers=(((1,), (1,)), ((), ())),
                            preferred_element_type=jnp.float32)
        e = jnp.maximum(e + b_ref[...], 0.0)
        emb_ref[...] = e
        es_ref[...] = e * d

    return pl.pallas_call(
        body,
        grid=(N // BR,),
        in_specs=[
            pl.BlockSpec((NC, BR, D), lambda i: (0, i, 0)),
            pl.BlockSpec((BR, D), lambda i: (i, 0)),
            pl.BlockSpec((BR, 1), lambda i: (i, 0)),
            pl.BlockSpec((D, D), lambda i: (0, 0)),
            pl.BlockSpec((1, D), lambda i: (0, 0)),
        ],
        out_specs=[
            pl.BlockSpec((BR, D), lambda i: (i, 0)),
            pl.BlockSpec((BR, D), lambda i: (i, 0)),
        ],
        out_shape=[
            jax.ShapeDtypeStruct((N, D), jnp.float32),
            jax.ShapeDtypeStruct((N, D), jnp.float32),
        ],
    )(acc, xs, d, W1, b1)


def _tc_post(acc, es, d, W2, b2):

    def body(acc_ref, es_ref, d_ref, w_ref, b_ref, out_ref):
        h = (acc_ref[0] + acc_ref[1] + es_ref[...]) * d_ref[...]
        o = lax.dot_general(h, w_ref[...],
                            dimension_numbers=(((1,), (1,)), ((), ())),
                            preferred_element_type=jnp.float32)
        out_ref[...] = o + b_ref[...]

    return pl.pallas_call(
        body,
        grid=(N // BR,),
        in_specs=[
            pl.BlockSpec((NC, BR, D), lambda i: (0, i, 0)),
            pl.BlockSpec((BR, D), lambda i: (i, 0)),
            pl.BlockSpec((BR, 1), lambda i: (i, 0)),
            pl.BlockSpec((D, D), lambda i: (0, 0)),
            pl.BlockSpec((1, D), lambda i: (0, 0)),
        ],
        out_specs=pl.BlockSpec((BR, D), lambda i: (i, 0)),
        out_shape=jax.ShapeDtypeStruct((N, D), jnp.float32),
    )(acc, es, d, W2, b2)


def kernel(x, edge_index, W1, b1, W2, b2):
    sp = jnp.concatenate([edge_index[0], jnp.zeros((PAD,), jnp.int32)])
    trash = TRASH + jnp.arange(PAD, dtype=jnp.int32) % (ACC_ROWS - N)
    dp = jnp.concatenate([edge_index[1], trash])
    spd = sp.reshape(NW, NB_PER_W, EPB)
    dpd = dp.reshape(NW, NB_PER_W, EPB)
    spp = sp.reshape(NBT, EPB)
    dpp = dp.reshape(NBT, EPB)
    accd = _sc_degree(dpd)
    xs, d = _tc_pre(accd, x)
    acc1 = _sc_propagate(xs, spp, dpp)
    emb, es = _tc_mid(acc1, xs, d, W1, b1.reshape(1, D))
    acc2 = _sc_propagate(es, spp, dpp)
    out = _tc_post(acc2, es, d, W2, b2.reshape(1, D))
    return emb, out

# --- scband reference (transcript-rebuilt; emitter-appended) ---
"""Pipeline reference for scband-sgc-28200755265752 (READ-ONLY COPY).

The authoritative reference and input builder live on the scoring server;
editing this copy changes nothing except your own understanding.
"""

import jax, jax.numpy as jnp
import numpy as np

N = 10000
E = 320000
D_IN = 128
D_HID = 128
D_OUT = 128


def setup_inputs(seed: int = 0) -> dict:
    key = jax.random.key(seed)
    k1, k2, k3, k4 = jax.random.split(key, 4)
    x = jax.random.normal(k1, (N, D_IN), dtype=jnp.float32)
    edge_index = jax.random.randint(k2, (2, E), 0, N, dtype=jnp.int32)
    # SGConv layer 1 params (PyG Linear: weight [out, in], bias [out])
    W1 = jax.random.normal(k3, (D_HID, D_IN), dtype=jnp.float32) * (1.0 / np.sqrt(D_IN))
    b1 = jnp.zeros((D_HID,), dtype=jnp.float32)
    # SGConv layer 2 params
    W2 = jax.random.normal(k4, (D_OUT, D_HID), dtype=jnp.float32) * (1.0 / np.sqrt(D_HID))
    b2 = jnp.zeros((D_OUT,), dtype=jnp.float32)
    return {"x": x, "edge_index": edge_index, "W1": W1, "b1": b1, "W2": W2, "b2": b2}


def _gcn_propagate(x, src, dst, norm):
    # message: norm * x_j gathered from source nodes, scatter-add at dst
    msg = x[src] * norm[:, None]
    return jax.ops.segment_sum(msg, dst, num_segments=N)


def reference(x, edge_index, W1, b1, W2, b2):
    # gcn_norm with added self loops: A_hat = D^-1/2 (A + I) D^-1/2
    loop = jnp.arange(N, dtype=edge_index.dtype)
    src = jnp.concatenate([edge_index[0], loop])
    dst = jnp.concatenate([edge_index[1], loop])
    deg = jnp.zeros((N,), dtype=x.dtype).at[dst].add(1.0)
    d_inv_sqrt = jnp.where(deg > 0, deg ** -0.5, 0.0)
    norm = d_inv_sqrt[src] * d_inv_sqrt[dst]
    # SGConv(K=1): propagate then linear
    h = _gcn_propagate(x, src, dst, norm)
    h = h @ W1.T + b1
    h = jax.nn.relu(h)
    # F.dropout with p=0.0 is identity
    embedding = h
    h2 = _gcn_propagate(embedding, src, dst, norm)
    out = h2 @ W2.T + b2
    return (embedding, out)

if __name__ == "__main__":
    import jax
    _d = setup_inputs()
    print(jax.jit(kernel)(*tuple(_d.values())))

</pallas_src>

<mosaic_0001>
#map = affine_map<(d0, d1) -> (0, 0, 0)>
module attributes {stable_mosaic.version = 14 : i64} {
  func.func @k(%arg0: i32, %arg1: i32, %arg2: memref<32x80x128xi32, #tpu.memory_space<hbm>>, %arg3: memref<2x10240x128xf32, #tpu.memory_space<hbm>>, %arg4: memref<128x128xf32, #tpu.memory_space<vmem>>, %arg5: memref<128xi32, #tpu.memory_space<vmem>>, %arg6: memref<128xi32, #tpu.memory_space<vmem>>, %arg7: memref<128xi32, #tpu.memory_space<vmem>>, %arg8: memref<128xi32, #tpu.memory_space<vmem>>, %arg9: memref<10240x128xf32, #tpu.memory_space<vmem_shared>>, %arg10: memref<!tpu.dma_semaphore, #tpu.memory_space<semaphore_mem>>, %arg11: memref<!tpu.dma_semaphore, #tpu.memory_space<semaphore_mem>>, %arg12: memref<!tpu.dma_semaphore, #tpu.memory_space<semaphore_mem>>, %arg13: memref<!tpu.dma_semaphore, #tpu.memory_space<semaphore_mem>>, %arg14: memref<!tpu.dma_semaphore, #tpu.memory_space<semaphore_mem>>, %arg15: memref<!tpu.dma_semaphore, #tpu.memory_space<semaphore_mem>>, %arg16: memref<!tpu.dma_semaphore, #tpu.memory_space<semaphore_mem>>, %arg17: memref<!tpu.dma_semaphore, #tpu.memory_space<semaphore_mem>>) attributes {dimension_semantics = [#tpu.dimension_semantics<core_parallel>, #tpu.dimension_semantics<subcore_parallel>], iteration_bounds = array<i64: 2, 16>, scalar_prefetch = 0 : i64, scratch_operands = 14 : i64, tpu.core_type = #tpu.core_type<sc_vector_subcore>, window_params = [{transform_indices = #map}, {transform_indices = #map}]} {
    %mul3A = arith.constant 16 : i32
    %mul3A_0 = arith.muli %arg0, %mul3A : i32
    %add3A = arith.addi %mul3A_0, %arg1 : i32
    %dma_start3A = arith.constant 0 : i32
    %dma_start3A_1 = arith.constant 0 : i32
    %dma_start3A_2 = tpu.memref_slice %arg2[%add3A, %dma_start3A, %dma_start3A_1] : memref<32x80x128xi32, #tpu.memory_space<hbm>> -> memref<1x1x128xi32, #tpu.memory_space<hbm>>
    %dma_start3A_3 = tpu.memref_squeeze %dma_start3A_2 : memref<1x1x128xi32, #tpu.memory_space<hbm>> -> memref<128xi32, #tpu.memory_space<hbm>>
    %dma_start3A_4 = arith.constant 0 : i32
    %dma_start3A_5 = tpu.memref_slice %arg2[%add3A, %dma_start3A, %dma_start3A_4] : memref<32x80x128xi32, #tpu.memory_space<hbm>> -> memref<1x1x128xi32, #tpu.memory_space<hbm>>
    %dma_start3A_6 = tpu.memref_squeeze %dma_start3A_5 : memref<1x1x128xi32, #tpu.memory_space<hbm>> -> memref<128xi32, #tpu.memory_space<hbm>>
    tpu.enqueue_dma source(%dma_start3A_6 : memref<128xi32, #tpu.memory_space<hbm>>) target(%arg5 : memref<128xi32, #tpu.memory_space<vmem>>) target_semaphore(%arg10 : memref<!tpu.dma_semaphore, #tpu.memory_space<semaphore_mem>>)
    %scan3A = arith.constant 0 : i32
    %scan3A_7 = arith.constant 128 : i32
    %scan3A_8 = arith.addi %scan3A, %scan3A_7 : i32
    %scan3A_9 = arith.constant 1 : i32
    scf.for %scan3A_35 = %scan3A to %scan3A_8 step %scan3A_9  : i32 {
      %mul3A_36 = arith.constant 1 : i32
      %mul3A_37 = arith.muli %scan3A_35, %mul3A_36 : i32
      %add3A_38 = arith.constant 0 : i32
      %add3A_39 = arith.addi %add3A_38, %mul3A_37 : i32
      %scan3A_40 = arith.constant 0 : i32
      %scan3A_41 = arith.constant 8 : i32
      %scan3A_42 = arith.addi %scan3A_40, %scan3A_41 : i32
      %scan3A_43 = arith.constant 1 : i32
      scf.for %scan3A_45 = %scan3A_40 to %scan3A_42 step %scan3A_43  : i32 {
        %mul3A_46 = arith.constant 1 : i32
        %mul3A_47 = arith.muli %scan3A_45, %mul3A_46 : i32
        %add3A_48 = arith.constant 0 : i32
        %add3A_49 = arith.addi %add3A_48, %mul3A_47 : i32
        %broadcast_in_dim3A = arith.constant 1.000000e+00 : f32
        %broadcast_in_dim3A_50 = vector.broadcast %broadcast_in_dim3A : f32 to vector<16xf32>
        %mul3A_51 = arith.constant 16 : i32
        %mul3A_52 = arith.muli %add3A_49, %mul3A_51 : i32
        %swap3A = arith.index_cast %add3A_39 : i32 to index
        %swap3A_53 = arith.index_cast %mul3A_52 : i32 to index
        %swap3A_54 = tpu.vector_load %arg4[%swap3A, %swap3A_53] {strides = array<i32>} : memref<128x128xf32, #tpu.memory_space<vmem>>, vector<1x16xf32>,
        %swap3A_55 = vector.shape_cast %swap3A_54 : vector<1x16xf32> to vector<16xf32>
        %swap3A_56 = vector.shape_cast %broadcast_in_dim3A_50 : vector<16xf32> to vector<1x16xf32>
        tpu.vector_store %arg4[%swap3A, %swap3A_53], %swap3A_56 {strides = array<i32>} : memref<128x128xf32, #tpu.memory_space<vmem>>, vector<1x16xf32>,
      }
      %scan3A_44 = arith.constant 8 : i32
    }
    %scan3A_10 = arith.constant 128 : i32
    %scan3A_11 = arith.constant 0 : i32
    %scan3A_12 = arith.constant 10 : i32
    %scan3A_13 = arith.addi %scan3A_11, %scan3A_12 : i32
    %scan3A_14 = arith.constant 1 : i32
    scf.for %scan3A_35 = %scan3A_11 to %scan3A_13 step %scan3A_14  : i32 {
      %mul3A_36 = arith.constant 1 : i32
      %mul3A_37 = arith.muli %scan3A_35, %mul3A_36 : i32
      %add3A_38 = arith.constant 0 : i32
      %add3A_39 = arith.addi %add3A_38, %mul3A_37 : i32
      %mul3A_40 = arith.constant 640 : i32
      %mul3A_41 = arith.muli %arg1, %mul3A_40 : i32
      %mul3A_42 = arith.constant 64 : i32
      %mul3A_43 = arith.muli %add3A_39, %mul3A_42 : i32
      %add3A_44 = arith.addi %mul3A_41, %mul3A_43 : i32
      "tpu.region"() ({
        %run_scoped3A = tpu.sem_alloc : memref<!tpu.dma_semaphore, #tpu.memory_space<semaphore_mem>>
        %dma_start3A_45 = arith.constant 0 : i32
        %dma_start3A_46 = arith.constant 0 : i32
        %dma_start3A_47 = tpu.memref_slice %arg4[%dma_start3A_45, %dma_start3A_46] : memref<128x128xf32, #tpu.memory_space<vmem>> -> memref<64x128xf32, #tpu.memory_space<vmem>>
        %dma_start3A_48 = arith.constant 0 : i32
        %dma_start3A_49 = tpu.memref_slice %arg9[%add3A_44, %dma_start3A_48] : memref<10240x128xf32, #tpu.memory_space<vmem_shared>> -> memref<64x128xf32, #tpu.memory_space<vmem_shared>>
        %dma_start3A_50 = arith.constant 0 : i32
        %dma_start3A_51 = tpu.memref_slice %arg9[%add3A_44, %dma_start3A_50] : memref<10240x128xf32, #tpu.memory_space<vmem_shared>> -> memref<64x128xf32, #tpu.memory_space<vmem_shared>>
        %dma_start3A_52 = arith.constant 0 : i32
        %dma_start3A_53 = arith.constant 0 : i32
        %dma_start3A_54 = tpu.memref_slice %arg4[%dma_start3A_52, %dma_start3A_53] : memref<128x128xf32, #tpu.memory_space<vmem>> -> memref<64x128xf32, #tpu.memory_space<vmem>>
        tpu.enqueue_dma source(%dma_start3A_54 : memref<64x128xf32, #tpu.memory_space<vmem>>) target(%dma_start3A_51 : memref<64x128xf32, #tpu.memory_space<vmem_shared>>) target_semaphore(%run_scoped3A : memref<!tpu.dma_semaphore, #tpu.memory_space<semaphore_mem>>)
        %dma_wait3A_55 = arith.constant 0 : i32
        %dma_wait3A_56 = arith.constant 0 : i32
        %dma_wait3A_57 = tpu.memref_slice %arg4[%dma_wait3A_55, %dma_wait3A_56] : memref<128x128xf32, #tpu.memory_space<vmem>> -> memref<64x128xf32, #tpu.memory_space<vmem>>
        %dma_wait3A_58 = arith.constant 0 : i32
        %dma_wait3A_59 = tpu.memref_slice %arg9[%add3A_44, %dma_wait3A_58] : memref<10240x128xf32, #tpu.memory_space<vmem_shared>> -> memref<64x128xf32, #tpu.memory_space<vmem_shared>>
        %dma_wait3A_60 = arith.constant 0 : i32
        %dma_wait3A_61 = tpu.memref_slice %arg9[%add3A_44, %dma_wait3A_60] : memref<10240x128xf32, #tpu.memory_space<vmem_shared>> -> memref<64x128xf32, #tpu.memory_space<vmem_shared>>
        %dma_wait3A_62 = arith.constant 0 : i32
        %dma_wait3A_63 = arith.constant 0 : i32
        %dma_wait3A_64 = tpu.memref_slice %arg4[%dma_wait3A_62, %dma_wait3A_63] : memref<128x128xf32, #tpu.memory_space<vmem>> -> memref<64x128xf32, #tpu.memory_space<vmem>>
        tpu.wait_dma2 semaphore(%run_scoped3A : memref<!tpu.dma_semaphore, #tpu.memory_space<semaphore_mem>>) src(%dma_wait3A_64 : memref<64x128xf32, #tpu.memory_space<vmem>>) dst(%dma_wait3A_61 : memref<64x128xf32, #tpu.memory_space<vmem_shared>>)
        tpu.yield
      }) : () -> ()
    }
    %scan3A_15 = arith.constant 10 : i32
    %barrier3A = arith.constant 0 : index
    tpu.barrier barrier_id(%barrier3A)
    %scan3A_16 = arith.constant 0 : i32
    %scan3A_17 = arith.constant 20 : i32
    %scan3A_18 = arith.addi %scan3A_16, %scan3A_17 : i32
    %scan3A_19 = arith.constant 1 : i32
    scf.for %scan3A_35 = %scan3A_16 to %scan3A_18 step %scan3A_19  : i32 {
      %mul3A_36 = arith.constant 1 : i32
      %mul3A_37 = arith.muli %scan3A_35, %mul3A_36 : i32
      %add3A_38 = arith.constant 0 : i32
      %add3A_39 = arith.addi %add3A_38, %mul3A_37 : i32
      %mul3A_40 = arith.constant 4 : i32
      %mul3A_41 = arith.muli %add3A_39, %mul3A_40 : i32
      %add3A_42 = arith.constant 0 : i32
      %add3A_43 = arith.addi %mul3A_41, %add3A_42 : i32
      %ge3A = arith.constant 3 : i32
      %ge3A_44 = arith.cmpi sge, %add3A_43, %ge3A : i32
      %convert_element_type3A = arith.extui %ge3A_44 : i1 to i32
      %cond3A = arith.constant 0 : i32
      %cond3A_45 = arith.cmpi ne, %convert_element_type3A, %cond3A : i32
      scf.if %cond3A_45 {
        %dma_wait3A_136 = arith.constant 0 : i32
        %dma_wait3A_137 = arith.constant 0 : i32
        %dma_wait3A_138 = tpu.memref_slice %arg9[%dma_wait3A_136, %dma_wait3A_137] : memref<10240x128xf32, #tpu.memory_space<vmem_shared>> -> memref<10240x128xf32, #tpu.memory_space<vmem_shared>>
        tpu.wait_indirect_dma semaphore(%arg15 : memref<!tpu.dma_semaphore, #tpu.memory_space<semaphore_mem>>) src(%arg4 : memref<128x128xf32, #tpu.memory_space<vmem>>) dst(%dma_wait3A_138 : memref<10240x128xf32, #tpu.memory_space<vmem_shared>>)
      } else {
      }
      %add3A_46 = arith.constant 1 : i32
      %add3A_47 = arith.addi %add3A_43, %add3A_46 : i32
      %lt3A = arith.constant 80 : i32
      %lt3A_48 = arith.cmpi slt, %add3A_47, %lt3A : i32
      %convert_element_type3A_49 = arith.extui %lt3A_48 : i1 to i32
      %cond3A_50 = arith.constant 0 : i32
      %cond3A_51 = arith.cmpi ne, %convert_element_type3A_49, %cond3A_50 : i32
      scf.if %cond3A_51 {
        %add3A_136 = arith.constant 1 : i32
        %add3A_137 = arith.addi %add3A_43, %add3A_136 : i32
        %dma_start3A_138 = arith.constant 0 : i32
        %dma_start3A_139 = tpu.memref_slice %arg2[%add3A, %add3A_137, %dma_start3A_138] : memref<32x80x128xi32, #tpu.memory_space<hbm>> -> memref<1x1x128xi32, #tpu.memory_space<hbm>>
        %dma_start3A_140 = tpu.memref_squeeze %dma_start3A_139 : memref<1x1x128xi32, #tpu.memory_space<hbm>> -> memref<128xi32, #tpu.memory_space<hbm>>
        %dma_start3A_141 = arith.constant 0 : i32
        %dma_start3A_142 = tpu.memref_slice %arg2[%add3A, %add3A_137, %dma_start3A_141] : memref<32x80x128xi32, #tpu.memory_space<hbm>> -> memref<1x1x128xi32, #tpu.memory_space<hbm>>
        %dma_start3A_143 = tpu.memref_squeeze %dma_start3A_142 : memref<1x1x128xi32, #tpu.memory_space<hbm>> -> memref<128xi32, #tpu.memory_space<hbm>>
        tpu.enqueue_dma source(%dma_start3A_143 : memref<128xi32, #tpu.memory_space<hbm>>) target(%arg6 : memref<128xi32, #tpu.memory_space<vmem>>) target_semaphore(%arg11 : memref<!tpu.dma_semaphore, #tpu.memory_space<semaphore_mem>>)
      } else {
      }
      %dma_wait3A_52 = arith.constant 0 : i32
      %dma_wait3A_53 = tpu.memref_slice %arg2[%add3A, %add3A_43, %dma_wait3A_52] : memref<32x80x128xi32, #tpu.memory_space<hbm>> -> memref<1x1x128xi32, #tpu.memory_space<hbm>>
      %dma_wait3A_54 = tpu.memref_squeeze %dma_wait3A_53 : memref<1x1x128xi32, #tpu.memory_space<hbm>> -> memref<128xi32, #tpu.memory_space<hbm>>
      %dma_wait3A_55 = arith.constant 0 : i32
      %dma_wait3A_56 = tpu.memref_slice %arg2[%add3A, %add3A_43, %dma_wait3A_55] : memref<32x80x128xi32, #tpu.memory_space<hbm>> -> memref<1x1x128xi32, #tpu.memory_space<hbm>>
      %dma_wait3A_57 = tpu.memref_squeeze %dma_wait3A_56 : memref<1x1x128xi32, #tpu.memory_space<hbm>> -> memref<128xi32, #tpu.memory_space<hbm>>
      tpu.wait_dma2 semaphore(%arg10 : memref<!tpu.dma_semaphore, #tpu.memory_space<semaphore_mem>>) src(%dma_wait3A_57 : memref<128xi32, #tpu.memory_space<hbm>>) dst(%arg5 : memref<128xi32, #tpu.memory_space<vmem>>)
      %dma_start3A_58 = arith.constant 0 : i32
      %dma_start3A_59 = arith.constant 0 : i32
      %dma_start3A_60 = tpu.memref_slice %arg9[%dma_start3A_58, %dma_start3A_59] : memref<10240x128xf32, #tpu.memory_space<vmem_shared>> -> memref<10240x128xf32, #tpu.memory_space<vmem_shared>>
      tpu.enqueue_indirect_dma source(%arg4 : memref<128x128xf32, #tpu.memory_space<vmem>>) target(%dma_start3A_60 : memref<10240x128xf32, #tpu.memory_space<vmem_shared>>) offsets(%arg5 : memref<128xi32, #tpu.memory_space<vmem>>) semaphore(%arg14 : memref<!tpu.dma_semaphore, #tpu.memory_space<semaphore_mem>>) {add = true}
      %mul3A_61 = arith.constant 4 : i32
      %mul3A_62 = arith.muli %add3A_39, %mul3A_61 : i32
      %add3A_63 = arith.constant 1 : i32
      %add3A_64 = arith.addi %mul3A_62, %add3A_63 : i32
      %ge3A_65 = arith.constant 3 : i32
      %ge3A_66 = arith.cmpi sge, %add3A_64, %ge3A_65 : i32
      %convert_element_type3A_67 = arith.extui %ge3A_66 : i1 to i32
      %cond3A_68 = arith.constant 0 : i32
      %cond3A_69 = arith.cmpi ne, %convert_element_type3A_67, %cond3A_68 : i32
      scf.if %cond3A_69 {
        %dma_wait3A_136 = arith.constant 0 : i32
        %dma_wait3A_137 = arith.constant 0 : i32
        %dma_wait3A_138 = tpu.memref_slice %arg9[%dma_wait3A_136, %dma_wait3A_137] : memref<10240x128xf32, #tpu.memory_space<vmem_shared>> -> memref<10240x128xf32, #tpu.memory_space<vmem_shared>>
        tpu.wait_indirect_dma semaphore(%arg16 : memref<!tpu.dma_semaphore, #tpu.memory_space<semaphore_mem>>) src(%arg4 : memref<128x128xf32, #tpu.memory_space<vmem>>) dst(%dma_wait3A_138 : memref<10240x128xf32, #tpu.memory_space<vmem_shared>>)
      } else {
      }
      %add3A_70 = arith.constant 1 : i32
      %add3A_71 = arith.addi %add3A_64, %add3A_70 : i32
      %lt3A_72 = arith.constant 80 : i32
      %lt3A_73 = arith.cmpi slt, %add3A_71, %lt3A_72 : i32
      %convert_element_type3A_74 = arith.extui %lt3A_73 : i1 to i32
      %cond3A_75 = arith.constant 0 : i32
      %cond3A_76 = arith.cmpi ne, %convert_element_type3A_74, %cond3A_75 : i32
      scf.if %cond3A_76 {
        %add3A_136 = arith.constant 1 : i32
        %add3A_137 = arith.addi %add3A_64, %add3A_136 : i32
        %dma_start3A_138 = arith.constant 0 : i32
        %dma_start3A_139 = tpu.memref_slice %arg2[%add3A, %add3A_137, %dma_start3A_138] : memref<32x80x128xi32, #tpu.memory_space<hbm>> -> memref<1x1x128xi32, #tpu.memory_space<hbm>>
        %dma_start3A_140 = tpu.memref_squeeze %dma_start3A_139 : memref<1x1x128xi32, #tpu.memory_space<hbm>> -> memref<128xi32, #tpu.memory_space<hbm>>
        %dma_start3A_141 = arith.constant 0 : i32
        %dma_start3A_142 = tpu.memref_slice %arg2[%add3A, %add3A_137, %dma_start3A_141] : memref<32x80x128xi32, #tpu.memory_space<hbm>> -> memref<1x1x128xi32, #tpu.memory_space<hbm>>
        %dma_start3A_143 = tpu.memref_squeeze %dma_start3A_142 : memref<1x1x128xi32, #tpu.memory_space<hbm>> -> memref<128xi32, #tpu.memory_space<hbm>>
        tpu.enqueue_dma source(%dma_start3A_143 : memref<128xi32, #tpu.memory_space<hbm>>) target(%arg7 : memref<128xi32, #tpu.memory_space<vmem>>) target_semaphore(%arg12 : memref<!tpu.dma_semaphore, #tpu.memory_space<semaphore_mem>>)
      } else {
      }
      %dma_wait3A_77 = arith.constant 0 : i32
      %dma_wait3A_78 = tpu.memref_slice %arg2[%add3A, %add3A_64, %dma_wait3A_77] : memref<32x80x128xi32, #tpu.memory_space<hbm>> -> memref<1x1x128xi32, #tpu.memory_space<hbm>>
      %dma_wait3A_79 = tpu.memref_squeeze %dma_wait3A_78 : memref<1x1x128xi32, #tpu.memory_space<hbm>> -> memref<128xi32, #tpu.memory_space<hbm>>
      %dma_wait3A_80 = arith.constant 0 : i32
      %dma_wait3A_81 = tpu.memref_slice %arg2[%add3A, %add3A_64, %dma_wait3A_80] : memref<32x80x128xi32, #tpu.memory_space<hbm>> -> memref<1x1x128xi32, #tpu.memory_space<hbm>>
      %dma_wait3A_82 = tpu.memref_squeeze %dma_wait3A_81 : memref<1x1x128xi32, #tpu.memory_space<hbm>> -> memref<128xi32, #tpu.memory_space<hbm>>
      tpu.wait_dma2 semaphore(%arg11 : memref<!tpu.dma_semaphore, #tpu.memory_space<semaphore_mem>>) src(%dma_wait3A_82 : memref<128xi32, #tpu.memory_space<hbm>>) dst(%arg6 : memref<128xi32, #tpu.memory_space<vmem>>)
      %dma_start3A_83 = arith.constant 0 : i32
      %dma_start3A_84 = arith.constant 0 : i32
      %dma_start3A_85 = tpu.memref_slice %arg9[%dma_start3A_83, %dma_start3A_84] : memref<10240x128xf32, #tpu.memory_space<vmem_shared>> -> memref<10240x128xf32, #tpu.memory_space<vmem_shared>>
      tpu.enqueue_indirect_dma source(%arg4 : memref<128x128xf32, #tpu.memory_space<vmem>>) target(%dma_start3A_85 : memref<10240x128xf32, #tpu.memory_space<vmem_shared>>) offsets(%arg6 : memref<128xi32, #tpu.memory_space<vmem>>) semaphore(%arg15 : memref<!tpu.dma_semaphore, #tpu.memory_space<semaphore_mem>>) {add = true}
      %mul3A_86 = arith.constant 4 : i32
      %mul3A_87 = arith.muli %add3A_39, %mul3A_86 : i32
      %add3A_88 = arith.constant 2 : i32
      %add3A_89 = arith.addi %mul3A_87, %add3A_88 : i32
      %ge3A_90 = arith.constant 3 : i32
      %ge3A_91 = arith.cmpi sge, %add3A_89, %ge3A_90 : i32
      %convert_element_type3A_92 = arith.extui %ge3A_91 : i1 to i32
      %cond3A_93 = arith.constant 0 : i32
      %cond3A_94 = arith.cmpi ne, %convert_element_type3A_92, %cond3A_93 : i32
      scf.if %cond3A_94 {
        %dma_wait3A_136 = arith.constant 0 : i32
        %dma_wait3A_137 = arith.constant 0 : i32
        %dma_wait3A_138 = tpu.memref_slice %arg9[%dma_wait3A_136, %dma_wait3A_137] : memref<10240x128xf32, #tpu.memory_space<vmem_shared>> -> memref<10240x128xf32, #tpu.memory_space<vmem_shared>>
        tpu.wait_indirect_dma semaphore(%arg17 : memref<!tpu.dma_semaphore, #tpu.memory_space<semaphore_mem>>) src(%arg4 : memref<128x128xf32, #tpu.memory_space<vmem>>) dst(%dma_wait3A_138 : memref<10240x128xf32, #tpu.memory_space<vmem_shared>>)
      } else {
      }
      %add3A_95 = arith.constant 1 : i32
      %add3A_96 = arith.addi %add3A_89, %add3A_95 : i32
      %lt3A_97 = arith.constant 80 : i32
      %lt3A_98 = arith.cmpi slt, %add3A_96, %lt3A_97 : i32
      %convert_element_type3A_99 = arith.extui %lt3A_98 : i1 to i32
      %cond3A_100 = arith.constant 0 : i32
      %cond3A_101 = arith.cmpi ne, %convert_element_type3A_99, %cond3A_100 : i32
      scf.if %cond3A_101 {
        %add3A_136 = arith.constant 1 : i32
        %add3A_137 = arith.addi %add3A_89, %add3A_136 : i32
        %dma_start3A_138 = arith.constant 0 : i32
        %dma_start3A_139 = tpu.memref_slice %arg2[%add3A, %add3A_137, %dma_start3A_138] : memref<32x80x128xi32, #tpu.memory_space<hbm>> -> memref<1x1x128xi32, #tpu.memory_space<hbm>>
        %dma_start3A_140 = tpu.memref_squeeze %dma_start3A_139 : memref<1x1x128xi32, #tpu.memory_space<hbm>> -> memref<128xi32, #tpu.memory_space<hbm>>
        %dma_start3A_141 = arith.constant 0 : i32
        %dma_start3A_142 = tpu.memref_slice %arg2[%add3A, %add3A_137, %dma_start3A_141] : memref<32x80x128xi32, #tpu.memory_space<hbm>> -> memref<1x1x128xi32, #tpu.memory_space<hbm>>
        %dma_start3A_143 = tpu.memref_squeeze %dma_start3A_142 : memref<1x1x128xi32, #tpu.memory_space<hbm>> -> memref<128xi32, #tpu.memory_space<hbm>>
        tpu.enqueue_dma source(%dma_start3A_143 : memref<128xi32, #tpu.memory_space<hbm>>) target(%arg8 : memref<128xi32, #tpu.memory_space<vmem>>) target_semaphore(%arg13 : memref<!tpu.dma_semaphore, #tpu.memory_space<semaphore_mem>>)
      } else {
      }
      %dma_wait3A_102 = arith.constant 0 : i32
      %dma_wait3A_103 = tpu.memref_slice %arg2[%add3A, %add3A_89, %dma_wait3A_102] : memref<32x80x128xi32, #tpu.memory_space<hbm>> -> memref<1x1x128xi32, #tpu.memory_space<hbm>>
      %dma_wait3A_104 = tpu.memref_squeeze %dma_wait3A_103 : memref<1x1x128xi32, #tpu.memory_space<hbm>> -> memref<128xi32, #tpu.memory_space<hbm>>
      %dma_wait3A_105 = arith.constant 0 : i32
      %dma_wait3A_106 = tpu.memref_slice %arg2[%add3A, %add3A_89, %dma_wait3A_105] : memref<32x80x128xi32, #tpu.memory_space<hbm>> -> memref<1x1x128xi32, #tpu.memory_space<hbm>>
      %dma_wait3A_107 = tpu.memref_squeeze %dma_wait3A_106 : memref<1x1x128xi32, #tpu.memory_space<hbm>> -> memref<128xi32, #tpu.memory_space<hbm>>
      tpu.wait_dma2 semaphore(%arg12 : memref<!tpu.dma_semaphore, #tpu.memory_space<semaphore_mem>>) src(%dma_wait3A_107 : memref<128xi32, #tpu.memory_space<hbm>>) dst(%arg7 : memref<128xi32, #tpu.memory_space<vmem>>)
      %dma_start3A_108 = arith.constant 0 : i32
      %dma_start3A_109 = arith.constant 0 : i32
      %dma_start3A_110 = tpu.memref_slice %arg9[%dma_start3A_108, %dma_start3A_109] : memref<10240x128xf32, #tpu.memory_space<vmem_shared>> -> memref<10240x128xf32, #tpu.memory_space<vmem_shared>>
      tpu.enqueue_indirect_dma source(%arg4 : memref<128x128xf32, #tpu.memory_space<vmem>>) target(%dma_start3A_110 : memref<10240x128xf32, #tpu.memory_space<vmem_shared>>) offsets(%arg7 : memref<128xi32, #tpu.memory_space<vmem>>) semaphore(%arg16 : memref<!tpu.dma_semaphore, #tpu.memory_space<semaphore_mem>>) {add = true}
      %mul3A_111 = arith.constant 4 : i32
      %mul3A_112 = arith.muli %add3A_39, %mul3A_111 : i32
      %add3A_113 = arith.constant 3 : i32
      %add3A_114 = arith.addi %mul3A_112, %add3A_113 : i32
      %ge3A_115 = arith.constant 3 : i32
      %ge3A_116 = arith.cmpi sge, %add3A_114, %ge3A_115 : i32
      %convert_element_type3A_117 = arith.extui %ge3A_116 : i1 to i32
      %cond3A_118 = arith.constant 0 : i32
      %cond3A_119 = arith.cmpi ne, %convert_element_type3A_117, %cond3A_118 : i32
      scf.if %cond3A_119 {
        %dma_wait3A_136 = arith.constant 0 : i32
        %dma_wait3A_137 = arith.constant 0 : i32
        %dma_wait3A_138 = tpu.memref_slice %arg9[%dma_wait3A_136, %dma_wait3A_137] : memref<10240x128xf32, #tpu.memory_space<vmem_shared>> -> memref<10240x128xf32, #tpu.memory_space<vmem_shared>>
        tpu.wait_indirect_dma semaphore(%arg14 : memref<!tpu.dma_semaphore, #tpu.memory_space<semaphore_mem>>) src(%arg4 : memref<128x128xf32, #tpu.memory_space<vmem>>) dst(%dma_wait3A_138 : memref<10240x128xf32, #tpu.memory_space<vmem_shared>>)
      } else {
      }
      %add3A_120 = arith.constant 1 : i32
      %add3A_121 = arith.addi %add3A_114, %add3A_120 : i32
      %lt3A_122 = arith.constant 80 : i32
      %lt3A_123 = arith.cmpi slt, %add3A_121, %lt3A_122 : i32
      %convert_element_type3A_124 = arith.extui %lt3A_123 : i1 to i32
      %cond3A_125 = arith.constant 0 : i32
      %cond3A_126 = arith.cmpi ne, %convert_element_type3A_124, %cond3A_125 : i32
      scf.if %cond3A_126 {
        %add3A_136 = arith.constant 1 : i32
        %add3A_137 = arith.addi %add3A_114, %add3A_136 : i32
        %dma_start3A_138 = arith.constant 0 : i32
        %dma_start3A_139 = tpu.memref_slice %arg2[%add3A, %add3A_137, %dma_start3A_138] : memref<32x80x128xi32, #tpu.memory_space<hbm>> -> memref<1x1x128xi32, #tpu.memory_space<hbm>>
        %dma_start3A_140 = tpu.memref_squeeze %dma_start3A_139 : memref<1x1x128xi32, #tpu.memory_space<hbm>> -> memref<128xi32, #tpu.memory_space<hbm>>
        %dma_start3A_141 = arith.constant 0 : i32
        %dma_start3A_142 = tpu.memref_slice %arg2[%add3A, %add3A_137, %dma_start3A_141] : memref<32x80x128xi32, #tpu.memory_space<hbm>> -> memref<1x1x128xi32, #tpu.memory_space<hbm>>
        %dma_start3A_143 = tpu.memref_squeeze %dma_start3A_142 : memref<1x1x128xi32, #tpu.memory_space<hbm>> -> memref<128xi32, #tpu.memory_space<hbm>>
        tpu.enqueue_dma source(%dma_start3A_143 : memref<128xi32, #tpu.memory_space<hbm>>) target(%arg5 : memref<128xi32, #tpu.memory_space<vmem>>) target_semaphore(%arg10 : memref<!tpu.dma_semaphore, #tpu.memory_space<semaphore_mem>>)
      } else {
      }
      %dma_wait3A_127 = arith.constant 0 : i32
      %dma_wait3A_128 = tpu.memref_slice %arg2[%add3A, %add3A_114, %dma_wait3A_127] : memref<32x80x128xi32, #tpu.memory_space<hbm>> -> memref<1x1x128xi32, #tpu.memory_space<hbm>>
      %dma_wait3A_129 = tpu.memref_squeeze %dma_wait3A_128 : memref<1x1x128xi32, #tpu.memory_space<hbm>> -> memref<128xi32, #tpu.memory_space<hbm>>
      %dma_wait3A_130 = arith.constant 0 : i32
      %dma_wait3A_131 = tpu.memref_slice %arg2[%add3A, %add3A_114, %dma_wait3A_130] : memref<32x80x128xi32, #tpu.memory_space<hbm>> -> memref<1x1x128xi32, #tpu.memory_space<hbm>>
      %dma_wait3A_132 = tpu.memref_squeeze %dma_wait3A_131 : memref<1x1x128xi32, #tpu.memory_space<hbm>> -> memref<128xi32, #tpu.memory_space<hbm>>
      tpu.wait_dma2 semaphore(%arg13 : memref<!tpu.dma_semaphore, #tpu.memory_space<semaphore_mem>>) src(%dma_wait3A_132 : memref<128xi32, #tpu.memory_space<hbm>>) dst(%arg8 : memref<128xi32, #tpu.memory_space<vmem>>)
      %dma_start3A_133 = arith.constant 0 : i32
      %dma_start3A_134 = arith.constant 0 : i32
      %dma_start3A_135 = tpu.memref_slice %arg9[%dma_start3A_133, %dma_start3A_134] : memref<10240x128xf32, #tpu.memory_space<vmem_shared>> -> memref<10240x128xf32, #tpu.memory_space<vmem_shared>>
      tpu.enqueue_indirect_dma source(%arg4 : memref<128x128xf32, #tpu.memory_space<vmem>>) target(%dma_start3A_135 : memref<10240x128xf32, #tpu.memory_space<vmem_shared>>) offsets(%arg8 : memref<128xi32, #tpu.memory_space<vmem>>) semaphore(%arg17 : memref<!tpu.dma_semaphore, #tpu.memory_space<semaphore_mem>>) {add = true}
    }
    %scan3A_20 = arith.constant 20 : i32
    %dma_wait3A = arith.constant 0 : i32
    %dma_wait3A_21 = arith.constant 0 : i32
    %dma_wait3A_22 = tpu.memref_slice %arg9[%dma_wait3A, %dma_wait3A_21] : memref<10240x128xf32, #tpu.memory_space<vmem_shared>> -> memref<10240x128xf32, #tpu.memory_space<vmem_shared>>
    tpu.wait_indirect_dma semaphore(%arg15 : memref<!tpu.dma_semaphore, #tpu.memory_space<semaphore_mem>>) src(%arg4 : memref<128x128xf32, #tpu.memory_space<vmem>>) dst(%dma_wait3A_22 : memref<10240x128xf32, #tpu.memory_space<vmem_shared>>)
    %dma_wait3A_23 = arith.constant 0 : i32
    %dma_wait3A_24 = arith.constant 0 : i32
    %dma_wait3A_25 = tpu.memref_slice %arg9[%dma_wait3A_23, %dma_wait3A_24] : memref<10240x128xf32, #tpu.memory_space<vmem_shared>> -> memref<10240x128xf32, #tpu.memory_space<vmem_shared>>
    tpu.wait_indirect_dma semaphore(%arg16 : memref<!tpu.dma_semaphore, #tpu.memory_space<semaphore_mem>>) src(%arg4 : memref<128x128xf32, #tpu.memory_space<vmem>>) dst(%dma_wait3A_25 : memref<10240x128xf32, #tpu.memory_space<vmem_shared>>)
    %dma_wait3A_26 = arith.constant 0 : i32
    %dma_wait3A_27 = arith.constant 0 : i32
    %dma_wait3A_28 = tpu.memref_slice %arg9[%dma_wait3A_26, %dma_wait3A_27] : memref<10240x128xf32, #tpu.memory_space<vmem_shared>> -> memref<10240x128xf32, #tpu.memory_space<vmem_shared>>
    tpu.wait_indirect_dma semaphore(%arg17 : memref<!tpu.dma_semaphore, #tpu.memory_space<semaphore_mem>>) src(%arg4 : memref<128x128xf32, #tpu.memory_space<vmem>>) dst(%dma_wait3A_28 : memref<10240x128xf32, #tpu.memory_space<vmem_shared>>)
    %barrier3A_29 = arith.constant 0 : index
    tpu.barrier barrier_id(%barrier3A_29)
    %scan3A_30 = arith.constant 0 : i32
    %scan3A_31 = arith.constant 10 : i32
    %scan3A_32 = arith.addi %scan3A_30, %scan3A_31 : i32
    %scan3A_33 = arith.constant 1 : i32
    scf.for %scan3A_35 = %scan3A_30 to %scan3A_32 step %scan3A_33  : i32 {
      %mul3A_36 = arith.constant 1 : i32
      %mul3A_37 = arith.muli %scan3A_35, %mul3A_36 : i32
      %add3A_38 = arith.constant 0 : i32
      %add3A_39 = arith.addi %add3A_38, %mul3A_37 : i32
      %mul3A_40 = arith.constant 640 : i32
      %mul3A_41 = arith.muli %arg1, %mul3A_40 : i32
      %mul3A_42 = arith.constant 64 : i32
      %mul3A_43 = arith.muli %add3A_39, %mul3A_42 : i32
      %add3A_44 = arith.addi %mul3A_41, %mul3A_43 : i32
      "tpu.region"() ({
        %run_scoped3A = tpu.sem_alloc : memref<!tpu.dma_semaphore, #tpu.memory_space<semaphore_mem>>
        %dma_start3A_45 = arith.constant 0 : i32
        %dma_start3A_46 = tpu.memref_slice %arg3[%arg0, %add3A_44, %dma_start3A_45] : memref<2x10240x128xf32, #tpu.memory_space<hbm>> -> memref<1x64x128xf32, #tpu.memory_space<hbm>>
        %dma_start3A_47 = tpu.memref_squeeze %dma_start3A_46 : memref<1x64x128xf32, #tpu.memory_space<hbm>> -> memref<64x128xf32, #tpu.memory_space<hbm>>
        %dma_start3A_48 = arith.constant 0 : i32
        %dma_start3A_49 = tpu.memref_slice %arg9[%add3A_44, %dma_start3A_48] : memref<10240x128xf32, #tpu.memory_space<vmem_shared>> -> memref<64x128xf32, #tpu.memory_space<vmem_shared>>
        tpu.enqueue_dma source(%dma_start3A_49 : memref<64x128xf32, #tpu.memory_space<vmem_shared>>) target(%dma_start3A_47 : memref<64x128xf32, #tpu.memory_space<hbm>>) target_semaphore(%run_scoped3A : memref<!tpu.dma_semaphore, #tpu.memory_space<semaphore_mem>>)
        %dma_wait3A_50 = arith.constant 0 : i32
        %dma_wait3A_51 = tpu.memref_slice %arg3[%arg0, %add3A_44, %dma_wait3A_50] : memref<2x10240x128xf32, #tpu.memory_space<hbm>> -> memref<1x64x128xf32, #tpu.memory_space<hbm>>
        %dma_wait3A_52 = tpu.memref_squeeze %dma_wait3A_51 : memref<1x64x128xf32, #tpu.memory_space<hbm>> -> memref<64x128xf32, #tpu.memory_space<hbm>>
        %dma_wait3A_53 = arith.constant 0 : i32
        %dma_wait3A_54 = tpu.memref_slice %arg9[%add3A_44, %dma_wait3A_53] : memref<10240x128xf32, #tpu.memory_space<vmem_shared>> -> memref<64x128xf32, #tpu.memory_space<vmem_shared>>
        tpu.wait_dma2 semaphore(%run_scoped3A : memref<!tpu.dma_semaphore, #tpu.memory_space<semaphore_mem>>) src(%dma_wait3A_54 : memref<64x128xf32, #tpu.memory_space<vmem_shared>>) dst(%dma_wait3A_52 : memref<64x128xf32, #tpu.memory_space<hbm>>)
        tpu.yield
      }) : () -> ()
    }
    %scan3A_34 = arith.constant 10 : i32
    return
  }
}

#map = affine_map<(d0, d1) -> (0, 0)>
#map1 = affine_map<(d0, d1) -> (0, 0, 0)>
module attributes {stable_mosaic.version = 14 : i64} {
  func.func @k(%arg0: i32, %arg1: i32, %arg2: memref<10000x128xf32, #tpu.memory_space<hbm>>, %arg3: memref<2560x128xi32, #tpu.memory_space<hbm>>, %arg4: memref<2560x128xi32, #tpu.memory_space<hbm>>, %arg5: memref<2x10240x128xf32, #tpu.memory_space<hbm>>, %arg6: memref<128x128xf32, #tpu.memory_space<vmem>>, %arg7: memref<128x128xf32, #tpu.memory_space<vmem>>, %arg8: memref<64xi32, #tpu.memory_space<vmem>>, %arg9: memref<64xi32, #tpu.memory_space<vmem>>, %arg10: memref<64xi32, #tpu.memory_space<vmem>>, %arg11: memref<64xi32, #tpu.memory_space<vmem>>, %arg12: memref<64xi32, #tpu.memory_space<vmem>>, %arg13: memref<64xi32, #tpu.memory_space<vmem>>, %arg14: memref<64xi32, #tpu.memory_space<vmem>>, %arg15: memref<64xi32, #tpu.memory_space<vmem>>, %arg16: memref<128xi32, #tpu.memory_space<vmem>>, %arg17: memref<128xi32, #tpu.memory_space<vmem>>, %arg18: memref<128xi32, #tpu.memory_space<vmem>>, %arg19: memref<128xi32, #tpu.memory_space<vmem>>, %arg20: memref<10240x128xf32, #tpu.memory_space<vmem_shared>>, %arg21: memref<!tpu.dma_semaphore, #tpu.memory_space<semaphore_mem>>, %arg22: memref<!tpu.dma_semaphore, #tpu.memory_space<semaphore_mem>>, %arg23: memref<!tpu.dma_semaphore, #tpu.memory_space<semaphore_mem>>, %arg24: memref<!tpu.dma_semaphore, #tpu.memory_space<semaphore_mem>>, %arg25: memref<!tpu.dma_semaphore, #tpu.memory_space<semaphore_mem>>, %arg26: memref<!tpu.dma_semaphore, #tpu.memory_space<semaphore_mem>>, %arg27: memref<!tpu.dma_semaphore, #tpu.memory_space<semaphore_mem>>, %arg28: memref<!tpu.dma_semaphore, #tpu.memory_space<semaphore_mem>>) attributes {dimension_semantics = [#tpu.dimension_semantics<core_parallel>, #tpu.dimension_semantics<subcore_parallel>], iteration_bounds = array<i64: 2, 16>, scalar_prefetch = 0 : i64, scratch_operands = 23 : i64, tpu.core_type = #tpu.core_type<sc_vector_subcore>, window_params = [{transform_indices = #map}, {transform_indices = #map}, {transform_indices = #map}, {transform_indices = #map1}]} {
    %eq3A = arith.constant 0 : i32
    %eq3A_0 = arith.cmpi eq, %arg0, %eq3A : i32
    %jit3A = arith.constant 156 : i32
    %jit3A_1 = arith.constant 4 : i32
    %select_n3A = arith.select %eq3A_0, %jit3A, %jit3A_1 : i32
    %eq3A_2 = arith.constant 0 : i32
    %eq3A_3 = arith.cmpi eq, %arg0, %eq3A_2 : i32
    %mul3A = arith.constant 156 : i32
    %mul3A_4 = arith.muli %arg1, %mul3A : i32
    %mul3A_5 = arith.constant 4 : i32
    %mul3A_6 = arith.muli %arg1, %mul3A_5 : i32
    %add3A = arith.constant 2496 : i32
    %add3A_7 = arith.addi %add3A, %mul3A_6 : i32
    %select_n3A_8 = arith.select %eq3A_3, %mul3A_4, %add3A_7 : i32
    %add3A_9 = arith.constant 0 : i32
    %add3A_10 = arith.addi %select_n3A_8, %add3A_9 : i32
    %dma_start3A = arith.constant 0 : i32
    %dma_start3A_11 = tpu.memref_slice %arg3[%add3A_10, %dma_start3A] : memref<2560x128xi32, #tpu.memory_space<hbm>> -> memref<1x64xi32, #tpu.memory_space<hbm>>
    %dma_start3A_12 = tpu.memref_squeeze %dma_start3A_11 : memref<1x64xi32, #tpu.memory_space<hbm>> -> memref<64xi32, #tpu.memory_space<hbm>>
    %dma_start3A_13 = arith.constant 0 : i32
    %dma_start3A_14 = tpu.memref_slice %arg3[%add3A_10, %dma_start3A_13] : memref<2560x128xi32, #tpu.memory_space<hbm>> -> memref<1x64xi32, #tpu.memory_space<hbm>>
    %dma_start3A_15 = tpu.memref_squeeze %dma_start3A_14 : memref<1x64xi32, #tpu.memory_space<hbm>> -> memref<64xi32, #tpu.memory_space<hbm>>
    tpu.enqueue_dma source(%dma_start3A_15 : memref<64xi32, #tpu.memory_space<hbm>>) target(%arg8 : memref<64xi32, #tpu.memory_space<vmem>>) target_semaphore(%arg25 : memref<!tpu.dma_semaphore, #tpu.memory_space<semaphore_mem>>)
    %add3A_16 = arith.constant 0 : i32
    %add3A_17 = arith.addi %select_n3A_8, %add3A_16 : i32
    %dma_start3A_18 = arith.constant 64 : i32
    %dma_start3A_19 = tpu.memref_slice %arg3[%add3A_17, %dma_start3A_18] : memref<2560x128xi32, #tpu.memory_space<hbm>> -> memref<1x64xi32, #tpu.memory_space<hbm>>
    %dma_start3A_20 = tpu.memref_squeeze %dma_start3A_19 : memref<1x64xi32, #tpu.memory_space<hbm>> -> memref<64xi32, #tpu.memory_space<hbm>>
    %dma_start3A_21 = arith.constant 64 : i32
    %dma_start3A_22 = tpu.memref_slice %arg3[%add3A_17, %dma_start3A_21] : memref<2560x128xi32, #tpu.memory_space<hbm>> -> memref<1x64xi32, #tpu.memory_space<hbm>>
    %dma_start3A_23 = tpu.memref_squeeze %dma_start3A_22 : memref<1x64xi32, #tpu.memory_space<hbm>> -> memref<64xi32, #tpu.memory_space<hbm>>
    tpu.enqueue_dma source(%dma_start3A_23 : memref<64xi32, #tpu.memory_space<hbm>>) target(%arg9 : memref<64xi32, #tpu.memory_space<vmem>>) target_semaphore(%arg25 : memref<!tpu.dma_semaphore, #tpu.memory_space<semaphore_mem>>)
    %add3A_24 = arith.constant 0 : i32
    %add3A_25 = arith.addi %select_n3A_8, %add3A_24 : i32
    %dma_start3A_26 = arith.constant 0 : i32
    %dma_start3A_27 = tpu.memref_slice %arg4[%add3A_25, %dma_start3A_26] : memref<2560x128xi32, #tpu.memory_space<hbm>> -> memref<1x128xi32, #tpu.memory_space<hbm>>
    %dma_start3A_28 = tpu.memref_squeeze %dma_start3A_27 : memref<1x128xi32, #tpu.memory_space<hbm>> -> memref<128xi32, #tpu.memory_space<hbm>>
    %dma_start3A_29 = arith.constant 0 : i32
    %dma_start3A_30 = tpu.memref_slice %arg4[%add3A_25, %dma_start3A_29] : memref<2560x128xi32, #tpu.memory_space<hbm>> -> memref<1x128xi32, #tpu.memory_space<hbm>>
    %dma_start3A_31 = tpu.memref_squeeze %dma_start3A_30 : memref<1x128xi32, #tpu.memory_space<hbm>> -> memref<128xi32, #tpu.memory_space<hbm>>
    tpu.enqueue_dma source(%dma_start3A_31 : memref<128xi32, #tpu.memory_space<hbm>>) target(%arg16 : memref<128xi32, #tpu.memory_space<vmem>>) target_semaphore(%arg25 : memref<!tpu.dma_semaphore, #tpu.memory_space<semaphore_mem>>)
    %add3A_32 = arith.constant 1 : i32
    %add3A_33 = arith.addi %select_n3A_8, %add3A_32 : i32
    %dma_start3A_34 = arith.constant 0 : i32
    %dma_start3A_35 = tpu.memref_slice %arg3[%add3A_33, %dma_start3A_34] : memref<2560x128xi32, #tpu.memory_space<hbm>> -> memref<1x64xi32, #tpu.memory_space<hbm>>
    %dma_start3A_36 = tpu.memref_squeeze %dma_start3A_35 : memref<1x64xi32, #tpu.memory_space<hbm>> -> memref<64xi32, #tpu.memory_space<hbm>>
    %dma_start3A_37 = arith.constant 0 : i32
    %dma_start3A_38 = tpu.memref_slice %arg3[%add3A_33, %dma_start3A_37] : memref<2560x128xi32, #tpu.memory_space<hbm>> -> memref<1x64xi32, #tpu.memory_space<hbm>>
    %dma_start3A_39 = tpu.memref_squeeze %dma_start3A_38 : memref<1x64xi32, #tpu.memory_space<hbm>> -> memref<64xi32, #tpu.memory_space<hbm>>
    tpu.enqueue_dma source(%dma_start3A_39 : memref<64xi32, #tpu.memory_space<hbm>>) target(%arg10 : memref<64xi32, #tpu.memory_space<vmem>>) target_semaphore(%arg26 : memref<!tpu.dma_semaphore, #tpu.memory_space<semaphore_mem>>)
    %add3A_40 = arith.constant 1 : i32
    %add3A_41 = arith.addi %select_n3A_8, %add3A_40 : i32
    %dma_start3A_42 = arith.constant 64 : i32
    %dma_start3A_43 = tpu.memref_slice %arg3[%add3A_41, %dma_start3A_42] : memref<2560x128xi32, #tpu.memory_space<hbm>> -> memref<1x64xi32, #tpu.memory_space<hbm>>
    %dma_start3A_44 = tpu.memref_squeeze %dma_start3A_43 : memref<1x64xi32, #tpu.memory_space<hbm>> -> memref<64xi32, #tpu.memory_space<hbm>>
    %dma_start3A_45 = arith.constant 64 : i32
    %dma_start3A_46 = tpu.memref_slice %arg3[%add3A_41, %dma_start3A_45] : memref<2560x128xi32, #tpu.memory_space<hbm>> -> memref<1x64xi32, #tpu.memory_space<hbm>>
    %dma_start3A_47 = tpu.memref_squeeze %dma_start3A_46 : memref<1x64xi32, #tpu.memory_space<hbm>> -> memref<64xi32, #tpu.memory_space<hbm>>
    tpu.enqueue_dma source(%dma_start3A_47 : memref<64xi32, #tpu.memory_space<hbm>>) target(%arg11 : memref<64xi32, #tpu.memory_space<vmem>>) target_semaphore(%arg26 : memref<!tpu.dma_semaphore, #tpu.memory_space<semaphore_mem>>)
    %add3A_48 = arith.constant 1 : i32
    %add3A_49 = arith.addi %select_n3A_8, %add3A_48 : i32
    %dma_start3A_50 = arith.constant 0 : i32
    %dma_start3A_51 = tpu.memref_slice %arg4[%add3A_49, %dma_start3A_50] : memref<2560x128xi32, #tpu.memory_space<hbm>> -> memref<1x128xi32, #tpu.memory_space<hbm>>
    %dma_start3A_52 = tpu.memref_squeeze %dma_start3A_51 : memref<1x128xi32, #tpu.memory_space<hbm>> -> memref<128xi32, #tpu.memory_space<hbm>>
    %dma_start3A_53 = arith.constant 0 : i32
    %dma_start3A_54 = tpu.memref_slice %arg4[%add3A_49, %dma_start3A_53] : memref<2560x128xi32, #tpu.memory_space<hbm>> -> memref<1x128xi32, #tpu.memory_space<hbm>>
    %dma_start3A_55 = tpu.memref_squeeze %dma_start3A_54 : memref<1x128xi32, #tpu.memory_space<hbm>> -> memref<128xi32, #tpu.memory_space<hbm>>
    tpu.enqueue_dma source(%dma_start3A_55 : memref<128xi32, #tpu.memory_space<hbm>>) target(%arg17 : memref<128xi32, #tpu.memory_space<vmem>>) target_semaphore(%arg26 : memref<!tpu.dma_semaphore, #tpu.memory_space<semaphore_mem>>)
    %add3A_56 = arith.constant 2 : i32
    %add3A_57 = arith.addi %select_n3A_8, %add3A_56 : i32
    %dma_start3A_58 = arith.constant 0 : i32
    %dma_start3A_59 = tpu.memref_slice %arg3[%add3A_57, %dma_start3A_58] : memref<2560x128xi32, #tpu.memory_space<hbm>> -> memref<1x64xi32, #tpu.memory_space<hbm>>
    %dma_start3A_60 = tpu.memref_squeeze %dma_start3A_59 : memref<1x64xi32, #tpu.memory_space<hbm>> -> memref<64xi32, #tpu.memory_space<hbm>>
    %dma_start3A_61 = arith.constant 0 : i32
    %dma_start3A_62 = tpu.memref_slice %arg3[%add3A_57, %dma_start3A_61] : memref<2560x128xi32, #tpu.memory_space<hbm>> -> memref<1x64xi32, #tpu.memory_space<hbm>>
    %dma_start3A_63 = tpu.memref_squeeze %dma_start3A_62 : memref<1x64xi32, #tpu.memory_space<hbm>> -> memref<64xi32, #tpu.memory_space<hbm>>
    tpu.enqueue_dma source(%dma_start3A_63 : memref<64xi32, #tpu.memory_space<hbm>>) target(%arg12 : memref<64xi32, #tpu.memory_space<vmem>>) target_semaphore(%arg27 : memref<!tpu.dma_semaphore, #tpu.memory_space<semaphore_mem>>)
    %add3A_64 = arith.constant 2 : i32
    %add3A_65 = arith.addi %select_n3A_8, %add3A_64 : i32
    %dma_start3A_66 = arith.constant 64 : i32
    %dma_start3A_67 = tpu.memref_slice %arg3[%add3A_65, %dma_start3A_66] : memref<2560x128xi32, #tpu.memory_space<hbm>> -> memref<1x64xi32, #tpu.memory_space<hbm>>
    %dma_start3A_68 = tpu.memref_squeeze %dma_start3A_67 : memref<1x64xi32, #tpu.memory_space<hbm>> -> memref<64xi32, #tpu.memory_space<hbm>>
    %dma_start3A_69 = arith.constant 64 : i32
    %dma_start3A_70 = tpu.memref_slice %arg3[%add3A_65, %dma_start3A_69] : memref<2560x128xi32, #tpu.memory_space<hbm>> -> memref<1x64xi32, #tpu.memory_space<hbm>>
    %dma_start3A_71 = tpu.memref_squeeze %dma_start3A_70 : memref<1x64xi32, #tpu.memory_space<hbm>> -> memref<64xi32, #tpu.memory_space<hbm>>
    tpu.enqueue_dma source(%dma_start3A_71 : memref<64xi32, #tpu.memory_space<hbm>>) target(%arg13 : memref<64xi32, #tpu.memory_space<vmem>>) target_semaphore(%arg27 : memref<!tpu.dma_semaphore, #tpu.memory_space<semaphore_mem>>)
    %add3A_72 = arith.constant 2 : i32
    %add3A_73 = arith.addi %select_n3A_8, %add3A_72 : i32
    %dma_start3A_74 = arith.constant 0 : i32
    %dma_start3A_75 = tpu.memref_slice %arg4[%add3A_73, %dma_start3A_74] : memref<2560x128xi32, #tpu.memory_space<hbm>> -> memref<1x128xi32, #tpu.memory_space<hbm>>
    %dma_start3A_76 = tpu.memref_squeeze %dma_start3A_75 : memref<1x128xi32, #tpu.memory_space<hbm>> -> memref<128xi32, #tpu.memory_space<hbm>>
    %dma_start3A_77 = arith.constant 0 : i32
    %dma_start3A_78 = tpu.memref_slice %arg4[%add3A_73, %dma_start3A_77] : memref<2560x128xi32, #tpu.memory_space<hbm>> -> memref<1x128xi32, #tpu.memory_space<hbm>>
    %dma_start3A_79 = tpu.memref_squeeze %dma_start3A_78 : memref<1x128xi32, #tpu.memory_space<hbm>> -> memref<128xi32, #tpu.memory_space<hbm>>
    tpu.enqueue_dma source(%dma_start3A_79 : memref<128xi32, #tpu.memory_space<hbm>>) target(%arg18 : memref<128xi32, #tpu.memory_space<vmem>>) target_semaphore(%arg27 : memref<!tpu.dma_semaphore, #tpu.memory_space<semaphore_mem>>)
    %add3A_80 = arith.constant 3 : i32
    %add3A_81 = arith.addi %select_n3A_8, %add3A_80 : i32
    %dma_start3A_82 = arith.constant 0 : i32
    %dma_start3A_83 = tpu.memref_slice %arg3[%add3A_81, %dma_start3A_82] : memref<2560x128xi32, #tpu.memory_space<hbm>> -> memref<1x64xi32, #tpu.memory_space<hbm>>
    %dma_start3A_84 = tpu.memref_squeeze %dma_start3A_83 : memref<1x64xi32, #tpu.memory_space<hbm>> -> memref<64xi32, #tpu.memory_space<hbm>>
    %dma_start3A_85 = arith.constant 0 : i32
    %dma_start3A_86 = tpu.memref_slice %arg3[%add3A_81, %dma_start3A_85] : memref<2560x128xi32, #tpu.memory_space<hbm>> -> memref<1x64xi32, #tpu.memory_space<hbm>>
    %dma_start3A_87 = tpu.memref_squeeze %dma_start3A_86 : memref<1x64xi32, #tpu.memory_space<hbm>> -> memref<64xi32, #tpu.memory_space<hbm>>
    tpu.enqueue_dma source(%dma_start3A_87 : memref<64xi32, #tpu.memory_space<hbm>>) target(%arg14 : memref<64xi32, #tpu.memory_space<vmem>>) target_semaphore(%arg28 : memref<!tpu.dma_semaphore, #tpu.memory_space<semaphore_mem>>)
    %add3A_88 = arith.constant 3 : i32
    %add3A_89 = arith.addi %select_n3A_8, %add3A_88 : i32
    %dma_start3A_90 = arith.constant 64 : i32
    %dma_start3A_91 = tpu.memref_slice %arg3[%add3A_89, %dma_start3A_90] : memref<2560x128xi32, #tpu.memory_space<hbm>> -> memref<1x64xi32, #tpu.memory_space<hbm>>
    %dma_start3A_92 = tpu.memref_squeeze %dma_start3A_91 : memref<1x64xi32, #tpu.memory_space<hbm>> -> memref<64xi32, #tpu.memory_space<hbm>>
    %dma_start3A_93 = arith.constant 64 : i32
    %dma_start3A_94 = tpu.memref_slice %arg3[%add3A_89, %dma_start3A_93] : memref<2560x128xi32, #tpu.memory_space<hbm>> -> memref<1x64xi32, #tpu.memory_space<hbm>>
    %dma_start3A_95 = tpu.memref_squeeze %dma_start3A_94 : memref<1x64xi32, #tpu.memory_space<hbm>> -> memref<64xi32, #tpu.memory_space<hbm>>
    tpu.enqueue_dma source(%dma_start3A_95 : memref<64xi32, #tpu.memory_space<hbm>>) target(%arg15 : memref<64xi32, #tpu.memory_space<vmem>>) target_semaphore(%arg28 : memref<!tpu.dma_semaphore, #tpu.memory_space<semaphore_mem>>)
    %add3A_96 = arith.constant 3 : i32
    %add3A_97 = arith.addi %select_n3A_8, %add3A_96 : i32
    %dma_start3A_98 = arith.constant 0 : i32
    %dma_start3A_99 = tpu.memref_slice %arg4[%add3A_97, %dma_start3A_98] : memref<2560x128xi32, #tpu.memory_space<hbm>> -> memref<1x128xi32, #tpu.memory_space<hbm>>
    %dma_start3A_100 = tpu.memref_squeeze %dma_start3A_99 : memref<1x128xi32, #tpu.memory_space<hbm>> -> memref<128xi32, #tpu.memory_space<hbm>>
    %dma_start3A_101 = arith.constant 0 : i32
    %dma_start3A_102 = tpu.memref_slice %arg4[%add3A_97, %dma_start3A_101] : memref<2560x128xi32, #tpu.memory_space<hbm>> -> memref<1x128xi32, #tpu.memory_space<hbm>>
    %dma_start3A_103 = tpu.memref_squeeze %dma_start3A_102 : memref<1x128xi32, #tpu.memory_space<hbm>> -> memref<128xi32, #tpu.memory_space<hbm>>
    tpu.enqueue_dma source(%dma_start3A_103 : memref<128xi32, #tpu.memory_space<hbm>>) target(%arg19 : memref<128xi32, #tpu.memory_space<vmem>>) target_semaphore(%arg28 : memref<!tpu.dma_semaphore, #tpu.memory_space<semaphore_mem>>)
    %scan3A = arith.constant 0 : i32
    %scan3A_104 = arith.constant 128 : i32
    %scan3A_105 = arith.addi %scan3A, %scan3A_104 : i32
    %scan3A_106 = arith.constant 1 : i32
    scf.for %scan3A_193 = %scan3A to %scan3A_105 step %scan3A_106  : i32 {
      %mul3A_194 = arith.constant 1 : i32
      %mul3A_195 = arith.muli %scan3A_193, %mul3A_194 : i32
      %add3A_196 = arith.constant 0 : i32
      %add3A_197 = arith.addi %add3A_196, %mul3A_195 : i32
      %scan3A_198 = arith.constant 0 : i32
      %scan3A_199 = arith.constant 8 : i32
      %scan3A_200 = arith.addi %scan3A_198, %scan3A_199 : i32
      %scan3A_201 = arith.constant 1 : i32
      scf.for %scan3A_203 = %scan3A_198 to %scan3A_200 step %scan3A_201  : i32 {
        %mul3A_204 = arith.constant 1 : i32
        %mul3A_205 = arith.muli %scan3A_203, %mul3A_204 : i32
        %add3A_206 = arith.constant 0 : i32
        %add3A_207 = arith.addi %add3A_206, %mul3A_205 : i32
        %broadcast_in_dim3A = arith.constant 0.000000e+00 : f32
        %broadcast_in_dim3A_208 = vector.broadcast %broadcast_in_dim3A : f32 to vector<16xf32>
        %mul3A_209 = arith.constant 16 : i32
        %mul3A_210 = arith.muli %add3A_207, %mul3A_209 : i32
        %swap3A = arith.index_cast %add3A_197 : i32 to index
        %swap3A_211 = arith.index_cast %mul3A_210 : i32 to index
        %swap3A_212 = tpu.vector_load %arg6[%swap3A, %swap3A_211] {strides = array<i32>} : memref<128x128xf32, #tpu.memory_space<vmem>>, vector<1x16xf32>,
        %swap3A_213 = vector.shape_cast %swap3A_212 : vector<1x16xf32> to vector<16xf32>
        %swap3A_214 = vector.shape_cast %broadcast_in_dim3A_208 : vector<16xf32> to vector<1x16xf32>
        tpu.vector_store %arg6[%swap3A, %swap3A_211], %swap3A_214 {strides = array<i32>} : memref<128x128xf32, #tpu.memory_space<vmem>>, vector<1x16xf32>,
      }
      %scan3A_202 = arith.constant 8 : i32
    }
    %scan3A_107 = arith.constant 128 : i32
    %scan3A_108 = arith.constant 0 : i32
    %scan3A_109 = arith.constant 5 : i32
    %scan3A_110 = arith.addi %scan3A_108, %scan3A_109 : i32
    %scan3A_111 = arith.constant 1 : i32
    scf.for %scan3A_193 = %scan3A_108 to %scan3A_110 step %scan3A_111  : i32 {
      %mul3A_194 = arith.constant 1 : i32
      %mul3A_195 = arith.muli %scan3A_193, %mul3A_194 : i32
      %add3A_196 = arith.constant 0 : i32
      %add3A_197 = arith.addi %add3A_196, %mul3A_195 : i32
      %mul3A_198 = arith.constant 640 : i32
      %mul3A_199 = arith.muli %arg1, %mul3A_198 : i32
      %mul3A_200 = arith.constant 128 : i32
      %mul3A_201 = arith.muli %add3A_197, %mul3A_200 : i32
      %add3A_202 = arith.addi %mul3A_199, %mul3A_201 : i32
      "tpu.region"() ({
        %run_scoped3A = tpu.sem_alloc : memref<!tpu.dma_semaphore, #tpu.memory_space<semaphore_mem>>
        %dma_start3A_203 = arith.constant 0 : i32
        %dma_start3A_204 = tpu.memref_slice %arg20[%add3A_202, %dma_start3A_203] : memref<10240x128xf32, #tpu.memory_space<vmem_shared>> -> memref<128x128xf32, #tpu.memory_space<vmem_shared>>
        %dma_start3A_205 = arith.constant 0 : i32
        %dma_start3A_206 = tpu.memref_slice %arg20[%add3A_202, %dma_start3A_205] : memref<10240x128xf32, #tpu.memory_space<vmem_shared>> -> memref<128x128xf32, #tpu.memory_space<vmem_shared>>
        tpu.enqueue_dma source(%arg6 : memref<128x128xf32, #tpu.memory_space<vmem>>) target(%dma_start3A_206 : memref<128x128xf32, #tpu.memory_space<vmem_shared>>) target_semaphore(%run_scoped3A : memref<!tpu.dma_semaphore, #tpu.memory_space<semaphore_mem>>)
        %dma_wait3A_207 = arith.constant 0 : i32
        %dma_wait3A_208 = tpu.memref_slice %arg20[%add3A_202, %dma_wait3A_207] : memref<10240x128xf32, #tpu.memory_space<vmem_shared>> -> memref<128x128xf32, #tpu.memory_space<vmem_shared>>
        %dma_wait3A_209 = arith.constant 0 : i32
        %dma_wait3A_210 = tpu.memref_slice %arg20[%add3A_202, %dma_wait3A_209] : memref<10240x128xf32, #tpu.memory_space<vmem_shared>> -> memref<128x128xf32, #tpu.memory_space<vmem_shared>>
        tpu.wait_dma2 semaphore(%run_scoped3A : memref<!tpu.dma_semaphore, #tpu.memory_space<semaphore_mem>>) src(%arg6 : memref<128x128xf32, #tpu.memory_space<vmem>>) dst(%dma_wait3A_210 : memref<128x128xf32, #tpu.memory_space<vmem_shared>>)
        tpu.yield
      }) : () -> ()
    }
    %scan3A_112 = arith.constant 5 : i32
    %barrier3A = arith.constant 0 : index
    tpu.barrier barrier_id(%barrier3A)
    %add3A_113 = arith.constant 0 : i32
    %add3A_114 = arith.addi %select_n3A_8, %add3A_113 : i32
    %dma_wait3A = arith.constant 0 : i32
    %dma_wait3A_115 = tpu.memref_slice %arg3[%add3A_114, %dma_wait3A] : memref<2560x128xi32, #tpu.memory_space<hbm>> -> memref<1x64xi32, #tpu.memory_space<hbm>>
    %dma_wait3A_116 = tpu.memref_squeeze %dma_wait3A_115 : memref<1x64xi32, #tpu.memory_space<hbm>> -> memref<64xi32, #tpu.memory_space<hbm>>
    %dma_wait3A_117 = arith.constant 0 : i32
    %dma_wait3A_118 = tpu.memref_slice %arg3[%add3A_114, %dma_wait3A_117] : memref<2560x128xi32, #tpu.memory_space<hbm>> -> memref<1x64xi32, #tpu.memory_space<hbm>>
    %dma_wait3A_119 = tpu.memref_squeeze %dma_wait3A_118 : memref<1x64xi32, #tpu.memory_space<hbm>> -> memref<64xi32, #tpu.memory_space<hbm>>
    tpu.wait_dma2 semaphore(%arg25 : memref<!tpu.dma_semaphore, #tpu.memory_space<semaphore_mem>>) src(%dma_wait3A_119 : memref<64xi32, #tpu.memory_space<hbm>>) dst(%arg8 : memref<64xi32, #tpu.memory_space<vmem>>)
    %add3A_120 = arith.constant 0 : i32
    %add3A_121 = arith.addi %select_n3A_8, %add3A_120 : i32
    %dma_wait3A_122 = arith.constant 64 : i32
    %dma_wait3A_123 = tpu.memref_slice %arg3[%add3A_121, %dma_wait3A_122] : memref<2560x128xi32, #tpu.memory_space<hbm>> -> memref<1x64xi32, #tpu.memory_space<hbm>>
    %dma_wait3A_124 = tpu.memref_squeeze %dma_wait3A_123 : memref<1x64xi32, #tpu.memory_space<hbm>> -> memref<64xi32, #tpu.memory_space<hbm>>
    %dma_wait3A_125 = arith.constant 64 : i32
    %dma_wait3A_126 = tpu.memref_slice %arg3[%add3A_121, %dma_wait3A_125] : memref<2560x128xi32, #tpu.memory_space<hbm>> -> memref<1x64xi32, #tpu.memory_space<hbm>>
    %dma_wait3A_127 = tpu.memref_squeeze %dma_wait3A_126 : memref<1x64xi32, #tpu.memory_space<hbm>> -> memref<64xi32, #tpu.memory_space<hbm>>
    tpu.wait_dma2 semaphore(%arg25 : memref<!tpu.dma_semaphore, #tpu.memory_space<semaphore_mem>>) src(%dma_wait3A_127 : memref<64xi32, #tpu.memory_space<hbm>>) dst(%arg9 : memref<64xi32, #tpu.memory_space<vmem>>)
    %add3A_128 = arith.constant 0 : i32
    %add3A_129 = arith.addi %select_n3A_8, %add3A_128 : i32
    %dma_wait3A_130 = arith.constant 0 : i32
    %dma_wait3A_131 = tpu.memref_slice %arg4[%add3A_129, %dma_wait3A_130] : memref<2560x128xi32, #tpu.memory_space<hbm>> -> memref<1x128xi32, #tpu.memory_space<hbm>>
    %dma_wait3A_132 = tpu.memref_squeeze %dma_wait3A_131 : memref<1x128xi32, #tpu.memory_space<hbm>> -> memref<128xi32, #tpu.memory_space<hbm>>
    %dma_wait3A_133 = arith.constant 0 : i32
    %dma_wait3A_134 = tpu.memref_slice %arg4[%add3A_129, %dma_wait3A_133] : memref<2560x128xi32, #tpu.memory_space<hbm>> -> memref<1x128xi32, #tpu.memory_space<hbm>>
    %dma_wait3A_135 = tpu.memref_squeeze %dma_wait3A_134 : memref<1x128xi32, #tpu.memory_space<hbm>> -> memref<128xi32, #tpu.memory_space<hbm>>
    tpu.wait_dma2 semaphore(%arg25 : memref<!tpu.dma_semaphore, #tpu.memory_space<semaphore_mem>>) src(%dma_wait3A_135 : memref<128xi32, #tpu.memory_space<hbm>>) dst(%arg16 : memref<128xi32, #tpu.memory_space<vmem>>)
    %dma_start3A_136 = arith.constant 0 : i32
    %dma_start3A_137 = arith.constant 0 : i32
    %dma_start3A_138 = tpu.memref_slice %arg6[%dma_start3A_136, %dma_start3A_137] : memref<128x128xf32, #tpu.memory_space<vmem>> -> memref<64x128xf32, #tpu.memory_space<vmem>>
    %dma_start3A_139 = arith.constant 0 : i32
    %dma_start3A_140 = arith.constant 0 : i32
    %dma_start3A_141 = tpu.memref_slice %arg2[%dma_start3A_139, %dma_start3A_140] : memref<10000x128xf32, #tpu.memory_space<hbm>> -> memref<10000x128xf32, #tpu.memory_space<hbm>>
    tpu.enqueue_indirect_dma source(%dma_start3A_141 : memref<10000x128xf32, #tpu.memory_space<hbm>>) target(%dma_start3A_138 : memref<64x128xf32, #tpu.memory_space<vmem>>) offsets(%arg8 : memref<64xi32, #tpu.memory_space<vmem>>) semaphore(%arg21 : memref<!tpu.dma_semaphore, #tpu.memory_space<semaphore_mem>>)
    %dma_start3A_142 = arith.constant 64 : i32
    %dma_start3A_143 = arith.constant 0 : i32
    %dma_start3A_144 = tpu.memref_slice %arg6[%dma_start3A_142, %dma_start3A_143] : memref<128x128xf32, #tpu.memory_space<vmem>> -> memref<64x128xf32, #tpu.memory_space<vmem>>
    %dma_start3A_145 = arith.constant 0 : i32
    %dma_start3A_146 = arith.constant 0 : i32
    %dma_start3A_147 = tpu.memref_slice %arg2[%dma_start3A_145, %dma_start3A_146] : memref<10000x128xf32, #tpu.memory_space<hbm>> -> memref<10000x128xf32, #tpu.memory_space<hbm>>
    tpu.enqueue_indirect_dma source(%dma_start3A_147 : memref<10000x128xf32, #tpu.memory_space<hbm>>) target(%dma_start3A_144 : memref<64x128xf32, #tpu.memory_space<vmem>>) offsets(%arg9 : memref<64xi32, #tpu.memory_space<vmem>>) semaphore(%arg21 : memref<!tpu.dma_semaphore, #tpu.memory_space<semaphore_mem>>)
    %jit3A_148 = arith.constant 4 : i32
    %div3A = arith.divsi %select_n3A, %jit3A_148 : i32
    %sign3A = arith.constant 0 : i32
    %sign3A_149 = arith.cmpi sgt, %select_n3A, %sign3A : i32
    %sign3A_150 = arith.extui %sign3A_149 : i1 to i32
    %sign3A_151 = arith.constant 0 : i32
    %sign3A_152 = arith.cmpi slt, %select_n3A, %sign3A_151 : i32
    %sign3A_153 = arith.extui %sign3A_152 : i1 to i32
    %sign3A_154 = arith.subi %sign3A_150, %sign3A_153 : i32
    %sign3A_155 = arith.constant 0 : i32
    %sign3A_156 = arith.cmpi sgt, %jit3A_148, %sign3A_155 : i32
    %sign3A_157 = arith.extui %sign3A_156 : i1 to i32
    %sign3A_158 = arith.constant 0 : i32
    %sign3A_159 = arith.cmpi slt, %jit3A_148, %sign3A_158 : i32
    %sign3A_160 = arith.extui %sign3A_159 : i1 to i32
    %sign3A_161 = arith.subi %sign3A_157, %sign3A_160 : i32
    %ne3A = arith.cmpi ne, %sign3A_154, %sign3A_161 : i32
    %rem3A = arith.remsi %select_n3A, %jit3A_148 : i32
    %ne3A_162 = arith.constant 0 : i32
    %ne3A_163 = arith.cmpi ne, %rem3A, %ne3A_162 : i32
    %and3A = arith.andi %ne3A, %ne3A_163 : i1
    %sub3A = arith.constant 1 : i32
    %sub3A_164 = arith.subi %div3A, %sub3A : i32
    %select_n3A_165 = arith.select %and3A, %sub3A_164, %div3A : i32
    %sub3A_166 = arith.constant 0 : i32
    %sub3A_167 = arith.subi %select_n3A_165, %sub3A_166 : i32
    %sub3A_168 = arith.constant 1 : i32
    %sub3A_169 = arith.constant 1 : i32
    %sub3A_170 = arith.subi %sub3A_168, %sub3A_169 : i32
    %add3A_171 = arith.addi %sub3A_167, %sub3A_170 : i32
    %div3A_172 = arith.constant 1 : i32
    %div3A_173 = arith.divsi %add3A_171, %div3A_172 : i32
    %while3A = arith.constant 1 : i32
    %while3A_174 = arith.constant 0 : i32
    %while3A_175 = arith.constant 0 : i32
    %while3A_176 = arith.subi %div3A_173, %while3A_175 : i32
    %while3A_177 = arith.addi %while3A_175, %while3A_176 : i32
    %while3A_178 = arith.constant 1 : i32
    %while3A_179 = arith.divsi %while3A_176, %while3A_178 : i32
    %while3A_180 = arith.muli %while3A_179, %while3A_178 : i32
    %while3A_181 = arith.addi %while3A_175, %while3A_180 : i32
    %while3A_182 = arith.constant 1 : i32
    scf.for %while3A_193 = %while3A_175 to %while3A_181 step %while3A_182  : i32 {
      %mul3A_194 = arith.muli %while3A_193, %while3A : i32
      %add3A_195 = arith.addi %while3A_174, %mul3A_194 : i32
      %mul3A_196 = arith.constant 4 : i32
      %mul3A_197 = arith.muli %add3A_195, %mul3A_196 : i32
      %add3A_198 = arith.constant 0 : i32
      %add3A_199 = arith.addi %mul3A_197, %add3A_198 : i32
      %ge3A = arith.constant 1 : i32
      %ge3A_200 = arith.cmpi sge, %add3A_199, %ge3A : i32
      %convert_element_type3A = arith.extui %ge3A_200 : i1 to i32
      %cond3A = arith.constant 0 : i32
      %cond3A_201 = arith.cmpi ne, %convert_element_type3A, %cond3A : i32
      scf.if %cond3A_201 {
        %dma_wait3A_312 = arith.constant 0 : i32
        %dma_wait3A_313 = arith.constant 0 : i32
        %dma_wait3A_314 = tpu.memref_slice %arg20[%dma_wait3A_312, %dma_wait3A_313] : memref<10240x128xf32, #tpu.memory_space<vmem_shared>> -> memref<10240x128xf32, #tpu.memory_space<vmem_shared>>
        tpu.wait_indirect_dma semaphore(%arg24 : memref<!tpu.dma_semaphore, #tpu.memory_space<semaphore_mem>>) src(%arg7 : memref<128x128xf32, #tpu.memory_space<vmem>>) dst(%dma_wait3A_314 : memref<10240x128xf32, #tpu.memory_space<vmem_shared>>)
        %add3A_315 = arith.constant 3 : i32
        %add3A_316 = arith.addi %add3A_199, %add3A_315 : i32
        %lt3A_317 = arith.cmpi slt, %add3A_316, %select_n3A : i32
        %convert_element_type3A_318 = arith.extui %lt3A_317 : i1 to i32
        %cond3A_319 = arith.constant 0 : i32
        %cond3A_320 = arith.cmpi ne, %convert_element_type3A_318, %cond3A_319 : i32
        scf.if %cond3A_320 {
          %add3A_321 = arith.constant 3 : i32
          %add3A_322 = arith.addi %add3A_199, %add3A_321 : i32
          %add3A_323 = arith.addi %select_n3A_8, %add3A_322 : i32
          %dma_start3A_324 = arith.constant 0 : i32
          %dma_start3A_325 = tpu.memref_slice %arg3[%add3A_323, %dma_start3A_324] : memref<2560x128xi32, #tpu.memory_space<hbm>> -> memref<1x64xi32, #tpu.memory_space<hbm>>
          %dma_start3A_326 = tpu.memref_squeeze %dma_start3A_325 : memref<1x64xi32, #tpu.memory_space<hbm>> -> memref<64xi32, #tpu.memory_space<hbm>>
          %dma_start3A_327 = arith.constant 0 : i32
          %dma_start3A_328 = tpu.memref_slice %arg3[%add3A_323, %dma_start3A_327] : memref<2560x128xi32, #tpu.memory_space<hbm>> -> memref<1x64xi32, #tpu.memory_space<hbm>>
          %dma_start3A_329 = tpu.memref_squeeze %dma_start3A_328 : memref<1x64xi32, #tpu.memory_space<hbm>> -> memref<64xi32, #tpu.memory_space<hbm>>
          tpu.enqueue_dma source(%dma_start3A_329 : memref<64xi32, #tpu.memory_space<hbm>>) target(%arg14 : memref<64xi32, #tpu.memory_space<vmem>>) target_semaphore(%arg28 : memref<!tpu.dma_semaphore, #tpu.memory_space<semaphore_mem>>)
          %add3A_330 = arith.addi %select_n3A_8, %add3A_322 : i32
          %dma_start3A_331 = arith.constant 64 : i32
          %dma_start3A_332 = tpu.memref_slice %arg3[%add3A_330, %dma_start3A_331] : memref<2560x128xi32, #tpu.memory_space<hbm>> -> memref<1x64xi32, #tpu.memory_space<hbm>>
          %dma_start3A_333 = tpu.memref_squeeze %dma_start3A_332 : memref<1x64xi32, #tpu.memory_space<hbm>> -> memref<64xi32, #tpu.memory_space<hbm>>
          %dma_start3A_334 = arith.constant 64 : i32
          %dma_start3A_335 = tpu.memref_slice %arg3[%add3A_330, %dma_start3A_334] : memref<2560x128xi32, #tpu.memory_space<hbm>> -> memref<1x64xi32, #tpu.memory_space<hbm>>
          %dma_start3A_336 = tpu.memref_squeeze %dma_start3A_335 : memref<1x64xi32, #tpu.memory_space<hbm>> -> memref<64xi32, #tpu.memory_space<hbm>>
          tpu.enqueue_dma source(%dma_start3A_336 : memref<64xi32, #tpu.memory_space<hbm>>) target(%arg15 : memref<64xi32, #tpu.memory_space<vmem>>) target_semaphore(%arg28 : memref<!tpu.dma_semaphore, #tpu.memory_space<semaphore_mem>>)
          %add3A_337 = arith.addi %select_n3A_8, %add3A_322 : i32
          %dma_start3A_338 = arith.constant 0 : i32
          %dma_start3A_339 = tpu.memref_slice %arg4[%add3A_337, %dma_start3A_338] : memref<2560x128xi32, #tpu.memory_space<hbm>> -> memref<1x128xi32, #tpu.memory_space<hbm>>
          %dma_start3A_340 = tpu.memref_squeeze %dma_start3A_339 : memref<1x128xi32, #tpu.memory_space<hbm>> -> memref<128xi32, #tpu.memory_space<hbm>>
          %dma_start3A_341 = arith.constant 0 : i32
          %dma_start3A_342 = tpu.memref_slice %arg4[%add3A_337, %dma_start3A_341] : memref<2560x128xi32, #tpu.memory_space<hbm>> -> memref<1x128xi32, #tpu.memory_space<hbm>>
          %dma_start3A_343 = tpu.memref_squeeze %dma_start3A_342 : memref<1x128xi32, #tpu.memory_space<hbm>> -> memref<128xi32, #tpu.memory_space<hbm>>
          tpu.enqueue_dma source(%dma_start3A_343 : memref<128xi32, #tpu.memory_space<hbm>>) target(%arg19 : memref<128xi32, #tpu.memory_space<vmem>>) target_semaphore(%arg28 : memref<!tpu.dma_semaphore, #tpu.memory_space<semaphore_mem>>)
        } else {
        }
      } else {
      }
      %add3A_202 = arith.constant 1 : i32
      %add3A_203 = arith.addi %add3A_199, %add3A_202 : i32
      %lt3A = arith.cmpi slt, %add3A_203, %select_n3A : i32
      %convert_element_type3A_204 = arith.extui %lt3A : i1 to i32
      %cond3A_205 = arith.constant 0 : i32
      %cond3A_206 = arith.cmpi ne, %convert_element_type3A_204, %cond3A_205 : i32
      scf.if %cond3A_206 {
        %add3A_312 = arith.constant 1 : i32
        %add3A_313 = arith.addi %add3A_199, %add3A_312 : i32
        %add3A_314 = arith.addi %select_n3A_8, %add3A_313 : i32
        %dma_wait3A_315 = arith.constant 0 : i32
        %dma_wait3A_316 = tpu.memref_slice %arg3[%add3A_314, %dma_wait3A_315] : memref<2560x128xi32, #tpu.memory_space<hbm>> -> memref<1x64xi32, #tpu.memory_space<hbm>>
        %dma_wait3A_317 = tpu.memref_squeeze %dma_wait3A_316 : memref<1x64xi32, #tpu.memory_space<hbm>> -> memref<64xi32, #tpu.memory_space<hbm>>
        %dma_wait3A_318 = arith.constant 0 : i32
        %dma_wait3A_319 = tpu.memref_slice %arg3[%add3A_314, %dma_wait3A_318] : memref<2560x128xi32, #tpu.memory_space<hbm>> -> memref<1x64xi32, #tpu.memory_space<hbm>>
        %dma_wait3A_320 = tpu.memref_squeeze %dma_wait3A_319 : memref<1x64xi32, #tpu.memory_space<hbm>> -> memref<64xi32, #tpu.memory_space<hbm>>
        tpu.wait_dma2 semaphore(%arg26 : memref<!tpu.dma_semaphore, #tpu.memory_space<semaphore_mem>>) src(%dma_wait3A_320 : memref<64xi32, #tpu.memory_space<hbm>>) dst(%arg10 : memref<64xi32, #tpu.memory_space<vmem>>)
        %add3A_321 = arith.addi %select_n3A_8, %add3A_313 : i32
        %dma_wait3A_322 = arith.constant 64 : i32
        %dma_wait3A_323 = tpu.memref_slice %arg3[%add3A_321, %dma_wait3A_322] : memref<2560x128xi32, #tpu.memory_space<hbm>> -> memref<1x64xi32, #tpu.memory_space<hbm>>
        %dma_wait3A_324 = tpu.memref_squeeze %dma_wait3A_323 : memref<1x64xi32, #tpu.memory_space<hbm>> -> memref<64xi32, #tpu.memory_space<hbm>>
        %dma_wait3A_325 = arith.constant 64 : i32
        %dma_wait3A_326 = tpu.memref_slice %arg3[%add3A_321, %dma_wait3A_325] : memref<2560x128xi32, #tpu.memory_space<hbm>> -> memref<1x64xi32, #tpu.memory_space<hbm>>
        %dma_wait3A_327 = tpu.memref_squeeze %dma_wait3A_326 : memref<1x64xi32, #tpu.memory_space<hbm>> -> memref<64xi32, #tpu.memory_space<hbm>>
        tpu.wait_dma2 semaphore(%arg26 : memref<!tpu.dma_semaphore, #tpu.memory_space<semaphore_mem>>) src(%dma_wait3A_327 : memref<64xi32, #tpu.memory_space<hbm>>) dst(%arg11 : memref<64xi32, #tpu.memory_space<vmem>>)
        %add3A_328 = arith.addi %select_n3A_8, %add3A_313 : i32
        %dma_wait3A_329 = arith.constant 0 : i32
        %dma_wait3A_330 = tpu.memref_slice %arg4[%add3A_328, %dma_wait3A_329] : memref<2560x128xi32, #tpu.memory_space<hbm>> -> memref<1x128xi32, #tpu.memory_space<hbm>>
        %dma_wait3A_331 = tpu.memref_squeeze %dma_wait3A_330 : memref<1x128xi32, #tpu.memory_space<hbm>> -> memref<128xi32, #tpu.memory_space<hbm>>
        %dma_wait3A_332 = arith.constant 0 : i32
        %dma_wait3A_333 = tpu.memref_slice %arg4[%add3A_328, %dma_wait3A_332] : memref<2560x128xi32, #tpu.memory_space<hbm>> -> memref<1x128xi32, #tpu.memory_space<hbm>>
        %dma_wait3A_334 = tpu.memref_squeeze %dma_wait3A_333 : memref<1x128xi32, #tpu.memory_space<hbm>> -> memref<128xi32, #tpu.memory_space<hbm>>
        tpu.wait_dma2 semaphore(%arg26 : memref<!tpu.dma_semaphore, #tpu.memory_space<semaphore_mem>>) src(%dma_wait3A_334 : memref<128xi32, #tpu.memory_space<hbm>>) dst(%arg17 : memref<128xi32, #tpu.memory_space<vmem>>)
        %dma_start3A_335 = arith.constant 0 : i32
        %dma_start3A_336 = arith.constant 0 : i32
        %dma_start3A_337 = tpu.memref_slice %arg7[%dma_start3A_335, %dma_start3A_336] : memref<128x128xf32, #tpu.memory_space<vmem>> -> memref<64x128xf32, #tpu.memory_space<vmem>>
        %dma_start3A_338 = arith.constant 0 : i32
        %dma_start3A_339 = arith.constant 0 : i32
        %dma_start3A_340 = tpu.memref_slice %arg2[%dma_start3A_338, %dma_start3A_339] : memref<10000x128xf32, #tpu.memory_space<hbm>> -> memref<10000x128xf32, #tpu.memory_space<hbm>>
        tpu.enqueue_indirect_dma source(%dma_start3A_340 : memref<10000x128xf32, #tpu.memory_space<hbm>>) target(%dma_start3A_337 : memref<64x128xf32, #tpu.memory_space<vmem>>) offsets(%arg10 : memref<64xi32, #tpu.memory_space<vmem>>) semaphore(%arg22 : memref<!tpu.dma_semaphore, #tpu.memory_space<semaphore_mem>>)
        %dma_start3A_341 = arith.constant 64 : i32
        %dma_start3A_342 = arith.constant 0 : i32
        %dma_start3A_343 = tpu.memref_slice %arg7[%dma_start3A_341, %dma_start3A_342] : memref<128x128xf32, #tpu.memory_space<vmem>> -> memref<64x128xf32, #tpu.memory_space<vmem>>
        %dma_start3A_344 = arith.constant 0 : i32
        %dma_start3A_345 = arith.constant 0 : i32
        %dma_start3A_346 = tpu.memref_slice %arg2[%dma_start3A_344, %dma_start3A_345] : memref<10000x128xf32, #tpu.memory_space<hbm>> -> memref<10000x128xf32, #tpu.memory_space<hbm>>
        tpu.enqueue_indirect_dma source(%dma_start3A_346 : memref<10000x128xf32, #tpu.memory_space<hbm>>) target(%dma_start3A_343 : memref<64x128xf32, #tpu.memory_space<vmem>>) offsets(%arg11 : memref<64xi32, #tpu.memory_space<vmem>>) semaphore(%arg22 : memref<!tpu.dma_semaphore, #tpu.memory_space<semaphore_mem>>)
      } else {
      }
      %dma_wait3A_207 = arith.constant 0 : i32
      %dma_wait3A_208 = arith.constant 0 : i32
      %dma_wait3A_209 = tpu.memref_slice %arg6[%dma_wait3A_207, %dma_wait3A_208] : memref<128x128xf32, #tpu.memory_space<vmem>> -> memref<64x128xf32, #tpu.memory_space<vmem>>
      %dma_wait3A_210 = arith.constant 0 : i32
      %dma_wait3A_211 = arith.constant 0 : i32
      %dma_wait3A_212 = tpu.memref_slice %arg2[%dma_wait3A_210, %dma_wait3A_211] : memref<10000x128xf32, #tpu.memory_space<hbm>> -> memref<10000x128xf32, #tpu.memory_space<hbm>>
      tpu.wait_indirect_dma semaphore(%arg21 : memref<!tpu.dma_semaphore, #tpu.memory_space<semaphore_mem>>) src(%dma_wait3A_212 : memref<10000x128xf32, #tpu.memory_space<hbm>>) dst(%dma_wait3A_209 : memref<64x128xf32, #tpu.memory_space<vmem>>)
      %dma_wait3A_213 = arith.constant 64 : i32
      %dma_wait3A_214 = arith.constant 0 : i32
      %dma_wait3A_215 = tpu.memref_slice %arg6[%dma_wait3A_213, %dma_wait3A_214] : memref<128x128xf32, #tpu.memory_space<vmem>> -> memref<64x128xf32, #tpu.memory_space<vmem>>
      %dma_wait3A_216 = arith.constant 0 : i32
      %dma_wait3A_217 = arith.constant 0 : i32
      %dma_wait3A_218 = tpu.memref_slice %arg2[%dma_wait3A_216, %dma_wait3A_217] : memref<10000x128xf32, #tpu.memory_space<hbm>> -> memref<10000x128xf32, #tpu.memory_space<hbm>>
      tpu.wait_indirect_dma semaphore(%arg21 : memref<!tpu.dma_semaphore, #tpu.memory_space<semaphore_mem>>) src(%dma_wait3A_218 : memref<10000x128xf32, #tpu.memory_space<hbm>>) dst(%dma_wait3A_215 : memref<64x128xf32, #tpu.memory_space<vmem>>)
      %dma_start3A_219 = arith.constant 0 : i32
      %dma_start3A_220 = arith.constant 0 : i32
      %dma_start3A_221 = tpu.memref_slice %arg20[%dma_start3A_219, %dma_start3A_220] : memref<10240x128xf32, #tpu.memory_space<vmem_shared>> -> memref<10240x128xf32, #tpu.memory_space<vmem_shared>>
      tpu.enqueue_indirect_dma source(%arg6 : memref<128x128xf32, #tpu.memory_space<vmem>>) target(%dma_start3A_221 : memref<10240x128xf32, #tpu.memory_space<vmem_shared>>) offsets(%arg16 : memref<128xi32, #tpu.memory_space<vmem>>) semaphore(%arg23 : memref<!tpu.dma_semaphore, #tpu.memory_space<semaphore_mem>>) {add = true}
      %mul3A_222 = arith.constant 4 : i32
      %mul3A_223 = arith.muli %add3A_195, %mul3A_222 : i32
      %add3A_224 = arith.constant 1 : i32
      %add3A_225 = arith.addi %mul3A_223, %add3A_224 : i32
      %ge3A_226 = arith.constant 1 : i32
      %ge3A_227 = arith.cmpi sge, %add3A_225, %ge3A_226 : i32
      %convert_element_type3A_228 = arith.extui %ge3A_227 : i1 to i32
      %cond3A_229 = arith.constant 0 : i32
      %cond3A_230 = arith.cmpi ne, %convert_element_type3A_228, %cond3A_229 : i32
      scf.if %cond3A_230 {
        %dma_wait3A_312 = arith.constant 0 : i32
        %dma_wait3A_313 = arith.constant 0 : i32
        %dma_wait3A_314 = tpu.memref_slice %arg20[%dma_wait3A_312, %dma_wait3A_313] : memref<10240x128xf32, #tpu.memory_space<vmem_shared>> -> memref<10240x128xf32, #tpu.memory_space<vmem_shared>>
        tpu.wait_indirect_dma semaphore(%arg23 : memref<!tpu.dma_semaphore, #tpu.memory_space<semaphore_mem>>) src(%arg6 : memref<128x128xf32, #tpu.memory_space<vmem>>) dst(%dma_wait3A_314 : memref<10240x128xf32, #tpu.memory_space<vmem_shared>>)
        %add3A_315 = arith.constant 3 : i32
        %add3A_316 = arith.addi %add3A_225, %add3A_315 : i32
        %lt3A_317 = arith.cmpi slt, %add3A_316, %select_n3A : i32
        %convert_element_type3A_318 = arith.extui %lt3A_317 : i1 to i32
        %cond3A_319 = arith.constant 0 : i32
        %cond3A_320 = arith.cmpi ne, %convert_element_type3A_318, %cond3A_319 : i32
        scf.if %cond3A_320 {
          %add3A_321 = arith.constant 3 : i32
          %add3A_322 = arith.addi %add3A_225, %add3A_321 : i32
          %add3A_323 = arith.addi %select_n3A_8, %add3A_322 : i32
          %dma_start3A_324 = arith.constant 0 : i32
          %dma_start3A_325 = tpu.memref_slice %arg3[%add3A_323, %dma_start3A_324] : memref<2560x128xi32, #tpu.memory_space<hbm>> -> memref<1x64xi32, #tpu.memory_space<hbm>>
          %dma_start3A_326 = tpu.memref_squeeze %dma_start3A_325 : memref<1x64xi32, #tpu.memory_space<hbm>> -> memref<64xi32, #tpu.memory_space<hbm>>
          %dma_start3A_327 = arith.constant 0 : i32
          %dma_start3A_328 = tpu.memref_slice %arg3[%add3A_323, %dma_start3A_327] : memref<2560x128xi32, #tpu.memory_space<hbm>> -> memref<1x64xi32, #tpu.memory_space<hbm>>
          %dma_start3A_329 = tpu.memref_squeeze %dma_start3A_328 : memref<1x64xi32, #tpu.memory_space<hbm>> -> memref<64xi32, #tpu.memory_space<hbm>>
          tpu.enqueue_dma source(%dma_start3A_329 : memref<64xi32, #tpu.memory_space<hbm>>) target(%arg8 : memref<64xi32, #tpu.memory_space<vmem>>) target_semaphore(%arg25 : memref<!tpu.dma_semaphore, #tpu.memory_space<semaphore_mem>>)
          %add3A_330 = arith.addi %select_n3A_8, %add3A_322 : i32
          %dma_start3A_331 = arith.constant 64 : i32
          %dma_start3A_332 = tpu.memref_slice %arg3[%add3A_330, %dma_start3A_331] : memref<2560x128xi32, #tpu.memory_space<hbm>> -> memref<1x64xi32, #tpu.memory_space<hbm>>
          %dma_start3A_333 = tpu.memref_squeeze %dma_start3A_332 : memref<1x64xi32, #tpu.memory_space<hbm>> -> memref<64xi32, #tpu.memory_space<hbm>>
          %dma_start3A_334 = arith.constant 64 : i32
          %dma_start3A_335 = tpu.memref_slice %arg3[%add3A_330, %dma_start3A_334] : memref<2560x128xi32, #tpu.memory_space<hbm>> -> memref<1x64xi32, #tpu.memory_space<hbm>>
          %dma_start3A_336 = tpu.memref_squeeze %dma_start3A_335 : memref<1x64xi32, #tpu.memory_space<hbm>> -> memref<64xi32, #tpu.memory_space<hbm>>
          tpu.enqueue_dma source(%dma_start3A_336 : memref<64xi32, #tpu.memory_space<hbm>>) target(%arg9 : memref<64xi32, #tpu.memory_space<vmem>>) target_semaphore(%arg25 : memref<!tpu.dma_semaphore, #tpu.memory_space<semaphore_mem>>)
          %add3A_337 = arith.addi %select_n3A_8, %add3A_322 : i32
          %dma_start3A_338 = arith.constant 0 : i32
          %dma_start3A_339 = tpu.memref_slice %arg4[%add3A_337, %dma_start3A_338] : memref<2560x128xi32, #tpu.memory_space<hbm>> -> memref<1x128xi32, #tpu.memory_space<hbm>>
          %dma_start3A_340 = tpu.memref_squeeze %dma_start3A_339 : memref<1x128xi32, #tpu.memory_space<hbm>> -> memref<128xi32, #tpu.memory_space<hbm>>
          %dma_start3A_341 = arith.constant 0 : i32
          %dma_start3A_342 = tpu.memref_slice %arg4[%add3A_337, %dma_start3A_341] : memref<2560x128xi32, #tpu.memory_space<hbm>> -> memref<1x128xi32, #tpu.memory_space<hbm>>
          %dma_start3A_343 = tpu.memref_squeeze %dma_start3A_342 : memref<1x128xi32, #tpu.memory_space<hbm>> -> memref<128xi32, #tpu.memory_space<hbm>>
          tpu.enqueue_dma source(%dma_start3A_343 : memref<128xi32, #tpu.memory_space<hbm>>) target(%arg16 : memref<128xi32, #tpu.memory_space<vmem>>) target_semaphore(%arg25 : memref<!tpu.dma_semaphore, #tpu.memory_space<semaphore_mem>>)
        } else {
        }
      } else {
      }
      %add3A_231 = arith.constant 1 : i32
      %add3A_232 = arith.addi %add3A_225, %add3A_231 : i32
      %lt3A_233 = arith.cmpi slt, %add3A_232, %select_n3A : i32
      %convert_element_type3A_234 = arith.extui %lt3A_233 : i1 to i32
      %cond3A_235 = arith.constant 0 : i32
      %cond3A_236 = arith.cmpi ne, %convert_element_type3A_234, %cond3A_235 : i32
      scf.if %cond3A_236 {
        %add3A_312 = arith.constant 1 : i32
        %add3A_313 = arith.addi %add3A_225, %add3A_312 : i32
        %add3A_314 = arith.addi %select_n3A_8, %add3A_313 : i32
        %dma_wait3A_315 = arith.constant 0 : i32
        %dma_wait3A_316 = tpu.memref_slice %arg3[%add3A_314, %dma_wait3A_315] : memref<2560x128xi32, #tpu.memory_space<hbm>> -> memref<1x64xi32, #tpu.memory_space<hbm>>
        %dma_wait3A_317 = tpu.memref_squeeze %dma_wait3A_316 : memref<1x64xi32, #tpu.memory_space<hbm>> -> memref<64xi32, #tpu.memory_space<hbm>>
        %dma_wait3A_318 = arith.constant 0 : i32
        %dma_wait3A_319 = tpu.memref_slice %arg3[%add3A_314, %dma_wait3A_318] : memref<2560x128xi32, #tpu.memory_space<hbm>> -> memref<1x64xi32, #tpu.memory_space<hbm>>
        %dma_wait3A_320 = tpu.memref_squeeze %dma_wait3A_319 : memref<1x64xi32, #tpu.memory_space<hbm>> -> memref<64xi32, #tpu.memory_space<hbm>>
        tpu.wait_dma2 semaphore(%arg27 : memref<!tpu.dma_semaphore, #tpu.memory_space<semaphore_mem>>) src(%dma_wait3A_320 : memref<64xi32, #tpu.memory_space<hbm>>) dst(%arg12 : memref<64xi32, #tpu.memory_space<vmem>>)
        %add3A_321 = arith.addi %select_n3A_8, %add3A_313 : i32
        %dma_wait3A_322 = arith.constant 64 : i32
        %dma_wait3A_323 = tpu.memref_slice %arg3[%add3A_321, %dma_wait3A_322] : memref<2560x128xi32, #tpu.memory_space<hbm>> -> memref<1x64xi32, #tpu.memory_space<hbm>>
        %dma_wait3A_324 = tpu.memref_squeeze %dma_wait3A_323 : memref<1x64xi32, #tpu.memory_space<hbm>> -> memref<64xi32, #tpu.memory_space<hbm>>
        %dma_wait3A_325 = arith.constant 64 : i32
        %dma_wait3A_326 = tpu.memref_slice %arg3[%add3A_321, %dma_wait3A_325] : memref<2560x128xi32, #tpu.memory_space<hbm>> -> memref<1x64xi32, #tpu.memory_space<hbm>>
        %dma_wait3A_327 = tpu.memref_squeeze %dma_wait3A_326 : memref<1x64xi32, #tpu.memory_space<hbm>> -> memref<64xi32, #tpu.memory_space<hbm>>
        tpu.wait_dma2 semaphore(%arg27 : memref<!tpu.dma_semaphore, #tpu.memory_space<semaphore_mem>>) src(%dma_wait3A_327 : memref<64xi32, #tpu.memory_space<hbm>>) dst(%arg13 : memref<64xi32, #tpu.memory_space<vmem>>)
        %add3A_328 = arith.addi %select_n3A_8, %add3A_313 : i32
        %dma_wait3A_329 = arith.constant 0 : i32
        %dma_wait3A_330 = tpu.memref_slice %arg4[%add3A_328, %dma_wait3A_329] : memref<2560x128xi32, #tpu.memory_space<hbm>> -> memref<1x128xi32, #tpu.memory_space<hbm>>
        %dma_wait3A_331 = tpu.memref_squeeze %dma_wait3A_330 : memref<1x128xi32, #tpu.memory_space<hbm>> -> memref<128xi32, #tpu.memory_space<hbm>>
        %dma_wait3A_332 = arith.constant 0 : i32
        %dma_wait3A_333 = tpu.memref_slice %arg4[%add3A_328, %dma_wait3A_332] : memref<2560x128xi32, #tpu.memory_space<hbm>> -> memref<1x128xi32, #tpu.memory_space<hbm>>
        %dma_wait3A_334 = tpu.memref_squeeze %dma_wait3A_333 : memref<1x128xi32, #tpu.memory_space<hbm>> -> memref<128xi32, #tpu.memory_space<hbm>>
        tpu.wait_dma2 semaphore(%arg27 : memref<!tpu.dma_semaphore, #tpu.memory_space<semaphore_mem>>) src(%dma_wait3A_334 : memref<128xi32, #tpu.memory_space<hbm>>) dst(%arg18 : memref<128xi32, #tpu.memory_space<vmem>>)
        %dma_start3A_335 = arith.constant 0 : i32
        %dma_start3A_336 = arith.constant 0 : i32
        %dma_start3A_337 = tpu.memref_slice %arg6[%dma_start3A_335, %dma_start3A_336] : memref<128x128xf32, #tpu.memory_space<vmem>> -> memref<64x128xf32, #tpu.memory_space<vmem>>
        %dma_start3A_338 = arith.constant 0 : i32
        %dma_start3A_339 = arith.constant 0 : i32
        %dma_start3A_340 = tpu.memref_slice %arg2[%dma_start3A_338, %dma_start3A_339] : memref<10000x128xf32, #tpu.memory_space<hbm>> -> memref<10000x128xf32, #tpu.memory_space<hbm>>
        tpu.enqueue_indirect_dma source(%dma_start3A_340 : memref<10000x128xf32, #tpu.memory_space<hbm>>) target(%dma_start3A_337 : memref<64x128xf32, #tpu.memory_space<vmem>>) offsets(%arg12 : memref<64xi32, #tpu.memory_space<vmem>>) semaphore(%arg21 : memref<!tpu.dma_semaphore, #tpu.memory_space<semaphore_mem>>)
        %dma_start3A_341 = arith.constant 64 : i32
        %dma_start3A_342 = arith.constant 0 : i32
        %dma_start3A_343 = tpu.memref_slice %arg6[%dma_start3A_341, %dma_start3A_342] : memref<128x128xf32, #tpu.memory_space<vmem>> -> memref<64x128xf32, #tpu.memory_space<vmem>>
        %dma_start3A_344 = arith.constant 0 : i32
        %dma_start3A_345 = arith.constant 0 : i32
        %dma_start3A_346 = tpu.memref_slice %arg2[%dma_start3A_344, %dma_start3A_345] : memref<10000x128xf32, #tpu.memory_space<hbm>> -> memref<10000x128xf32, #tpu.memory_space<hbm>>
        tpu.enqueue_indirect_dma source(%dma_start3A_346 : memref<10000x128xf32, #tpu.memory_space<hbm>>) target(%dma_start3A_343 : memref<64x128xf32, #tpu.memory_space<vmem>>) offsets(%arg13 : memref<64xi32, #tpu.memory_space<vmem>>) semaphore(%arg21 : memref<!tpu.dma_semaphore, #tpu.memory_space<semaphore_mem>>)
      } else {
      }
      %dma_wait3A_237 = arith.constant 0 : i32
      %dma_wait3A_238 = arith.constant 0 : i32
      %dma_wait3A_239 = tpu.memref_slice %arg7[%dma_wait3A_237, %dma_wait3A_238] : memref<128x128xf32, #tpu.memory_space<vmem>> -> memref<64x128xf32, #tpu.memory_space<vmem>>
      %dma_wait3A_240 = arith.constant 0 : i32
      %dma_wait3A_241 = arith.constant 0 : i32
      %dma_wait3A_242 = tpu.memref_slice %arg2[%dma_wait3A_240, %dma_wait3A_241] : memref<10000x128xf32, #tpu.memory_space<hbm>> -> memref<10000x128xf32, #tpu.memory_space<hbm>>
      tpu.wait_indirect_dma semaphore(%arg22 : memref<!tpu.dma_semaphore, #tpu.memory_space<semaphore_mem>>) src(%dma_wait3A_242 : memref<10000x128xf32, #tpu.memory_space<hbm>>) dst(%dma_wait3A_239 : memref<64x128xf32, #tpu.memory_space<vmem>>)
      %dma_wait3A_243 = arith.constant 64 : i32
      %dma_wait3A_244 = arith.constant 0 : i32
      %dma_wait3A_245 = tpu.memref_slice %arg7[%dma_wait3A_243, %dma_wait3A_244] : memref<128x128xf32, #tpu.memory_space<vmem>> -> memref<64x128xf32, #tpu.memory_space<vmem>>
      %dma_wait3A_246 = arith.constant 0 : i32
      %dma_wait3A_247 = arith.constant 0 : i32
      %dma_wait3A_248 = tpu.memref_slice %arg2[%dma_wait3A_246, %dma_wait3A_247] : memref<10000x128xf32, #tpu.memory_space<hbm>> -> memref<10000x128xf32, #tpu.memory_space<hbm>>
      tpu.wait_indirect_dma semaphore(%arg22 : memref<!tpu.dma_semaphore, #tpu.memory_space<semaphore_mem>>) src(%dma_wait3A_248 : memref<10000x128xf32, #tpu.memory_space<hbm>>) dst(%dma_wait3A_245 : memref<64x128xf32, #tpu.memory_space<vmem>>)
      %dma_start3A_249 = arith.constant 0 : i32
      %dma_start3A_250 = arith.constant 0 : i32
      %dma_start3A_251 = tpu.memref_slice %arg20[%dma_start3A_249, %dma_start3A_250] : memref<10240x128xf32, #tpu.memory_space<vmem_shared>> -> memref<10240x128xf32, #tpu.memory_space<vmem_shared>>
      tpu.enqueue_indirect_dma source(%arg7 : memref<128x128xf32, #tpu.memory_space<vmem>>) target(%dma_start3A_251 : memref<10240x128xf32, #tpu.memory_space<vmem_shared>>) offsets(%arg17 : memref<128xi32, #tpu.memory_space<vmem>>) semaphore(%arg24 : memref<!tpu.dma_semaphore, #tpu.memory_space<semaphore_mem>>) {add = true}
      %mul3A_252 = arith.constant 4 : i32
      %mul3A_253 = arith.muli %add3A_195, %mul3A_252 : i32
      %add3A_254 = arith.constant 2 : i32
      %add3A_255 = arith.addi %mul3A_253, %add3A_254 : i32
      %ge3A_256 = arith.constant 1 : i32
      %ge3A_257 = arith.cmpi sge, %add3A_255, %ge3A_256 : i32
      %convert_element_type3A_258 = arith.extui %ge3A_257 : i1 to i32
      %cond3A_259 = arith.constant 0 : i32
      %cond3A_260 = arith.cmpi ne, %convert_element_type3A_258, %cond3A_259 : i32
      scf.if %cond3A_260 {
        %dma_wait3A_312 = arith.constant 0 : i32
        %dma_wait3A_313 = arith.constant 0 : i32
        %dma_wait3A_314 = tpu.memref_slice %arg20[%dma_wait3A_312, %dma_wait3A_313] : memref<10240x128xf32, #tpu.memory_space<vmem_shared>> -> memref<10240x128xf32, #tpu.memory_space<vmem_shared>>
        tpu.wait_indirect_dma semaphore(%arg24 : memref<!tpu.dma_semaphore, #tpu.memory_space<semaphore_mem>>) src(%arg7 : memref<128x128xf32, #tpu.memory_space<vmem>>) dst(%dma_wait3A_314 : memref<10240x128xf32, #tpu.memory_space<vmem_shared>>)
        %add3A_315 = arith.constant 3 : i32
        %add3A_316 = arith.addi %add3A_255, %add3A_315 : i32
        %lt3A_317 = arith.cmpi slt, %add3A_316, %select_n3A : i32
        %convert_element_type3A_318 = arith.extui %lt3A_317 : i1 to i32
        %cond3A_319 = arith.constant 0 : i32
        %cond3A_320 = arith.cmpi ne, %convert_element_type3A_318, %cond3A_319 : i32
        scf.if %cond3A_320 {
          %add3A_321 = arith.constant 3 : i32
          %add3A_322 = arith.addi %add3A_255, %add3A_321 : i32
          %add3A_323 = arith.addi %select_n3A_8, %add3A_322 : i32
          %dma_start3A_324 = arith.constant 0 : i32
          %dma_start3A_325 = tpu.memref_slice %arg3[%add3A_323, %dma_start3A_324] : memref<2560x128xi32, #tpu.memory_space<hbm>> -> memref<1x64xi32, #tpu.memory_space<hbm>>
          %dma_start3A_326 = tpu.memref_squeeze %dma_start3A_325 : memref<1x64xi32, #tpu.memory_space<hbm>> -> memref<64xi32, #tpu.memory_space<hbm>>
          %dma_start3A_327 = arith.constant 0 : i32
          %dma_start3A_328 = tpu.memref_slice %arg3[%add3A_323, %dma_start3A_327] : memref<2560x128xi32, #tpu.memory_space<hbm>> -> memref<1x64xi32, #tpu.memory_space<hbm>>
          %dma_start3A_329 = tpu.memref_squeeze %dma_start3A_328 : memref<1x64xi32, #tpu.memory_space<hbm>> -> memref<64xi32, #tpu.memory_space<hbm>>
          tpu.enqueue_dma source(%dma_start3A_329 : memref<64xi32, #tpu.memory_space<hbm>>) target(%arg10 : memref<64xi32, #tpu.memory_space<vmem>>) target_semaphore(%arg26 : memref<!tpu.dma_semaphore, #tpu.memory_space<semaphore_mem>>)
          %add3A_330 = arith.addi %select_n3A_8, %add3A_322 : i32
          %dma_start3A_331 = arith.constant 64 : i32
          %dma_start3A_332 = tpu.memref_slice %arg3[%add3A_330, %dma_start3A_331] : memref<2560x128xi32, #tpu.memory_space<hbm>> -> memref<1x64xi32, #tpu.memory_space<hbm>>
          %dma_start3A_333 = tpu.memref_squeeze %dma_start3A_332 : memref<1x64xi32, #tpu.memory_space<hbm>> -> memref<64xi32, #tpu.memory_space<hbm>>
          %dma_start3A_334 = arith.constant 64 : i32
          %dma_start3A_335 = tpu.memref_slice %arg3[%add3A_330, %dma_start3A_334] : memref<2560x128xi32, #tpu.memory_space<hbm>> -> memref<1x64xi32, #tpu.memory_space<hbm>>
          %dma_start3A_336 = tpu.memref_squeeze %dma_start3A_335 : memref<1x64xi32, #tpu.memory_space<hbm>> -> memref<64xi32, #tpu.memory_space<hbm>>
          tpu.enqueue_dma source(%dma_start3A_336 : memref<64xi32, #tpu.memory_space<hbm>>) target(%arg11 : memref<64xi32, #tpu.memory_space<vmem>>) target_semaphore(%arg26 : memref<!tpu.dma_semaphore, #tpu.memory_space<semaphore_mem>>)
          %add3A_337 = arith.addi %select_n3A_8, %add3A_322 : i32
          %dma_start3A_338 = arith.constant 0 : i32
          %dma_start3A_339 = tpu.memref_slice %arg4[%add3A_337, %dma_start3A_338] : memref<2560x128xi32, #tpu.memory_space<hbm>> -> memref<1x128xi32, #tpu.memory_space<hbm>>
          %dma_start3A_340 = tpu.memref_squeeze %dma_start3A_339 : memref<1x128xi32, #tpu.memory_space<hbm>> -> memref<128xi32, #tpu.memory_space<hbm>>
          %dma_start3A_341 = arith.constant 0 : i32
          %dma_start3A_342 = tpu.memref_slice %arg4[%add3A_337, %dma_start3A_341] : memref<2560x128xi32, #tpu.memory_space<hbm>> -> memref<1x128xi32, #tpu.memory_space<hbm>>
          %dma_start3A_343 = tpu.memref_squeeze %dma_start3A_342 : memref<1x128xi32, #tpu.memory_space<hbm>> -> memref<128xi32, #tpu.memory_space<hbm>>
          tpu.enqueue_dma source(%dma_start3A_343 : memref<128xi32, #tpu.memory_space<hbm>>) target(%arg17 : memref<128xi32, #tpu.memory_space<vmem>>) target_semaphore(%arg26 : memref<!tpu.dma_semaphore, #tpu.memory_space<semaphore_mem>>)
        } else {
        }
      } else {
      }
      %add3A_261 = arith.constant 1 : i32
      %add3A_262 = arith.addi %add3A_255, %add3A_261 : i32
      %lt3A_263 = arith.cmpi slt, %add3A_262, %select_n3A : i32
      %convert_element_type3A_264 = arith.extui %lt3A_263 : i1 to i32
      %cond3A_265 = arith.constant 0 : i32
      %cond3A_266 = arith.cmpi ne, %convert_element_type3A_264, %cond3A_265 : i32
      scf.if %cond3A_266 {
        %add3A_312 = arith.constant 1 : i32
        %add3A_313 = arith.addi %add3A_255, %add3A_312 : i32
        %add3A_314 = arith.addi %select_n3A_8, %add3A_313 : i32
        %dma_wait3A_315 = arith.constant 0 : i32
        %dma_wait3A_316 = tpu.memref_slice %arg3[%add3A_314, %dma_wait3A_315] : memref<2560x128xi32, #tpu.memory_space<hbm>> -> memref<1x64xi32, #tpu.memory_space<hbm>>
        %dma_wait3A_317 = tpu.memref_squeeze %dma_wait3A_316 : memref<1x64xi32, #tpu.memory_space<hbm>> -> memref<64xi32, #tpu.memory_space<hbm>>
        %dma_wait3A_318 = arith.constant 0 : i32
        %dma_wait3A_319 = tpu.memref_slice %arg3[%add3A_314, %dma_wait3A_318] : memref<2560x128xi32, #tpu.memory_space<hbm>> -> memref<1x64xi32, #tpu.memory_space<hbm>>
        %dma_wait3A_320 = tpu.memref_squeeze %dma_wait3A_319 : memref<1x64xi32, #tpu.memory_space<hbm>> -> memref<64xi32, #tpu.memory_space<hbm>>
        tpu.wait_dma2 semaphore(%arg28 : memref<!tpu.dma_semaphore, #tpu.memory_space<semaphore_mem>>) src(%dma_wait3A_320 : memref<64xi32, #tpu.memory_space<hbm>>) dst(%arg14 : memref<64xi32, #tpu.memory_space<vmem>>)
        %add3A_321 = arith.addi %select_n3A_8, %add3A_313 : i32
        %dma_wait3A_322 = arith.constant 64 : i32
        %dma_wait3A_323 = tpu.memref_slice %arg3[%add3A_321, %dma_wait3A_322] : memref<2560x128xi32, #tpu.memory_space<hbm>> -> memref<1x64xi32, #tpu.memory_space<hbm>>
        %dma_wait3A_324 = tpu.memref_squeeze %dma_wait3A_323 : memref<1x64xi32, #tpu.memory_space<hbm>> -> memref<64xi32, #tpu.memory_space<hbm>>
        %dma_wait3A_325 = arith.constant 64 : i32
        %dma_wait3A_326 = tpu.memref_slice %arg3[%add3A_321, %dma_wait3A_325] : memref<2560x128xi32, #tpu.memory_space<hbm>> -> memref<1x64xi32, #tpu.memory_space<hbm>>
        %dma_wait3A_327 = tpu.memref_squeeze %dma_wait3A_326 : memref<1x64xi32, #tpu.memory_space<hbm>> -> memref<64xi32, #tpu.memory_space<hbm>>
        tpu.wait_dma2 semaphore(%arg28 : memref<!tpu.dma_semaphore, #tpu.memory_space<semaphore_mem>>) src(%dma_wait3A_327 : memref<64xi32, #tpu.memory_space<hbm>>) dst(%arg15 : memref<64xi32, #tpu.memory_space<vmem>>)
        %add3A_328 = arith.addi %select_n3A_8, %add3A_313 : i32
        %dma_wait3A_329 = arith.constant 0 : i32
        %dma_wait3A_330 = tpu.memref_slice %arg4[%add3A_328, %dma_wait3A_329] : memref<2560x128xi32, #tpu.memory_space<hbm>> -> memref<1x128xi32, #tpu.memory_space<hbm>>
        %dma_wait3A_331 = tpu.memref_squeeze %dma_wait3A_330 : memref<1x128xi32, #tpu.memory_space<hbm>> -> memref<128xi32, #tpu.memory_space<hbm>>
        %dma_wait3A_332 = arith.constant 0 : i32
        %dma_wait3A_333 = tpu.memref_slice %arg4[%add3A_328, %dma_wait3A_332] : memref<2560x128xi32, #tpu.memory_space<hbm>> -> memref<1x128xi32, #tpu.memory_space<hbm>>
        %dma_wait3A_334 = tpu.memref_squeeze %dma_wait3A_333 : memref<1x128xi32, #tpu.memory_space<hbm>> -> memref<128xi32, #tpu.memory_space<hbm>>
        tpu.wait_dma2 semaphore(%arg28 : memref<!tpu.dma_semaphore, #tpu.memory_space<semaphore_mem>>) src(%dma_wait3A_334 : memref<128xi32, #tpu.memory_space<hbm>>) dst(%arg19 : memref<128xi32, #tpu.memory_space<vmem>>)
        %dma_start3A_335 = arith.constant 0 : i32
        %dma_start3A_336 = arith.constant 0 : i32
        %dma_start3A_337 = tpu.memref_slice %arg7[%dma_start3A_335, %dma_start3A_336] : memref<128x128xf32, #tpu.memory_space<vmem>> -> memref<64x128xf32, #tpu.memory_space<vmem>>
        %dma_start3A_338 = arith.constant 0 : i32
        %dma_start3A_339 = arith.constant 0 : i32
        %dma_start3A_340 = tpu.memref_slice %arg2[%dma_start3A_338, %dma_start3A_339] : memref<10000x128xf32, #tpu.memory_space<hbm>> -> memref<10000x128xf32, #tpu.memory_space<hbm>>
        tpu.enqueue_indirect_dma source(%dma_start3A_340 : memref<10000x128xf32, #tpu.memory_space<hbm>>) target(%dma_start3A_337 : memref<64x128xf32, #tpu.memory_space<vmem>>) offsets(%arg14 : memref<64xi32, #tpu.memory_space<vmem>>) semaphore(%arg22 : memref<!tpu.dma_semaphore, #tpu.memory_space<semaphore_mem>>)
        %dma_start3A_341 = arith.constant 64 : i32
        %dma_start3A_342 = arith.constant 0 : i32
        %dma_start3A_343 = tpu.memref_slice %arg7[%dma_start3A_341, %dma_start3A_342] : memref<128x128xf32, #tpu.memory_space<vmem>> -> memref<64x128xf32, #tpu.memory_space<vmem>>
        %dma_start3A_344 = arith.constant 0 : i32
        %dma_start3A_345 = arith.constant 0 : i32
        %dma_start3A_346 = tpu.memref_slice %arg2[%dma_start3A_344, %dma_start3A_345] : memref<10000x128xf32, #tpu.memory_space<hbm>> -> memref<10000x128xf32, #tpu.memory_space<hbm>>
        tpu.enqueue_indirect_dma source(%dma_start3A_346 : memref<10000x128xf32, #tpu.memory_space<hbm>>) target(%dma_start3A_343 : memref<64x128xf32, #tpu.memory_space<vmem>>) offsets(%arg15 : memref<64xi32, #tpu.memory_space<vmem>>) semaphore(%arg22 : memref<!tpu.dma_semaphore, #tpu.memory_space<semaphore_mem>>)
      } else {
      }
      %dma_wait3A_267 = arith.constant 0 : i32
      %dma_wait3A_268 = arith.constant 0 : i32
      %dma_wait3A_269 = tpu.memref_slice %arg6[%dma_wait3A_267, %dma_wait3A_268] : memref<128x128xf32, #tpu.memory_space<vmem>> -> memref<64x128xf32, #tpu.memory_space<vmem>>
      %dma_wait3A_270 = arith.constant 0 : i32
      %dma_wait3A_271 = arith.constant 0 : i32
      %dma_wait3A_272 = tpu.memref_slice %arg2[%dma_wait3A_270, %dma_wait3A_271] : memref<10000x128xf32, #tpu.memory_space<hbm>> -> memref<10000x128xf32, #tpu.memory_space<hbm>>
      tpu.wait_indirect_dma semaphore(%arg21 : memref<!tpu.dma_semaphore, #tpu.memory_space<semaphore_mem>>) src(%dma_wait3A_272 : memref<10000x128xf32, #tpu.memory_space<hbm>>) dst(%dma_wait3A_269 : memref<64x128xf32, #tpu.memory_space<vmem>>)
      %dma_wait3A_273 = arith.constant 64 : i32
      %dma_wait3A_274 = arith.constant 0 : i32
      %dma_wait3A_275 = tpu.memref_slice %arg6[%dma_wait3A_273, %dma_wait3A_274] : memref<128x128xf32, #tpu.memory_space<vmem>> -> memref<64x128xf32, #tpu.memory_space<vmem>>
      %dma_wait3A_276 = arith.constant 0 : i32
      %dma_wait3A_277 = arith.constant 0 : i32
      %dma_wait3A_278 = tpu.memref_slice %arg2[%dma_wait3A_276, %dma_wait3A_277] : memref<10000x128xf32, #tpu.memory_space<hbm>> -> memref<10000x128xf32, #tpu.memory_space<hbm>>
      tpu.wait_indirect_dma semaphore(%arg21 : memref<!tpu.dma_semaphore, #tpu.memory_space<semaphore_mem>>) src(%dma_wait3A_278 : memref<10000x128xf32, #tpu.memory_space<hbm>>) dst(%dma_wait3A_275 : memref<64x128xf32, #tpu.memory_space<vmem>>)
      %dma_start3A_279 = arith.constant 0 : i32
      %dma_start3A_280 = arith.constant 0 : i32
      %dma_start3A_281 = tpu.memref_slice %arg20[%dma_start3A_279, %dma_start3A_280] : memref<10240x128xf32, #tpu.memory_space<vmem_shared>> -> memref<10240x128xf32, #tpu.memory_space<vmem_shared>>
      tpu.enqueue_indirect_dma source(%arg6 : memref<128x128xf32, #tpu.memory_space<vmem>>) target(%dma_start3A_281 : memref<10240x128xf32, #tpu.memory_space<vmem_shared>>) offsets(%arg18 : memref<128xi32, #tpu.memory_space<vmem>>) semaphore(%arg23 : memref<!tpu.dma_semaphore, #tpu.memory_space<semaphore_mem>>) {add = true}
      %mul3A_282 = arith.constant 4 : i32
      %mul3A_283 = arith.muli %add3A_195, %mul3A_282 : i32
      %add3A_284 = arith.constant 3 : i32
      %add3A_285 = arith.addi %mul3A_283, %add3A_284 : i32
      %ge3A_286 = arith.constant 1 : i32
      %ge3A_287 = arith.cmpi sge, %add3A_285, %ge3A_286 : i32
      %convert_element_type3A_288 = arith.extui %ge3A_287 : i1 to i32
      %cond3A_289 = arith.constant 0 : i32
      %cond3A_290 = arith.cmpi ne, %convert_element_type3A_288, %cond3A_289 : i32
      scf.if %cond3A_290 {
        %dma_wait3A_312 = arith.constant 0 : i32
        %dma_wait3A_313 = arith.constant 0 : i32
        %dma_wait3A_314 = tpu.memref_slice %arg20[%dma_wait3A_312, %dma_wait3A_313] : memref<10240x128xf32, #tpu.memory_space<vmem_shared>> -> memref<10240x128xf32, #tpu.memory_space<vmem_shared>>
        tpu.wait_indirect_dma semaphore(%arg23 : memref<!tpu.dma_semaphore, #tpu.memory_space<semaphore_mem>>) src(%arg6 : memref<128x128xf32, #tpu.memory_space<vmem>>) dst(%dma_wait3A_314 : memref<10240x128xf32, #tpu.memory_space<vmem_shared>>)
        %add3A_315 = arith.constant 3 : i32
        %add3A_316 = arith.addi %add3A_285, %add3A_315 : i32
        %lt3A_317 = arith.cmpi slt, %add3A_316, %select_n3A : i32
        %convert_element_type3A_318 = arith.extui %lt3A_317 : i1 to i32
        %cond3A_319 = arith.constant 0 : i32
        %cond3A_320 = arith.cmpi ne, %convert_element_type3A_318, %cond3A_319 : i32
        scf.if %cond3A_320 {
          %add3A_321 = arith.constant 3 : i32
          %add3A_322 = arith.addi %add3A_285, %add3A_321 : i32
          %add3A_323 = arith.addi %select_n3A_8, %add3A_322 : i32
          %dma_start3A_324 = arith.constant 0 : i32
          %dma_start3A_325 = tpu.memref_slice %arg3[%add3A_323, %dma_start3A_324] : memref<2560x128xi32, #tpu.memory_space<hbm>> -> memref<1x64xi32, #tpu.memory_space<hbm>>
          %dma_start3A_326 = tpu.memref_squeeze %dma_start3A_325 : memref<1x64xi32, #tpu.memory_space<hbm>> -> memref<64xi32, #tpu.memory_space<hbm>>
          %dma_start3A_327 = arith.constant 0 : i32
          %dma_start3A_328 = tpu.memref_slice %arg3[%add3A_323, %dma_start3A_327] : memref<2560x128xi32, #tpu.memory_space<hbm>> -> memref<1x64xi32, #tpu.memory_space<hbm>>
          %dma_start3A_329 = tpu.memref_squeeze %dma_start3A_328 : memref<1x64xi32, #tpu.memory_space<hbm>> -> memref<64xi32, #tpu.memory_space<hbm>>
          tpu.enqueue_dma source(%dma_start3A_329 : memref<64xi32, #tpu.memory_space<hbm>>) target(%arg12 : memref<64xi32, #tpu.memory_space<vmem>>) target_semaphore(%arg27 : memref<!tpu.dma_semaphore, #tpu.memory_space<semaphore_mem>>)
          %add3A_330 = arith.addi %select_n3A_8, %add3A_322 : i32
          %dma_start3A_331 = arith.constant 64 : i32
          %dma_start3A_332 = tpu.memref_slice %arg3[%add3A_330, %dma_start3A_331] : memref<2560x128xi32, #tpu.memory_space<hbm>> -> memref<1x64xi32, #tpu.memory_space<hbm>>
          %dma_start3A_333 = tpu.memref_squeeze %dma_start3A_332 : memref<1x64xi32, #tpu.memory_space<hbm>> -> memref<64xi32, #tpu.memory_space<hbm>>
          %dma_start3A_334 = arith.constant 64 : i32
          %dma_start3A_335 = tpu.memref_slice %arg3[%add3A_330, %dma_start3A_334] : memref<2560x128xi32, #tpu.memory_space<hbm>> -> memref<1x64xi32, #tpu.memory_space<hbm>>
          %dma_start3A_336 = tpu.memref_squeeze %dma_start3A_335 : memref<1x64xi32, #tpu.memory_space<hbm>> -> memref<64xi32, #tpu.memory_space<hbm>>
          tpu.enqueue_dma source(%dma_start3A_336 : memref<64xi32, #tpu.memory_space<hbm>>) target(%arg13 : memref<64xi32, #tpu.memory_space<vmem>>) target_semaphore(%arg27 : memref<!tpu.dma_semaphore, #tpu.memory_space<semaphore_mem>>)
          %add3A_337 = arith.addi %select_n3A_8, %add3A_322 : i32
          %dma_start3A_338 = arith.constant 0 : i32
          %dma_start3A_339 = tpu.memref_slice %arg4[%add3A_337, %dma_start3A_338] : memref<2560x128xi32, #tpu.memory_space<hbm>> -> memref<1x128xi32, #tpu.memory_space<hbm>>
          %dma_start3A_340 = tpu.memref_squeeze %dma_start3A_339 : memref<1x128xi32, #tpu.memory_space<hbm>> -> memref<128xi32, #tpu.memory_space<hbm>>
          %dma_start3A_341 = arith.constant 0 : i32
          %dma_start3A_342 = tpu.memref_slice %arg4[%add3A_337, %dma_start3A_341] : memref<2560x128xi32, #tpu.memory_space<hbm>> -> memref<1x128xi32, #tpu.memory_space<hbm>>
          %dma_start3A_343 = tpu.memref_squeeze %dma_start3A_342 : memref<1x128xi32, #tpu.memory_space<hbm>> -> memref<128xi32, #tpu.memory_space<hbm>>
          tpu.enqueue_dma source(%dma_start3A_343 : memref<128xi32, #tpu.memory_space<hbm>>) target(%arg18 : memref<128xi32, #tpu.memory_space<vmem>>) target_semaphore(%arg27 : memref<!tpu.dma_semaphore, #tpu.memory_space<semaphore_mem>>)
        } else {
        }
      } else {
      }
      %add3A_291 = arith.constant 1 : i32
      %add3A_292 = arith.addi %add3A_285, %add3A_291 : i32
      %lt3A_293 = arith.cmpi slt, %add3A_292, %select_n3A : i32
      %convert_element_type3A_294 = arith.extui %lt3A_293 : i1 to i32
      %cond3A_295 = arith.constant 0 : i32
      %cond3A_296 = arith.cmpi ne, %convert_element_type3A_294, %cond3A_295 : i32
      scf.if %cond3A_296 {
        %add3A_312 = arith.constant 1 : i32
        %add3A_313 = arith.addi %add3A_285, %add3A_312 : i32
        %add3A_314 = arith.addi %select_n3A_8, %add3A_313 : i32
        %dma_wait3A_315 = arith.constant 0 : i32
        %dma_wait3A_316 = tpu.memref_slice %arg3[%add3A_314, %dma_wait3A_315] : memref<2560x128xi32, #tpu.memory_space<hbm>> -> memref<1x64xi32, #tpu.memory_space<hbm>>
        %dma_wait3A_317 = tpu.memref_squeeze %dma_wait3A_316 : memref<1x64xi32, #tpu.memory_space<hbm>> -> memref<64xi32, #tpu.memory_space<hbm>>
        %dma_wait3A_318 = arith.constant 0 : i32
        %dma_wait3A_319 = tpu.memref_slice %arg3[%add3A_314, %dma_wait3A_318] : memref<2560x128xi32, #tpu.memory_space<hbm>> -> memref<1x64xi32, #tpu.memory_space<hbm>>
        %dma_wait3A_320 = tpu.memref_squeeze %dma_wait3A_319 : memref<1x64xi32, #tpu.memory_space<hbm>> -> memref<64xi32, #tpu.memory_space<hbm>>
        tpu.wait_dma2 semaphore(%arg25 : memref<!tpu.dma_semaphore, #tpu.memory_space<semaphore_mem>>) src(%dma_wait3A_320 : memref<64xi32, #tpu.memory_space<hbm>>) dst(%arg8 : memref<64xi32, #tpu.memory_space<vmem>>)
        %add3A_321 = arith.addi %select_n3A_8, %add3A_313 : i32
        %dma_wait3A_322 = arith.constant 64 : i32
        %dma_wait3A_323 = tpu.memref_slice %arg3[%add3A_321, %dma_wait3A_322] : memref<2560x128xi32, #tpu.memory_space<hbm>> -> memref<1x64xi32, #tpu.memory_space<hbm>>
        %dma_wait3A_324 = tpu.memref_squeeze %dma_wait3A_323 : memref<1x64xi32, #tpu.memory_space<hbm>> -> memref<64xi32, #tpu.memory_space<hbm>>
        %dma_wait3A_325 = arith.constant 64 : i32
        %dma_wait3A_326 = tpu.memref_slice %arg3[%add3A_321, %dma_wait3A_325] : memref<2560x128xi32, #tpu.memory_space<hbm>> -> memref<1x64xi32, #tpu.memory_space<hbm>>
        %dma_wait3A_327 = tpu.memref_squeeze %dma_wait3A_326 : memref<1x64xi32, #tpu.memory_space<hbm>> -> memref<64xi32, #tpu.memory_space<hbm>>
        tpu.wait_dma2 semaphore(%arg25 : memref<!tpu.dma_semaphore, #tpu.memory_space<semaphore_mem>>) src(%dma_wait3A_327 : memref<64xi32, #tpu.memory_space<hbm>>) dst(%arg9 : memref<64xi32, #tpu.memory_space<vmem>>)
        %add3A_328 = arith.addi %select_n3A_8, %add3A_313 : i32
        %dma_wait3A_329 = arith.constant 0 : i32
        %dma_wait3A_330 = tpu.memref_slice %arg4[%add3A_328, %dma_wait3A_329] : memref<2560x128xi32, #tpu.memory_space<hbm>> -> memref<1x128xi32, #tpu.memory_space<hbm>>
        %dma_wait3A_331 = tpu.memref_squeeze %dma_wait3A_330 : memref<1x128xi32, #tpu.memory_space<hbm>> -> memref<128xi32, #tpu.memory_space<hbm>>
        %dma_wait3A_332 = arith.constant 0 : i32
        %dma_wait3A_333 = tpu.memref_slice %arg4[%add3A_328, %dma_wait3A_332] : memref<2560x128xi32, #tpu.memory_space<hbm>> -> memref<1x128xi32, #tpu.memory_space<hbm>>
        %dma_wait3A_334 = tpu.memref_squeeze %dma_wait3A_333 : memref<1x128xi32, #tpu.memory_space<hbm>> -> memref<128xi32, #tpu.memory_space<hbm>>
        tpu.wait_dma2 semaphore(%arg25 : memref<!tpu.dma_semaphore, #tpu.memory_space<semaphore_mem>>) src(%dma_wait3A_334 : memref<128xi32, #tpu.memory_space<hbm>>) dst(%arg16 : memref<128xi32, #tpu.memory_space<vmem>>)
        %dma_start3A_335 = arith.constant 0 : i32
        %dma_start3A_336 = arith.constant 0 : i32
        %dma_start3A_337 = tpu.memref_slice %arg6[%dma_start3A_335, %dma_start3A_336] : memref<128x128xf32, #tpu.memory_space<vmem>> -> memref<64x128xf32, #tpu.memory_space<vmem>>
        %dma_start3A_338 = arith.constant 0 : i32
        %dma_start3A_339 = arith.constant 0 : i32
        %dma_start3A_340 = tpu.memref_slice %arg2[%dma_start3A_338, %dma_start3A_339] : memref<10000x128xf32, #tpu.memory_space<hbm>> -> memref<10000x128xf32, #tpu.memory_space<hbm>>
        tpu.enqueue_indirect_dma source(%dma_start3A_340 : memref<10000x128xf32, #tpu.memory_space<hbm>>) target(%dma_start3A_337 : memref<64x128xf32, #tpu.memory_space<vmem>>) offsets(%arg8 : memref<64xi32, #tpu.memory_space<vmem>>) semaphore(%arg21 : memref<!tpu.dma_semaphore, #tpu.memory_space<semaphore_mem>>)
        %dma_start3A_341 = arith.constant 64 : i32
        %dma_start3A_342 = arith.constant 0 : i32
        %dma_start3A_343 = tpu.memref_slice %arg6[%dma_start3A_341, %dma_start3A_342] : memref<128x128xf32, #tpu.memory_space<vmem>> -> memref<64x128xf32, #tpu.memory_space<vmem>>
        %dma_start3A_344 = arith.constant 0 : i32
        %dma_start3A_345 = arith.constant 0 : i32
        %dma_start3A_346 = tpu.memref_slice %arg2[%dma_start3A_344, %dma_start3A_345] : memref<10000x128xf32, #tpu.memory_space<hbm>> -> memref<10000x128xf32, #tpu.memory_space<hbm>>
        tpu.enqueue_indirect_dma source(%dma_start3A_346 : memref<10000x128xf32, #tpu.memory_space<hbm>>) target(%dma_start3A_343 : memref<64x128xf32, #tpu.memory_space<vmem>>) offsets(%arg9 : memref<64xi32, #tpu.memory_space<vmem>>) semaphore(%arg21 : memref<!tpu.dma_semaphore, #tpu.memory_space<semaphore_mem>>)
      } else {
      }
      %dma_wait3A_297 = arith.constant 0 : i32
      %dma_wait3A_298 = arith.constant 0 : i32
      %dma_wait3A_299 = tpu.memref_slice %arg7[%dma_wait3A_297, %dma_wait3A_298] : memref<128x128xf32, #tpu.memory_space<vmem>> -> memref<64x128xf32, #tpu.memory_space<vmem>>
      %dma_wait3A_300 = arith.constant 0 : i32
      %dma_wait3A_301 = arith.constant 0 : i32
      %dma_wait3A_302 = tpu.memref_slice %arg2[%dma_wait3A_300, %dma_wait3A_301] : memref<10000x128xf32, #tpu.memory_space<hbm>> -> memref<10000x128xf32, #tpu.memory_space<hbm>>
      tpu.wait_indirect_dma semaphore(%arg22 : memref<!tpu.dma_semaphore, #tpu.memory_space<semaphore_mem>>) src(%dma_wait3A_302 : memref<10000x128xf32, #tpu.memory_space<hbm>>) dst(%dma_wait3A_299 : memref<64x128xf32, #tpu.memory_space<vmem>>)
      %dma_wait3A_303 = arith.constant 64 : i32
      %dma_wait3A_304 = arith.constant 0 : i32
      %dma_wait3A_305 = tpu.memref_slice %arg7[%dma_wait3A_303, %dma_wait3A_304] : memref<128x128xf32, #tpu.memory_space<vmem>> -> memref<64x128xf32, #tpu.memory_space<vmem>>
      %dma_wait3A_306 = arith.constant 0 : i32
      %dma_wait3A_307 = arith.constant 0 : i32
      %dma_wait3A_308 = tpu.memref_slice %arg2[%dma_wait3A_306, %dma_wait3A_307] : memref<10000x128xf32, #tpu.memory_space<hbm>> -> memref<10000x128xf32, #tpu.memory_space<hbm>>
      tpu.wait_indirect_dma semaphore(%arg22 : memref<!tpu.dma_semaphore, #tpu.memory_space<semaphore_mem>>) src(%dma_wait3A_308 : memref<10000x128xf32, #tpu.memory_space<hbm>>) dst(%dma_wait3A_305 : memref<64x128xf32, #tpu.memory_space<vmem>>)
      %dma_start3A_309 = arith.constant 0 : i32
      %dma_start3A_310 = arith.constant 0 : i32
      %dma_start3A_311 = tpu.memref_slice %arg20[%dma_start3A_309, %dma_start3A_310] : memref<10240x128xf32, #tpu.memory_space<vmem_shared>> -> memref<10240x128xf32, #tpu.memory_space<vmem_shared>>
      tpu.enqueue_indirect_dma source(%arg7 : memref<128x128xf32, #tpu.memory_space<vmem>>) target(%dma_start3A_311 : memref<10240x128xf32, #tpu.memory_space<vmem_shared>>) offsets(%arg19 : memref<128xi32, #tpu.memory_space<vmem>>) semaphore(%arg24 : memref<!tpu.dma_semaphore, #tpu.memory_space<semaphore_mem>>) {add = true}
    }
    %while3A_183 = arith.constant 1 : i32
    scf.for %while3A_193 = %while3A_181 to %while3A_177 step %while3A_183  : i32 {
      %mul3A_194 = arith.muli %while3A_193, %while3A : i32
      %add3A_195 = arith.addi %while3A_174, %mul3A_194 : i32
      %mul3A_196 = arith.constant 4 : i32
      %mul3A_197 = arith.muli %add3A_195, %mul3A_196 : i32
      %add3A_198 = arith.constant 0 : i32
      %add3A_199 = arith.addi %mul3A_197, %add3A_198 : i32
      %ge3A = arith.constant 1 : i32
      %ge3A_200 = arith.cmpi sge, %add3A_199, %ge3A : i32
      %convert_element_type3A = arith.extui %ge3A_200 : i1 to i32
      %cond3A = arith.constant 0 : i32
      %cond3A_201 = arith.cmpi ne, %convert_element_type3A, %cond3A : i32
      scf.if %cond3A_201 {
        %dma_wait3A_312 = arith.constant 0 : i32
        %dma_wait3A_313 = arith.constant 0 : i32
        %dma_wait3A_314 = tpu.memref_slice %arg20[%dma_wait3A_312, %dma_wait3A_313] : memref<10240x128xf32, #tpu.memory_space<vmem_shared>> -> memref<10240x128xf32, #tpu.memory_space<vmem_shared>>
        tpu.wait_indirect_dma semaphore(%arg24 : memref<!tpu.dma_semaphore, #tpu.memory_space<semaphore_mem>>) src(%arg7 : memref<128x128xf32, #tpu.memory_space<vmem>>) dst(%dma_wait3A_314 : memref<10240x128xf32, #tpu.memory_space<vmem_shared>>)
        %add3A_315 = arith.constant 3 : i32
        %add3A_316 = arith.addi %add3A_199, %add3A_315 : i32
        %lt3A_317 = arith.cmpi slt, %add3A_316, %select_n3A : i32
        %convert_element_type3A_318 = arith.extui %lt3A_317 : i1 to i32
        %cond3A_319 = arith.constant 0 : i32
        %cond3A_320 = arith.cmpi ne, %convert_element_type3A_318, %cond3A_319 : i32
        scf.if %cond3A_320 {
          %add3A_321 = arith.constant 3 : i32
          %add3A_322 = arith.addi %add3A_199, %add3A_321 : i32
          %add3A_323 = arith.addi %select_n3A_8, %add3A_322 : i32
          %dma_start3A_324 = arith.constant 0 : i32
          %dma_start3A_325 = tpu.memref_slice %arg3[%add3A_323, %dma_start3A_324] : memref<2560x128xi32, #tpu.memory_space<hbm>> -> memref<1x64xi32, #tpu.memory_space<hbm>>
          %dma_start3A_326 = tpu.memref_squeeze %dma_start3A_325 : memref<1x64xi32, #tpu.memory_space<hbm>> -> memref<64xi32, #tpu.memory_space<hbm>>
          %dma_start3A_327 = arith.constant 0 : i32
          %dma_start3A_328 = tpu.memref_slice %arg3[%add3A_323, %dma_start3A_327] : memref<2560x128xi32, #tpu.memory_space<hbm>> -> memref<1x64xi32, #tpu.memory_space<hbm>>
          %dma_start3A_329 = tpu.memref_squeeze %dma_start3A_328 : memref<1x64xi32, #tpu.memory_space<hbm>> -> memref<64xi32, #tpu.memory_space<hbm>>
          tpu.enqueue_dma source(%dma_start3A_329 : memref<64xi32, #tpu.memory_space<hbm>>) target(%arg14 : memref<64xi32, #tpu.memory_space<vmem>>) target_semaphore(%arg28 : memref<!tpu.dma_semaphore, #tpu.memory_space<semaphore_mem>>)
          %add3A_330 = arith.addi %select_n3A_8, %add3A_322 : i32
          %dma_start3A_331 = arith.constant 64 : i32
          %dma_start3A_332 = tpu.memref_slice %arg3[%add3A_330, %dma_start3A_331] : memref<2560x128xi32, #tpu.memory_space<hbm>> -> memref<1x64xi32, #tpu.memory_space<hbm>>
          %dma_start3A_333 = tpu.memref_squeeze %dma_start3A_332 : memref<1x64xi32, #tpu.memory_space<hbm>> -> memref<64xi32, #tpu.memory_space<hbm>>
          %dma_start3A_334 = arith.constant 64 : i32
          %dma_start3A_335 = tpu.memref_slice %arg3[%add3A_330, %dma_start3A_334] : memref<2560x128xi32, #tpu.memory_space<hbm>> -> memref<1x64xi32, #tpu.memory_space<hbm>>
          %dma_start3A_336 = tpu.memref_squeeze %dma_start3A_335 : memref<1x64xi32, #tpu.memory_space<hbm>> -> memref<64xi32, #tpu.memory_space<hbm>>
          tpu.enqueue_dma source(%dma_start3A_336 : memref<64xi32, #tpu.memory_space<hbm>>) target(%arg15 : memref<64xi32, #tpu.memory_space<vmem>>) target_semaphore(%arg28 : memref<!tpu.dma_semaphore, #tpu.memory_space<semaphore_mem>>)
          %add3A_337 = arith.addi %select_n3A_8, %add3A_322 : i32
          %dma_start3A_338 = arith.constant 0 : i32
          %dma_start3A_339 = tpu.memref_slice %arg4[%add3A_337, %dma_start3A_338] : memref<2560x128xi32, #tpu.memory_space<hbm>> -> memref<1x128xi32, #tpu.memory_space<hbm>>
          %dma_start3A_340 = tpu.memref_squeeze %dma_start3A_339 : memref<1x128xi32, #tpu.memory_space<hbm>> -> memref<128xi32, #tpu.memory_space<hbm>>
          %dma_start3A_341 = arith.constant 0 : i32
          %dma_start3A_342 = tpu.memref_slice %arg4[%add3A_337, %dma_start3A_341] : memref<2560x128xi32, #tpu.memory_space<hbm>> -> memref<1x128xi32, #tpu.memory_space<hbm>>
          %dma_start3A_343 = tpu.memref_squeeze %dma_start3A_342 : memref<1x128xi32, #tpu.memory_space<hbm>> -> memref<128xi32, #tpu.memory_space<hbm>>
          tpu.enqueue_dma source(%dma_start3A_343 : memref<128xi32, #tpu.memory_space<hbm>>) target(%arg19 : memref<128xi32, #tpu.memory_space<vmem>>) target_semaphore(%arg28 : memref<!tpu.dma_semaphore, #tpu.memory_space<semaphore_mem>>)
        } else {
        }
      } else {
      }
      %add3A_202 = arith.constant 1 : i32
      %add3A_203 = arith.addi %add3A_199, %add3A_202 : i32
      %lt3A = arith.cmpi slt, %add3A_203, %select_n3A : i32
      %convert_element_type3A_204 = arith.extui %lt3A : i1 to i32
      %cond3A_205 = arith.constant 0 : i32
      %cond3A_206 = arith.cmpi ne, %convert_element_type3A_204, %cond3A_205 : i32
      scf.if %cond3A_206 {
        %add3A_312 = arith.constant 1 : i32
        %add3A_313 = arith.addi %add3A_199, %add3A_312 : i32
        %add3A_314 = arith.addi %select_n3A_8, %add3A_313 : i32
        %dma_wait3A_315 = arith.constant 0 : i32
        %dma_wait3A_316 = tpu.memref_slice %arg3[%add3A_314, %dma_wait3A_315] : memref<2560x128xi32, #tpu.memory_space<hbm>> -> memref<1x64xi32, #tpu.memory_space<hbm>>
        %dma_wait3A_317 = tpu.memref_squeeze %dma_wait3A_316 : memref<1x64xi32, #tpu.memory_space<hbm>> -> memref<64xi32, #tpu.memory_space<hbm>>
        %dma_wait3A_318 = arith.constant 0 : i32
        %dma_wait3A_319 = tpu.memref_slice %arg3[%add3A_314, %dma_wait3A_318] : memref<2560x128xi32, #tpu.memory_space<hbm>> -> memref<1x64xi32, #tpu.memory_space<hbm>>
        %dma_wait3A_320 = tpu.memref_squeeze %dma_wait3A_319 : memref<1x64xi32, #tpu.memory_space<hbm>> -> memref<64xi32, #tpu.memory_space<hbm>>
        tpu.wait_dma2 semaphore(%arg26 : memref<!tpu.dma_semaphore, #tpu.memory_space<semaphore_mem>>) src(%dma_wait3A_320 : memref<64xi32, #tpu.memory_space<hbm>>) dst(%arg10 : memref<64xi32, #tpu.memory_space<vmem>>)
        %add3A_321 = arith.addi %select_n3A_8, %add3A_313 : i32
        %dma_wait3A_322 = arith.constant 64 : i32
        %dma_wait3A_323 = tpu.memref_slice %arg3[%add3A_321, %dma_wait3A_322] : memref<2560x128xi32, #tpu.memory_space<hbm>> -> memref<1x64xi32, #tpu.memory_space<hbm>>
        %dma_wait3A_324 = tpu.memref_squeeze %dma_wait3A_323 : memref<1x64xi32, #tpu.memory_space<hbm>> -> memref<64xi32, #tpu.memory_space<hbm>>
        %dma_wait3A_325 = arith.constant 64 : i32
        %dma_wait3A_326 = tpu.memref_slice %arg3[%add3A_321, %dma_wait3A_325] : memref<2560x128xi32, #tpu.memory_space<hbm>> -> memref<1x64xi32, #tpu.memory_space<hbm>>
        %dma_wait3A_327 = tpu.memref_squeeze %dma_wait3A_326 : memref<1x64xi32, #tpu.memory_space<hbm>> -> memref<64xi32, #tpu.memory_space<hbm>>
        tpu.wait_dma2 semaphore(%arg26 : memref<!tpu.dma_semaphore, #tpu.memory_space<semaphore_mem>>) src(%dma_wait3A_327 : memref<64xi32, #tpu.memory_space<hbm>>) dst(%arg11 : memref<64xi32, #tpu.memory_space<vmem>>)
        %add3A_328 = arith.addi %select_n3A_8, %add3A_313 : i32
        %dma_wait3A_329 = arith.constant 0 : i32
        %dma_wait3A_330 = tpu.memref_slice %arg4[%add3A_328, %dma_wait3A_329] : memref<2560x128xi32, #tpu.memory_space<hbm>> -> memref<1x128xi32, #tpu.memory_space<hbm>>
        %dma_wait3A_331 = tpu.memref_squeeze %dma_wait3A_330 : memref<1x128xi32, #tpu.memory_space<hbm>> -> memref<128xi32, #tpu.memory_space<hbm>>
        %dma_wait3A_332 = arith.constant 0 : i32
        %dma_wait3A_333 = tpu.memref_slice %arg4[%add3A_328, %dma_wait3A_332] : memref<2560x128xi32, #tpu.memory_space<hbm>> -> memref<1x128xi32, #tpu.memory_space<hbm>>
        %dma_wait3A_334 = tpu.memref_squeeze %dma_wait3A_333 : memref<1x128xi32, #tpu.memory_space<hbm>> -> memref<128xi32, #tpu.memory_space<hbm>>
        tpu.wait_dma2 semaphore(%arg26 : memref<!tpu.dma_semaphore, #tpu.memory_space<semaphore_mem>>) src(%dma_wait3A_334 : memref<128xi32, #tpu.memory_space<hbm>>) dst(%arg17 : memref<128xi32, #tpu.memory_space<vmem>>)
        %dma_start3A_335 = arith.constant 0 : i32
        %dma_start3A_336 = arith.constant 0 : i32
        %dma_start3A_337 = tpu.memref_slice %arg7[%dma_start3A_335, %dma_start3A_336] : memref<128x128xf32, #tpu.memory_space<vmem>> -> memref<64x128xf32, #tpu.memory_space<vmem>>
        %dma_start3A_338 = arith.constant 0 : i32
        %dma_start3A_339 = arith.constant 0 : i32
        %dma_start3A_340 = tpu.memref_slice %arg2[%dma_start3A_338, %dma_start3A_339] : memref<10000x128xf32, #tpu.memory_space<hbm>> -> memref<10000x128xf32, #tpu.memory_space<hbm>>
        tpu.enqueue_indirect_dma source(%dma_start3A_340 : memref<10000x128xf32, #tpu.memory_space<hbm>>) target(%dma_start3A_337 : memref<64x128xf32, #tpu.memory_space<vmem>>) offsets(%arg10 : memref<64xi32, #tpu.memory_space<vmem>>) semaphore(%arg22 : memref<!tpu.dma_semaphore, #tpu.memory_space<semaphore_mem>>)
        %dma_start3A_341 = arith.constant 64 : i32
        %dma_start3A_342 = arith.constant 0 : i32
        %dma_start3A_343 = tpu.memref_slice %arg7[%dma_start3A_341, %dma_start3A_342] : memref<128x128xf32, #tpu.memory_space<vmem>> -> memref<64x128xf32, #tpu.memory_space<vmem>>
        %dma_start3A_344 = arith.constant 0 : i32
        %dma_start3A_345 = arith.constant 0 : i32
        %dma_start3A_346 = tpu.memref_slice %arg2[%dma_start3A_344, %dma_start3A_345] : memref<10000x128xf32, #tpu.memory_space<hbm>> -> memref<10000x128xf32, #tpu.memory_space<hbm>>
        tpu.enqueue_indirect_dma source(%dma_start3A_346 : memref<10000x128xf32, #tpu.memory_space<hbm>>) target(%dma_start3A_343 : memref<64x128xf32, #tpu.memory_space<vmem>>) offsets(%arg11 : memref<64xi32, #tpu.memory_space<vmem>>) semaphore(%arg22 : memref<!tpu.dma_semaphore, #tpu.memory_space<semaphore_mem>>)
      } else {
      }
      %dma_wait3A_207 = arith.constant 0 : i32
      %dma_wait3A_208 = arith.constant 0 : i32
      %dma_wait3A_209 = tpu.memref_slice %arg6[%dma_wait3A_207, %dma_wait3A_208] : memref<128x128xf32, #tpu.memory_space<vmem>> -> memref<64x128xf32, #tpu.memory_space<vmem>>
      %dma_wait3A_210 = arith.constant 0 : i32
      %dma_wait3A_211 = arith.constant 0 : i32
      %dma_wait3A_212 = tpu.memref_slice %arg2[%dma_wait3A_210, %dma_wait3A_211] : memref<10000x128xf32, #tpu.memory_space<hbm>> -> memref<10000x128xf32, #tpu.memory_space<hbm>>
      tpu.wait_indirect_dma semaphore(%arg21 : memref<!tpu.dma_semaphore, #tpu.memory_space<semaphore_mem>>) src(%dma_wait3A_212 : memref<10000x128xf32, #tpu.memory_space<hbm>>) dst(%dma_wait3A_209 : memref<64x128xf32, #tpu.memory_space<vmem>>)
      %dma_wait3A_213 = arith.constant 64 : i32
      %dma_wait3A_214 = arith.constant 0 : i32
      %dma_wait3A_215 = tpu.memref_slice %arg6[%dma_wait3A_213, %dma_wait3A_214] : memref<128x128xf32, #tpu.memory_space<vmem>> -> memref<64x128xf32, #tpu.memory_space<vmem>>
      %dma_wait3A_216 = arith.constant 0 : i32
      %dma_wait3A_217 = arith.constant 0 : i32
      %dma_wait3A_218 = tpu.memref_slice %arg2[%dma_wait3A_216, %dma_wait3A_217] : memref<10000x128xf32, #tpu.memory_space<hbm>> -> memref<10000x128xf32, #tpu.memory_space<hbm>>
      tpu.wait_indirect_dma semaphore(%arg21 : memref<!tpu.dma_semaphore, #tpu.memory_space<semaphore_mem>>) src(%dma_wait3A_218 : memref<10000x128xf32, #tpu.memory_space<hbm>>) dst(%dma_wait3A_215 : memref<64x128xf32, #tpu.memory_space<vmem>>)
      %dma_start3A_219 = arith.constant 0 : i32
      %dma_start3A_220 = arith.constant 0 : i32
      %dma_start3A_221 = tpu.memref_slice %arg20[%dma_start3A_219, %dma_start3A_220] : memref<10240x128xf32, #tpu.memory_space<vmem_shared>> -> memref<10240x128xf32, #tpu.memory_space<vmem_shared>>
      tpu.enqueue_indirect_dma source(%arg6 : memref<128x128xf32, #tpu.memory_space<vmem>>) target(%dma_start3A_221 : memref<10240x128xf32, #tpu.memory_space<vmem_shared>>) offsets(%arg16 : memref<128xi32, #tpu.memory_space<vmem>>) semaphore(%arg23 : memref<!tpu.dma_semaphore, #tpu.memory_space<semaphore_mem>>) {add = true}
      %mul3A_222 = arith.constant 4 : i32
      %mul3A_223 = arith.muli %add3A_195, %mul3A_222 : i32
      %add3A_224 = arith.constant 1 : i32
      %add3A_225 = arith.addi %mul3A_223, %add3A_224 : i32
      %ge3A_226 = arith.constant 1 : i32
      %ge3A_227 = arith.cmpi sge, %add3A_225, %ge3A_226 : i32
      %convert_element_type3A_228 = arith.extui %ge3A_227 : i1 to i32
      %cond3A_229 = arith.constant 0 : i32
      %cond3A_230 = arith.cmpi ne, %convert_element_type3A_228, %cond3A_229 : i32
      scf.if %cond3A_230 {
        %dma_wait3A_312 = arith.constant 0 : i32
        %dma_wait3A_313 = arith.constant 0 : i32
        %dma_wait3A_314 = tpu.memref_slice %arg20[%dma_wait3A_312, %dma_wait3A_313] : memref<10240x128xf32, #tpu.memory_space<vmem_shared>> -> memref<10240x128xf32, #tpu.memory_space<vmem_shared>>
        tpu.wait_indirect_dma semaphore(%arg23 : memref<!tpu.dma_semaphore, #tpu.memory_space<semaphore_mem>>) src(%arg6 : memref<128x128xf32, #tpu.memory_space<vmem>>) dst(%dma_wait3A_314 : memref<10240x128xf32, #tpu.memory_space<vmem_shared>>)
        %add3A_315 = arith.constant 3 : i32
        %add3A_316 = arith.addi %add3A_225, %add3A_315 : i32
        %lt3A_317 = arith.cmpi slt, %add3A_316, %select_n3A : i32
        %convert_element_type3A_318 = arith.extui %lt3A_317 : i1 to i32
        %cond3A_319 = arith.constant 0 : i32
        %cond3A_320 = arith.cmpi ne, %convert_element_type3A_318, %cond3A_319 : i32
        scf.if %cond3A_320 {
          %add3A_321 = arith.constant 3 : i32
          %add3A_322 = arith.addi %add3A_225, %add3A_321 : i32
          %add3A_323 = arith.addi %select_n3A_8, %add3A_322 : i32
          %dma_start3A_324 = arith.constant 0 : i32
          %dma_start3A_325 = tpu.memref_slice %arg3[%add3A_323, %dma_start3A_324] : memref<2560x128xi32, #tpu.memory_space<hbm>> -> memref<1x64xi32, #tpu.memory_space<hbm>>
          %dma_start3A_326 = tpu.memref_squeeze %dma_start3A_325 : memref<1x64xi32, #tpu.memory_space<hbm>> -> memref<64xi32, #tpu.memory_space<hbm>>
          %dma_start3A_327 = arith.constant 0 : i32
          %dma_start3A_328 = tpu.memref_slice %arg3[%add3A_323, %dma_start3A_327] : memref<2560x128xi32, #tpu.memory_space<hbm>> -> memref<1x64xi32, #tpu.memory_space<hbm>>
          %dma_start3A_329 = tpu.memref_squeeze %dma_start3A_328 : memref<1x64xi32, #tpu.memory_space<hbm>> -> memref<64xi32, #tpu.memory_space<hbm>>
          tpu.enqueue_dma source(%dma_start3A_329 : memref<64xi32, #tpu.memory_space<hbm>>) target(%arg8 : memref<64xi32, #tpu.memory_space<vmem>>) target_semaphore(%arg25 : memref<!tpu.dma_semaphore, #tpu.memory_space<semaphore_mem>>)
          %add3A_330 = arith.addi %select_n3A_8, %add3A_322 : i32
          %dma_start3A_331 = arith.constant 64 : i32
          %dma_start3A_332 = tpu.memref_slice %arg3[%add3A_330, %dma_start3A_331] : memref<2560x128xi32, #tpu.memory_space<hbm>> -> memref<1x64xi32, #tpu.memory_space<hbm>>
          %dma_start3A_333 = tpu.memref_squeeze %dma_start3A_332 : memref<1x64xi32, #tpu.memory_space<hbm>> -> memref<64xi32, #tpu.memory_space<hbm>>
          %dma_start3A_334 = arith.constant 64 : i32
          %dma_start3A_335 = tpu.memref_slice %arg3[%add3A_330, %dma_start3A_334] : memref<2560x128xi32, #tpu.memory_space<hbm>> -> memref<1x64xi32, #tpu.memory_space<hbm>>
          %dma_start3A_336 = tpu.memref_squeeze %dma_start3A_335 : memref<1x64xi32, #tpu.memory_space<hbm>> -> memref<64xi32, #tpu.memory_space<hbm>>
          tpu.enqueue_dma source(%dma_start3A_336 : memref<64xi32, #tpu.memory_space<hbm>>) target(%arg9 : memref<64xi32, #tpu.memory_space<vmem>>) target_semaphore(%arg25 : memref<!tpu.dma_semaphore, #tpu.memory_space<semaphore_mem>>)
          %add3A_337 = arith.addi %select_n3A_8, %add3A_322 : i32
          %dma_start3A_338 = arith.constant 0 : i32
          %dma_start3A_339 = tpu.memref_slice %arg4[%add3A_337, %dma_start3A_338] : memref<2560x128xi32, #tpu.memory_space<hbm>> -> memref<1x128xi32, #tpu.memory_space<hbm>>
          %dma_start3A_340 = tpu.memref_squeeze %dma_start3A_339 : memref<1x128xi32, #tpu.memory_space<hbm>> -> memref<128xi32, #tpu.memory_space<hbm>>
          %dma_start3A_341 = arith.constant 0 : i32
          %dma_start3A_342 = tpu.memref_slice %arg4[%add3A_337, %dma_start3A_341] : memref<2560x128xi32, #tpu.memory_space<hbm>> -> memref<1x128xi32, #tpu.memory_space<hbm>>
          %dma_start3A_343 = tpu.memref_squeeze %dma_start3A_342 : memref<1x128xi32, #tpu.memory_space<hbm>> -> memref<128xi32, #tpu.memory_space<hbm>>
          tpu.enqueue_dma source(%dma_start3A_343 : memref<128xi32, #tpu.memory_space<hbm>>) target(%arg16 : memref<128xi32, #tpu.memory_space<vmem>>) target_semaphore(%arg25 : memref<!tpu.dma_semaphore, #tpu.memory_space<semaphore_mem>>)
        } else {
        }
      } else {
      }
      %add3A_231 = arith.constant 1 : i32
      %add3A_232 = arith.addi %add3A_225, %add3A_231 : i32
      %lt3A_233 = arith.cmpi slt, %add3A_232, %select_n3A : i32
      %convert_element_type3A_234 = arith.extui %lt3A_233 : i1 to i32
      %cond3A_235 = arith.constant 0 : i32
      %cond3A_236 = arith.cmpi ne, %convert_element_type3A_234, %cond3A_235 : i32
      scf.if %cond3A_236 {
        %add3A_312 = arith.constant 1 : i32
        %add3A_313 = arith.addi %add3A_225, %add3A_312 : i32
        %add3A_314 = arith.addi %select_n3A_8, %add3A_313 : i32
        %dma_wait3A_315 = arith.constant 0 : i32
        %dma_wait3A_316 = tpu.memref_slice %arg3[%add3A_314, %dma_wait3A_315] : memref<2560x128xi32, #tpu.memory_space<hbm>> -> memref<1x64xi32, #tpu.memory_space<hbm>>
        %dma_wait3A_317 = tpu.memref_squeeze %dma_wait3A_316 : memref<1x64xi32, #tpu.memory_space<hbm>> -> memref<64xi32, #tpu.memory_space<hbm>>
        %dma_wait3A_318 = arith.constant 0 : i32
        %dma_wait3A_319 = tpu.memref_slice %arg3[%add3A_314, %dma_wait3A_318] : memref<2560x128xi32, #tpu.memory_space<hbm>> -> memref<1x64xi32, #tpu.memory_space<hbm>>
        %dma_wait3A_320 = tpu.memref_squeeze %dma_wait3A_319 : memref<1x64xi32, #tpu.memory_space<hbm>> -> memref<64xi32, #tpu.memory_space<hbm>>
        tpu.wait_dma2 semaphore(%arg27 : memref<!tpu.dma_semaphore, #tpu.memory_space<semaphore_mem>>) src(%dma_wait3A_320 : memref<64xi32, #tpu.memory_space<hbm>>) dst(%arg12 : memref<64xi32, #tpu.memory_space<vmem>>)
        %add3A_321 = arith.addi %select_n3A_8, %add3A_313 : i32
        %dma_wait3A_322 = arith.constant 64 : i32
        %dma_wait3A_323 = tpu.memref_slice %arg3[%add3A_321, %dma_wait3A_322] : memref<2560x128xi32, #tpu.memory_space<hbm>> -> memref<1x64xi32, #tpu.memory_space<hbm>>
        %dma_wait3A_324 = tpu.memref_squeeze %dma_wait3A_323 : memref<1x64xi32, #tpu.memory_space<hbm>> -> memref<64xi32, #tpu.memory_space<hbm>>
        %dma_wait3A_325 = arith.constant 64 : i32
        %dma_wait3A_326 = tpu.memref_slice %arg3[%add3A_321, %dma_wait3A_325] : memref<2560x128xi32, #tpu.memory_space<hbm>> -> memref<1x64xi32, #tpu.memory_space<hbm>>
        %dma_wait3A_327 = tpu.memref_squeeze %dma_wait3A_326 : memref<1x64xi32, #tpu.memory_space<hbm>> -> memref<64xi32, #tpu.memory_space<hbm>>
        tpu.wait_dma2 semaphore(%arg27 : memref<!tpu.dma_semaphore, #tpu.memory_space<semaphore_mem>>) src(%dma_wait3A_327 : memref<64xi32, #tpu.memory_space<hbm>>) dst(%arg13 : memref<64xi32, #tpu.memory_space<vmem>>)
        %add3A_328 = arith.addi %select_n3A_8, %add3A_313 : i32
        %dma_wait3A_329 = arith.constant 0 : i32
        %dma_wait3A_330 = tpu.memref_slice %arg4[%add3A_328, %dma_wait3A_329] : memref<2560x128xi32, #tpu.memory_space<hbm>> -> memref<1x128xi32, #tpu.memory_space<hbm>>
        %dma_wait3A_331 = tpu.memref_squeeze %dma_wait3A_330 : memref<1x128xi32, #tpu.memory_space<hbm>> -> memref<128xi32, #tpu.memory_space<hbm>>
        %dma_wait3A_332 = arith.constant 0 : i32
        %dma_wait3A_333 = tpu.memref_slice %arg4[%add3A_328, %dma_wait3A_332] : memref<2560x128xi32, #tpu.memory_space<hbm>> -> memref<1x128xi32, #tpu.memory_space<hbm>>
        %dma_wait3A_334 = tpu.memref_squeeze %dma_wait3A_333 : memref<1x128xi32, #tpu.memory_space<hbm>> -> memref<128xi32, #tpu.memory_space<hbm>>
        tpu.wait_dma2 semaphore(%arg27 : memref<!tpu.dma_semaphore, #tpu.memory_space<semaphore_mem>>) src(%dma_wait3A_334 : memref<128xi32, #tpu.memory_space<hbm>>) dst(%arg18 : memref<128xi32, #tpu.memory_space<vmem>>)
        %dma_start3A_335 = arith.constant 0 : i32
        %dma_start3A_336 = arith.constant 0 : i32
        %dma_start3A_337 = tpu.memref_slice %arg6[%dma_start3A_335, %dma_start3A_336] : memref<128x128xf32, #tpu.memory_space<vmem>> -> memref<64x128xf32, #tpu.memory_space<vmem>>
        %dma_start3A_338 = arith.constant 0 : i32
        %dma_start3A_339 = arith.constant 0 : i32
        %dma_start3A_340 = tpu.memref_slice %arg2[%dma_start3A_338, %dma_start3A_339] : memref<10000x128xf32, #tpu.memory_space<hbm>> -> memref<10000x128xf32, #tpu.memory_space<hbm>>
        tpu.enqueue_indirect_dma source(%dma_start3A_340 : memref<10000x128xf32, #tpu.memory_space<hbm>>) target(%dma_start3A_337 : memref<64x128xf32, #tpu.memory_space<vmem>>) offsets(%arg12 : memref<64xi32, #tpu.memory_space<vmem>>) semaphore(%arg21 : memref<!tpu.dma_semaphore, #tpu.memory_space<semaphore_mem>>)
        %dma_start3A_341 = arith.constant 64 : i32
        %dma_start3A_342 = arith.constant 0 : i32
        %dma_start3A_343 = tpu.memref_slice %arg6[%dma_start3A_341, %dma_start3A_342] : memref<128x128xf32, #tpu.memory_space<vmem>> -> memref<64x128xf32, #tpu.memory_space<vmem>>
        %dma_start3A_344 = arith.constant 0 : i32
        %dma_start3A_345 = arith.constant 0 : i32
        %dma_start3A_346 = tpu.memref_slice %arg2[%dma_start3A_344, %dma_start3A_345] : memref<10000x128xf32, #tpu.memory_space<hbm>> -> memref<10000x128xf32, #tpu.memory_space<hbm>>
        tpu.enqueue_indirect_dma source(%dma_start3A_346 : memref<10000x128xf32, #tpu.memory_space<hbm>>) target(%dma_start3A_343 : memref<64x128xf32, #tpu.memory_space<vmem>>) offsets(%arg13 : memref<64xi32, #tpu.memory_space<vmem>>) semaphore(%arg21 : memref<!tpu.dma_semaphore, #tpu.memory_space<semaphore_mem>>)
      } else {
      }
      %dma_wait3A_237 = arith.constant 0 : i32
      %dma_wait3A_238 = arith.constant 0 : i32
      %dma_wait3A_239 = tpu.memref_slice %arg7[%dma_wait3A_237, %dma_wait3A_238] : memref<128x128xf32, #tpu.memory_space<vmem>> -> memref<64x128xf32, #tpu.memory_space<vmem>>
      %dma_wait3A_240 = arith.constant 0 : i32
      %dma_wait3A_241 = arith.constant 0 : i32
      %dma_wait3A_242 = tpu.memref_slice %arg2[%dma_wait3A_240, %dma_wait3A_241] : memref<10000x128xf32, #tpu.memory_space<hbm>> -> memref<10000x128xf32, #tpu.memory_space<hbm>>
      tpu.wait_indirect_dma semaphore(%arg22 : memref<!tpu.dma_semaphore, #tpu.memory_space<semaphore_mem>>) src(%dma_wait3A_242 : memref<10000x128xf32, #tpu.memory_space<hbm>>) dst(%dma_wait3A_239 : memref<64x128xf32, #tpu.memory_space<vmem>>)
      %dma_wait3A_243 = arith.constant 64 : i32
      %dma_wait3A_244 = arith.constant 0 : i32
      %dma_wait3A_245 = tpu.memref_slice %arg7[%dma_wait3A_243, %dma_wait3A_244] : memref<128x128xf32, #tpu.memory_space<vmem>> -> memref<64x128xf32, #tpu.memory_space<vmem>>
      %dma_wait3A_246 = arith.constant 0 : i32
      %dma_wait3A_247 = arith.constant 0 : i32
      %dma_wait3A_248 = tpu.memref_slice %arg2[%dma_wait3A_246, %dma_wait3A_247] : memref<10000x128xf32, #tpu.memory_space<hbm>> -> memref<10000x128xf32, #tpu.memory_space<hbm>>
      tpu.wait_indirect_dma semaphore(%arg22 : memref<!tpu.dma_semaphore, #tpu.memory_space<semaphore_mem>>) src(%dma_wait3A_248 : memref<10000x128xf32, #tpu.memory_space<hbm>>) dst(%dma_wait3A_245 : memref<64x128xf32, #tpu.memory_space<vmem>>)
      %dma_start3A_249 = arith.constant 0 : i32
      %dma_start3A_250 = arith.constant 0 : i32
      %dma_start3A_251 = tpu.memref_slice %arg20[%dma_start3A_249, %dma_start3A_250] : memref<10240x128xf32, #tpu.memory_space<vmem_shared>> -> memref<10240x128xf32, #tpu.memory_space<vmem_shared>>
      tpu.enqueue_indirect_dma source(%arg7 : memref<128x128xf32, #tpu.memory_space<vmem>>) target(%dma_start3A_251 : memref<10240x128xf32, #tpu.memory_space<vmem_shared>>) offsets(%arg17 : memref<128xi32, #tpu.memory_space<vmem>>) semaphore(%arg24 : memref<!tpu.dma_semaphore, #tpu.memory_space<semaphore_mem>>) {add = true}
      %mul3A_252 = arith.constant 4 : i32
      %mul3A_253 = arith.muli %add3A_195, %mul3A_252 : i32
      %add3A_254 = arith.constant 2 : i32
      %add3A_255 = arith.addi %mul3A_253, %add3A_254 : i32
      %ge3A_256 = arith.constant 1 : i32
      %ge3A_257 = arith.cmpi sge, %add3A_255, %ge3A_256 : i32
      %convert_element_type3A_258 = arith.extui %ge3A_257 : i1 to i32
      %cond3A_259 = arith.constant 0 : i32
      %cond3A_260 = arith.cmpi ne, %convert_element_type3A_258, %cond3A_259 : i32
      scf.if %cond3A_260 {
        %dma_wait3A_312 = arith.constant 0 : i32
        %dma_wait3A_313 = arith.constant 0 : i32
        %dma_wait3A_314 = tpu.memref_slice %arg20[%dma_wait3A_312, %dma_wait3A_313] : memref<10240x128xf32, #tpu.memory_space<vmem_shared>> -> memref<10240x128xf32, #tpu.memory_space<vmem_shared>>
        tpu.wait_indirect_dma semaphore(%arg24 : memref<!tpu.dma_semaphore, #tpu.memory_space<semaphore_mem>>) src(%arg7 : memref<128x128xf32, #tpu.memory_space<vmem>>) dst(%dma_wait3A_314 : memref<10240x128xf32, #tpu.memory_space<vmem_shared>>)
        %add3A_315 = arith.constant 3 : i32
        %add3A_316 = arith.addi %add3A_255, %add3A_315 : i32
        %lt3A_317 = arith.cmpi slt, %add3A_316, %select_n3A : i32
        %convert_element_type3A_318 = arith.extui %lt3A_317 : i1 to i32
        %cond3A_319 = arith.constant 0 : i32
        %cond3A_320 = arith.cmpi ne, %convert_element_type3A_318, %cond3A_319 : i32
        scf.if %cond3A_320 {
          %add3A_321 = arith.constant 3 : i32
          %add3A_322 = arith.addi %add3A_255, %add3A_321 : i32
          %add3A_323 = arith.addi %select_n3A_8, %add3A_322 : i32
          %dma_start3A_324 = arith.constant 0 : i32
          %dma_start3A_325 = tpu.memref_slice %arg3[%add3A_323, %dma_start3A_324] : memref<2560x128xi32, #tpu.memory_space<hbm>> -> memref<1x64xi32, #tpu.memory_space<hbm>>
          %dma_start3A_326 = tpu.memref_squeeze %dma_start3A_325 : memref<1x64xi32, #tpu.memory_space<hbm>> -> memref<64xi32, #tpu.memory_space<hbm>>
          %dma_start3A_327 = arith.constant 0 : i32
          %dma_start3A_328 = tpu.memref_slice %arg3[%add3A_323, %dma_start3A_327] : memref<2560x128xi32, #tpu.memory_space<hbm>> -> memref<1x64xi32, #tpu.memory_space<hbm>>
          %dma_start3A_329 = tpu.memref_squeeze %dma_start3A_328 : memref<1x64xi32, #tpu.memory_space<hbm>> -> memref<64xi32, #tpu.memory_space<hbm>>
          tpu.enqueue_dma source(%dma_start3A_329 : memref<64xi32, #tpu.memory_space<hbm>>) target(%arg10 : memref<64xi32, #tpu.memory_space<vmem>>) target_semaphore(%arg26 : memref<!tpu.dma_semaphore, #tpu.memory_space<semaphore_mem>>)
          %add3A_330 = arith.addi %select_n3A_8, %add3A_322 : i32
          %dma_start3A_331 = arith.constant 64 : i32
          %dma_start3A_332 = tpu.memref_slice %arg3[%add3A_330, %dma_start3A_331] : memref<2560x128xi32, #tpu.memory_space<hbm>> -> memref<1x64xi32, #tpu.memory_space<hbm>>
          %dma_start3A_333 = tpu.memref_squeeze %dma_start3A_332 : memref<1x64xi32, #tpu.memory_space<hbm>> -> memref<64xi32, #tpu.memory_space<hbm>>
          %dma_start3A_334 = arith.constant 64 : i32
          %dma_start3A_335 = tpu.memref_slice %arg3[%add3A_330, %dma_start3A_334] : memref<2560x128xi32, #tpu.memory_space<hbm>> -> memref<1x64xi32, #tpu.memory_space<hbm>>
          %dma_start3A_336 = tpu.memref_squeeze %dma_start3A_335 : memref<1x64xi32, #tpu.memory_space<hbm>> -> memref<64xi32, #tpu.memory_space<hbm>>
          tpu.enqueue_dma source(%dma_start3A_336 : memref<64xi32, #tpu.memory_space<hbm>>) target(%arg11 : memref<64xi32, #tpu.memory_space<vmem>>) target_semaphore(%arg26 : memref<!tpu.dma_semaphore, #tpu.memory_space<semaphore_mem>>)
          %add3A_337 = arith.addi %select_n3A_8, %add3A_322 : i32
          %dma_start3A_338 = arith.constant 0 : i32
          %dma_start3A_339 = tpu.memref_slice %arg4[%add3A_337, %dma_start3A_338] : memref<2560x128xi32, #tpu.memory_space<hbm>> -> memref<1x128xi32, #tpu.memory_space<hbm>>
          %dma_start3A_340 = tpu.memref_squeeze %dma_start3A_339 : memref<1x128xi32, #tpu.memory_space<hbm>> -> memref<128xi32, #tpu.memory_space<hbm>>
          %dma_start3A_341 = arith.constant 0 : i32
          %dma_start3A_342 = tpu.memref_slice %arg4[%add3A_337, %dma_start3A_341] : memref<2560x128xi32, #tpu.memory_space<hbm>> -> memref<1x128xi32, #tpu.memory_space<hbm>>
          %dma_start3A_343 = tpu.memref_squeeze %dma_start3A_342 : memref<1x128xi32, #tpu.memory_space<hbm>> -> memref<128xi32, #tpu.memory_space<hbm>>
          tpu.enqueue_dma source(%dma_start3A_343 : memref<128xi32, #tpu.memory_space<hbm>>) target(%arg17 : memref<128xi32, #tpu.memory_space<vmem>>) target_semaphore(%arg26 : memref<!tpu.dma_semaphore, #tpu.memory_space<semaphore_mem>>)
        } else {
        }
      } else {
      }
      %add3A_261 = arith.constant 1 : i32
      %add3A_262 = arith.addi %add3A_255, %add3A_261 : i32
      %lt3A_263 = arith.cmpi slt, %add3A_262, %select_n3A : i32
      %convert_element_type3A_264 = arith.extui %lt3A_263 : i1 to i32
      %cond3A_265 = arith.constant 0 : i32
      %cond3A_266 = arith.cmpi ne, %convert_element_type3A_264, %cond3A_265 : i32
      scf.if %cond3A_266 {
        %add3A_312 = arith.constant 1 : i32
        %add3A_313 = arith.addi %add3A_255, %add3A_312 : i32
        %add3A_314 = arith.addi %select_n3A_8, %add3A_313 : i32
        %dma_wait3A_315 = arith.constant 0 : i32
        %dma_wait3A_316 = tpu.memref_slice %arg3[%add3A_314, %dma_wait3A_315] : memref<2560x128xi32, #tpu.memory_space<hbm>> -> memref<1x64xi32, #tpu.memory_space<hbm>>
        %dma_wait3A_317 = tpu.memref_squeeze %dma_wait3A_316 : memref<1x64xi32, #tpu.memory_space<hbm>> -> memref<64xi32, #tpu.memory_space<hbm>>
        %dma_wait3A_318 = arith.constant 0 : i32
        %dma_wait3A_319 = tpu.memref_slice %arg3[%add3A_314, %dma_wait3A_318] : memref<2560x128xi32, #tpu.memory_space<hbm>> -> memref<1x64xi32, #tpu.memory_space<hbm>>
        %dma_wait3A_320 = tpu.memref_squeeze %dma_wait3A_319 : memref<1x64xi32, #tpu.memory_space<hbm>> -> memref<64xi32, #tpu.memory_space<hbm>>
        tpu.wait_dma2 semaphore(%arg28 : memref<!tpu.dma_semaphore, #tpu.memory_space<semaphore_mem>>) src(%dma_wait3A_320 : memref<64xi32, #tpu.memory_space<hbm>>) dst(%arg14 : memref<64xi32, #tpu.memory_space<vmem>>)
        %add3A_321 = arith.addi %select_n3A_8, %add3A_313 : i32
        %dma_wait3A_322 = arith.constant 64 : i32
        %dma_wait3A_323 = tpu.memref_slice %arg3[%add3A_321, %dma_wait3A_322] : memref<2560x128xi32, #tpu.memory_space<hbm>> -> memref<1x64xi32, #tpu.memory_space<hbm>>
        %dma_wait3A_324 = tpu.memref_squeeze %dma_wait3A_323 : memref<1x64xi32, #tpu.memory_space<hbm>> -> memref<64xi32, #tpu.memory_space<hbm>>
        %dma_wait3A_325 = arith.constant 64 : i32
        %dma_wait3A_326 = tpu.memref_slice %arg3[%add3A_321, %dma_wait3A_325] : memref<2560x128xi32, #tpu.memory_space<hbm>> -> memref<1x64xi32, #tpu.memory_space<hbm>>
        %dma_wait3A_327 = tpu.memref_squeeze %dma_wait3A_326 : memref<1x64xi32, #tpu.memory_space<hbm>> -> memref<64xi32, #tpu.memory_space<hbm>>
        tpu.wait_dma2 semaphore(%arg28 : memref<!tpu.dma_semaphore, #tpu.memory_space<semaphore_mem>>) src(%dma_wait3A_327 : memref<64xi32, #tpu.memory_space<hbm>>) dst(%arg15 : memref<64xi32, #tpu.memory_space<vmem>>)
        %add3A_328 = arith.addi %select_n3A_8, %add3A_313 : i32
        %dma_wait3A_329 = arith.constant 0 : i32
        %dma_wait3A_330 = tpu.memref_slice %arg4[%add3A_328, %dma_wait3A_329] : memref<2560x128xi32, #tpu.memory_space<hbm>> -> memref<1x128xi32, #tpu.memory_space<hbm>>
        %dma_wait3A_331 = tpu.memref_squeeze %dma_wait3A_330 : memref<1x128xi32, #tpu.memory_space<hbm>> -> memref<128xi32, #tpu.memory_space<hbm>>
        %dma_wait3A_332 = arith.constant 0 : i32
        %dma_wait3A_333 = tpu.memref_slice %arg4[%add3A_328, %dma_wait3A_332] : memref<2560x128xi32, #tpu.memory_space<hbm>> -> memref<1x128xi32, #tpu.memory_space<hbm>>
        %dma_wait3A_334 = tpu.memref_squeeze %dma_wait3A_333 : memref<1x128xi32, #tpu.memory_space<hbm>> -> memref<128xi32, #tpu.memory_space<hbm>>
        tpu.wait_dma2 semaphore(%arg28 : memref<!tpu.dma_semaphore, #tpu.memory_space<semaphore_mem>>) src(%dma_wait3A_334 : memref<128xi32, #tpu.memory_space<hbm>>) dst(%arg19 : memref<128xi32, #tpu.memory_space<vmem>>)
        %dma_start3A_335 = arith.constant 0 : i32
        %dma_start3A_336 = arith.constant 0 : i32
        %dma_start3A_337 = tpu.memref_slice %arg7[%dma_start3A_335, %dma_start3A_336] : memref<128x128xf32, #tpu.memory_space<vmem>> -> memref<64x128xf32, #tpu.memory_space<vmem>>
        %dma_start3A_338 = arith.constant 0 : i32
        %dma_start3A_339 = arith.constant 0 : i32
        %dma_start3A_340 = tpu.memref_slice %arg2[%dma_start3A_338, %dma_start3A_339] : memref<10000x128xf32, #tpu.memory_space<hbm>> -> memref<10000x128xf32, #tpu.memory_space<hbm>>
        tpu.enqueue_indirect_dma source(%dma_start3A_340 : memref<10000x128xf32, #tpu.memory_space<hbm>>) target(%dma_start3A_337 : memref<64x128xf32, #tpu.memory_space<vmem>>) offsets(%arg14 : memref<64xi32, #tpu.memory_space<vmem>>) semaphore(%arg22 : memref<!tpu.dma_semaphore, #tpu.memory_space<semaphore_mem>>)
        %dma_start3A_341 = arith.constant 64 : i32
        %dma_start3A_342 = arith.constant 0 : i32
        %dma_start3A_343 = tpu.memref_slice %arg7[%dma_start3A_341, %dma_start3A_342] : memref<128x128xf32, #tpu.memory_space<vmem>> -> memref<64x128xf32, #tpu.memory_space<vmem>>
        %dma_start3A_344 = arith.constant 0 : i32
        %dma_start3A_345 = arith.constant 0 : i32
        %dma_start3A_346 = tpu.memref_slice %arg2[%dma_start3A_344, %dma_start3A_345] : memref<10000x128xf32, #tpu.memory_space<hbm>> -> memref<10000x128xf32, #tpu.memory_space<hbm>>
        tpu.enqueue_indirect_dma source(%dma_start3A_346 : memref<10000x128xf32, #tpu.memory_space<hbm>>) target(%dma_start3A_343 : memref<64x128xf32, #tpu.memory_space<vmem>>) offsets(%arg15 : memref<64xi32, #tpu.memory_space<vmem>>) semaphore(%arg22 : memref<!tpu.dma_semaphore, #tpu.memory_space<semaphore_mem>>)
      } else {
      }
      %dma_wait3A_267 = arith.constant 0 : i32
      %dma_wait3A_268 = arith.constant 0 : i32
      %dma_wait3A_269 = tpu.memref_slice %arg6[%dma_wait3A_267, %dma_wait3A_268] : memref<128x128xf32, #tpu.memory_space<vmem>> -> memref<64x128xf32, #tpu.memory_space<vmem>>
      %dma_wait3A_270 = arith.constant 0 : i32
      %dma_wait3A_271 = arith.constant 0 : i32
      %dma_wait3A_272 = tpu.memref_slice %arg2[%dma_wait3A_270, %dma_wait3A_271] : memref<10000x128xf32, #tpu.memory_space<hbm>> -> memref<10000x128xf32, #tpu.memory_space<hbm>>
      tpu.wait_indirect_dma semaphore(%arg21 : memref<!tpu.dma_semaphore, #tpu.memory_space<semaphore_mem>>) src(%dma_wait3A_272 : memref<10000x128xf32, #tpu.memory_space<hbm>>) dst(%dma_wait3A_269 : memref<64x128xf32, #tpu.memory_space<vmem>>)
      %dma_wait3A_273 = arith.constant 64 : i32
      %dma_wait3A_274 = arith.constant 0 : i32
      %dma_wait3A_275 = tpu.memref_slice %arg6[%dma_wait3A_273, %dma_wait3A_274] : memref<128x128xf32, #tpu.memory_space<vmem>> -> memref<64x128xf32, #tpu.memory_space<vmem>>
      %dma_wait3A_276 = arith.constant 0 : i32
      %dma_wait3A_277 = arith.constant 0 : i32
      %dma_wait3A_278 = tpu.memref_slice %arg2[%dma_wait3A_276, %dma_wait3A_277] : memref<10000x128xf32, #tpu.memory_space<hbm>> -> memref<10000x128xf32, #tpu.memory_space<hbm>>
      tpu.wait_indirect_dma semaphore(%arg21 : memref<!tpu.dma_semaphore, #tpu.memory_space<semaphore_mem>>) src(%dma_wait3A_278 : memref<10000x128xf32, #tpu.memory_space<hbm>>) dst(%dma_wait3A_275 : memref<64x128xf32, #tpu.memory_space<vmem>>)
      %dma_start3A_279 = arith.constant 0 : i32
      %dma_start3A_280 = arith.constant 0 : i32
      %dma_start3A_281 = tpu.memref_slice %arg20[%dma_start3A_279, %dma_start3A_280] : memref<10240x128xf32, #tpu.memory_space<vmem_shared>> -> memref<10240x128xf32, #tpu.memory_space<vmem_shared>>
      tpu.enqueue_indirect_dma source(%arg6 : memref<128x128xf32, #tpu.memory_space<vmem>>) target(%dma_start3A_281 : memref<10240x128xf32, #tpu.memory_space<vmem_shared>>) offsets(%arg18 : memref<128xi32, #tpu.memory_space<vmem>>) semaphore(%arg23 : memref<!tpu.dma_semaphore, #tpu.memory_space<semaphore_mem>>) {add = true}
      %mul3A_282 = arith.constant 4 : i32
      %mul3A_283 = arith.muli %add3A_195, %mul3A_282 : i32
      %add3A_284 = arith.constant 3 : i32
      %add3A_285 = arith.addi %mul3A_283, %add3A_284 : i32
      %ge3A_286 = arith.constant 1 : i32
      %ge3A_287 = arith.cmpi sge, %add3A_285, %ge3A_286 : i32
      %convert_element_type3A_288 = arith.extui %ge3A_287 : i1 to i32
      %cond3A_289 = arith.constant 0 : i32
      %cond3A_290 = arith.cmpi ne, %convert_element_type3A_288, %cond3A_289 : i32
      scf.if %cond3A_290 {
        %dma_wait3A_312 = arith.constant 0 : i32
        %dma_wait3A_313 = arith.constant 0 : i32
        %dma_wait3A_314 = tpu.memref_slice %arg20[%dma_wait3A_312, %dma_wait3A_313] : memref<10240x128xf32, #tpu.memory_space<vmem_shared>> -> memref<10240x128xf32, #tpu.memory_space<vmem_shared>>
        tpu.wait_indirect_dma semaphore(%arg23 : memref<!tpu.dma_semaphore, #tpu.memory_space<semaphore_mem>>) src(%arg6 : memref<128x128xf32, #tpu.memory_space<vmem>>) dst(%dma_wait3A_314 : memref<10240x128xf32, #tpu.memory_space<vmem_shared>>)
        %add3A_315 = arith.constant 3 : i32
        %add3A_316 = arith.addi %add3A_285, %add3A_315 : i32
        %lt3A_317 = arith.cmpi slt, %add3A_316, %select_n3A : i32
        %convert_element_type3A_318 = arith.extui %lt3A_317 : i1 to i32
        %cond3A_319 = arith.constant 0 : i32
        %cond3A_320 = arith.cmpi ne, %convert_element_type3A_318, %cond3A_319 : i32
        scf.if %cond3A_320 {
          %add3A_321 = arith.constant 3 : i32
          %add3A_322 = arith.addi %add3A_285, %add3A_321 : i32
          %add3A_323 = arith.addi %select_n3A_8, %add3A_322 : i32
          %dma_start3A_324 = arith.constant 0 : i32
          %dma_start3A_325 = tpu.memref_slice %arg3[%add3A_323, %dma_start3A_324] : memref<2560x128xi32, #tpu.memory_space<hbm>> -> memref<1x64xi32, #tpu.memory_space<hbm>>
          %dma_start3A_326 = tpu.memref_squeeze %dma_start3A_325 : memref<1x64xi32, #tpu.memory_space<hbm>> -> memref<64xi32, #tpu.memory_space<hbm>>
          %dma_start3A_327 = arith.constant 0 : i32
          %dma_start3A_328 = tpu.memref_slice %arg3[%add3A_323, %dma_start3A_327] : memref<2560x128xi32, #tpu.memory_space<hbm>> -> memref<1x64xi32, #tpu.memory_space<hbm>>
          %dma_start3A_329 = tpu.memref_squeeze %dma_start3A_328 : memref<1x64xi32, #tpu.memory_space<hbm>> -> memref<64xi32, #tpu.memory_space<hbm>>
          tpu.enqueue_dma source(%dma_start3A_329 : memref<64xi32, #tpu.memory_space<hbm>>) target(%arg12 : memref<64xi32, #tpu.memory_space<vmem>>) target_semaphore(%arg27 : memref<!tpu.dma_semaphore, #tpu.memory_space<semaphore_mem>>)
          %add3A_330 = arith.addi %select_n3A_8, %add3A_322 : i32
          %dma_start3A_331 = arith.constant 64 : i32
          %dma_start3A_332 = tpu.memref_slice %arg3[%add3A_330, %dma_start3A_331] : memref<2560x128xi32, #tpu.memory_space<hbm>> -> memref<1x64xi32, #tpu.memory_space<hbm>>
          %dma_start3A_333 = tpu.memref_squeeze %dma_start3A_332 : memref<1x64xi32, #tpu.memory_space<hbm>> -> memref<64xi32, #tpu.memory_space<hbm>>
          %dma_start3A_334 = arith.constant 64 : i32
          %dma_start3A_335 = tpu.memref_slice %arg3[%add3A_330, %dma_start3A_334] : memref<2560x128xi32, #tpu.memory_space<hbm>> -> memref<1x64xi32, #tpu.memory_space<hbm>>
          %dma_start3A_336 = tpu.memref_squeeze %dma_start3A_335 : memref<1x64xi32, #tpu.memory_space<hbm>> -> memref<64xi32, #tpu.memory_space<hbm>>
          tpu.enqueue_dma source(%dma_start3A_336 : memref<64xi32, #tpu.memory_space<hbm>>) target(%arg13 : memref<64xi32, #tpu.memory_space<vmem>>) target_semaphore(%arg27 : memref<!tpu.dma_semaphore, #tpu.memory_space<semaphore_mem>>)
          %add3A_337 = arith.addi %select_n3A_8, %add3A_322 : i32
          %dma_start3A_338 = arith.constant 0 : i32
          %dma_start3A_339 = tpu.memref_slice %arg4[%add3A_337, %dma_start3A_338] : memref<2560x128xi32, #tpu.memory_space<hbm>> -> memref<1x128xi32, #tpu.memory_space<hbm>>
          %dma_start3A_340 = tpu.memref_squeeze %dma_start3A_339 : memref<1x128xi32, #tpu.memory_space<hbm>> -> memref<128xi32, #tpu.memory_space<hbm>>
          %dma_start3A_341 = arith.constant 0 : i32
          %dma_start3A_342 = tpu.memref_slice %arg4[%add3A_337, %dma_start3A_341] : memref<2560x128xi32, #tpu.memory_space<hbm>> -> memref<1x128xi32, #tpu.memory_space<hbm>>
          %dma_start3A_343 = tpu.memref_squeeze %dma_start3A_342 : memref<1x128xi32, #tpu.memory_space<hbm>> -> memref<128xi32, #tpu.memory_space<hbm>>
          tpu.enqueue_dma source(%dma_start3A_343 : memref<128xi32, #tpu.memory_space<hbm>>) target(%arg18 : memref<128xi32, #tpu.memory_space<vmem>>) target_semaphore(%arg27 : memref<!tpu.dma_semaphore, #tpu.memory_space<semaphore_mem>>)
        } else {
        }
      } else {
      }
      %add3A_291 = arith.constant 1 : i32
      %add3A_292 = arith.addi %add3A_285, %add3A_291 : i32
      %lt3A_293 = arith.cmpi slt, %add3A_292, %select_n3A : i32
      %convert_element_type3A_294 = arith.extui %lt3A_293 : i1 to i32
      %cond3A_295 = arith.constant 0 : i32
      %cond3A_296 = arith.cmpi ne, %convert_element_type3A_294, %cond3A_295 : i32
      scf.if %cond3A_296 {
        %add3A_312 = arith.constant 1 : i32
        %add3A_313 = arith.addi %add3A_285, %add3A_312 : i32
        %add3A_314 = arith.addi %select_n3A_8, %add3A_313 : i32
        %dma_wait3A_315 = arith.constant 0 : i32
        %dma_wait3A_316 = tpu.memref_slice %arg3[%add3A_314, %dma_wait3A_315] : memref<2560x128xi32, #tpu.memory_space<hbm>> -> memref<1x64xi32, #tpu.memory_space<hbm>>
        %dma_wait3A_317 = tpu.memref_squeeze %dma_wait3A_316 : memref<1x64xi32, #tpu.memory_space<hbm>> -> memref<64xi32, #tpu.memory_space<hbm>>
        %dma_wait3A_318 = arith.constant 0 : i32
        %dma_wait3A_319 = tpu.memref_slice %arg3[%add3A_314, %dma_wait3A_318] : memref<2560x128xi32, #tpu.memory_space<hbm>> -> memref<1x64xi32, #tpu.memory_space<hbm>>
        %dma_wait3A_320 = tpu.memref_squeeze %dma_wait3A_319 : memref<1x64xi32, #tpu.memory_space<hbm>> -> memref<64xi32, #tpu.memory_space<hbm>>
        tpu.wait_dma2 semaphore(%arg25 : memref<!tpu.dma_semaphore, #tpu.memory_space<semaphore_mem>>) src(%dma_wait3A_320 : memref<64xi32, #tpu.memory_space<hbm>>) dst(%arg8 : memref<64xi32, #tpu.memory_space<vmem>>)
        %add3A_321 = arith.addi %select_n3A_8, %add3A_313 : i32
        %dma_wait3A_322 = arith.constant 64 : i32
        %dma_wait3A_323 = tpu.memref_slice %arg3[%add3A_321, %dma_wait3A_322] : memref<2560x128xi32, #tpu.memory_space<hbm>> -> memref<1x64xi32, #tpu.memory_space<hbm>>
        %dma_wait3A_324 = tpu.memref_squeeze %dma_wait3A_323 : memref<1x64xi32, #tpu.memory_space<hbm>> -> memref<64xi32, #tpu.memory_space<hbm>>
        %dma_wait3A_325 = arith.constant 64 : i32
        %dma_wait3A_326 = tpu.memref_slice %arg3[%add3A_321, %dma_wait3A_325] : memref<2560x128xi32, #tpu.memory_space<hbm>> -> memref<1x64xi32, #tpu.memory_space<hbm>>
        %dma_wait3A_327 = tpu.memref_squeeze %dma_wait3A_326 : memref<1x64xi32, #tpu.memory_space<hbm>> -> memref<64xi32, #tpu.memory_space<hbm>>
        tpu.wait_dma2 semaphore(%arg25 : memref<!tpu.dma_semaphore, #tpu.memory_space<semaphore_mem>>) src(%dma_wait3A_327 : memref<64xi32, #tpu.memory_space<hbm>>) dst(%arg9 : memref<64xi32, #tpu.memory_space<vmem>>)
        %add3A_328 = arith.addi %select_n3A_8, %add3A_313 : i32
        %dma_wait3A_329 = arith.constant 0 : i32
        %dma_wait3A_330 = tpu.memref_slice %arg4[%add3A_328, %dma_wait3A_329] : memref<2560x128xi32, #tpu.memory_space<hbm>> -> memref<1x128xi32, #tpu.memory_space<hbm>>
        %dma_wait3A_331 = tpu.memref_squeeze %dma_wait3A_330 : memref<1x128xi32, #tpu.memory_space<hbm>> -> memref<128xi32, #tpu.memory_space<hbm>>
        %dma_wait3A_332 = arith.constant 0 : i32
        %dma_wait3A_333 = tpu.memref_slice %arg4[%add3A_328, %dma_wait3A_332] : memref<2560x128xi32, #tpu.memory_space<hbm>> -> memref<1x128xi32, #tpu.memory_space<hbm>>
        %dma_wait3A_334 = tpu.memref_squeeze %dma_wait3A_333 : memref<1x128xi32, #tpu.memory_space<hbm>> -> memref<128xi32, #tpu.memory_space<hbm>>
        tpu.wait_dma2 semaphore(%arg25 : memref<!tpu.dma_semaphore, #tpu.memory_space<semaphore_mem>>) src(%dma_wait3A_334 : memref<128xi32, #tpu.memory_space<hbm>>) dst(%arg16 : memref<128xi32, #tpu.memory_space<vmem>>)
        %dma_start3A_335 = arith.constant 0 : i32
        %dma_start3A_336 = arith.constant 0 : i32
        %dma_start3A_337 = tpu.memref_slice %arg6[%dma_start3A_335, %dma_start3A_336] : memref<128x128xf32, #tpu.memory_space<vmem>> -> memref<64x128xf32, #tpu.memory_space<vmem>>
        %dma_start3A_338 = arith.constant 0 : i32
        %dma_start3A_339 = arith.constant 0 : i32
        %dma_start3A_340 = tpu.memref_slice %arg2[%dma_start3A_338, %dma_start3A_339] : memref<10000x128xf32, #tpu.memory_space<hbm>> -> memref<10000x128xf32, #tpu.memory_space<hbm>>
        tpu.enqueue_indirect_dma source(%dma_start3A_340 : memref<10000x128xf32, #tpu.memory_space<hbm>>) target(%dma_start3A_337 : memref<64x128xf32, #tpu.memory_space<vmem>>) offsets(%arg8 : memref<64xi32, #tpu.memory_space<vmem>>) semaphore(%arg21 : memref<!tpu.dma_semaphore, #tpu.memory_space<semaphore_mem>>)
        %dma_start3A_341 = arith.constant 64 : i32
        %dma_start3A_342 = arith.constant 0 : i32
        %dma_start3A_343 = tpu.memref_slice %arg6[%dma_start3A_341, %dma_start3A_342] : memref<128x128xf32, #tpu.memory_space<vmem>> -> memref<64x128xf32, #tpu.memory_space<vmem>>
        %dma_start3A_344 = arith.constant 0 : i32
        %dma_start3A_345 = arith.constant 0 : i32
        %dma_start3A_346 = tpu.memref_slice %arg2[%dma_start3A_344, %dma_start3A_345] : memref<10000x128xf32, #tpu.memory_space<hbm>> -> memref<10000x128xf32, #tpu.memory_space<hbm>>
        tpu.enqueue_indirect_dma source(%dma_start3A_346 : memref<10000x128xf32, #tpu.memory_space<hbm>>) target(%dma_start3A_343 : memref<64x128xf32, #tpu.memory_space<vmem>>) offsets(%arg9 : memref<64xi32, #tpu.memory_space<vmem>>) semaphore(%arg21 : memref<!tpu.dma_semaphore, #tpu.memory_space<semaphore_mem>>)
      } else {
      }
      %dma_wait3A_297 = arith.constant 0 : i32
      %dma_wait3A_298 = arith.constant 0 : i32
      %dma_wait3A_299 = tpu.memref_slice %arg7[%dma_wait3A_297, %dma_wait3A_298] : memref<128x128xf32, #tpu.memory_space<vmem>> -> memref<64x128xf32, #tpu.memory_space<vmem>>
      %dma_wait3A_300 = arith.constant 0 : i32
      %dma_wait3A_301 = arith.constant 0 : i32
      %dma_wait3A_302 = tpu.memref_slice %arg2[%dma_wait3A_300, %dma_wait3A_301] : memref<10000x128xf32, #tpu.memory_space<hbm>> -> memref<10000x128xf32, #tpu.memory_space<hbm>>
      tpu.wait_indirect_dma semaphore(%arg22 : memref<!tpu.dma_semaphore, #tpu.memory_space<semaphore_mem>>) src(%dma_wait3A_302 : memref<10000x128xf32, #tpu.memory_space<hbm>>) dst(%dma_wait3A_299 : memref<64x128xf32, #tpu.memory_space<vmem>>)
      %dma_wait3A_303 = arith.constant 64 : i32
      %dma_wait3A_304 = arith.constant 0 : i32
      %dma_wait3A_305 = tpu.memref_slice %arg7[%dma_wait3A_303, %dma_wait3A_304] : memref<128x128xf32, #tpu.memory_space<vmem>> -> memref<64x128xf32, #tpu.memory_space<vmem>>
      %dma_wait3A_306 = arith.constant 0 : i32
      %dma_wait3A_307 = arith.constant 0 : i32
      %dma_wait3A_308 = tpu.memref_slice %arg2[%dma_wait3A_306, %dma_wait3A_307] : memref<10000x128xf32, #tpu.memory_space<hbm>> -> memref<10000x128xf32, #tpu.memory_space<hbm>>
      tpu.wait_indirect_dma semaphore(%arg22 : memref<!tpu.dma_semaphore, #tpu.memory_space<semaphore_mem>>) src(%dma_wait3A_308 : memref<10000x128xf32, #tpu.memory_space<hbm>>) dst(%dma_wait3A_305 : memref<64x128xf32, #tpu.memory_space<vmem>>)
      %dma_start3A_309 = arith.constant 0 : i32
      %dma_start3A_310 = arith.constant 0 : i32
      %dma_start3A_311 = tpu.memref_slice %arg20[%dma_start3A_309, %dma_start3A_310] : memref<10240x128xf32, #tpu.memory_space<vmem_shared>> -> memref<10240x128xf32, #tpu.memory_space<vmem_shared>>
      tpu.enqueue_indirect_dma source(%arg7 : memref<128x128xf32, #tpu.memory_space<vmem>>) target(%dma_start3A_311 : memref<10240x128xf32, #tpu.memory_space<vmem_shared>>) offsets(%arg19 : memref<128xi32, #tpu.memory_space<vmem>>) semaphore(%arg24 : memref<!tpu.dma_semaphore, #tpu.memory_space<semaphore_mem>>) {add = true}
    }
    %dma_wait3A_184 = arith.constant 0 : i32
    %dma_wait3A_185 = arith.constant 0 : i32
    %dma_wait3A_186 = tpu.memref_slice %arg20[%dma_wait3A_184, %dma_wait3A_185] : memref<10240x128xf32, #tpu.memory_space<vmem_shared>> -> memref<10240x128xf32, #tpu.memory_space<vmem_shared>>
    tpu.wait_indirect_dma semaphore(%arg24 : memref<!tpu.dma_semaphore, #tpu.memory_space<semaphore_mem>>) src(%arg7 : memref<128x128xf32, #tpu.memory_space<vmem>>) dst(%dma_wait3A_186 : memref<10240x128xf32, #tpu.memory_space<vmem_shared>>)
    %barrier3A_187 = arith.constant 0 : index
    tpu.barrier barrier_id(%barrier3A_187)
    %scan3A_188 = arith.constant 0 : i32
    %scan3A_189 = arith.constant 5 : i32
    %scan3A_190 = arith.addi %scan3A_188, %scan3A_189 : i32
    %scan3A_191 = arith.constant 1 : i32
    scf.for %scan3A_193 = %scan3A_188 to %scan3A_190 step %scan3A_191  : i32 {
      %mul3A_194 = arith.constant 1 : i32
      %mul3A_195 = arith.muli %scan3A_193, %mul3A_194 : i32
      %add3A_196 = arith.constant 0 : i32
      %add3A_197 = arith.addi %add3A_196, %mul3A_195 : i32
      %mul3A_198 = arith.constant 640 : i32
      %mul3A_199 = arith.muli %arg1, %mul3A_198 : i32
      %mul3A_200 = arith.constant 128 : i32
      %mul3A_201 = arith.muli %add3A_197, %mul3A_200 : i32
      %add3A_202 = arith.addi %mul3A_199, %mul3A_201 : i32
      "tpu.region"() ({
        %run_scoped3A = tpu.sem_alloc : memref<!tpu.dma_semaphore, #tpu.memory_space<semaphore_mem>>
        %dma_start3A_203 = arith.constant 0 : i32
        %dma_start3A_204 = tpu.memref_slice %arg5[%arg0, %add3A_202, %dma_start3A_203] : memref<2x10240x128xf32, #tpu.memory_space<hbm>> -> memref<1x128x128xf32, #tpu.memory_space<hbm>>
        %dma_start3A_205 = tpu.memref_squeeze %dma_start3A_204 : memref<1x128x128xf32, #tpu.memory_space<hbm>> -> memref<128x128xf32, #tpu.memory_space<hbm>>
        %dma_start3A_206 = arith.constant 0 : i32
        %dma_start3A_207 = tpu.memref_slice %arg20[%add3A_202, %dma_start3A_206] : memref<10240x128xf32, #tpu.memory_space<vmem_shared>> -> memref<128x128xf32, #tpu.memory_space<vmem_shared>>
        tpu.enqueue_dma source(%dma_start3A_207 : memref<128x128xf32, #tpu.memory_space<vmem_shared>>) target(%dma_start3A_205 : memref<128x128xf32, #tpu.memory_space<hbm>>) target_semaphore(%run_scoped3A : memref<!tpu.dma_semaphore, #tpu.memory_space<semaphore_mem>>)
        %dma_wait3A_208 = arith.constant 0 : i32
        %dma_wait3A_209 = tpu.memref_slice %arg5[%arg0, %add3A_202, %dma_wait3A_208] : memref<2x10240x128xf32, #tpu.memory_space<hbm>> -> memref<1x128x128xf32, #tpu.memory_space<hbm>>
        %dma_wait3A_210 = tpu.memref_squeeze %dma_wait3A_209 : memref<1x128x128xf32, #tpu.memory_space<hbm>> -> memref<128x128xf32, #tpu.memory_space<hbm>>
        %dma_wait3A_211 = arith.constant 0 : i32
        %dma_wait3A_212 = tpu.memref_slice %arg20[%add3A_202, %dma_wait3A_211] : memref<10240x128xf32, #tpu.memory_space<vmem_shared>> -> memref<128x128xf32, #tpu.memory_space<vmem_shared>>
        tpu.wait_dma2 semaphore(%run_scoped3A : memref<!tpu.dma_semaphore, #tpu.memory_space<semaphore_mem>>) src(%dma_wait3A_212 : memref<128x128xf32, #tpu.memory_space<vmem_shared>>) dst(%dma_wait3A_210 : memref<128x128xf32, #tpu.memory_space<hbm>>)
        tpu.yield
      }) : () -> ()
    }
    %scan3A_192 = arith.constant 5 : i32
    return
  }
}

#map = affine_map<(d0, d1) -> (0, 0)>
#map1 = affine_map<(d0, d1) -> (0, 0, 0)>
module attributes {stable_mosaic.version = 14 : i64} {
  func.func @k(%arg0: i32, %arg1: i32, %arg2: memref<10000x128xf32, #tpu.memory_space<hbm>>, %arg3: memref<2560x128xi32, #tpu.memory_space<hbm>>, %arg4: memref<2560x128xi32, #tpu.memory_space<hbm>>, %arg5: memref<2x10240x128xf32, #tpu.memory_space<hbm>>, %arg6: memref<128x128xf32, #tpu.memory_space<vmem>>, %arg7: memref<128x128xf32, #tpu.memory_space<vmem>>, %arg8: memref<64xi32, #tpu.memory_space<vmem>>, %arg9: memref<64xi32, #tpu.memory_space<vmem>>, %arg10: memref<64xi32, #tpu.memory_space<vmem>>, %arg11: memref<64xi32, #tpu.memory_space<vmem>>, %arg12: memref<64xi32, #tpu.memory_space<vmem>>, %arg13: memref<64xi32, #tpu.memory_space<vmem>>, %arg14: memref<64xi32, #tpu.memory_space<vmem>>, %arg15: memref<64xi32, #tpu.memory_space<vmem>>, %arg16: memref<128xi32, #tpu.memory_space<vmem>>, %arg17: memref<128xi32, #tpu.memory_space<vmem>>, %arg18: memref<128xi32, #tpu.memory_space<vmem>>, %arg19: memref<128xi32, #tpu.memory_space<vmem>>, %arg20: memref<10240x128xf32, #tpu.memory_space<vmem_shared>>, %arg21: memref<!tpu.dma_semaphore, #tpu.memory_space<semaphore_mem>>, %arg22: memref<!tpu.dma_semaphore, #tpu.memory_space<semaphore_mem>>, %arg23: memref<!tpu.dma_semaphore, #tpu.memory_space<semaphore_mem>>, %arg24: memref<!tpu.dma_semaphore, #tpu.memory_space<semaphore_mem>>, %arg25: memref<!tpu.dma_semaphore, #tpu.memory_space<semaphore_mem>>, %arg26: memref<!tpu.dma_semaphore, #tpu.memory_space<semaphore_mem>>, %arg27: memref<!tpu.dma_semaphore, #tpu.memory_space<semaphore_mem>>, %arg28: memref<!tpu.dma_semaphore, #tpu.memory_space<semaphore_mem>>) attributes {dimension_semantics = [#tpu.dimension_semantics<core_parallel>, #tpu.dimension_semantics<subcore_parallel>], iteration_bounds = array<i64: 2, 16>, scalar_prefetch = 0 : i64, scratch_operands = 23 : i64, tpu.core_type = #tpu.core_type<sc_vector_subcore>, window_params = [{transform_indices = #map}, {transform_indices = #map}, {transform_indices = #map}, {transform_indices = #map1}]} {
    %eq3A = arith.constant 0 : i32
    %eq3A_0 = arith.cmpi eq, %arg0, %eq3A : i32
    %jit3A = arith.constant 156 : i32
    %jit3A_1 = arith.constant 4 : i32
    %select_n3A = arith.select %eq3A_0, %jit3A, %jit3A_1 : i32
    %eq3A_2 = arith.constant 0 : i32
    %eq3A_3 = arith.cmpi eq, %arg0, %eq3A_2 : i32
    %mul3A = arith.constant 156 : i32
    %mul3A_4 = arith.muli %arg1, %mul3A : i32
    %mul3A_5 = arith.constant 4 : i32
    %mul3A_6 = arith.muli %arg1, %mul3A_5 : i32
    %add3A = arith.constant 2496 : i32
    %add3A_7 = arith.addi %add3A, %mul3A_6 : i32
    %select_n3A_8 = arith.select %eq3A_3, %mul3A_4, %add3A_7 : i32
    %add3A_9 = arith.constant 0 : i32
    %add3A_10 = arith.addi %select_n3A_8, %add3A_9 : i32
    %dma_start3A = arith.constant 0 : i32
    %dma_start3A_11 = tpu.memref_slice %arg3[%add3A_10, %dma_start3A] : memref<2560x128xi32, #tpu.memory_space<hbm>> -> memref<1x64xi32, #tpu.memory_space<hbm>>
    %dma_start3A_12 = tpu.memref_squeeze %dma_start3A_11 : memref<1x64xi32, #tpu.memory_space<hbm>> -> memref<64xi32, #tpu.memory_space<hbm>>
    %dma_start3A_13 = arith.constant 0 : i32
    %dma_start3A_14 = tpu.memref_slice %arg3[%add3A_10, %dma_start3A_13] : memref<2560x128xi32, #tpu.memory_space<hbm>> -> memref<1x64xi32, #tpu.memory_space<hbm>>
    %dma_start3A_15 = tpu.memref_squeeze %dma_start3A_14 : memref<1x64xi32, #tpu.memory_space<hbm>> -> memref<64xi32, #tpu.memory_space<hbm>>
    tpu.enqueue_dma source(%dma_start3A_15 : memref<64xi32, #tpu.memory_space<hbm>>) target(%arg8 : memref<64xi32, #tpu.memory_space<vmem>>) target_semaphore(%arg25 : memref<!tpu.dma_semaphore, #tpu.memory_space<semaphore_mem>>)
    %add3A_16 = arith.constant 0 : i32
    %add3A_17 = arith.addi %select_n3A_8, %add3A_16 : i32
    %dma_start3A_18 = arith.constant 64 : i32
    %dma_start3A_19 = tpu.memref_slice %arg3[%add3A_17, %dma_start3A_18] : memref<2560x128xi32, #tpu.memory_space<hbm>> -> memref<1x64xi32, #tpu.memory_space<hbm>>
    %dma_start3A_20 = tpu.memref_squeeze %dma_start3A_19 : memref<1x64xi32, #tpu.memory_space<hbm>> -> memref<64xi32, #tpu.memory_space<hbm>>
    %dma_start3A_21 = arith.constant 64 : i32
    %dma_start3A_22 = tpu.memref_slice %arg3[%add3A_17, %dma_start3A_21] : memref<2560x128xi32, #tpu.memory_space<hbm>> -> memref<1x64xi32, #tpu.memory_space<hbm>>
    %dma_start3A_23 = tpu.memref_squeeze %dma_start3A_22 : memref<1x64xi32, #tpu.memory_space<hbm>> -> memref<64xi32, #tpu.memory_space<hbm>>
    tpu.enqueue_dma source(%dma_start3A_23 : memref<64xi32, #tpu.memory_space<hbm>>) target(%arg9 : memref<64xi32, #tpu.memory_space<vmem>>) target_semaphore(%arg25 : memref<!tpu.dma_semaphore, #tpu.memory_space<semaphore_mem>>)
    %add3A_24 = arith.constant 0 : i32
    %add3A_25 = arith.addi %select_n3A_8, %add3A_24 : i32
    %dma_start3A_26 = arith.constant 0 : i32
    %dma_start3A_27 = tpu.memref_slice %arg4[%add3A_25, %dma_start3A_26] : memref<2560x128xi32, #tpu.memory_space<hbm>> -> memref<1x128xi32, #tpu.memory_space<hbm>>
    %dma_start3A_28 = tpu.memref_squeeze %dma_start3A_27 : memref<1x128xi32, #tpu.memory_space<hbm>> -> memref<128xi32, #tpu.memory_space<hbm>>
    %dma_start3A_29 = arith.constant 0 : i32
    %dma_start3A_30 = tpu.memref_slice %arg4[%add3A_25, %dma_start3A_29] : memref<2560x128xi32, #tpu.memory_space<hbm>> -> memref<1x128xi32, #tpu.memory_space<hbm>>
    %dma_start3A_31 = tpu.memref_squeeze %dma_start3A_30 : memref<1x128xi32, #tpu.memory_space<hbm>> -> memref<128xi32, #tpu.memory_space<hbm>>
    tpu.enqueue_dma source(%dma_start3A_31 : memref<128xi32, #tpu.memory_space<hbm>>) target(%arg16 : memref<128xi32, #tpu.memory_space<vmem>>) target_semaphore(%arg25 : memref<!tpu.dma_semaphore, #tpu.memory_space<semaphore_mem>>)
    %add3A_32 = arith.constant 1 : i32
    %add3A_33 = arith.addi %select_n3A_8, %add3A_32 : i32
    %dma_start3A_34 = arith.constant 0 : i32
    %dma_start3A_35 = tpu.memref_slice %arg3[%add3A_33, %dma_start3A_34] : memref<2560x128xi32, #tpu.memory_space<hbm>> -> memref<1x64xi32, #tpu.memory_space<hbm>>
    %dma_start3A_36 = tpu.memref_squeeze %dma_start3A_35 : memref<1x64xi32, #tpu.memory_space<hbm>> -> memref<64xi32, #tpu.memory_space<hbm>>
    %dma_start3A_37 = arith.constant 0 : i32
    %dma_start3A_38 = tpu.memref_slice %arg3[%add3A_33, %dma_start3A_37] : memref<2560x128xi32, #tpu.memory_space<hbm>> -> memref<1x64xi32, #tpu.memory_space<hbm>>
    %dma_start3A_39 = tpu.memref_squeeze %dma_start3A_38 : memref<1x64xi32, #tpu.memory_space<hbm>> -> memref<64xi32, #tpu.memory_space<hbm>>
    tpu.enqueue_dma source(%dma_start3A_39 : memref<64xi32, #tpu.memory_space<hbm>>) target(%arg10 : memref<64xi32, #tpu.memory_space<vmem>>) target_semaphore(%arg26 : memref<!tpu.dma_semaphore, #tpu.memory_space<semaphore_mem>>)
    %add3A_40 = arith.constant 1 : i32
    %add3A_41 = arith.addi %select_n3A_8, %add3A_40 : i32
    %dma_start3A_42 = arith.constant 64 : i32
    %dma_start3A_43 = tpu.memref_slice %arg3[%add3A_41, %dma_start3A_42] : memref<2560x128xi32, #tpu.memory_space<hbm>> -> memref<1x64xi32, #tpu.memory_space<hbm>>
    %dma_start3A_44 = tpu.memref_squeeze %dma_start3A_43 : memref<1x64xi32, #tpu.memory_space<hbm>> -> memref<64xi32, #tpu.memory_space<hbm>>
    %dma_start3A_45 = arith.constant 64 : i32
    %dma_start3A_46 = tpu.memref_slice %arg3[%add3A_41, %dma_start3A_45] : memref<2560x128xi32, #tpu.memory_space<hbm>> -> memref<1x64xi32, #tpu.memory_space<hbm>>
    %dma_start3A_47 = tpu.memref_squeeze %dma_start3A_46 : memref<1x64xi32, #tpu.memory_space<hbm>> -> memref<64xi32, #tpu.memory_space<hbm>>
    tpu.enqueue_dma source(%dma_start3A_47 : memref<64xi32, #tpu.memory_space<hbm>>) target(%arg11 : memref<64xi32, #tpu.memory_space<vmem>>) target_semaphore(%arg26 : memref<!tpu.dma_semaphore, #tpu.memory_space<semaphore_mem>>)
    %add3A_48 = arith.constant 1 : i32
    %add3A_49 = arith.addi %select_n3A_8, %add3A_48 : i32
    %dma_start3A_50 = arith.constant 0 : i32
    %dma_start3A_51 = tpu.memref_slice %arg4[%add3A_49, %dma_start3A_50] : memref<2560x128xi32, #tpu.memory_space<hbm>> -> memref<1x128xi32, #tpu.memory_space<hbm>>
    %dma_start3A_52 = tpu.memref_squeeze %dma_start3A_51 : memref<1x128xi32, #tpu.memory_space<hbm>> -> memref<128xi32, #tpu.memory_space<hbm>>
    %dma_start3A_53 = arith.constant 0 : i32
    %dma_start3A_54 = tpu.memref_slice %arg4[%add3A_49, %dma_start3A_53] : memref<2560x128xi32, #tpu.memory_space<hbm>> -> memref<1x128xi32, #tpu.memory_space<hbm>>
    %dma_start3A_55 = tpu.memref_squeeze %dma_start3A_54 : memref<1x128xi32, #tpu.memory_space<hbm>> -> memref<128xi32, #tpu.memory_space<hbm>>
    tpu.enqueue_dma source(%dma_start3A_55 : memref<128xi32, #tpu.memory_space<hbm>>) target(%arg17 : memref<128xi32, #tpu.memory_space<vmem>>) target_semaphore(%arg26 : memref<!tpu.dma_semaphore, #tpu.memory_space<semaphore_mem>>)
    %add3A_56 = arith.constant 2 : i32
    %add3A_57 = arith.addi %select_n3A_8, %add3A_56 : i32
    %dma_start3A_58 = arith.constant 0 : i32
    %dma_start3A_59 = tpu.memref_slice %arg3[%add3A_57, %dma_start3A_58] : memref<2560x128xi32, #tpu.memory_space<hbm>> -> memref<1x64xi32, #tpu.memory_space<hbm>>
    %dma_start3A_60 = tpu.memref_squeeze %dma_start3A_59 : memref<1x64xi32, #tpu.memory_space<hbm>> -> memref<64xi32, #tpu.memory_space<hbm>>
    %dma_start3A_61 = arith.constant 0 : i32
    %dma_start3A_62 = tpu.memref_slice %arg3[%add3A_57, %dma_start3A_61] : memref<2560x128xi32, #tpu.memory_space<hbm>> -> memref<1x64xi32, #tpu.memory_space<hbm>>
    %dma_start3A_63 = tpu.memref_squeeze %dma_start3A_62 : memref<1x64xi32, #tpu.memory_space<hbm>> -> memref<64xi32, #tpu.memory_space<hbm>>
    tpu.enqueue_dma source(%dma_start3A_63 : memref<64xi32, #tpu.memory_space<hbm>>) target(%arg12 : memref<64xi32, #tpu.memory_space<vmem>>) target_semaphore(%arg27 : memref<!tpu.dma_semaphore, #tpu.memory_space<semaphore_mem>>)
    %add3A_64 = arith.constant 2 : i32
    %add3A_65 = arith.addi %select_n3A_8, %add3A_64 : i32
    %dma_start3A_66 = arith.constant 64 : i32
    %dma_start3A_67 = tpu.memref_slice %arg3[%add3A_65, %dma_start3A_66] : memref<2560x128xi32, #tpu.memory_space<hbm>> -> memref<1x64xi32, #tpu.memory_space<hbm>>
    %dma_start3A_68 = tpu.memref_squeeze %dma_start3A_67 : memref<1x64xi32, #tpu.memory_space<hbm>> -> memref<64xi32, #tpu.memory_space<hbm>>
    %dma_start3A_69 = arith.constant 64 : i32
    %dma_start3A_70 = tpu.memref_slice %arg3[%add3A_65, %dma_start3A_69] : memref<2560x128xi32, #tpu.memory_space<hbm>> -> memref<1x64xi32, #tpu.memory_space<hbm>>
    %dma_start3A_71 = tpu.memref_squeeze %dma_start3A_70 : memref<1x64xi32, #tpu.memory_space<hbm>> -> memref<64xi32, #tpu.memory_space<hbm>>
    tpu.enqueue_dma source(%dma_start3A_71 : memref<64xi32, #tpu.memory_space<hbm>>) target(%arg13 : memref<64xi32, #tpu.memory_space<vmem>>) target_semaphore(%arg27 : memref<!tpu.dma_semaphore, #tpu.memory_space<semaphore_mem>>)
    %add3A_72 = arith.constant 2 : i32
    %add3A_73 = arith.addi %select_n3A_8, %add3A_72 : i32
    %dma_start3A_74 = arith.constant 0 : i32
    %dma_start3A_75 = tpu.memref_slice %arg4[%add3A_73, %dma_start3A_74] : memref<2560x128xi32, #tpu.memory_space<hbm>> -> memref<1x128xi32, #tpu.memory_space<hbm>>
    %dma_start3A_76 = tpu.memref_squeeze %dma_start3A_75 : memref<1x128xi32, #tpu.memory_space<hbm>> -> memref<128xi32, #tpu.memory_space<hbm>>
    %dma_start3A_77 = arith.constant 0 : i32
    %dma_start3A_78 = tpu.memref_slice %arg4[%add3A_73, %dma_start3A_77] : memref<2560x128xi32, #tpu.memory_space<hbm>> -> memref<1x128xi32, #tpu.memory_space<hbm>>
    %dma_start3A_79 = tpu.memref_squeeze %dma_start3A_78 : memref<1x128xi32, #tpu.memory_space<hbm>> -> memref<128xi32, #tpu.memory_space<hbm>>
    tpu.enqueue_dma source(%dma_start3A_79 : memref<128xi32, #tpu.memory_space<hbm>>) target(%arg18 : memref<128xi32, #tpu.memory_space<vmem>>) target_semaphore(%arg27 : memref<!tpu.dma_semaphore, #tpu.memory_space<semaphore_mem>>)
    %add3A_80 = arith.constant 3 : i32
    %add3A_81 = arith.addi %select_n3A_8, %add3A_80 : i32
    %dma_start3A_82 = arith.constant 0 : i32
    %dma_start3A_83 = tpu.memref_slice %arg3[%add3A_81, %dma_start3A_82] : memref<2560x128xi32, #tpu.memory_space<hbm>> -> memref<1x64xi32, #tpu.memory_space<hbm>>
    %dma_start3A_84 = tpu.memref_squeeze %dma_start3A_83 : memref<1x64xi32, #tpu.memory_space<hbm>> -> memref<64xi32, #tpu.memory_space<hbm>>
    %dma_start3A_85 = arith.constant 0 : i32
    %dma_start3A_86 = tpu.memref_slice %arg3[%add3A_81, %dma_start3A_85] : memref<2560x128xi32, #tpu.memory_space<hbm>> -> memref<1x64xi32, #tpu.memory_space<hbm>>
    %dma_start3A_87 = tpu.memref_squeeze %dma_start3A_86 : memref<1x64xi32, #tpu.memory_space<hbm>> -> memref<64xi32, #tpu.memory_space<hbm>>
    tpu.enqueue_dma source(%dma_start3A_87 : memref<64xi32, #tpu.memory_space<hbm>>) target(%arg14 : memref<64xi32, #tpu.memory_space<vmem>>) target_semaphore(%arg28 : memref<!tpu.dma_semaphore, #tpu.memory_space<semaphore_mem>>)
    %add3A_88 = arith.constant 3 : i32
    %add3A_89 = arith.addi %select_n3A_8, %add3A_88 : i32
    %dma_start3A_90 = arith.constant 64 : i32
    %dma_start3A_91 = tpu.memref_slice %arg3[%add3A_89, %dma_start3A_90] : memref<2560x128xi32, #tpu.memory_space<hbm>> -> memref<1x64xi32, #tpu.memory_space<hbm>>
    %dma_start3A_92 = tpu.memref_squeeze %dma_start3A_91 : memref<1x64xi32, #tpu.memory_space<hbm>> -> memref<64xi32, #tpu.memory_space<hbm>>
    %dma_start3A_93 = arith.constant 64 : i32
    %dma_start3A_94 = tpu.memref_slice %arg3[%add3A_89, %dma_start3A_93] : memref<2560x128xi32, #tpu.memory_space<hbm>> -> memref<1x64xi32, #tpu.memory_space<hbm>>
    %dma_start3A_95 = tpu.memref_squeeze %dma_start3A_94 : memref<1x64xi32, #tpu.memory_space<hbm>> -> memref<64xi32, #tpu.memory_space<hbm>>
    tpu.enqueue_dma source(%dma_start3A_95 : memref<64xi32, #tpu.memory_space<hbm>>) target(%arg15 : memref<64xi32, #tpu.memory_space<vmem>>) target_semaphore(%arg28 : memref<!tpu.dma_semaphore, #tpu.memory_space<semaphore_mem>>)
    %add3A_96 = arith.constant 3 : i32
    %add3A_97 = arith.addi %select_n3A_8, %add3A_96 : i32
    %dma_start3A_98 = arith.constant 0 : i32
    %dma_start3A_99 = tpu.memref_slice %arg4[%add3A_97, %dma_start3A_98] : memref<2560x128xi32, #tpu.memory_space<hbm>> -> memref<1x128xi32, #tpu.memory_space<hbm>>
    %dma_start3A_100 = tpu.memref_squeeze %dma_start3A_99 : memref<1x128xi32, #tpu.memory_space<hbm>> -> memref<128xi32, #tpu.memory_space<hbm>>
    %dma_start3A_101 = arith.constant 0 : i32
    %dma_start3A_102 = tpu.memref_slice %arg4[%add3A_97, %dma_start3A_101] : memref<2560x128xi32, #tpu.memory_space<hbm>> -> memref<1x128xi32, #tpu.memory_space<hbm>>
    %dma_start3A_103 = tpu.memref_squeeze %dma_start3A_102 : memref<1x128xi32, #tpu.memory_space<hbm>> -> memref<128xi32, #tpu.memory_space<hbm>>
    tpu.enqueue_dma source(%dma_start3A_103 : memref<128xi32, #tpu.memory_space<hbm>>) target(%arg19 : memref<128xi32, #tpu.memory_space<vmem>>) target_semaphore(%arg28 : memref<!tpu.dma_semaphore, #tpu.memory_space<semaphore_mem>>)
    %scan3A = arith.constant 0 : i32
    %scan3A_104 = arith.constant 128 : i32
    %scan3A_105 = arith.addi %scan3A, %scan3A_104 : i32
    %scan3A_106 = arith.constant 1 : i32
    scf.for %scan3A_193 = %scan3A to %scan3A_105 step %scan3A_106  : i32 {
      %mul3A_194 = arith.constant 1 : i32
      %mul3A_195 = arith.muli %scan3A_193, %mul3A_194 : i32
      %add3A_196 = arith.constant 0 : i32
      %add3A_197 = arith.addi %add3A_196, %mul3A_195 : i32
      %scan3A_198 = arith.constant 0 : i32
      %scan3A_199 = arith.constant 8 : i32
      %scan3A_200 = arith.addi %scan3A_198, %scan3A_199 : i32
      %scan3A_201 = arith.constant 1 : i32
      scf.for %scan3A_203 = %scan3A_198 to %scan3A_200 step %scan3A_201  : i32 {
        %mul3A_204 = arith.constant 1 : i32
        %mul3A_205 = arith.muli %scan3A_203, %mul3A_204 : i32
        %add3A_206 = arith.constant 0 : i32
        %add3A_207 = arith.addi %add3A_206, %mul3A_205 : i32
        %broadcast_in_dim3A = arith.constant 0.000000e+00 : f32
        %broadcast_in_dim3A_208 = vector.broadcast %broadcast_in_dim3A : f32 to vector<16xf32>
        %mul3A_209 = arith.constant 16 : i32
        %mul3A_210 = arith.muli %add3A_207, %mul3A_209 : i32
        %swap3A = arith.index_cast %add3A_197 : i32 to index
        %swap3A_211 = arith.index_cast %mul3A_210 : i32 to index
        %swap3A_212 = tpu.vector_load %arg6[%swap3A, %swap3A_211] {strides = array<i32>} : memref<128x128xf32, #tpu.memory_space<vmem>>, vector<1x16xf32>,
        %swap3A_213 = vector.shape_cast %swap3A_212 : vector<1x16xf32> to vector<16xf32>
        %swap3A_214 = vector.shape_cast %broadcast_in_dim3A_208 : vector<16xf32> to vector<1x16xf32>
        tpu.vector_store %arg6[%swap3A, %swap3A_211], %swap3A_214 {strides = array<i32>} : memref<128x128xf32, #tpu.memory_space<vmem>>, vector<1x16xf32>,
      }
      %scan3A_202 = arith.constant 8 : i32
    }
    %scan3A_107 = arith.constant 128 : i32
    %scan3A_108 = arith.constant 0 : i32
    %scan3A_109 = arith.constant 5 : i32
    %scan3A_110 = arith.addi %scan3A_108, %scan3A_109 : i32
    %scan3A_111 = arith.constant 1 : i32
    scf.for %scan3A_193 = %scan3A_108 to %scan3A_110 step %scan3A_111  : i32 {
      %mul3A_194 = arith.constant 1 : i32
      %mul3A_195 = arith.muli %scan3A_193, %mul3A_194 : i32
      %add3A_196 = arith.constant 0 : i32
      %add3A_197 = arith.addi %add3A_196, %mul3A_195 : i32
      %mul3A_198 = arith.constant 640 : i32
      %mul3A_199 = arith.muli %arg1, %mul3A_198 : i32
      %mul3A_200 = arith.constant 128 : i32
      %mul3A_201 = arith.muli %add3A_197, %mul3A_200 : i32
      %add3A_202 = arith.addi %mul3A_199, %mul3A_201 : i32
      "tpu.region"() ({
        %run_scoped3A = tpu.sem_alloc : memref<!tpu.dma_semaphore, #tpu.memory_space<semaphore_mem>>
        %dma_start3A_203 = arith.constant 0 : i32
        %dma_start3A_204 = tpu.memref_slice %arg20[%add3A_202, %dma_start3A_203] : memref<10240x128xf32, #tpu.memory_space<vmem_shared>> -> memref<128x128xf32, #tpu.memory_space<vmem_shared>>
        %dma_start3A_205 = arith.constant 0 : i32
        %dma_start3A_206 = tpu.memref_slice %arg20[%add3A_202, %dma_start3A_205] : memref<10240x128xf32, #tpu.memory_space<vmem_shared>> -> memref<128x128xf32, #tpu.memory_space<vmem_shared>>
        tpu.enqueue_dma source(%arg6 : memref<128x128xf32, #tpu.memory_space<vmem>>) target(%dma_start3A_206 : memref<128x128xf32, #tpu.memory_space<vmem_shared>>) target_semaphore(%run_scoped3A : memref<!tpu.dma_semaphore, #tpu.memory_space<semaphore_mem>>)
        %dma_wait3A_207 = arith.constant 0 : i32
        %dma_wait3A_208 = tpu.memref_slice %arg20[%add3A_202, %dma_wait3A_207] : memref<10240x128xf32, #tpu.memory_space<vmem_shared>> -> memref<128x128xf32, #tpu.memory_space<vmem_shared>>
        %dma_wait3A_209 = arith.constant 0 : i32
        %dma_wait3A_210 = tpu.memref_slice %arg20[%add3A_202, %dma_wait3A_209] : memref<10240x128xf32, #tpu.memory_space<vmem_shared>> -> memref<128x128xf32, #tpu.memory_space<vmem_shared>>
        tpu.wait_dma2 semaphore(%run_scoped3A : memref<!tpu.dma_semaphore, #tpu.memory_space<semaphore_mem>>) src(%arg6 : memref<128x128xf32, #tpu.memory_space<vmem>>) dst(%dma_wait3A_210 : memref<128x128xf32, #tpu.memory_space<vmem_shared>>)
        tpu.yield
      }) : () -> ()
    }
    %scan3A_112 = arith.constant 5 : i32
    %barrier3A = arith.constant 0 : index
    tpu.barrier barrier_id(%barrier3A)
    %add3A_113 = arith.constant 0 : i32
    %add3A_114 = arith.addi %select_n3A_8, %add3A_113 : i32
    %dma_wait3A = arith.constant 0 : i32
    %dma_wait3A_115 = tpu.memref_slice %arg3[%add3A_114, %dma_wait3A] : memref<2560x128xi32, #tpu.memory_space<hbm>> -> memref<1x64xi32, #tpu.memory_space<hbm>>
    %dma_wait3A_116 = tpu.memref_squeeze %dma_wait3A_115 : memref<1x64xi32, #tpu.memory_space<hbm>> -> memref<64xi32, #tpu.memory_space<hbm>>
    %dma_wait3A_117 = arith.constant 0 : i32
    %dma_wait3A_118 = tpu.memref_slice %arg3[%add3A_114, %dma_wait3A_117] : memref<2560x128xi32, #tpu.memory_space<hbm>> -> memref<1x64xi32, #tpu.memory_space<hbm>>
    %dma_wait3A_119 = tpu.memref_squeeze %dma_wait3A_118 : memref<1x64xi32, #tpu.memory_space<hbm>> -> memref<64xi32, #tpu.memory_space<hbm>>
    tpu.wait_dma2 semaphore(%arg25 : memref<!tpu.dma_semaphore, #tpu.memory_space<semaphore_mem>>) src(%dma_wait3A_119 : memref<64xi32, #tpu.memory_space<hbm>>) dst(%arg8 : memref<64xi32, #tpu.memory_space<vmem>>)
    %add3A_120 = arith.constant 0 : i32
    %add3A_121 = arith.addi %select_n3A_8, %add3A_120 : i32
    %dma_wait3A_122 = arith.constant 64 : i32
    %dma_wait3A_123 = tpu.memref_slice %arg3[%add3A_121, %dma_wait3A_122] : memref<2560x128xi32, #tpu.memory_space<hbm>> -> memref<1x64xi32, #tpu.memory_space<hbm>>
    %dma_wait3A_124 = tpu.memref_squeeze %dma_wait3A_123 : memref<1x64xi32, #tpu.memory_space<hbm>> -> memref<64xi32, #tpu.memory_space<hbm>>
    %dma_wait3A_125 = arith.constant 64 : i32
    %dma_wait3A_126 = tpu.memref_slice %arg3[%add3A_121, %dma_wait3A_125] : memref<2560x128xi32, #tpu.memory_space<hbm>> -> memref<1x64xi32, #tpu.memory_space<hbm>>
    %dma_wait3A_127 = tpu.memref_squeeze %dma_wait3A_126 : memref<1x64xi32, #tpu.memory_space<hbm>> -> memref<64xi32, #tpu.memory_space<hbm>>
    tpu.wait_dma2 semaphore(%arg25 : memref<!tpu.dma_semaphore, #tpu.memory_space<semaphore_mem>>) src(%dma_wait3A_127 : memref<64xi32, #tpu.memory_space<hbm>>) dst(%arg9 : memref<64xi32, #tpu.memory_space<vmem>>)
    %add3A_128 = arith.constant 0 : i32
    %add3A_129 = arith.addi %select_n3A_8, %add3A_128 : i32
    %dma_wait3A_130 = arith.constant 0 : i32
    %dma_wait3A_131 = tpu.memref_slice %arg4[%add3A_129, %dma_wait3A_130] : memref<2560x128xi32, #tpu.memory_space<hbm>> -> memref<1x128xi32, #tpu.memory_space<hbm>>
    %dma_wait3A_132 = tpu.memref_squeeze %dma_wait3A_131 : memref<1x128xi32, #tpu.memory_space<hbm>> -> memref<128xi32, #tpu.memory_space<hbm>>
    %dma_wait3A_133 = arith.constant 0 : i32
    %dma_wait3A_134 = tpu.memref_slice %arg4[%add3A_129, %dma_wait3A_133] : memref<2560x128xi32, #tpu.memory_space<hbm>> -> memref<1x128xi32, #tpu.memory_space<hbm>>
    %dma_wait3A_135 = tpu.memref_squeeze %dma_wait3A_134 : memref<1x128xi32, #tpu.memory_space<hbm>> -> memref<128xi32, #tpu.memory_space<hbm>>
    tpu.wait_dma2 semaphore(%arg25 : memref<!tpu.dma_semaphore, #tpu.memory_space<semaphore_mem>>) src(%dma_wait3A_135 : memref<128xi32, #tpu.memory_space<hbm>>) dst(%arg16 : memref<128xi32, #tpu.memory_space<vmem>>)
    %dma_start3A_136 = arith.constant 0 : i32
    %dma_start3A_137 = arith.constant 0 : i32
    %dma_start3A_138 = tpu.memref_slice %arg6[%dma_start3A_136, %dma_start3A_137] : memref<128x128xf32, #tpu.memory_space<vmem>> -> memref<64x128xf32, #tpu.memory_space<vmem>>
    %dma_start3A_139 = arith.constant 0 : i32
    %dma_start3A_140 = arith.constant 0 : i32
    %dma_start3A_141 = tpu.memref_slice %arg2[%dma_start3A_139, %dma_start3A_140] : memref<10000x128xf32, #tpu.memory_space<hbm>> -> memref<10000x128xf32, #tpu.memory_space<hbm>>
    tpu.enqueue_indirect_dma source(%dma_start3A_141 : memref<10000x128xf32, #tpu.memory_space<hbm>>) target(%dma_start3A_138 : memref<64x128xf32, #tpu.memory_space<vmem>>) offsets(%arg8 : memref<64xi32, #tpu.memory_space<vmem>>) semaphore(%arg21 : memref<!tpu.dma_semaphore, #tpu.memory_space<semaphore_mem>>)
    %dma_start3A_142 = arith.constant 64 : i32
    %dma_start3A_143 = arith.constant 0 : i32
    %dma_start3A_144 = tpu.memref_slice %arg6[%dma_start3A_142, %dma_start3A_143] : memref<128x128xf32, #tpu.memory_space<vmem>> -> memref<64x128xf32, #tpu.memory_space<vmem>>
    %dma_start3A_145 = arith.constant 0 : i32
    %dma_start3A_146 = arith.constant 0 : i32
    %dma_start3A_147 = tpu.memref_slice %arg2[%dma_start3A_145, %dma_start3A_146] : memref<10000x128xf32, #tpu.memory_space<hbm>> -> memref<10000x128xf32, #tpu.memory_space<hbm>>
    tpu.enqueue_indirect_dma source(%dma_start3A_147 : memref<10000x128xf32, #tpu.memory_space<hbm>>) target(%dma_start3A_144 : memref<64x128xf32, #tpu.memory_space<vmem>>) offsets(%arg9 : memref<64xi32, #tpu.memory_space<vmem>>) semaphore(%arg21 : memref<!tpu.dma_semaphore, #tpu.memory_space<semaphore_mem>>)
    %jit3A_148 = arith.constant 4 : i32
    %div3A = arith.divsi %select_n3A, %jit3A_148 : i32
    %sign3A = arith.constant 0 : i32
    %sign3A_149 = arith.cmpi sgt, %select_n3A, %sign3A : i32
    %sign3A_150 = arith.extui %sign3A_149 : i1 to i32
    %sign3A_151 = arith.constant 0 : i32
    %sign3A_152 = arith.cmpi slt, %select_n3A, %sign3A_151 : i32
    %sign3A_153 = arith.extui %sign3A_152 : i1 to i32
    %sign3A_154 = arith.subi %sign3A_150, %sign3A_153 : i32
    %sign3A_155 = arith.constant 0 : i32
    %sign3A_156 = arith.cmpi sgt, %jit3A_148, %sign3A_155 : i32
    %sign3A_157 = arith.extui %sign3A_156 : i1 to i32
    %sign3A_158 = arith.constant 0 : i32
    %sign3A_159 = arith.cmpi slt, %jit3A_148, %sign3A_158 : i32
    %sign3A_160 = arith.extui %sign3A_159 : i1 to i32
    %sign3A_161 = arith.subi %sign3A_157, %sign3A_160 : i32
    %ne3A = arith.cmpi ne, %sign3A_154, %sign3A_161 : i32
    %rem3A = arith.remsi %select_n3A, %jit3A_148 : i32
    %ne3A_162 = arith.constant 0 : i32
    %ne3A_163 = arith.cmpi ne, %rem3A, %ne3A_162 : i32
    %and3A = arith.andi %ne3A, %ne3A_163 : i1
    %sub3A = arith.constant 1 : i32
    %sub3A_164 = arith.subi %div3A, %sub3A : i32
    %select_n3A_165 = arith.select %and3A, %sub3A_164, %div3A : i32
    %sub3A_166 = arith.constant 0 : i32
    %sub3A_167 = arith.subi %select_n3A_165, %sub3A_166 : i32
    %sub3A_168 = arith.constant 1 : i32
    %sub3A_169 = arith.constant 1 : i32
    %sub3A_170 = arith.subi %sub3A_168, %sub3A_169 : i32
    %add3A_171 = arith.addi %sub3A_167, %sub3A_170 : i32
    %div3A_172 = arith.constant 1 : i32
    %div3A_173 = arith.divsi %add3A_171, %div3A_172 : i32
    %while3A = arith.constant 1 : i32
    %while3A_174 = arith.constant 0 : i32
    %while3A_175 = arith.constant 0 : i32
    %while3A_176 = arith.subi %div3A_173, %while3A_175 : i32
    %while3A_177 = arith.addi %while3A_175, %while3A_176 : i32
    %while3A_178 = arith.constant 1 : i32
    %while3A_179 = arith.divsi %while3A_176, %while3A_178 : i32
    %while3A_180 = arith.muli %while3A_179, %while3A_178 : i32
    %while3A_181 = arith.addi %while3A_175, %while3A_180 : i32
    %while3A_182 = arith.constant 1 : i32
    scf.for %while3A_193 = %while3A_175 to %while3A_181 step %while3A_182  : i32 {
      %mul3A_194 = arith.muli %while3A_193, %while3A : i32
      %add3A_195 = arith.addi %while3A_174, %mul3A_194 : i32
      %mul3A_196 = arith.constant 4 : i32
      %mul3A_197 = arith.muli %add3A_195, %mul3A_196 : i32
      %add3A_198 = arith.constant 0 : i32
      %add3A_199 = arith.addi %mul3A_197, %add3A_198 : i32
      %ge3A = arith.constant 1 : i32
      %ge3A_200 = arith.cmpi sge, %add3A_199, %ge3A : i32
      %convert_element_type3A = arith.extui %ge3A_200 : i1 to i32
      %cond3A = arith.constant 0 : i32
      %cond3A_201 = arith.cmpi ne, %convert_element_type3A, %cond3A : i32
      scf.if %cond3A_201 {
        %dma_wait3A_312 = arith.constant 0 : i32
        %dma_wait3A_313 = arith.constant 0 : i32
        %dma_wait3A_314 = tpu.memref_slice %arg20[%dma_wait3A_312, %dma_wait3A_313] : memref<10240x128xf32, #tpu.memory_space<vmem_shared>> -> memref<10240x128xf32, #tpu.memory_space<vmem_shared>>
        tpu.wait_indirect_dma semaphore(%arg24 : memref<!tpu.dma_semaphore, #tpu.memory_space<semaphore_mem>>) src(%arg7 : memref<128x128xf32, #tpu.memory_space<vmem>>) dst(%dma_wait3A_314 : memref<10240x128xf32, #tpu.memory_space<vmem_shared>>)
        %add3A_315 = arith.constant 3 : i32
        %add3A_316 = arith.addi %add3A_199, %add3A_315 : i32
        %lt3A_317 = arith.cmpi slt, %add3A_316, %select_n3A : i32
        %convert_element_type3A_318 = arith.extui %lt3A_317 : i1 to i32
        %cond3A_319 = arith.constant 0 : i32
        %cond3A_320 = arith.cmpi ne, %convert_element_type3A_318, %cond3A_319 : i32
        scf.if %cond3A_320 {
          %add3A_321 = arith.constant 3 : i32
          %add3A_322 = arith.addi %add3A_199, %add3A_321 : i32
          %add3A_323 = arith.addi %select_n3A_8, %add3A_322 : i32
          %dma_start3A_324 = arith.constant 0 : i32
          %dma_start3A_325 = tpu.memref_slice %arg3[%add3A_323, %dma_start3A_324] : memref<2560x128xi32, #tpu.memory_space<hbm>> -> memref<1x64xi32, #tpu.memory_space<hbm>>
          %dma_start3A_326 = tpu.memref_squeeze %dma_start3A_325 : memref<1x64xi32, #tpu.memory_space<hbm>> -> memref<64xi32, #tpu.memory_space<hbm>>
          %dma_start3A_327 = arith.constant 0 : i32
          %dma_start3A_328 = tpu.memref_slice %arg3[%add3A_323, %dma_start3A_327] : memref<2560x128xi32, #tpu.memory_space<hbm>> -> memref<1x64xi32, #tpu.memory_space<hbm>>
          %dma_start3A_329 = tpu.memref_squeeze %dma_start3A_328 : memref<1x64xi32, #tpu.memory_space<hbm>> -> memref<64xi32, #tpu.memory_space<hbm>>
          tpu.enqueue_dma source(%dma_start3A_329 : memref<64xi32, #tpu.memory_space<hbm>>) target(%arg14 : memref<64xi32, #tpu.memory_space<vmem>>) target_semaphore(%arg28 : memref<!tpu.dma_semaphore, #tpu.memory_space<semaphore_mem>>)
          %add3A_330 = arith.addi %select_n3A_8, %add3A_322 : i32
          %dma_start3A_331 = arith.constant 64 : i32
          %dma_start3A_332 = tpu.memref_slice %arg3[%add3A_330, %dma_start3A_331] : memref<2560x128xi32, #tpu.memory_space<hbm>> -> memref<1x64xi32, #tpu.memory_space<hbm>>
          %dma_start3A_333 = tpu.memref_squeeze %dma_start3A_332 : memref<1x64xi32, #tpu.memory_space<hbm>> -> memref<64xi32, #tpu.memory_space<hbm>>
          %dma_start3A_334 = arith.constant 64 : i32
          %dma_start3A_335 = tpu.memref_slice %arg3[%add3A_330, %dma_start3A_334] : memref<2560x128xi32, #tpu.memory_space<hbm>> -> memref<1x64xi32, #tpu.memory_space<hbm>>
          %dma_start3A_336 = tpu.memref_squeeze %dma_start3A_335 : memref<1x64xi32, #tpu.memory_space<hbm>> -> memref<64xi32, #tpu.memory_space<hbm>>
          tpu.enqueue_dma source(%dma_start3A_336 : memref<64xi32, #tpu.memory_space<hbm>>) target(%arg15 : memref<64xi32, #tpu.memory_space<vmem>>) target_semaphore(%arg28 : memref<!tpu.dma_semaphore, #tpu.memory_space<semaphore_mem>>)
          %add3A_337 = arith.addi %select_n3A_8, %add3A_322 : i32
          %dma_start3A_338 = arith.constant 0 : i32
          %dma_start3A_339 = tpu.memref_slice %arg4[%add3A_337, %dma_start3A_338] : memref<2560x128xi32, #tpu.memory_space<hbm>> -> memref<1x128xi32, #tpu.memory_space<hbm>>
          %dma_start3A_340 = tpu.memref_squeeze %dma_start3A_339 : memref<1x128xi32, #tpu.memory_space<hbm>> -> memref<128xi32, #tpu.memory_space<hbm>>
          %dma_start3A_341 = arith.constant 0 : i32
          %dma_start3A_342 = tpu.memref_slice %arg4[%add3A_337, %dma_start3A_341] : memref<2560x128xi32, #tpu.memory_space<hbm>> -> memref<1x128xi32, #tpu.memory_space<hbm>>
          %dma_start3A_343 = tpu.memref_squeeze %dma_start3A_342 : memref<1x128xi32, #tpu.memory_space<hbm>> -> memref<128xi32, #tpu.memory_space<hbm>>
          tpu.enqueue_dma source(%dma_start3A_343 : memref<128xi32, #tpu.memory_space<hbm>>) target(%arg19 : memref<128xi32, #tpu.memory_space<vmem>>) target_semaphore(%arg28 : memref<!tpu.dma_semaphore, #tpu.memory_space<semaphore_mem>>)
        } else {
        }
      } else {
      }
      %add3A_202 = arith.constant 1 : i32
      %add3A_203 = arith.addi %add3A_199, %add3A_202 : i32
      %lt3A = arith.cmpi slt, %add3A_203, %select_n3A : i32
      %convert_element_type3A_204 = arith.extui %lt3A : i1 to i32
      %cond3A_205 = arith.constant 0 : i32
      %cond3A_206 = arith.cmpi ne, %convert_element_type3A_204, %cond3A_205 : i32
      scf.if %cond3A_206 {
        %add3A_312 = arith.constant 1 : i32
        %add3A_313 = arith.addi %add3A_199, %add3A_312 : i32
        %add3A_314 = arith.addi %select_n3A_8, %add3A_313 : i32
        %dma_wait3A_315 = arith.constant 0 : i32
        %dma_wait3A_316 = tpu.memref_slice %arg3[%add3A_314, %dma_wait3A_315] : memref<2560x128xi32, #tpu.memory_space<hbm>> -> memref<1x64xi32, #tpu.memory_space<hbm>>
        %dma_wait3A_317 = tpu.memref_squeeze %dma_wait3A_316 : memref<1x64xi32, #tpu.memory_space<hbm>> -> memref<64xi32, #tpu.memory_space<hbm>>
        %dma_wait3A_318 = arith.constant 0 : i32
        %dma_wait3A_319 = tpu.memref_slice %arg3[%add3A_314, %dma_wait3A_318] : memref<2560x128xi32, #tpu.memory_space<hbm>> -> memref<1x64xi32, #tpu.memory_space<hbm>>
        %dma_wait3A_320 = tpu.memref_squeeze %dma_wait3A_319 : memref<1x64xi32, #tpu.memory_space<hbm>> -> memref<64xi32, #tpu.memory_space<hbm>>
        tpu.wait_dma2 semaphore(%arg26 : memref<!tpu.dma_semaphore, #tpu.memory_space<semaphore_mem>>) src(%dma_wait3A_320 : memref<64xi32, #tpu.memory_space<hbm>>) dst(%arg10 : memref<64xi32, #tpu.memory_space<vmem>>)
        %add3A_321 = arith.addi %select_n3A_8, %add3A_313 : i32
        %dma_wait3A_322 = arith.constant 64 : i32
        %dma_wait3A_323 = tpu.memref_slice %arg3[%add3A_321, %dma_wait3A_322] : memref<2560x128xi32, #tpu.memory_space<hbm>> -> memref<1x64xi32, #tpu.memory_space<hbm>>
        %dma_wait3A_324 = tpu.memref_squeeze %dma_wait3A_323 : memref<1x64xi32, #tpu.memory_space<hbm>> -> memref<64xi32, #tpu.memory_space<hbm>>
        %dma_wait3A_325 = arith.constant 64 : i32
        %dma_wait3A_326 = tpu.memref_slice %arg3[%add3A_321, %dma_wait3A_325] : memref<2560x128xi32, #tpu.memory_space<hbm>> -> memref<1x64xi32, #tpu.memory_space<hbm>>
        %dma_wait3A_327 = tpu.memref_squeeze %dma_wait3A_326 : memref<1x64xi32, #tpu.memory_space<hbm>> -> memref<64xi32, #tpu.memory_space<hbm>>
        tpu.wait_dma2 semaphore(%arg26 : memref<!tpu.dma_semaphore, #tpu.memory_space<semaphore_mem>>) src(%dma_wait3A_327 : memref<64xi32, #tpu.memory_space<hbm>>) dst(%arg11 : memref<64xi32, #tpu.memory_space<vmem>>)
        %add3A_328 = arith.addi %select_n3A_8, %add3A_313 : i32
        %dma_wait3A_329 = arith.constant 0 : i32
        %dma_wait3A_330 = tpu.memref_slice %arg4[%add3A_328, %dma_wait3A_329] : memref<2560x128xi32, #tpu.memory_space<hbm>> -> memref<1x128xi32, #tpu.memory_space<hbm>>
        %dma_wait3A_331 = tpu.memref_squeeze %dma_wait3A_330 : memref<1x128xi32, #tpu.memory_space<hbm>> -> memref<128xi32, #tpu.memory_space<hbm>>
        %dma_wait3A_332 = arith.constant 0 : i32
        %dma_wait3A_333 = tpu.memref_slice %arg4[%add3A_328, %dma_wait3A_332] : memref<2560x128xi32, #tpu.memory_space<hbm>> -> memref<1x128xi32, #tpu.memory_space<hbm>>
        %dma_wait3A_334 = tpu.memref_squeeze %dma_wait3A_333 : memref<1x128xi32, #tpu.memory_space<hbm>> -> memref<128xi32, #tpu.memory_space<hbm>>
        tpu.wait_dma2 semaphore(%arg26 : memref<!tpu.dma_semaphore, #tpu.memory_space<semaphore_mem>>) src(%dma_wait3A_334 : memref<128xi32, #tpu.memory_space<hbm>>) dst(%arg17 : memref<128xi32, #tpu.memory_space<vmem>>)
        %dma_start3A_335 = arith.constant 0 : i32
        %dma_start3A_336 = arith.constant 0 : i32
        %dma_start3A_337 = tpu.memref_slice %arg7[%dma_start3A_335, %dma_start3A_336] : memref<128x128xf32, #tpu.memory_space<vmem>> -> memref<64x128xf32, #tpu.memory_space<vmem>>
        %dma_start3A_338 = arith.constant 0 : i32
        %dma_start3A_339 = arith.constant 0 : i32
        %dma_start3A_340 = tpu.memref_slice %arg2[%dma_start3A_338, %dma_start3A_339] : memref<10000x128xf32, #tpu.memory_space<hbm>> -> memref<10000x128xf32, #tpu.memory_space<hbm>>
        tpu.enqueue_indirect_dma source(%dma_start3A_340 : memref<10000x128xf32, #tpu.memory_space<hbm>>) target(%dma_start3A_337 : memref<64x128xf32, #tpu.memory_space<vmem>>) offsets(%arg10 : memref<64xi32, #tpu.memory_space<vmem>>) semaphore(%arg22 : memref<!tpu.dma_semaphore, #tpu.memory_space<semaphore_mem>>)
        %dma_start3A_341 = arith.constant 64 : i32
        %dma_start3A_342 = arith.constant 0 : i32
        %dma_start3A_343 = tpu.memref_slice %arg7[%dma_start3A_341, %dma_start3A_342] : memref<128x128xf32, #tpu.memory_space<vmem>> -> memref<64x128xf32, #tpu.memory_space<vmem>>
        %dma_start3A_344 = arith.constant 0 : i32
        %dma_start3A_345 = arith.constant 0 : i32
        %dma_start3A_346 = tpu.memref_slice %arg2[%dma_start3A_344, %dma_start3A_345] : memref<10000x128xf32, #tpu.memory_space<hbm>> -> memref<10000x128xf32, #tpu.memory_space<hbm>>
        tpu.enqueue_indirect_dma source(%dma_start3A_346 : memref<10000x128xf32, #tpu.memory_space<hbm>>) target(%dma_start3A_343 : memref<64x128xf32, #tpu.memory_space<vmem>>) offsets(%arg11 : memref<64xi32, #tpu.memory_space<vmem>>) semaphore(%arg22 : memref<!tpu.dma_semaphore, #tpu.memory_space<semaphore_mem>>)
      } else {
      }
      %dma_wait3A_207 = arith.constant 0 : i32
      %dma_wait3A_208 = arith.constant 0 : i32
      %dma_wait3A_209 = tpu.memref_slice %arg6[%dma_wait3A_207, %dma_wait3A_208] : memref<128x128xf32, #tpu.memory_space<vmem>> -> memref<64x128xf32, #tpu.memory_space<vmem>>
      %dma_wait3A_210 = arith.constant 0 : i32
      %dma_wait3A_211 = arith.constant 0 : i32
      %dma_wait3A_212 = tpu.memref_slice %arg2[%dma_wait3A_210, %dma_wait3A_211] : memref<10000x128xf32, #tpu.memory_space<hbm>> -> memref<10000x128xf32, #tpu.memory_space<hbm>>
      tpu.wait_indirect_dma semaphore(%arg21 : memref<!tpu.dma_semaphore, #tpu.memory_space<semaphore_mem>>) src(%dma_wait3A_212 : memref<10000x128xf32, #tpu.memory_space<hbm>>) dst(%dma_wait3A_209 : memref<64x128xf32, #tpu.memory_space<vmem>>)
      %dma_wait3A_213 = arith.constant 64 : i32
      %dma_wait3A_214 = arith.constant 0 : i32
      %dma_wait3A_215 = tpu.memref_slice %arg6[%dma_wait3A_213, %dma_wait3A_214] : memref<128x128xf32, #tpu.memory_space<vmem>> -> memref<64x128xf32, #tpu.memory_space<vmem>>
      %dma_wait3A_216 = arith.constant 0 : i32
      %dma_wait3A_217 = arith.constant 0 : i32
      %dma_wait3A_218 = tpu.memref_slice %arg2[%dma_wait3A_216, %dma_wait3A_217] : memref<10000x128xf32, #tpu.memory_space<hbm>> -> memref<10000x128xf32, #tpu.memory_space<hbm>>
      tpu.wait_indirect_dma semaphore(%arg21 : memref<!tpu.dma_semaphore, #tpu.memory_space<semaphore_mem>>) src(%dma_wait3A_218 : memref<10000x128xf32, #tpu.memory_space<hbm>>) dst(%dma_wait3A_215 : memref<64x128xf32, #tpu.memory_space<vmem>>)
      %dma_start3A_219 = arith.constant 0 : i32
      %dma_start3A_220 = arith.constant 0 : i32
      %dma_start3A_221 = tpu.memref_slice %arg20[%dma_start3A_219, %dma_start3A_220] : memref<10240x128xf32, #tpu.memory_space<vmem_shared>> -> memref<10240x128xf32, #tpu.memory_space<vmem_shared>>
      tpu.enqueue_indirect_dma source(%arg6 : memref<128x128xf32, #tpu.memory_space<vmem>>) target(%dma_start3A_221 : memref<10240x128xf32, #tpu.memory_space<vmem_shared>>) offsets(%arg16 : memref<128xi32, #tpu.memory_space<vmem>>) semaphore(%arg23 : memref<!tpu.dma_semaphore, #tpu.memory_space<semaphore_mem>>) {add = true}
      %mul3A_222 = arith.constant 4 : i32
      %mul3A_223 = arith.muli %add3A_195, %mul3A_222 : i32
      %add3A_224 = arith.constant 1 : i32
      %add3A_225 = arith.addi %mul3A_223, %add3A_224 : i32
      %ge3A_226 = arith.constant 1 : i32
      %ge3A_227 = arith.cmpi sge, %add3A_225, %ge3A_226 : i32
      %convert_element_type3A_228 = arith.extui %ge3A_227 : i1 to i32
      %cond3A_229 = arith.constant 0 : i32
      %cond3A_230 = arith.cmpi ne, %convert_element_type3A_228, %cond3A_229 : i32
      scf.if %cond3A_230 {
        %dma_wait3A_312 = arith.constant 0 : i32
        %dma_wait3A_313 = arith.constant 0 : i32
        %dma_wait3A_314 = tpu.memref_slice %arg20[%dma_wait3A_312, %dma_wait3A_313] : memref<10240x128xf32, #tpu.memory_space<vmem_shared>> -> memref<10240x128xf32, #tpu.memory_space<vmem_shared>>
        tpu.wait_indirect_dma semaphore(%arg23 : memref<!tpu.dma_semaphore, #tpu.memory_space<semaphore_mem>>) src(%arg6 : memref<128x128xf32, #tpu.memory_space<vmem>>) dst(%dma_wait3A_314 : memref<10240x128xf32, #tpu.memory_space<vmem_shared>>)
        %add3A_315 = arith.constant 3 : i32
        %add3A_316 = arith.addi %add3A_225, %add3A_315 : i32
        %lt3A_317 = arith.cmpi slt, %add3A_316, %select_n3A : i32
        %convert_element_type3A_318 = arith.extui %lt3A_317 : i1 to i32
        %cond3A_319 = arith.constant 0 : i32
        %cond3A_320 = arith.cmpi ne, %convert_element_type3A_318, %cond3A_319 : i32
        scf.if %cond3A_320 {
          %add3A_321 = arith.constant 3 : i32
          %add3A_322 = arith.addi %add3A_225, %add3A_321 : i32
          %add3A_323 = arith.addi %select_n3A_8, %add3A_322 : i32
          %dma_start3A_324 = arith.constant 0 : i32
          %dma_start3A_325 = tpu.memref_slice %arg3[%add3A_323, %dma_start3A_324] : memref<2560x128xi32, #tpu.memory_space<hbm>> -> memref<1x64xi32, #tpu.memory_space<hbm>>
          %dma_start3A_326 = tpu.memref_squeeze %dma_start3A_325 : memref<1x64xi32, #tpu.memory_space<hbm>> -> memref<64xi32, #tpu.memory_space<hbm>>
          %dma_start3A_327 = arith.constant 0 : i32
          %dma_start3A_328 = tpu.memref_slice %arg3[%add3A_323, %dma_start3A_327] : memref<2560x128xi32, #tpu.memory_space<hbm>> -> memref<1x64xi32, #tpu.memory_space<hbm>>
          %dma_start3A_329 = tpu.memref_squeeze %dma_start3A_328 : memref<1x64xi32, #tpu.memory_space<hbm>> -> memref<64xi32, #tpu.memory_space<hbm>>
          tpu.enqueue_dma source(%dma_start3A_329 : memref<64xi32, #tpu.memory_space<hbm>>) target(%arg8 : memref<64xi32, #tpu.memory_space<vmem>>) target_semaphore(%arg25 : memref<!tpu.dma_semaphore, #tpu.memory_space<semaphore_mem>>)
          %add3A_330 = arith.addi %select_n3A_8, %add3A_322 : i32
          %dma_start3A_331 = arith.constant 64 : i32
          %dma_start3A_332 = tpu.memref_slice %arg3[%add3A_330, %dma_start3A_331] : memref<2560x128xi32, #tpu.memory_space<hbm>> -> memref<1x64xi32, #tpu.memory_space<hbm>>
          %dma_start3A_333 = tpu.memref_squeeze %dma_start3A_332 : memref<1x64xi32, #tpu.memory_space<hbm>> -> memref<64xi32, #tpu.memory_space<hbm>>
          %dma_start3A_334 = arith.constant 64 : i32
          %dma_start3A_335 = tpu.memref_slice %arg3[%add3A_330, %dma_start3A_334] : memref<2560x128xi32, #tpu.memory_space<hbm>> -> memref<1x64xi32, #tpu.memory_space<hbm>>
          %dma_start3A_336 = tpu.memref_squeeze %dma_start3A_335 : memref<1x64xi32, #tpu.memory_space<hbm>> -> memref<64xi32, #tpu.memory_space<hbm>>
          tpu.enqueue_dma source(%dma_start3A_336 : memref<64xi32, #tpu.memory_space<hbm>>) target(%arg9 : memref<64xi32, #tpu.memory_space<vmem>>) target_semaphore(%arg25 : memref<!tpu.dma_semaphore, #tpu.memory_space<semaphore_mem>>)
          %add3A_337 = arith.addi %select_n3A_8, %add3A_322 : i32
          %dma_start3A_338 = arith.constant 0 : i32
          %dma_start3A_339 = tpu.memref_slice %arg4[%add3A_337, %dma_start3A_338] : memref<2560x128xi32, #tpu.memory_space<hbm>> -> memref<1x128xi32, #tpu.memory_space<hbm>>
          %dma_start3A_340 = tpu.memref_squeeze %dma_start3A_339 : memref<1x128xi32, #tpu.memory_space<hbm>> -> memref<128xi32, #tpu.memory_space<hbm>>
          %dma_start3A_341 = arith.constant 0 : i32
          %dma_start3A_342 = tpu.memref_slice %arg4[%add3A_337, %dma_start3A_341] : memref<2560x128xi32, #tpu.memory_space<hbm>> -> memref<1x128xi32, #tpu.memory_space<hbm>>
          %dma_start3A_343 = tpu.memref_squeeze %dma_start3A_342 : memref<1x128xi32, #tpu.memory_space<hbm>> -> memref<128xi32, #tpu.memory_space<hbm>>
          tpu.enqueue_dma source(%dma_start3A_343 : memref<128xi32, #tpu.memory_space<hbm>>) target(%arg16 : memref<128xi32, #tpu.memory_space<vmem>>) target_semaphore(%arg25 : memref<!tpu.dma_semaphore, #tpu.memory_space<semaphore_mem>>)
        } else {
        }
      } else {
      }
      %add3A_231 = arith.constant 1 : i32
      %add3A_232 = arith.addi %add3A_225, %add3A_231 : i32
      %lt3A_233 = arith.cmpi slt, %add3A_232, %select_n3A : i32
      %convert_element_type3A_234 = arith.extui %lt3A_233 : i1 to i32
      %cond3A_235 = arith.constant 0 : i32
      %cond3A_236 = arith.cmpi ne, %convert_element_type3A_234, %cond3A_235 : i32
      scf.if %cond3A_236 {
        %add3A_312 = arith.constant 1 : i32
        %add3A_313 = arith.addi %add3A_225, %add3A_312 : i32
        %add3A_314 = arith.addi %select_n3A_8, %add3A_313 : i32
        %dma_wait3A_315 = arith.constant 0 : i32
        %dma_wait3A_316 = tpu.memref_slice %arg3[%add3A_314, %dma_wait3A_315] : memref<2560x128xi32, #tpu.memory_space<hbm>> -> memref<1x64xi32, #tpu.memory_space<hbm>>
        %dma_wait3A_317 = tpu.memref_squeeze %dma_wait3A_316 : memref<1x64xi32, #tpu.memory_space<hbm>> -> memref<64xi32, #tpu.memory_space<hbm>>
        %dma_wait3A_318 = arith.constant 0 : i32
        %dma_wait3A_319 = tpu.memref_slice %arg3[%add3A_314, %dma_wait3A_318] : memref<2560x128xi32, #tpu.memory_space<hbm>> -> memref<1x64xi32, #tpu.memory_space<hbm>>
        %dma_wait3A_320 = tpu.memref_squeeze %dma_wait3A_319 : memref<1x64xi32, #tpu.memory_space<hbm>> -> memref<64xi32, #tpu.memory_space<hbm>>
        tpu.wait_dma2 semaphore(%arg27 : memref<!tpu.dma_semaphore, #tpu.memory_space<semaphore_mem>>) src(%dma_wait3A_320 : memref<64xi32, #tpu.memory_space<hbm>>) dst(%arg12 : memref<64xi32, #tpu.memory_space<vmem>>)
        %add3A_321 = arith.addi %select_n3A_8, %add3A_313 : i32
        %dma_wait3A_322 = arith.constant 64 : i32
        %dma_wait3A_323 = tpu.memref_slice %arg3[%add3A_321, %dma_wait3A_322] : memref<2560x128xi32, #tpu.memory_space<hbm>> -> memref<1x64xi32, #tpu.memory_space<hbm>>
        %dma_wait3A_324 = tpu.memref_squeeze %dma_wait3A_323 : memref<1x64xi32, #tpu.memory_space<hbm>> -> memref<64xi32, #tpu.memory_space<hbm>>
        %dma_wait3A_325 = arith.constant 64 : i32
        %dma_wait3A_326 = tpu.memref_slice %arg3[%add3A_321, %dma_wait3A_325] : memref<2560x128xi32, #tpu.memory_space<hbm>> -> memref<1x64xi32, #tpu.memory_space<hbm>>
        %dma_wait3A_327 = tpu.memref_squeeze %dma_wait3A_326 : memref<1x64xi32, #tpu.memory_space<hbm>> -> memref<64xi32, #tpu.memory_space<hbm>>
        tpu.wait_dma2 semaphore(%arg27 : memref<!tpu.dma_semaphore, #tpu.memory_space<semaphore_mem>>) src(%dma_wait3A_327 : memref<64xi32, #tpu.memory_space<hbm>>) dst(%arg13 : memref<64xi32, #tpu.memory_space<vmem>>)
        %add3A_328 = arith.addi %select_n3A_8, %add3A_313 : i32
        %dma_wait3A_329 = arith.constant 0 : i32
        %dma_wait3A_330 = tpu.memref_slice %arg4[%add3A_328, %dma_wait3A_329] : memref<2560x128xi32, #tpu.memory_space<hbm>> -> memref<1x128xi32, #tpu.memory_space<hbm>>
        %dma_wait3A_331 = tpu.memref_squeeze %dma_wait3A_330 : memref<1x128xi32, #tpu.memory_space<hbm>> -> memref<128xi32, #tpu.memory_space<hbm>>
        %dma_wait3A_332 = arith.constant 0 : i32
        %dma_wait3A_333 = tpu.memref_slice %arg4[%add3A_328, %dma_wait3A_332] : memref<2560x128xi32, #tpu.memory_space<hbm>> -> memref<1x128xi32, #tpu.memory_space<hbm>>
        %dma_wait3A_334 = tpu.memref_squeeze %dma_wait3A_333 : memref<1x128xi32, #tpu.memory_space<hbm>> -> memref<128xi32, #tpu.memory_space<hbm>>
        tpu.wait_dma2 semaphore(%arg27 : memref<!tpu.dma_semaphore, #tpu.memory_space<semaphore_mem>>) src(%dma_wait3A_334 : memref<128xi32, #tpu.memory_space<hbm>>) dst(%arg18 : memref<128xi32, #tpu.memory_space<vmem>>)
        %dma_start3A_335 = arith.constant 0 : i32
        %dma_start3A_336 = arith.constant 0 : i32
        %dma_start3A_337 = tpu.memref_slice %arg6[%dma_start3A_335, %dma_start3A_336] : memref<128x128xf32, #tpu.memory_space<vmem>> -> memref<64x128xf32, #tpu.memory_space<vmem>>
        %dma_start3A_338 = arith.constant 0 : i32
        %dma_start3A_339 = arith.constant 0 : i32
        %dma_start3A_340 = tpu.memref_slice %arg2[%dma_start3A_338, %dma_start3A_339] : memref<10000x128xf32, #tpu.memory_space<hbm>> -> memref<10000x128xf32, #tpu.memory_space<hbm>>
        tpu.enqueue_indirect_dma source(%dma_start3A_340 : memref<10000x128xf32, #tpu.memory_space<hbm>>) target(%dma_start3A_337 : memref<64x128xf32, #tpu.memory_space<vmem>>) offsets(%arg12 : memref<64xi32, #tpu.memory_space<vmem>>) semaphore(%arg21 : memref<!tpu.dma_semaphore, #tpu.memory_space<semaphore_mem>>)
        %dma_start3A_341 = arith.constant 64 : i32
        %dma_start3A_342 = arith.constant 0 : i32
        %dma_start3A_343 = tpu.memref_slice %arg6[%dma_start3A_341, %dma_start3A_342] : memref<128x128xf32, #tpu.memory_space<vmem>> -> memref<64x128xf32, #tpu.memory_space<vmem>>
        %dma_start3A_344 = arith.constant 0 : i32
        %dma_start3A_345 = arith.constant 0 : i32
        %dma_start3A_346 = tpu.memref_slice %arg2[%dma_start3A_344, %dma_start3A_345] : memref<10000x128xf32, #tpu.memory_space<hbm>> -> memref<10000x128xf32, #tpu.memory_space<hbm>>
        tpu.enqueue_indirect_dma source(%dma_start3A_346 : memref<10000x128xf32, #tpu.memory_space<hbm>>) target(%dma_start3A_343 : memref<64x128xf32, #tpu.memory_space<vmem>>) offsets(%arg13 : memref<64xi32, #tpu.memory_space<vmem>>) semaphore(%arg21 : memref<!tpu.dma_semaphore, #tpu.memory_space<semaphore_mem>>)
      } else {
      }
      %dma_wait3A_237 = arith.constant 0 : i32
      %dma_wait3A_238 = arith.constant 0 : i32
      %dma_wait3A_239 = tpu.memref_slice %arg7[%dma_wait3A_237, %dma_wait3A_238] : memref<128x128xf32, #tpu.memory_space<vmem>> -> memref<64x128xf32, #tpu.memory_space<vmem>>
      %dma_wait3A_240 = arith.constant 0 : i32
      %dma_wait3A_241 = arith.constant 0 : i32
      %dma_wait3A_242 = tpu.memref_slice %arg2[%dma_wait3A_240, %dma_wait3A_241] : memref<10000x128xf32, #tpu.memory_space<hbm>> -> memref<10000x128xf32, #tpu.memory_space<hbm>>
      tpu.wait_indirect_dma semaphore(%arg22 : memref<!tpu.dma_semaphore, #tpu.memory_space<semaphore_mem>>) src(%dma_wait3A_242 : memref<10000x128xf32, #tpu.memory_space<hbm>>) dst(%dma_wait3A_239 : memref<64x128xf32, #tpu.memory_space<vmem>>)
      %dma_wait3A_243 = arith.constant 64 : i32
      %dma_wait3A_244 = arith.constant 0 : i32
      %dma_wait3A_245 = tpu.memref_slice %arg7[%dma_wait3A_243, %dma_wait3A_244] : memref<128x128xf32, #tpu.memory_space<vmem>> -> memref<64x128xf32, #tpu.memory_space<vmem>>
      %dma_wait3A_246 = arith.constant 0 : i32
      %dma_wait3A_247 = arith.constant 0 : i32
      %dma_wait3A_248 = tpu.memref_slice %arg2[%dma_wait3A_246, %dma_wait3A_247] : memref<10000x128xf32, #tpu.memory_space<hbm>> -> memref<10000x128xf32, #tpu.memory_space<hbm>>
      tpu.wait_indirect_dma semaphore(%arg22 : memref<!tpu.dma_semaphore, #tpu.memory_space<semaphore_mem>>) src(%dma_wait3A_248 : memref<10000x128xf32, #tpu.memory_space<hbm>>) dst(%dma_wait3A_245 : memref<64x128xf32, #tpu.memory_space<vmem>>)
      %dma_start3A_249 = arith.constant 0 : i32
      %dma_start3A_250 = arith.constant 0 : i32
      %dma_start3A_251 = tpu.memref_slice %arg20[%dma_start3A_249, %dma_start3A_250] : memref<10240x128xf32, #tpu.memory_space<vmem_shared>> -> memref<10240x128xf32, #tpu.memory_space<vmem_shared>>
      tpu.enqueue_indirect_dma source(%arg7 : memref<128x128xf32, #tpu.memory_space<vmem>>) target(%dma_start3A_251 : memref<10240x128xf32, #tpu.memory_space<vmem_shared>>) offsets(%arg17 : memref<128xi32, #tpu.memory_space<vmem>>) semaphore(%arg24 : memref<!tpu.dma_semaphore, #tpu.memory_space<semaphore_mem>>) {add = true}
      %mul3A_252 = arith.constant 4 : i32
      %mul3A_253 = arith.muli %add3A_195, %mul3A_252 : i32
      %add3A_254 = arith.constant 2 : i32
      %add3A_255 = arith.addi %mul3A_253, %add3A_254 : i32
      %ge3A_256 = arith.constant 1 : i32
      %ge3A_257 = arith.cmpi sge, %add3A_255, %ge3A_256 : i32
      %convert_element_type3A_258 = arith.extui %ge3A_257 : i1 to i32
      %cond3A_259 = arith.constant 0 : i32
      %cond3A_260 = arith.cmpi ne, %convert_element_type3A_258, %cond3A_259 : i32
      scf.if %cond3A_260 {
        %dma_wait3A_312 = arith.constant 0 : i32
        %dma_wait3A_313 = arith.constant 0 : i32
        %dma_wait3A_314 = tpu.memref_slice %arg20[%dma_wait3A_312, %dma_wait3A_313] : memref<10240x128xf32, #tpu.memory_space<vmem_shared>> -> memref<10240x128xf32, #tpu.memory_space<vmem_shared>>
        tpu.wait_indirect_dma semaphore(%arg24 : memref<!tpu.dma_semaphore, #tpu.memory_space<semaphore_mem>>) src(%arg7 : memref<128x128xf32, #tpu.memory_space<vmem>>) dst(%dma_wait3A_314 : memref<10240x128xf32, #tpu.memory_space<vmem_shared>>)
        %add3A_315 = arith.constant 3 : i32
        %add3A_316 = arith.addi %add3A_255, %add3A_315 : i32
        %lt3A_317 = arith.cmpi slt, %add3A_316, %select_n3A : i32
        %convert_element_type3A_318 = arith.extui %lt3A_317 : i1 to i32
        %cond3A_319 = arith.constant 0 : i32
        %cond3A_320 = arith.cmpi ne, %convert_element_type3A_318, %cond3A_319 : i32
        scf.if %cond3A_320 {
          %add3A_321 = arith.constant 3 : i32
          %add3A_322 = arith.addi %add3A_255, %add3A_321 : i32
          %add3A_323 = arith.addi %select_n3A_8, %add3A_322 : i32
          %dma_start3A_324 = arith.constant 0 : i32
          %dma_start3A_325 = tpu.memref_slice %arg3[%add3A_323, %dma_start3A_324] : memref<2560x128xi32, #tpu.memory_space<hbm>> -> memref<1x64xi32, #tpu.memory_space<hbm>>
          %dma_start3A_326 = tpu.memref_squeeze %dma_start3A_325 : memref<1x64xi32, #tpu.memory_space<hbm>> -> memref<64xi32, #tpu.memory_space<hbm>>
          %dma_start3A_327 = arith.constant 0 : i32
          %dma_start3A_328 = tpu.memref_slice %arg3[%add3A_323, %dma_start3A_327] : memref<2560x128xi32, #tpu.memory_space<hbm>> -> memref<1x64xi32, #tpu.memory_space<hbm>>
          %dma_start3A_329 = tpu.memref_squeeze %dma_start3A_328 : memref<1x64xi32, #tpu.memory_space<hbm>> -> memref<64xi32, #tpu.memory_space<hbm>>
          tpu.enqueue_dma source(%dma_start3A_329 : memref<64xi32, #tpu.memory_space<hbm>>) target(%arg10 : memref<64xi32, #tpu.memory_space<vmem>>) target_semaphore(%arg26 : memref<!tpu.dma_semaphore, #tpu.memory_space<semaphore_mem>>)
          %add3A_330 = arith.addi %select_n3A_8, %add3A_322 : i32
          %dma_start3A_331 = arith.constant 64 : i32
          %dma_start3A_332 = tpu.memref_slice %arg3[%add3A_330, %dma_start3A_331] : memref<2560x128xi32, #tpu.memory_space<hbm>> -> memref<1x64xi32, #tpu.memory_space<hbm>>
          %dma_start3A_333 = tpu.memref_squeeze %dma_start3A_332 : memref<1x64xi32, #tpu.memory_space<hbm>> -> memref<64xi32, #tpu.memory_space<hbm>>
          %dma_start3A_334 = arith.constant 64 : i32
          %dma_start3A_335 = tpu.memref_slice %arg3[%add3A_330, %dma_start3A_334] : memref<2560x128xi32, #tpu.memory_space<hbm>> -> memref<1x64xi32, #tpu.memory_space<hbm>>
          %dma_start3A_336 = tpu.memref_squeeze %dma_start3A_335 : memref<1x64xi32, #tpu.memory_space<hbm>> -> memref<64xi32, #tpu.memory_space<hbm>>
          tpu.enqueue_dma source(%dma_start3A_336 : memref<64xi32, #tpu.memory_space<hbm>>) target(%arg11 : memref<64xi32, #tpu.memory_space<vmem>>) target_semaphore(%arg26 : memref<!tpu.dma_semaphore, #tpu.memory_space<semaphore_mem>>)
          %add3A_337 = arith.addi %select_n3A_8, %add3A_322 : i32
          %dma_start3A_338 = arith.constant 0 : i32
          %dma_start3A_339 = tpu.memref_slice %arg4[%add3A_337, %dma_start3A_338] : memref<2560x128xi32, #tpu.memory_space<hbm>> -> memref<1x128xi32, #tpu.memory_space<hbm>>
          %dma_start3A_340 = tpu.memref_squeeze %dma_start3A_339 : memref<1x128xi32, #tpu.memory_space<hbm>> -> memref<128xi32, #tpu.memory_space<hbm>>
          %dma_start3A_341 = arith.constant 0 : i32
          %dma_start3A_342 = tpu.memref_slice %arg4[%add3A_337, %dma_start3A_341] : memref<2560x128xi32, #tpu.memory_space<hbm>> -> memref<1x128xi32, #tpu.memory_space<hbm>>
          %dma_start3A_343 = tpu.memref_squeeze %dma_start3A_342 : memref<1x128xi32, #tpu.memory_space<hbm>> -> memref<128xi32, #tpu.memory_space<hbm>>
          tpu.enqueue_dma source(%dma_start3A_343 : memref<128xi32, #tpu.memory_space<hbm>>) target(%arg17 : memref<128xi32, #tpu.memory_space<vmem>>) target_semaphore(%arg26 : memref<!tpu.dma_semaphore, #tpu.memory_space<semaphore_mem>>)
        } else {
        }
      } else {
      }
      %add3A_261 = arith.constant 1 : i32
      %add3A_262 = arith.addi %add3A_255, %add3A_261 : i32
      %lt3A_263 = arith.cmpi slt, %add3A_262, %select_n3A : i32
      %convert_element_type3A_264 = arith.extui %lt3A_263 : i1 to i32
      %cond3A_265 = arith.constant 0 : i32
      %cond3A_266 = arith.cmpi ne, %convert_element_type3A_264, %cond3A_265 : i32
      scf.if %cond3A_266 {
        %add3A_312 = arith.constant 1 : i32
        %add3A_313 = arith.addi %add3A_255, %add3A_312 : i32
        %add3A_314 = arith.addi %select_n3A_8, %add3A_313 : i32
        %dma_wait3A_315 = arith.constant 0 : i32
        %dma_wait3A_316 = tpu.memref_slice %arg3[%add3A_314, %dma_wait3A_315] : memref<2560x128xi32, #tpu.memory_space<hbm>> -> memref<1x64xi32, #tpu.memory_space<hbm>>
        %dma_wait3A_317 = tpu.memref_squeeze %dma_wait3A_316 : memref<1x64xi32, #tpu.memory_space<hbm>> -> memref<64xi32, #tpu.memory_space<hbm>>
        %dma_wait3A_318 = arith.constant 0 : i32
        %dma_wait3A_319 = tpu.memref_slice %arg3[%add3A_314, %dma_wait3A_318] : memref<2560x128xi32, #tpu.memory_space<hbm>> -> memref<1x64xi32, #tpu.memory_space<hbm>>
        %dma_wait3A_320 = tpu.memref_squeeze %dma_wait3A_319 : memref<1x64xi32, #tpu.memory_space<hbm>> -> memref<64xi32, #tpu.memory_space<hbm>>
        tpu.wait_dma2 semaphore(%arg28 : memref<!tpu.dma_semaphore, #tpu.memory_space<semaphore_mem>>) src(%dma_wait3A_320 : memref<64xi32, #tpu.memory_space<hbm>>) dst(%arg14 : memref<64xi32, #tpu.memory_space<vmem>>)
        %add3A_321 = arith.addi %select_n3A_8, %add3A_313 : i32
        %dma_wait3A_322 = arith.constant 64 : i32
        %dma_wait3A_323 = tpu.memref_slice %arg3[%add3A_321, %dma_wait3A_322] : memref<2560x128xi32, #tpu.memory_space<hbm>> -> memref<1x64xi32, #tpu.memory_space<hbm>>
        %dma_wait3A_324 = tpu.memref_squeeze %dma_wait3A_323 : memref<1x64xi32, #tpu.memory_space<hbm>> -> memref<64xi32, #tpu.memory_space<hbm>>
        %dma_wait3A_325 = arith.constant 64 : i32
        %dma_wait3A_326 = tpu.memref_slice %arg3[%add3A_321, %dma_wait3A_325] : memref<2560x128xi32, #tpu.memory_space<hbm>> -> memref<1x64xi32, #tpu.memory_space<hbm>>
        %dma_wait3A_327 = tpu.memref_squeeze %dma_wait3A_326 : memref<1x64xi32, #tpu.memory_space<hbm>> -> memref<64xi32, #tpu.memory_space<hbm>>
        tpu.wait_dma2 semaphore(%arg28 : memref<!tpu.dma_semaphore, #tpu.memory_space<semaphore_mem>>) src(%dma_wait3A_327 : memref<64xi32, #tpu.memory_space<hbm>>) dst(%arg15 : memref<64xi32, #tpu.memory_space<vmem>>)
        %add3A_328 = arith.addi %select_n3A_8, %add3A_313 : i32
        %dma_wait3A_329 = arith.constant 0 : i32
        %dma_wait3A_330 = tpu.memref_slice %arg4[%add3A_328, %dma_wait3A_329] : memref<2560x128xi32, #tpu.memory_space<hbm>> -> memref<1x128xi32, #tpu.memory_space<hbm>>
        %dma_wait3A_331 = tpu.memref_squeeze %dma_wait3A_330 : memref<1x128xi32, #tpu.memory_space<hbm>> -> memref<128xi32, #tpu.memory_space<hbm>>
        %dma_wait3A_332 = arith.constant 0 : i32
        %dma_wait3A_333 = tpu.memref_slice %arg4[%add3A_328, %dma_wait3A_332] : memref<2560x128xi32, #tpu.memory_space<hbm>> -> memref<1x128xi32, #tpu.memory_space<hbm>>
        %dma_wait3A_334 = tpu.memref_squeeze %dma_wait3A_333 : memref<1x128xi32, #tpu.memory_space<hbm>> -> memref<128xi32, #tpu.memory_space<hbm>>
        tpu.wait_dma2 semaphore(%arg28 : memref<!tpu.dma_semaphore, #tpu.memory_space<semaphore_mem>>) src(%dma_wait3A_334 : memref<128xi32, #tpu.memory_space<hbm>>) dst(%arg19 : memref<128xi32, #tpu.memory_space<vmem>>)
        %dma_start3A_335 = arith.constant 0 : i32
        %dma_start3A_336 = arith.constant 0 : i32
        %dma_start3A_337 = tpu.memref_slice %arg7[%dma_start3A_335, %dma_start3A_336] : memref<128x128xf32, #tpu.memory_space<vmem>> -> memref<64x128xf32, #tpu.memory_space<vmem>>
        %dma_start3A_338 = arith.constant 0 : i32
        %dma_start3A_339 = arith.constant 0 : i32
        %dma_start3A_340 = tpu.memref_slice %arg2[%dma_start3A_338, %dma_start3A_339] : memref<10000x128xf32, #tpu.memory_space<hbm>> -> memref<10000x128xf32, #tpu.memory_space<hbm>>
        tpu.enqueue_indirect_dma source(%dma_start3A_340 : memref<10000x128xf32, #tpu.memory_space<hbm>>) target(%dma_start3A_337 : memref<64x128xf32, #tpu.memory_space<vmem>>) offsets(%arg14 : memref<64xi32, #tpu.memory_space<vmem>>) semaphore(%arg22 : memref<!tpu.dma_semaphore, #tpu.memory_space<semaphore_mem>>)
        %dma_start3A_341 = arith.constant 64 : i32
        %dma_start3A_342 = arith.constant 0 : i32
        %dma_start3A_343 = tpu.memref_slice %arg7[%dma_start3A_341, %dma_start3A_342] : memref<128x128xf32, #tpu.memory_space<vmem>> -> memref<64x128xf32, #tpu.memory_space<vmem>>
        %dma_start3A_344 = arith.constant 0 : i32
        %dma_start3A_345 = arith.constant 0 : i32
        %dma_start3A_346 = tpu.memref_slice %arg2[%dma_start3A_344, %dma_start3A_345] : memref<10000x128xf32, #tpu.memory_space<hbm>> -> memref<10000x128xf32, #tpu.memory_space<hbm>>
        tpu.enqueue_indirect_dma source(%dma_start3A_346 : memref<10000x128xf32, #tpu.memory_space<hbm>>) target(%dma_start3A_343 : memref<64x128xf32, #tpu.memory_space<vmem>>) offsets(%arg15 : memref<64xi32, #tpu.memory_space<vmem>>) semaphore(%arg22 : memref<!tpu.dma_semaphore, #tpu.memory_space<semaphore_mem>>)
      } else {
      }
      %dma_wait3A_267 = arith.constant 0 : i32
      %dma_wait3A_268 = arith.constant 0 : i32
      %dma_wait3A_269 = tpu.memref_slice %arg6[%dma_wait3A_267, %dma_wait3A_268] : memref<128x128xf32, #tpu.memory_space<vmem>> -> memref<64x128xf32, #tpu.memory_space<vmem>>
      %dma_wait3A_270 = arith.constant 0 : i32
      %dma_wait3A_271 = arith.constant 0 : i32
      %dma_wait3A_272 = tpu.memref_slice %arg2[%dma_wait3A_270, %dma_wait3A_271] : memref<10000x128xf32, #tpu.memory_space<hbm>> -> memref<10000x128xf32, #tpu.memory_space<hbm>>
      tpu.wait_indirect_dma semaphore(%arg21 : memref<!tpu.dma_semaphore, #tpu.memory_space<semaphore_mem>>) src(%dma_wait3A_272 : memref<10000x128xf32, #tpu.memory_space<hbm>>) dst(%dma_wait3A_269 : memref<64x128xf32, #tpu.memory_space<vmem>>)
      %dma_wait3A_273 = arith.constant 64 : i32
      %dma_wait3A_274 = arith.constant 0 : i32
      %dma_wait3A_275 = tpu.memref_slice %arg6[%dma_wait3A_273, %dma_wait3A_274] : memref<128x128xf32, #tpu.memory_space<vmem>> -> memref<64x128xf32, #tpu.memory_space<vmem>>
      %dma_wait3A_276 = arith.constant 0 : i32
      %dma_wait3A_277 = arith.constant 0 : i32
      %dma_wait3A_278 = tpu.memref_slice %arg2[%dma_wait3A_276, %dma_wait3A_277] : memref<10000x128xf32, #tpu.memory_space<hbm>> -> memref<10000x128xf32, #tpu.memory_space<hbm>>
      tpu.wait_indirect_dma semaphore(%arg21 : memref<!tpu.dma_semaphore, #tpu.memory_space<semaphore_mem>>) src(%dma_wait3A_278 : memref<10000x128xf32, #tpu.memory_space<hbm>>) dst(%dma_wait3A_275 : memref<64x128xf32, #tpu.memory_space<vmem>>)
      %dma_start3A_279 = arith.constant 0 : i32
      %dma_start3A_280 = arith.constant 0 : i32
      %dma_start3A_281 = tpu.memref_slice %arg20[%dma_start3A_279, %dma_start3A_280] : memref<10240x128xf32, #tpu.memory_space<vmem_shared>> -> memref<10240x128xf32, #tpu.memory_space<vmem_shared>>
      tpu.enqueue_indirect_dma source(%arg6 : memref<128x128xf32, #tpu.memory_space<vmem>>) target(%dma_start3A_281 : memref<10240x128xf32, #tpu.memory_space<vmem_shared>>) offsets(%arg18 : memref<128xi32, #tpu.memory_space<vmem>>) semaphore(%arg23 : memref<!tpu.dma_semaphore, #tpu.memory_space<semaphore_mem>>) {add = true}
      %mul3A_282 = arith.constant 4 : i32
      %mul3A_283 = arith.muli %add3A_195, %mul3A_282 : i32
      %add3A_284 = arith.constant 3 : i32
      %add3A_285 = arith.addi %mul3A_283, %add3A_284 : i32
      %ge3A_286 = arith.constant 1 : i32
      %ge3A_287 = arith.cmpi sge, %add3A_285, %ge3A_286 : i32
      %convert_element_type3A_288 = arith.extui %ge3A_287 : i1 to i32
      %cond3A_289 = arith.constant 0 : i32
      %cond3A_290 = arith.cmpi ne, %convert_element_type3A_288, %cond3A_289 : i32
      scf.if %cond3A_290 {
        %dma_wait3A_312 = arith.constant 0 : i32
        %dma_wait3A_313 = arith.constant 0 : i32
        %dma_wait3A_314 = tpu.memref_slice %arg20[%dma_wait3A_312, %dma_wait3A_313] : memref<10240x128xf32, #tpu.memory_space<vmem_shared>> -> memref<10240x128xf32, #tpu.memory_space<vmem_shared>>
        tpu.wait_indirect_dma semaphore(%arg23 : memref<!tpu.dma_semaphore, #tpu.memory_space<semaphore_mem>>) src(%arg6 : memref<128x128xf32, #tpu.memory_space<vmem>>) dst(%dma_wait3A_314 : memref<10240x128xf32, #tpu.memory_space<vmem_shared>>)
        %add3A_315 = arith.constant 3 : i32
        %add3A_316 = arith.addi %add3A_285, %add3A_315 : i32
        %lt3A_317 = arith.cmpi slt, %add3A_316, %select_n3A : i32
        %convert_element_type3A_318 = arith.extui %lt3A_317 : i1 to i32
        %cond3A_319 = arith.constant 0 : i32
        %cond3A_320 = arith.cmpi ne, %convert_element_type3A_318, %cond3A_319 : i32
        scf.if %cond3A_320 {
          %add3A_321 = arith.constant 3 : i32
          %add3A_322 = arith.addi %add3A_285, %add3A_321 : i32
          %add3A_323 = arith.addi %select_n3A_8, %add3A_322 : i32
          %dma_start3A_324 = arith.constant 0 : i32
          %dma_start3A_325 = tpu.memref_slice %arg3[%add3A_323, %dma_start3A_324] : memref<2560x128xi32, #tpu.memory_space<hbm>> -> memref<1x64xi32, #tpu.memory_space<hbm>>
          %dma_start3A_326 = tpu.memref_squeeze %dma_start3A_325 : memref<1x64xi32, #tpu.memory_space<hbm>> -> memref<64xi32, #tpu.memory_space<hbm>>
          %dma_start3A_327 = arith.constant 0 : i32
          %dma_start3A_328 = tpu.memref_slice %arg3[%add3A_323, %dma_start3A_327] : memref<2560x128xi32, #tpu.memory_space<hbm>> -> memref<1x64xi32, #tpu.memory_space<hbm>>
          %dma_start3A_329 = tpu.memref_squeeze %dma_start3A_328 : memref<1x64xi32, #tpu.memory_space<hbm>> -> memref<64xi32, #tpu.memory_space<hbm>>
          tpu.enqueue_dma source(%dma_start3A_329 : memref<64xi32, #tpu.memory_space<hbm>>) target(%arg12 : memref<64xi32, #tpu.memory_space<vmem>>) target_semaphore(%arg27 : memref<!tpu.dma_semaphore, #tpu.memory_space<semaphore_mem>>)
          %add3A_330 = arith.addi %select_n3A_8, %add3A_322 : i32
          %dma_start3A_331 = arith.constant 64 : i32
          %dma_start3A_332 = tpu.memref_slice %arg3[%add3A_330, %dma_start3A_331] : memref<2560x128xi32, #tpu.memory_space<hbm>> -> memref<1x64xi32, #tpu.memory_space<hbm>>
          %dma_start3A_333 = tpu.memref_squeeze %dma_start3A_332 : memref<1x64xi32, #tpu.memory_space<hbm>> -> memref<64xi32, #tpu.memory_space<hbm>>
          %dma_start3A_334 = arith.constant 64 : i32
          %dma_start3A_335 = tpu.memref_slice %arg3[%add3A_330, %dma_start3A_334] : memref<2560x128xi32, #tpu.memory_space<hbm>> -> memref<1x64xi32, #tpu.memory_space<hbm>>
          %dma_start3A_336 = tpu.memref_squeeze %dma_start3A_335 : memref<1x64xi32, #tpu.memory_space<hbm>> -> memref<64xi32, #tpu.memory_space<hbm>>
          tpu.enqueue_dma source(%dma_start3A_336 : memref<64xi32, #tpu.memory_space<hbm>>) target(%arg13 : memref<64xi32, #tpu.memory_space<vmem>>) target_semaphore(%arg27 : memref<!tpu.dma_semaphore, #tpu.memory_space<semaphore_mem>>)
          %add3A_337 = arith.addi %select_n3A_8, %add3A_322 : i32
          %dma_start3A_338 = arith.constant 0 : i32
          %dma_start3A_339 = tpu.memref_slice %arg4[%add3A_337, %dma_start3A_338] : memref<2560x128xi32, #tpu.memory_space<hbm>> -> memref<1x128xi32, #tpu.memory_space<hbm>>
          %dma_start3A_340 = tpu.memref_squeeze %dma_start3A_339 : memref<1x128xi32, #tpu.memory_space<hbm>> -> memref<128xi32, #tpu.memory_space<hbm>>
          %dma_start3A_341 = arith.constant 0 : i32
          %dma_start3A_342 = tpu.memref_slice %arg4[%add3A_337, %dma_start3A_341] : memref<2560x128xi32, #tpu.memory_space<hbm>> -> memref<1x128xi32, #tpu.memory_space<hbm>>
          %dma_start3A_343 = tpu.memref_squeeze %dma_start3A_342 : memref<1x128xi32, #tpu.memory_space<hbm>> -> memref<128xi32, #tpu.memory_space<hbm>>
          tpu.enqueue_dma source(%dma_start3A_343 : memref<128xi32, #tpu.memory_space<hbm>>) target(%arg18 : memref<128xi32, #tpu.memory_space<vmem>>) target_semaphore(%arg27 : memref<!tpu.dma_semaphore, #tpu.memory_space<semaphore_mem>>)
        } else {
        }
      } else {
      }
      %add3A_291 = arith.constant 1 : i32
      %add3A_292 = arith.addi %add3A_285, %add3A_291 : i32
      %lt3A_293 = arith.cmpi slt, %add3A_292, %select_n3A : i32
      %convert_element_type3A_294 = arith.extui %lt3A_293 : i1 to i32
      %cond3A_295 = arith.constant 0 : i32
      %cond3A_296 = arith.cmpi ne, %convert_element_type3A_294, %cond3A_295 : i32
      scf.if %cond3A_296 {
        %add3A_312 = arith.constant 1 : i32
        %add3A_313 = arith.addi %add3A_285, %add3A_312 : i32
        %add3A_314 = arith.addi %select_n3A_8, %add3A_313 : i32
        %dma_wait3A_315 = arith.constant 0 : i32
        %dma_wait3A_316 = tpu.memref_slice %arg3[%add3A_314, %dma_wait3A_315] : memref<2560x128xi32, #tpu.memory_space<hbm>> -> memref<1x64xi32, #tpu.memory_space<hbm>>
        %dma_wait3A_317 = tpu.memref_squeeze %dma_wait3A_316 : memref<1x64xi32, #tpu.memory_space<hbm>> -> memref<64xi32, #tpu.memory_space<hbm>>
        %dma_wait3A_318 = arith.constant 0 : i32
        %dma_wait3A_319 = tpu.memref_slice %arg3[%add3A_314, %dma_wait3A_318] : memref<2560x128xi32, #tpu.memory_space<hbm>> -> memref<1x64xi32, #tpu.memory_space<hbm>>
        %dma_wait3A_320 = tpu.memref_squeeze %dma_wait3A_319 : memref<1x64xi32, #tpu.memory_space<hbm>> -> memref<64xi32, #tpu.memory_space<hbm>>
        tpu.wait_dma2 semaphore(%arg25 : memref<!tpu.dma_semaphore, #tpu.memory_space<semaphore_mem>>) src(%dma_wait3A_320 : memref<64xi32, #tpu.memory_space<hbm>>) dst(%arg8 : memref<64xi32, #tpu.memory_space<vmem>>)
        %add3A_321 = arith.addi %select_n3A_8, %add3A_313 : i32
        %dma_wait3A_322 = arith.constant 64 : i32
        %dma_wait3A_323 = tpu.memref_slice %arg3[%add3A_321, %dma_wait3A_322] : memref<2560x128xi32, #tpu.memory_space<hbm>> -> memref<1x64xi32, #tpu.memory_space<hbm>>
        %dma_wait3A_324 = tpu.memref_squeeze %dma_wait3A_323 : memref<1x64xi32, #tpu.memory_space<hbm>> -> memref<64xi32, #tpu.memory_space<hbm>>
        %dma_wait3A_325 = arith.constant 64 : i32
        %dma_wait3A_326 = tpu.memref_slice %arg3[%add3A_321, %dma_wait3A_325] : memref<2560x128xi32, #tpu.memory_space<hbm>> -> memref<1x64xi32, #tpu.memory_space<hbm>>
        %dma_wait3A_327 = tpu.memref_squeeze %dma_wait3A_326 : memref<1x64xi32, #tpu.memory_space<hbm>> -> memref<64xi32, #tpu.memory_space<hbm>>
        tpu.wait_dma2 semaphore(%arg25 : memref<!tpu.dma_semaphore, #tpu.memory_space<semaphore_mem>>) src(%dma_wait3A_327 : memref<64xi32, #tpu.memory_space<hbm>>) dst(%arg9 : memref<64xi32, #tpu.memory_space<vmem>>)
        %add3A_328 = arith.addi %select_n3A_8, %add3A_313 : i32
        %dma_wait3A_329 = arith.constant 0 : i32
        %dma_wait3A_330 = tpu.memref_slice %arg4[%add3A_328, %dma_wait3A_329] : memref<2560x128xi32, #tpu.memory_space<hbm>> -> memref<1x128xi32, #tpu.memory_space<hbm>>
        %dma_wait3A_331 = tpu.memref_squeeze %dma_wait3A_330 : memref<1x128xi32, #tpu.memory_space<hbm>> -> memref<128xi32, #tpu.memory_space<hbm>>
        %dma_wait3A_332 = arith.constant 0 : i32
        %dma_wait3A_333 = tpu.memref_slice %arg4[%add3A_328, %dma_wait3A_332] : memref<2560x128xi32, #tpu.memory_space<hbm>> -> memref<1x128xi32, #tpu.memory_space<hbm>>
        %dma_wait3A_334 = tpu.memref_squeeze %dma_wait3A_333 : memref<1x128xi32, #tpu.memory_space<hbm>> -> memref<128xi32, #tpu.memory_space<hbm>>
        tpu.wait_dma2 semaphore(%arg25 : memref<!tpu.dma_semaphore, #tpu.memory_space<semaphore_mem>>) src(%dma_wait3A_334 : memref<128xi32, #tpu.memory_space<hbm>>) dst(%arg16 : memref<128xi32, #tpu.memory_space<vmem>>)
        %dma_start3A_335 = arith.constant 0 : i32
        %dma_start3A_336 = arith.constant 0 : i32
        %dma_start3A_337 = tpu.memref_slice %arg6[%dma_start3A_335, %dma_start3A_336] : memref<128x128xf32, #tpu.memory_space<vmem>> -> memref<64x128xf32, #tpu.memory_space<vmem>>
        %dma_start3A_338 = arith.constant 0 : i32
        %dma_start3A_339 = arith.constant 0 : i32
        %dma_start3A_340 = tpu.memref_slice %arg2[%dma_start3A_338, %dma_start3A_339] : memref<10000x128xf32, #tpu.memory_space<hbm>> -> memref<10000x128xf32, #tpu.memory_space<hbm>>
        tpu.enqueue_indirect_dma source(%dma_start3A_340 : memref<10000x128xf32, #tpu.memory_space<hbm>>) target(%dma_start3A_337 : memref<64x128xf32, #tpu.memory_space<vmem>>) offsets(%arg8 : memref<64xi32, #tpu.memory_space<vmem>>) semaphore(%arg21 : memref<!tpu.dma_semaphore, #tpu.memory_space<semaphore_mem>>)
        %dma_start3A_341 = arith.constant 64 : i32
        %dma_start3A_342 = arith.constant 0 : i32
        %dma_start3A_343 = tpu.memref_slice %arg6[%dma_start3A_341, %dma_start3A_342] : memref<128x128xf32, #tpu.memory_space<vmem>> -> memref<64x128xf32, #tpu.memory_space<vmem>>
        %dma_start3A_344 = arith.constant 0 : i32
        %dma_start3A_345 = arith.constant 0 : i32
        %dma_start3A_346 = tpu.memref_slice %arg2[%dma_start3A_344, %dma_start3A_345] : memref<10000x128xf32, #tpu.memory_space<hbm>> -> memref<10000x128xf32, #tpu.memory_space<hbm>>
        tpu.enqueue_indirect_dma source(%dma_start3A_346 : memref<10000x128xf32, #tpu.memory_space<hbm>>) target(%dma_start3A_343 : memref<64x128xf32, #tpu.memory_space<vmem>>) offsets(%arg9 : memref<64xi32, #tpu.memory_space<vmem>>) semaphore(%arg21 : memref<!tpu.dma_semaphore, #tpu.memory_space<semaphore_mem>>)
      } else {
      }
      %dma_wait3A_297 = arith.constant 0 : i32
      %dma_wait3A_298 = arith.constant 0 : i32
      %dma_wait3A_299 = tpu.memref_slice %arg7[%dma_wait3A_297, %dma_wait3A_298] : memref<128x128xf32, #tpu.memory_space<vmem>> -> memref<64x128xf32, #tpu.memory_space<vmem>>
      %dma_wait3A_300 = arith.constant 0 : i32
      %dma_wait3A_301 = arith.constant 0 : i32
      %dma_wait3A_302 = tpu.memref_slice %arg2[%dma_wait3A_300, %dma_wait3A_301] : memref<10000x128xf32, #tpu.memory_space<hbm>> -> memref<10000x128xf32, #tpu.memory_space<hbm>>
      tpu.wait_indirect_dma semaphore(%arg22 : memref<!tpu.dma_semaphore, #tpu.memory_space<semaphore_mem>>) src(%dma_wait3A_302 : memref<10000x128xf32, #tpu.memory_space<hbm>>) dst(%dma_wait3A_299 : memref<64x128xf32, #tpu.memory_space<vmem>>)
      %dma_wait3A_303 = arith.constant 64 : i32
      %dma_wait3A_304 = arith.constant 0 : i32
      %dma_wait3A_305 = tpu.memref_slice %arg7[%dma_wait3A_303, %dma_wait3A_304] : memref<128x128xf32, #tpu.memory_space<vmem>> -> memref<64x128xf32, #tpu.memory_space<vmem>>
      %dma_wait3A_306 = arith.constant 0 : i32
      %dma_wait3A_307 = arith.constant 0 : i32
      %dma_wait3A_308 = tpu.memref_slice %arg2[%dma_wait3A_306, %dma_wait3A_307] : memref<10000x128xf32, #tpu.memory_space<hbm>> -> memref<10000x128xf32, #tpu.memory_space<hbm>>
      tpu.wait_indirect_dma semaphore(%arg22 : memref<!tpu.dma_semaphore, #tpu.memory_space<semaphore_mem>>) src(%dma_wait3A_308 : memref<10000x128xf32, #tpu.memory_space<hbm>>) dst(%dma_wait3A_305 : memref<64x128xf32, #tpu.memory_space<vmem>>)
      %dma_start3A_309 = arith.constant 0 : i32
      %dma_start3A_310 = arith.constant 0 : i32
      %dma_start3A_311 = tpu.memref_slice %arg20[%dma_start3A_309, %dma_start3A_310] : memref<10240x128xf32, #tpu.memory_space<vmem_shared>> -> memref<10240x128xf32, #tpu.memory_space<vmem_shared>>
      tpu.enqueue_indirect_dma source(%arg7 : memref<128x128xf32, #tpu.memory_space<vmem>>) target(%dma_start3A_311 : memref<10240x128xf32, #tpu.memory_space<vmem_shared>>) offsets(%arg19 : memref<128xi32, #tpu.memory_space<vmem>>) semaphore(%arg24 : memref<!tpu.dma_semaphore, #tpu.memory_space<semaphore_mem>>) {add = true}
    }
    %while3A_183 = arith.constant 1 : i32
    scf.for %while3A_193 = %while3A_181 to %while3A_177 step %while3A_183  : i32 {
      %mul3A_194 = arith.muli %while3A_193, %while3A : i32
      %add3A_195 = arith.addi %while3A_174, %mul3A_194 : i32
      %mul3A_196 = arith.constant 4 : i32
      %mul3A_197 = arith.muli %add3A_195, %mul3A_196 : i32
      %add3A_198 = arith.constant 0 : i32
      %add3A_199 = arith.addi %mul3A_197, %add3A_198 : i32
      %ge3A = arith.constant 1 : i32
      %ge3A_200 = arith.cmpi sge, %add3A_199, %ge3A : i32
      %convert_element_type3A = arith.extui %ge3A_200 : i1 to i32
      %cond3A = arith.constant 0 : i32
      %cond3A_201 = arith.cmpi ne, %convert_element_type3A, %cond3A : i32
      scf.if %cond3A_201 {
        %dma_wait3A_312 = arith.constant 0 : i32
        %dma_wait3A_313 = arith.constant 0 : i32
        %dma_wait3A_314 = tpu.memref_slice %arg20[%dma_wait3A_312, %dma_wait3A_313] : memref<10240x128xf32, #tpu.memory_space<vmem_shared>> -> memref<10240x128xf32, #tpu.memory_space<vmem_shared>>
        tpu.wait_indirect_dma semaphore(%arg24 : memref<!tpu.dma_semaphore, #tpu.memory_space<semaphore_mem>>) src(%arg7 : memref<128x128xf32, #tpu.memory_space<vmem>>) dst(%dma_wait3A_314 : memref<10240x128xf32, #tpu.memory_space<vmem_shared>>)
        %add3A_315 = arith.constant 3 : i32
        %add3A_316 = arith.addi %add3A_199, %add3A_315 : i32
        %lt3A_317 = arith.cmpi slt, %add3A_316, %select_n3A : i32
        %convert_element_type3A_318 = arith.extui %lt3A_317 : i1 to i32
        %cond3A_319 = arith.constant 0 : i32
        %cond3A_320 = arith.cmpi ne, %convert_element_type3A_318, %cond3A_319 : i32
        scf.if %cond3A_320 {
          %add3A_321 = arith.constant 3 : i32
          %add3A_322 = arith.addi %add3A_199, %add3A_321 : i32
          %add3A_323 = arith.addi %select_n3A_8, %add3A_322 : i32
          %dma_start3A_324 = arith.constant 0 : i32
          %dma_start3A_325 = tpu.memref_slice %arg3[%add3A_323, %dma_start3A_324] : memref<2560x128xi32, #tpu.memory_space<hbm>> -> memref<1x64xi32, #tpu.memory_space<hbm>>
          %dma_start3A_326 = tpu.memref_squeeze %dma_start3A_325 : memref<1x64xi32, #tpu.memory_space<hbm>> -> memref<64xi32, #tpu.memory_space<hbm>>
          %dma_start3A_327 = arith.constant 0 : i32
          %dma_start3A_328 = tpu.memref_slice %arg3[%add3A_323, %dma_start3A_327] : memref<2560x128xi32, #tpu.memory_space<hbm>> -> memref<1x64xi32, #tpu.memory_space<hbm>>
          %dma_start3A_329 = tpu.memref_squeeze %dma_start3A_328 : memref<1x64xi32, #tpu.memory_space<hbm>> -> memref<64xi32, #tpu.memory_space<hbm>>
          tpu.enqueue_dma source(%dma_start3A_329 : memref<64xi32, #tpu.memory_space<hbm>>) target(%arg14 : memref<64xi32, #tpu.memory_space<vmem>>) target_semaphore(%arg28 : memref<!tpu.dma_semaphore, #tpu.memory_space<semaphore_mem>>)
          %add3A_330 = arith.addi %select_n3A_8, %add3A_322 : i32
          %dma_start3A_331 = arith.constant 64 : i32
          %dma_start3A_332 = tpu.memref_slice %arg3[%add3A_330, %dma_start3A_331] : memref<2560x128xi32, #tpu.memory_space<hbm>> -> memref<1x64xi32, #tpu.memory_space<hbm>>
          %dma_start3A_333 = tpu.memref_squeeze %dma_start3A_332 : memref<1x64xi32, #tpu.memory_space<hbm>> -> memref<64xi32, #tpu.memory_space<hbm>>
          %dma_start3A_334 = arith.constant 64 : i32
          %dma_start3A_335 = tpu.memref_slice %arg3[%add3A_330, %dma_start3A_334] : memref<2560x128xi32, #tpu.memory_space<hbm>> -> memref<1x64xi32, #tpu.memory_space<hbm>>
          %dma_start3A_336 = tpu.memref_squeeze %dma_start3A_335 : memref<1x64xi32, #tpu.memory_space<hbm>> -> memref<64xi32, #tpu.memory_space<hbm>>
          tpu.enqueue_dma source(%dma_start3A_336 : memref<64xi32, #tpu.memory_space<hbm>>) target(%arg15 : memref<64xi32, #tpu.memory_space<vmem>>) target_semaphore(%arg28 : memref<!tpu.dma_semaphore, #tpu.memory_space<semaphore_mem>>)
          %add3A_337 = arith.addi %select_n3A_8, %add3A_322 : i32
          %dma_start3A_338 = arith.constant 0 : i32
          %dma_start3A_339 = tpu.memref_slice %arg4[%add3A_337, %dma_start3A_338] : memref<2560x128xi32, #tpu.memory_space<hbm>> -> memref<1x128xi32, #tpu.memory_space<hbm>>
          %dma_start3A_340 = tpu.memref_squeeze %dma_start3A_339 : memref<1x128xi32, #tpu.memory_space<hbm>> -> memref<128xi32, #tpu.memory_space<hbm>>
          %dma_start3A_341 = arith.constant 0 : i32
          %dma_start3A_342 = tpu.memref_slice %arg4[%add3A_337, %dma_start3A_341] : memref<2560x128xi32, #tpu.memory_space<hbm>> -> memref<1x128xi32, #tpu.memory_space<hbm>>
          %dma_start3A_343 = tpu.memref_squeeze %dma_start3A_342 : memref<1x128xi32, #tpu.memory_space<hbm>> -> memref<128xi32, #tpu.memory_space<hbm>>
          tpu.enqueue_dma source(%dma_start3A_343 : memref<128xi32, #tpu.memory_space<hbm>>) target(%arg19 : memref<128xi32, #tpu.memory_space<vmem>>) target_semaphore(%arg28 : memref<!tpu.dma_semaphore, #tpu.memory_space<semaphore_mem>>)
        } else {
        }
      } else {
      }
      %add3A_202 = arith.constant 1 : i32
      %add3A_203 = arith.addi %add3A_199, %add3A_202 : i32
      %lt3A = arith.cmpi slt, %add3A_203, %select_n3A : i32
      %convert_element_type3A_204 = arith.extui %lt3A : i1 to i32
      %cond3A_205 = arith.constant 0 : i32
      %cond3A_206 = arith.cmpi ne, %convert_element_type3A_204, %cond3A_205 : i32
      scf.if %cond3A_206 {
        %add3A_312 = arith.constant 1 : i32
        %add3A_313 = arith.addi %add3A_199, %add3A_312 : i32
        %add3A_314 = arith.addi %select_n3A_8, %add3A_313 : i32
        %dma_wait3A_315 = arith.constant 0 : i32
        %dma_wait3A_316 = tpu.memref_slice %arg3[%add3A_314, %dma_wait3A_315] : memref<2560x128xi32, #tpu.memory_space<hbm>> -> memref<1x64xi32, #tpu.memory_space<hbm>>
        %dma_wait3A_317 = tpu.memref_squeeze %dma_wait3A_316 : memref<1x64xi32, #tpu.memory_space<hbm>> -> memref<64xi32, #tpu.memory_space<hbm>>
        %dma_wait3A_318 = arith.constant 0 : i32
        %dma_wait3A_319 = tpu.memref_slice %arg3[%add3A_314, %dma_wait3A_318] : memref<2560x128xi32, #tpu.memory_space<hbm>> -> memref<1x64xi32, #tpu.memory_space<hbm>>
        %dma_wait3A_320 = tpu.memref_squeeze %dma_wait3A_319 : memref<1x64xi32, #tpu.memory_space<hbm>> -> memref<64xi32, #tpu.memory_space<hbm>>
        tpu.wait_dma2 semaphore(%arg26 : memref<!tpu.dma_semaphore, #tpu.memory_space<semaphore_mem>>) src(%dma_wait3A_320 : memref<64xi32, #tpu.memory_space<hbm>>) dst(%arg10 : memref<64xi32, #tpu.memory_space<vmem>>)
        %add3A_321 = arith.addi %select_n3A_8, %add3A_313 : i32
        %dma_wait3A_322 = arith.constant 64 : i32
        %dma_wait3A_323 = tpu.memref_slice %arg3[%add3A_321, %dma_wait3A_322] : memref<2560x128xi32, #tpu.memory_space<hbm>> -> memref<1x64xi32, #tpu.memory_space<hbm>>
        %dma_wait3A_324 = tpu.memref_squeeze %dma_wait3A_323 : memref<1x64xi32, #tpu.memory_space<hbm>> -> memref<64xi32, #tpu.memory_space<hbm>>
        %dma_wait3A_325 = arith.constant 64 : i32
        %dma_wait3A_326 = tpu.memref_slice %arg3[%add3A_321, %dma_wait3A_325] : memref<2560x128xi32, #tpu.memory_space<hbm>> -> memref<1x64xi32, #tpu.memory_space<hbm>>
        %dma_wait3A_327 = tpu.memref_squeeze %dma_wait3A_326 : memref<1x64xi32, #tpu.memory_space<hbm>> -> memref<64xi32, #tpu.memory_space<hbm>>
        tpu.wait_dma2 semaphore(%arg26 : memref<!tpu.dma_semaphore, #tpu.memory_space<semaphore_mem>>) src(%dma_wait3A_327 : memref<64xi32, #tpu.memory_space<hbm>>) dst(%arg11 : memref<64xi32, #tpu.memory_space<vmem>>)
        %add3A_328 = arith.addi %select_n3A_8, %add3A_313 : i32
        %dma_wait3A_329 = arith.constant 0 : i32
        %dma_wait3A_330 = tpu.memref_slice %arg4[%add3A_328, %dma_wait3A_329] : memref<2560x128xi32, #tpu.memory_space<hbm>> -> memref<1x128xi32, #tpu.memory_space<hbm>>
        %dma_wait3A_331 = tpu.memref_squeeze %dma_wait3A_330 : memref<1x128xi32, #tpu.memory_space<hbm>> -> memref<128xi32, #tpu.memory_space<hbm>>
        %dma_wait3A_332 = arith.constant 0 : i32
        %dma_wait3A_333 = tpu.memref_slice %arg4[%add3A_328, %dma_wait3A_332] : memref<2560x128xi32, #tpu.memory_space<hbm>> -> memref<1x128xi32, #tpu.memory_space<hbm>>
        %dma_wait3A_334 = tpu.memref_squeeze %dma_wait3A_333 : memref<1x128xi32, #tpu.memory_space<hbm>> -> memref<128xi32, #tpu.memory_space<hbm>>
        tpu.wait_dma2 semaphore(%arg26 : memref<!tpu.dma_semaphore, #tpu.memory_space<semaphore_mem>>) src(%dma_wait3A_334 : memref<128xi32, #tpu.memory_space<hbm>>) dst(%arg17 : memref<128xi32, #tpu.memory_space<vmem>>)
        %dma_start3A_335 = arith.constant 0 : i32
        %dma_start3A_336 = arith.constant 0 : i32
        %dma_start3A_337 = tpu.memref_slice %arg7[%dma_start3A_335, %dma_start3A_336] : memref<128x128xf32, #tpu.memory_space<vmem>> -> memref<64x128xf32, #tpu.memory_space<vmem>>
        %dma_start3A_338 = arith.constant 0 : i32
        %dma_start3A_339 = arith.constant 0 : i32
        %dma_start3A_340 = tpu.memref_slice %arg2[%dma_start3A_338, %dma_start3A_339] : memref<10000x128xf32, #tpu.memory_space<hbm>> -> memref<10000x128xf32, #tpu.memory_space<hbm>>
        tpu.enqueue_indirect_dma source(%dma_start3A_340 : memref<10000x128xf32, #tpu.memory_space<hbm>>) target(%dma_start3A_337 : memref<64x128xf32, #tpu.memory_space<vmem>>) offsets(%arg10 : memref<64xi32, #tpu.memory_space<vmem>>) semaphore(%arg22 : memref<!tpu.dma_semaphore, #tpu.memory_space<semaphore_mem>>)
        %dma_start3A_341 = arith.constant 64 : i32
        %dma_start3A_342 = arith.constant 0 : i32
        %dma_start3A_343 = tpu.memref_slice %arg7[%dma_start3A_341, %dma_start3A_342] : memref<128x128xf32, #tpu.memory_space<vmem>> -> memref<64x128xf32, #tpu.memory_space<vmem>>
        %dma_start3A_344 = arith.constant 0 : i32
        %dma_start3A_345 = arith.constant 0 : i32
        %dma_start3A_346 = tpu.memref_slice %arg2[%dma_start3A_344, %dma_start3A_345] : memref<10000x128xf32, #tpu.memory_space<hbm>> -> memref<10000x128xf32, #tpu.memory_space<hbm>>
        tpu.enqueue_indirect_dma source(%dma_start3A_346 : memref<10000x128xf32, #tpu.memory_space<hbm>>) target(%dma_start3A_343 : memref<64x128xf32, #tpu.memory_space<vmem>>) offsets(%arg11 : memref<64xi32, #tpu.memory_space<vmem>>) semaphore(%arg22 : memref<!tpu.dma_semaphore, #tpu.memory_space<semaphore_mem>>)
      } else {
      }
      %dma_wait3A_207 = arith.constant 0 : i32
      %dma_wait3A_208 = arith.constant 0 : i32
      %dma_wait3A_209 = tpu.memref_slice %arg6[%dma_wait3A_207, %dma_wait3A_208] : memref<128x128xf32, #tpu.memory_space<vmem>> -> memref<64x128xf32, #tpu.memory_space<vmem>>
      %dma_wait3A_210 = arith.constant 0 : i32
      %dma_wait3A_211 = arith.constant 0 : i32
      %dma_wait3A_212 = tpu.memref_slice %arg2[%dma_wait3A_210, %dma_wait3A_211] : memref<10000x128xf32, #tpu.memory_space<hbm>> -> memref<10000x128xf32, #tpu.memory_space<hbm>>
      tpu.wait_indirect_dma semaphore(%arg21 : memref<!tpu.dma_semaphore, #tpu.memory_space<semaphore_mem>>) src(%dma_wait3A_212 : memref<10000x128xf32, #tpu.memory_space<hbm>>) dst(%dma_wait3A_209 : memref<64x128xf32, #tpu.memory_space<vmem>>)
      %dma_wait3A_213 = arith.constant 64 : i32
      %dma_wait3A_214 = arith.constant 0 : i32
      %dma_wait3A_215 = tpu.memref_slice %arg6[%dma_wait3A_213, %dma_wait3A_214] : memref<128x128xf32, #tpu.memory_space<vmem>> -> memref<64x128xf32, #tpu.memory_space<vmem>>
      %dma_wait3A_216 = arith.constant 0 : i32
      %dma_wait3A_217 = arith.constant 0 : i32
      %dma_wait3A_218 = tpu.memref_slice %arg2[%dma_wait3A_216, %dma_wait3A_217] : memref<10000x128xf32, #tpu.memory_space<hbm>> -> memref<10000x128xf32, #tpu.memory_space<hbm>>
      tpu.wait_indirect_dma semaphore(%arg21 : memref<!tpu.dma_semaphore, #tpu.memory_space<semaphore_mem>>) src(%dma_wait3A_218 : memref<10000x128xf32, #tpu.memory_space<hbm>>) dst(%dma_wait3A_215 : memref<64x128xf32, #tpu.memory_space<vmem>>)
      %dma_start3A_219 = arith.constant 0 : i32
      %dma_start3A_220 = arith.constant 0 : i32
      %dma_start3A_221 = tpu.memref_slice %arg20[%dma_start3A_219, %dma_start3A_220] : memref<10240x128xf32, #tpu.memory_space<vmem_shared>> -> memref<10240x128xf32, #tpu.memory_space<vmem_shared>>
      tpu.enqueue_indirect_dma source(%arg6 : memref<128x128xf32, #tpu.memory_space<vmem>>) target(%dma_start3A_221 : memref<10240x128xf32, #tpu.memory_space<vmem_shared>>) offsets(%arg16 : memref<128xi32, #tpu.memory_space<vmem>>) semaphore(%arg23 : memref<!tpu.dma_semaphore, #tpu.memory_space<semaphore_mem>>) {add = true}
      %mul3A_222 = arith.constant 4 : i32
      %mul3A_223 = arith.muli %add3A_195, %mul3A_222 : i32
      %add3A_224 = arith.constant 1 : i32
      %add3A_225 = arith.addi %mul3A_223, %add3A_224 : i32
      %ge3A_226 = arith.constant 1 : i32
      %ge3A_227 = arith.cmpi sge, %add3A_225, %ge3A_226 : i32
      %convert_element_type3A_228 = arith.extui %ge3A_227 : i1 to i32
      %cond3A_229 = arith.constant 0 : i32
      %cond3A_230 = arith.cmpi ne, %convert_element_type3A_228, %cond3A_229 : i32
      scf.if %cond3A_230 {
        %dma_wait3A_312 = arith.constant 0 : i32
        %dma_wait3A_313 = arith.constant 0 : i32
        %dma_wait3A_314 = tpu.memref_slice %arg20[%dma_wait3A_312, %dma_wait3A_313] : memref<10240x128xf32, #tpu.memory_space<vmem_shared>> -> memref<10240x128xf32, #tpu.memory_space<vmem_shared>>
        tpu.wait_indirect_dma semaphore(%arg23 : memref<!tpu.dma_semaphore, #tpu.memory_space<semaphore_mem>>) src(%arg6 : memref<128x128xf32, #tpu.memory_space<vmem>>) dst(%dma_wait3A_314 : memref<10240x128xf32, #tpu.memory_space<vmem_shared>>)
        %add3A_315 = arith.constant 3 : i32
        %add3A_316 = arith.addi %add3A_225, %add3A_315 : i32
        %lt3A_317 = arith.cmpi slt, %add3A_316, %select_n3A : i32
        %convert_element_type3A_318 = arith.extui %lt3A_317 : i1 to i32
        %cond3A_319 = arith.constant 0 : i32
        %cond3A_320 = arith.cmpi ne, %convert_element_type3A_318, %cond3A_319 : i32
        scf.if %cond3A_320 {
          %add3A_321 = arith.constant 3 : i32
          %add3A_322 = arith.addi %add3A_225, %add3A_321 : i32
          %add3A_323 = arith.addi %select_n3A_8, %add3A_322 : i32
          %dma_start3A_324 = arith.constant 0 : i32
          %dma_start3A_325 = tpu.memref_slice %arg3[%add3A_323, %dma_start3A_324] : memref<2560x128xi32, #tpu.memory_space<hbm>> -> memref<1x64xi32, #tpu.memory_space<hbm>>
          %dma_start3A_326 = tpu.memref_squeeze %dma_start3A_325 : memref<1x64xi32, #tpu.memory_space<hbm>> -> memref<64xi32, #tpu.memory_space<hbm>>
          %dma_start3A_327 = arith.constant 0 : i32
          %dma_start3A_328 = tpu.memref_slice %arg3[%add3A_323, %dma_start3A_327] : memref<2560x128xi32, #tpu.memory_space<hbm>> -> memref<1x64xi32, #tpu.memory_space<hbm>>
          %dma_start3A_329 = tpu.memref_squeeze %dma_start3A_328 : memref<1x64xi32, #tpu.memory_space<hbm>> -> memref<64xi32, #tpu.memory_space<hbm>>
          tpu.enqueue_dma source(%dma_start3A_329 : memref<64xi32, #tpu.memory_space<hbm>>) target(%arg8 : memref<64xi32, #tpu.memory_space<vmem>>) target_semaphore(%arg25 : memref<!tpu.dma_semaphore, #tpu.memory_space<semaphore_mem>>)
          %add3A_330 = arith.addi %select_n3A_8, %add3A_322 : i32
          %dma_start3A_331 = arith.constant 64 : i32
          %dma_start3A_332 = tpu.memref_slice %arg3[%add3A_330, %dma_start3A_331] : memref<2560x128xi32, #tpu.memory_space<hbm>> -> memref<1x64xi32, #tpu.memory_space<hbm>>
          %dma_start3A_333 = tpu.memref_squeeze %dma_start3A_332 : memref<1x64xi32, #tpu.memory_space<hbm>> -> memref<64xi32, #tpu.memory_space<hbm>>
          %dma_start3A_334 = arith.constant 64 : i32
          %dma_start3A_335 = tpu.memref_slice %arg3[%add3A_330, %dma_start3A_334] : memref<2560x128xi32, #tpu.memory_space<hbm>> -> memref<1x64xi32, #tpu.memory_space<hbm>>
          %dma_start3A_336 = tpu.memref_squeeze %dma_start3A_335 : memref<1x64xi32, #tpu.memory_space<hbm>> -> memref<64xi32, #tpu.memory_space<hbm>>
          tpu.enqueue_dma source(%dma_start3A_336 : memref<64xi32, #tpu.memory_space<hbm>>) target(%arg9 : memref<64xi32, #tpu.memory_space<vmem>>) target_semaphore(%arg25 : memref<!tpu.dma_semaphore, #tpu.memory_space<semaphore_mem>>)
          %add3A_337 = arith.addi %select_n3A_8, %add3A_322 : i32
          %dma_start3A_338 = arith.constant 0 : i32
          %dma_start3A_339 = tpu.memref_slice %arg4[%add3A_337, %dma_start3A_338] : memref<2560x128xi32, #tpu.memory_space<hbm>> -> memref<1x128xi32, #tpu.memory_space<hbm>>
          %dma_start3A_340 = tpu.memref_squeeze %dma_start3A_339 : memref<1x128xi32, #tpu.memory_space<hbm>> -> memref<128xi32, #tpu.memory_space<hbm>>
          %dma_start3A_341 = arith.constant 0 : i32
          %dma_start3A_342 = tpu.memref_slice %arg4[%add3A_337, %dma_start3A_341] : memref<2560x128xi32, #tpu.memory_space<hbm>> -> memref<1x128xi32, #tpu.memory_space<hbm>>
          %dma_start3A_343 = tpu.memref_squeeze %dma_start3A_342 : memref<1x128xi32, #tpu.memory_space<hbm>> -> memref<128xi32, #tpu.memory_space<hbm>>
          tpu.enqueue_dma source(%dma_start3A_343 : memref<128xi32, #tpu.memory_space<hbm>>) target(%arg16 : memref<128xi32, #tpu.memory_space<vmem>>) target_semaphore(%arg25 : memref<!tpu.dma_semaphore, #tpu.memory_space<semaphore_mem>>)
        } else {
        }
      } else {
      }
      %add3A_231 = arith.constant 1 : i32
      %add3A_232 = arith.addi %add3A_225, %add3A_231 : i32
      %lt3A_233 = arith.cmpi slt, %add3A_232, %select_n3A : i32
      %convert_element_type3A_234 = arith.extui %lt3A_233 : i1 to i32
      %cond3A_235 = arith.constant 0 : i32
      %cond3A_236 = arith.cmpi ne, %convert_element_type3A_234, %cond3A_235 : i32
      scf.if %cond3A_236 {
        %add3A_312 = arith.constant 1 : i32
        %add3A_313 = arith.addi %add3A_225, %add3A_312 : i32
        %add3A_314 = arith.addi %select_n3A_8, %add3A_313 : i32
        %dma_wait3A_315 = arith.constant 0 : i32
        %dma_wait3A_316 = tpu.memref_slice %arg3[%add3A_314, %dma_wait3A_315] : memref<2560x128xi32, #tpu.memory_space<hbm>> -> memref<1x64xi32, #tpu.memory_space<hbm>>
        %dma_wait3A_317 = tpu.memref_squeeze %dma_wait3A_316 : memref<1x64xi32, #tpu.memory_space<hbm>> -> memref<64xi32, #tpu.memory_space<hbm>>
        %dma_wait3A_318 = arith.constant 0 : i32
        %dma_wait3A_319 = tpu.memref_slice %arg3[%add3A_314, %dma_wait3A_318] : memref<2560x128xi32, #tpu.memory_space<hbm>> -> memref<1x64xi32, #tpu.memory_space<hbm>>
        %dma_wait3A_320 = tpu.memref_squeeze %dma_wait3A_319 : memref<1x64xi32, #tpu.memory_space<hbm>> -> memref<64xi32, #tpu.memory_space<hbm>>
        tpu.wait_dma2 semaphore(%arg27 : memref<!tpu.dma_semaphore, #tpu.memory_space<semaphore_mem>>) src(%dma_wait3A_320 : memref<64xi32, #tpu.memory_space<hbm>>) dst(%arg12 : memref<64xi32, #tpu.memory_space<vmem>>)
        %add3A_321 = arith.addi %select_n3A_8, %add3A_313 : i32
        %dma_wait3A_322 = arith.constant 64 : i32
        %dma_wait3A_323 = tpu.memref_slice %arg3[%add3A_321, %dma_wait3A_322] : memref<2560x128xi32, #tpu.memory_space<hbm>> -> memref<1x64xi32, #tpu.memory_space<hbm>>
        %dma_wait3A_324 = tpu.memref_squeeze %dma_wait3A_323 : memref<1x64xi32, #tpu.memory_space<hbm>> -> memref<64xi32, #tpu.memory_space<hbm>>
        %dma_wait3A_325 = arith.constant 64 : i32
        %dma_wait3A_326 = tpu.memref_slice %arg3[%add3A_321, %dma_wait3A_325] : memref<2560x128xi32, #tpu.memory_space<hbm>> -> memref<1x64xi32, #tpu.memory_space<hbm>>
        %dma_wait3A_327 = tpu.memref_squeeze %dma_wait3A_326 : memref<1x64xi32, #tpu.memory_space<hbm>> -> memref<64xi32, #tpu.memory_space<hbm>>
        tpu.wait_dma2 semaphore(%arg27 : memref<!tpu.dma_semaphore, #tpu.memory_space<semaphore_mem>>) src(%dma_wait3A_327 : memref<64xi32, #tpu.memory_space<hbm>>) dst(%arg13 : memref<64xi32, #tpu.memory_space<vmem>>)
        %add3A_328 = arith.addi %select_n3A_8, %add3A_313 : i32
        %dma_wait3A_329 = arith.constant 0 : i32
        %dma_wait3A_330 = tpu.memref_slice %arg4[%add3A_328, %dma_wait3A_329] : memref<2560x128xi32, #tpu.memory_space<hbm>> -> memref<1x128xi32, #tpu.memory_space<hbm>>
        %dma_wait3A_331 = tpu.memref_squeeze %dma_wait3A_330 : memref<1x128xi32, #tpu.memory_space<hbm>> -> memref<128xi32, #tpu.memory_space<hbm>>
        %dma_wait3A_332 = arith.constant 0 : i32
        %dma_wait3A_333 = tpu.memref_slice %arg4[%add3A_328, %dma_wait3A_332] : memref<2560x128xi32, #tpu.memory_space<hbm>> -> memref<1x128xi32, #tpu.memory_space<hbm>>
        %dma_wait3A_334 = tpu.memref_squeeze %dma_wait3A_333 : memref<1x128xi32, #tpu.memory_space<hbm>> -> memref<128xi32, #tpu.memory_space<hbm>>
        tpu.wait_dma2 semaphore(%arg27 : memref<!tpu.dma_semaphore, #tpu.memory_space<semaphore_mem>>) src(%dma_wait3A_334 : memref<128xi32, #tpu.memory_space<hbm>>) dst(%arg18 : memref<128xi32, #tpu.memory_space<vmem>>)
        %dma_start3A_335 = arith.constant 0 : i32
        %dma_start3A_336 = arith.constant 0 : i32
        %dma_start3A_337 = tpu.memref_slice %arg6[%dma_start3A_335, %dma_start3A_336] : memref<128x128xf32, #tpu.memory_space<vmem>> -> memref<64x128xf32, #tpu.memory_space<vmem>>
        %dma_start3A_338 = arith.constant 0 : i32
        %dma_start3A_339 = arith.constant 0 : i32
        %dma_start3A_340 = tpu.memref_slice %arg2[%dma_start3A_338, %dma_start3A_339] : memref<10000x128xf32, #tpu.memory_space<hbm>> -> memref<10000x128xf32, #tpu.memory_space<hbm>>
        tpu.enqueue_indirect_dma source(%dma_start3A_340 : memref<10000x128xf32, #tpu.memory_space<hbm>>) target(%dma_start3A_337 : memref<64x128xf32, #tpu.memory_space<vmem>>) offsets(%arg12 : memref<64xi32, #tpu.memory_space<vmem>>) semaphore(%arg21 : memref<!tpu.dma_semaphore, #tpu.memory_space<semaphore_mem>>)
        %dma_start3A_341 = arith.constant 64 : i32
        %dma_start3A_342 = arith.constant 0 : i32
        %dma_start3A_343 = tpu.memref_slice %arg6[%dma_start3A_341, %dma_start3A_342] : memref<128x128xf32, #tpu.memory_space<vmem>> -> memref<64x128xf32, #tpu.memory_space<vmem>>
        %dma_start3A_344 = arith.constant 0 : i32
        %dma_start3A_345 = arith.constant 0 : i32
        %dma_start3A_346 = tpu.memref_slice %arg2[%dma_start3A_344, %dma_start3A_345] : memref<10000x128xf32, #tpu.memory_space<hbm>> -> memref<10000x128xf32, #tpu.memory_space<hbm>>
        tpu.enqueue_indirect_dma source(%dma_start3A_346 : memref<10000x128xf32, #tpu.memory_space<hbm>>) target(%dma_start3A_343 : memref<64x128xf32, #tpu.memory_space<vmem>>) offsets(%arg13 : memref<64xi32, #tpu.memory_space<vmem>>) semaphore(%arg21 : memref<!tpu.dma_semaphore, #tpu.memory_space<semaphore_mem>>)
      } else {
      }
      %dma_wait3A_237 = arith.constant 0 : i32
      %dma_wait3A_238 = arith.constant 0 : i32
      %dma_wait3A_239 = tpu.memref_slice %arg7[%dma_wait3A_237, %dma_wait3A_238] : memref<128x128xf32, #tpu.memory_space<vmem>> -> memref<64x128xf32, #tpu.memory_space<vmem>>
      %dma_wait3A_240 = arith.constant 0 : i32
      %dma_wait3A_241 = arith.constant 0 : i32
      %dma_wait3A_242 = tpu.memref_slice %arg2[%dma_wait3A_240, %dma_wait3A_241] : memref<10000x128xf32, #tpu.memory_space<hbm>> -> memref<10000x128xf32, #tpu.memory_space<hbm>>
      tpu.wait_indirect_dma semaphore(%arg22 : memref<!tpu.dma_semaphore, #tpu.memory_space<semaphore_mem>>) src(%dma_wait3A_242 : memref<10000x128xf32, #tpu.memory_space<hbm>>) dst(%dma_wait3A_239 : memref<64x128xf32, #tpu.memory_space<vmem>>)
      %dma_wait3A_243 = arith.constant 64 : i32
      %dma_wait3A_244 = arith.constant 0 : i32
      %dma_wait3A_245 = tpu.memref_slice %arg7[%dma_wait3A_243, %dma_wait3A_244] : memref<128x128xf32, #tpu.memory_space<vmem>> -> memref<64x128xf32, #tpu.memory_space<vmem>>
      %dma_wait3A_246 = arith.constant 0 : i32
      %dma_wait3A_247 = arith.constant 0 : i32
      %dma_wait3A_248 = tpu.memref_slice %arg2[%dma_wait3A_246, %dma_wait3A_247] : memref<10000x128xf32, #tpu.memory_space<hbm>> -> memref<10000x128xf32, #tpu.memory_space<hbm>>
      tpu.wait_indirect_dma semaphore(%arg22 : memref<!tpu.dma_semaphore, #tpu.memory_space<semaphore_mem>>) src(%dma_wait3A_248 : memref<10000x128xf32, #tpu.memory_space<hbm>>) dst(%dma_wait3A_245 : memref<64x128xf32, #tpu.memory_space<vmem>>)
      %dma_start3A_249 = arith.constant 0 : i32
      %dma_start3A_250 = arith.constant 0 : i32
      %dma_start3A_251 = tpu.memref_slice %arg20[%dma_start3A_249, %dma_start3A_250] : memref<10240x128xf32, #tpu.memory_space<vmem_shared>> -> memref<10240x128xf32, #tpu.memory_space<vmem_shared>>
      tpu.enqueue_indirect_dma source(%arg7 : memref<128x128xf32, #tpu.memory_space<vmem>>) target(%dma_start3A_251 : memref<10240x128xf32, #tpu.memory_space<vmem_shared>>) offsets(%arg17 : memref<128xi32, #tpu.memory_space<vmem>>) semaphore(%arg24 : memref<!tpu.dma_semaphore, #tpu.memory_space<semaphore_mem>>) {add = true}
      %mul3A_252 = arith.constant 4 : i32
      %mul3A_253 = arith.muli %add3A_195, %mul3A_252 : i32
      %add3A_254 = arith.constant 2 : i32
      %add3A_255 = arith.addi %mul3A_253, %add3A_254 : i32
      %ge3A_256 = arith.constant 1 : i32
      %ge3A_257 = arith.cmpi sge, %add3A_255, %ge3A_256 : i32
      %convert_element_type3A_258 = arith.extui %ge3A_257 : i1 to i32
      %cond3A_259 = arith.constant 0 : i32
      %cond3A_260 = arith.cmpi ne, %convert_element_type3A_258, %cond3A_259 : i32
      scf.if %cond3A_260 {
        %dma_wait3A_312 = arith.constant 0 : i32
        %dma_wait3A_313 = arith.constant 0 : i32
        %dma_wait3A_314 = tpu.memref_slice %arg20[%dma_wait3A_312, %dma_wait3A_313] : memref<10240x128xf32, #tpu.memory_space<vmem_shared>> -> memref<10240x128xf32, #tpu.memory_space<vmem_shared>>
        tpu.wait_indirect_dma semaphore(%arg24 : memref<!tpu.dma_semaphore, #tpu.memory_space<semaphore_mem>>) src(%arg7 : memref<128x128xf32, #tpu.memory_space<vmem>>) dst(%dma_wait3A_314 : memref<10240x128xf32, #tpu.memory_space<vmem_shared>>)
        %add3A_315 = arith.constant 3 : i32
        %add3A_316 = arith.addi %add3A_255, %add3A_315 : i32
        %lt3A_317 = arith.cmpi slt, %add3A_316, %select_n3A : i32
        %convert_element_type3A_318 = arith.extui %lt3A_317 : i1 to i32
        %cond3A_319 = arith.constant 0 : i32
        %cond3A_320 = arith.cmpi ne, %convert_element_type3A_318, %cond3A_319 : i32
        scf.if %cond3A_320 {
          %add3A_321 = arith.constant 3 : i32
          %add3A_322 = arith.addi %add3A_255, %add3A_321 : i32
          %add3A_323 = arith.addi %select_n3A_8, %add3A_322 : i32
          %dma_start3A_324 = arith.constant 0 : i32
          %dma_start3A_325 = tpu.memref_slice %arg3[%add3A_323, %dma_start3A_324] : memref<2560x128xi32, #tpu.memory_space<hbm>> -> memref<1x64xi32, #tpu.memory_space<hbm>>
          %dma_start3A_326 = tpu.memref_squeeze %dma_start3A_325 : memref<1x64xi32, #tpu.memory_space<hbm>> -> memref<64xi32, #tpu.memory_space<hbm>>
          %dma_start3A_327 = arith.constant 0 : i32
          %dma_start3A_328 = tpu.memref_slice %arg3[%add3A_323, %dma_start3A_327] : memref<2560x128xi32, #tpu.memory_space<hbm>> -> memref<1x64xi32, #tpu.memory_space<hbm>>
          %dma_start3A_329 = tpu.memref_squeeze %dma_start3A_328 : memref<1x64xi32, #tpu.memory_space<hbm>> -> memref<64xi32, #tpu.memory_space<hbm>>
          tpu.enqueue_dma source(%dma_start3A_329 : memref<64xi32, #tpu.memory_space<hbm>>) target(%arg10 : memref<64xi32, #tpu.memory_space<vmem>>) target_semaphore(%arg26 : memref<!tpu.dma_semaphore, #tpu.memory_space<semaphore_mem>>)
          %add3A_330 = arith.addi %select_n3A_8, %add3A_322 : i32
          %dma_start3A_331 = arith.constant 64 : i32
          %dma_start3A_332 = tpu.memref_slice %arg3[%add3A_330, %dma_start3A_331] : memref<2560x128xi32, #tpu.memory_space<hbm>> -> memref<1x64xi32, #tpu.memory_space<hbm>>
          %dma_start3A_333 = tpu.memref_squeeze %dma_start3A_332 : memref<1x64xi32, #tpu.memory_space<hbm>> -> memref<64xi32, #tpu.memory_space<hbm>>
          %dma_start3A_334 = arith.constant 64 : i32
          %dma_start3A_335 = tpu.memref_slice %arg3[%add3A_330, %dma_start3A_334] : memref<2560x128xi32, #tpu.memory_space<hbm>> -> memref<1x64xi32, #tpu.memory_space<hbm>>
          %dma_start3A_336 = tpu.memref_squeeze %dma_start3A_335 : memref<1x64xi32, #tpu.memory_space<hbm>> -> memref<64xi32, #tpu.memory_space<hbm>>
          tpu.enqueue_dma source(%dma_start3A_336 : memref<64xi32, #tpu.memory_space<hbm>>) target(%arg11 : memref<64xi32, #tpu.memory_space<vmem>>) target_semaphore(%arg26 : memref<!tpu.dma_semaphore, #tpu.memory_space<semaphore_mem>>)
          %add3A_337 = arith.addi %select_n3A_8, %add3A_322 : i32
          %dma_start3A_338 = arith.constant 0 : i32
          %dma_start3A_339 = tpu.memref_slice %arg4[%add3A_337, %dma_start3A_338] : memref<2560x128xi32, #tpu.memory_space<hbm>> -> memref<1x128xi32, #tpu.memory_space<hbm>>
          %dma_start3A_340 = tpu.memref_squeeze %dma_start3A_339 : memref<1x128xi32, #tpu.memory_space<hbm>> -> memref<128xi32, #tpu.memory_space<hbm>>
          %dma_start3A_341 = arith.constant 0 : i32
          %dma_start3A_342 = tpu.memref_slice %arg4[%add3A_337, %dma_start3A_341] : memref<2560x128xi32, #tpu.memory_space<hbm>> -> memref<1x128xi32, #tpu.memory_space<hbm>>
          %dma_start3A_343 = tpu.memref_squeeze %dma_start3A_342 : memref<1x128xi32, #tpu.memory_space<hbm>> -> memref<128xi32, #tpu.memory_space<hbm>>
          tpu.enqueue_dma source(%dma_start3A_343 : memref<128xi32, #tpu.memory_space<hbm>>) target(%arg17 : memref<128xi32, #tpu.memory_space<vmem>>) target_semaphore(%arg26 : memref<!tpu.dma_semaphore, #tpu.memory_space<semaphore_mem>>)
        } else {
        }
      } else {
      }
      %add3A_261 = arith.constant 1 : i32
      %add3A_262 = arith.addi %add3A_255, %add3A_261 : i32
      %lt3A_263 = arith.cmpi slt, %add3A_262, %select_n3A : i32
      %convert_element_type3A_264 = arith.extui %lt3A_263 : i1 to i32
      %cond3A_265 = arith.constant 0 : i32
      %cond3A_266 = arith.cmpi ne, %convert_element_type3A_264, %cond3A_265 : i32
      scf.if %cond3A_266 {
        %add3A_312 = arith.constant 1 : i32
        %add3A_313 = arith.addi %add3A_255, %add3A_312 : i32
        %add3A_314 = arith.addi %select_n3A_8, %add3A_313 : i32
        %dma_wait3A_315 = arith.constant 0 : i32
        %dma_wait3A_316 = tpu.memref_slice %arg3[%add3A_314, %dma_wait3A_315] : memref<2560x128xi32, #tpu.memory_space<hbm>> -> memref<1x64xi32, #tpu.memory_space<hbm>>
        %dma_wait3A_317 = tpu.memref_squeeze %dma_wait3A_316 : memref<1x64xi32, #tpu.memory_space<hbm>> -> memref<64xi32, #tpu.memory_space<hbm>>
        %dma_wait3A_318 = arith.constant 0 : i32
        %dma_wait3A_319 = tpu.memref_slice %arg3[%add3A_314, %dma_wait3A_318] : memref<2560x128xi32, #tpu.memory_space<hbm>> -> memref<1x64xi32, #tpu.memory_space<hbm>>
        %dma_wait3A_320 = tpu.memref_squeeze %dma_wait3A_319 : memref<1x64xi32, #tpu.memory_space<hbm>> -> memref<64xi32, #tpu.memory_space<hbm>>
        tpu.wait_dma2 semaphore(%arg28 : memref<!tpu.dma_semaphore, #tpu.memory_space<semaphore_mem>>) src(%dma_wait3A_320 : memref<64xi32, #tpu.memory_space<hbm>>) dst(%arg14 : memref<64xi32, #tpu.memory_space<vmem>>)
        %add3A_321 = arith.addi %select_n3A_8, %add3A_313 : i32
        %dma_wait3A_322 = arith.constant 64 : i32
        %dma_wait3A_323 = tpu.memref_slice %arg3[%add3A_321, %dma_wait3A_322] : memref<2560x128xi32, #tpu.memory_space<hbm>> -> memref<1x64xi32, #tpu.memory_space<hbm>>
        %dma_wait3A_324 = tpu.memref_squeeze %dma_wait3A_323 : memref<1x64xi32, #tpu.memory_space<hbm>> -> memref<64xi32, #tpu.memory_space<hbm>>
        %dma_wait3A_325 = arith.constant 64 : i32
        %dma_wait3A_326 = tpu.memref_slice %arg3[%add3A_321, %dma_wait3A_325] : memref<2560x128xi32, #tpu.memory_space<hbm>> -> memref<1x64xi32, #tpu.memory_space<hbm>>
        %dma_wait3A_327 = tpu.memref_squeeze %dma_wait3A_326 : memref<1x64xi32, #tpu.memory_space<hbm>> -> memref<64xi32, #tpu.memory_space<hbm>>
        tpu.wait_dma2 semaphore(%arg28 : memref<!tpu.dma_semaphore, #tpu.memory_space<semaphore_mem>>) src(%dma_wait3A_327 : memref<64xi32, #tpu.memory_space<hbm>>) dst(%arg15 : memref<64xi32, #tpu.memory_space<vmem>>)
        %add3A_328 = arith.addi %select_n3A_8, %add3A_313 : i32
        %dma_wait3A_329 = arith.constant 0 : i32
        %dma_wait3A_330 = tpu.memref_slice %arg4[%add3A_328, %dma_wait3A_329] : memref<2560x128xi32, #tpu.memory_space<hbm>> -> memref<1x128xi32, #tpu.memory_space<hbm>>
        %dma_wait3A_331 = tpu.memref_squeeze %dma_wait3A_330 : memref<1x128xi32, #tpu.memory_space<hbm>> -> memref<128xi32, #tpu.memory_space<hbm>>
        %dma_wait3A_332 = arith.constant 0 : i32
        %dma_wait3A_333 = tpu.memref_slice %arg4[%add3A_328, %dma_wait3A_332] : memref<2560x128xi32, #tpu.memory_space<hbm>> -> memref<1x128xi32, #tpu.memory_space<hbm>>
        %dma_wait3A_334 = tpu.memref_squeeze %dma_wait3A_333 : memref<1x128xi32, #tpu.memory_space<hbm>> -> memref<128xi32, #tpu.memory_space<hbm>>
        tpu.wait_dma2 semaphore(%arg28 : memref<!tpu.dma_semaphore, #tpu.memory_space<semaphore_mem>>) src(%dma_wait3A_334 : memref<128xi32, #tpu.memory_space<hbm>>) dst(%arg19 : memref<128xi32, #tpu.memory_space<vmem>>)
        %dma_start3A_335 = arith.constant 0 : i32
        %dma_start3A_336 = arith.constant 0 : i32
        %dma_start3A_337 = tpu.memref_slice %arg7[%dma_start3A_335, %dma_start3A_336] : memref<128x128xf32, #tpu.memory_space<vmem>> -> memref<64x128xf32, #tpu.memory_space<vmem>>
        %dma_start3A_338 = arith.constant 0 : i32
        %dma_start3A_339 = arith.constant 0 : i32
        %dma_start3A_340 = tpu.memref_slice %arg2[%dma_start3A_338, %dma_start3A_339] : memref<10000x128xf32, #tpu.memory_space<hbm>> -> memref<10000x128xf32, #tpu.memory_space<hbm>>
        tpu.enqueue_indirect_dma source(%dma_start3A_340 : memref<10000x128xf32, #tpu.memory_space<hbm>>) target(%dma_start3A_337 : memref<64x128xf32, #tpu.memory_space<vmem>>) offsets(%arg14 : memref<64xi32, #tpu.memory_space<vmem>>) semaphore(%arg22 : memref<!tpu.dma_semaphore, #tpu.memory_space<semaphore_mem>>)
        %dma_start3A_341 = arith.constant 64 : i32
        %dma_start3A_342 = arith.constant 0 : i32
        %dma_start3A_343 = tpu.memref_slice %arg7[%dma_start3A_341, %dma_start3A_342] : memref<128x128xf32, #tpu.memory_space<vmem>> -> memref<64x128xf32, #tpu.memory_space<vmem>>
        %dma_start3A_344 = arith.constant 0 : i32
        %dma_start3A_345 = arith.constant 0 : i32
        %dma_start3A_346 = tpu.memref_slice %arg2[%dma_start3A_344, %dma_start3A_345] : memref<10000x128xf32, #tpu.memory_space<hbm>> -> memref<10000x128xf32, #tpu.memory_space<hbm>>
        tpu.enqueue_indirect_dma source(%dma_start3A_346 : memref<10000x128xf32, #tpu.memory_space<hbm>>) target(%dma_start3A_343 : memref<64x128xf32, #tpu.memory_space<vmem>>) offsets(%arg15 : memref<64xi32, #tpu.memory_space<vmem>>) semaphore(%arg22 : memref<!tpu.dma_semaphore, #tpu.memory_space<semaphore_mem>>)
      } else {
      }
      %dma_wait3A_267 = arith.constant 0 : i32
      %dma_wait3A_268 = arith.constant 0 : i32
      %dma_wait3A_269 = tpu.memref_slice %arg6[%dma_wait3A_267, %dma_wait3A_268] : memref<128x128xf32, #tpu.memory_space<vmem>> -> memref<64x128xf32, #tpu.memory_space<vmem>>
      %dma_wait3A_270 = arith.constant 0 : i32
      %dma_wait3A_271 = arith.constant 0 : i32
      %dma_wait3A_272 = tpu.memref_slice %arg2[%dma_wait3A_270, %dma_wait3A_271] : memref<10000x128xf32, #tpu.memory_space<hbm>> -> memref<10000x128xf32, #tpu.memory_space<hbm>>
      tpu.wait_indirect_dma semaphore(%arg21 : memref<!tpu.dma_semaphore, #tpu.memory_space<semaphore_mem>>) src(%dma_wait3A_272 : memref<10000x128xf32, #tpu.memory_space<hbm>>) dst(%dma_wait3A_269 : memref<64x128xf32, #tpu.memory_space<vmem>>)
      %dma_wait3A_273 = arith.constant 64 : i32
      %dma_wait3A_274 = arith.constant 0 : i32
      %dma_wait3A_275 = tpu.memref_slice %arg6[%dma_wait3A_273, %dma_wait3A_274] : memref<128x128xf32, #tpu.memory_space<vmem>> -> memref<64x128xf32, #tpu.memory_space<vmem>>
      %dma_wait3A_276 = arith.constant 0 : i32
      %dma_wait3A_277 = arith.constant 0 : i32
      %dma_wait3A_278 = tpu.memref_slice %arg2[%dma_wait3A_276, %dma_wait3A_277] : memref<10000x128xf32, #tpu.memory_space<hbm>> -> memref<10000x128xf32, #tpu.memory_space<hbm>>
      tpu.wait_indirect_dma semaphore(%arg21 : memref<!tpu.dma_semaphore, #tpu.memory_space<semaphore_mem>>) src(%dma_wait3A_278 : memref<10000x128xf32, #tpu.memory_space<hbm>>) dst(%dma_wait3A_275 : memref<64x128xf32, #tpu.memory_space<vmem>>)
      %dma_start3A_279 = arith.constant 0 : i32
      %dma_start3A_280 = arith.constant 0 : i32
      %dma_start3A_281 = tpu.memref_slice %arg20[%dma_start3A_279, %dma_start3A_280] : memref<10240x128xf32, #tpu.memory_space<vmem_shared>> -> memref<10240x128xf32, #tpu.memory_space<vmem_shared>>
      tpu.enqueue_indirect_dma source(%arg6 : memref<128x128xf32, #tpu.memory_space<vmem>>) target(%dma_start3A_281 : memref<10240x128xf32, #tpu.memory_space<vmem_shared>>) offsets(%arg18 : memref<128xi32, #tpu.memory_space<vmem>>) semaphore(%arg23 : memref<!tpu.dma_semaphore, #tpu.memory_space<semaphore_mem>>) {add = true}
      %mul3A_282 = arith.constant 4 : i32
      %mul3A_283 = arith.muli %add3A_195, %mul3A_282 : i32
      %add3A_284 = arith.constant 3 : i32
      %add3A_285 = arith.addi %mul3A_283, %add3A_284 : i32
      %ge3A_286 = arith.constant 1 : i32
      %ge3A_287 = arith.cmpi sge, %add3A_285, %ge3A_286 : i32
      %convert_element_type3A_288 = arith.extui %ge3A_287 : i1 to i32
      %cond3A_289 = arith.constant 0 : i32
      %cond3A_290 = arith.cmpi ne, %convert_element_type3A_288, %cond3A_289 : i32
      scf.if %cond3A_290 {
        %dma_wait3A_312 = arith.constant 0 : i32
        %dma_wait3A_313 = arith.constant 0 : i32
        %dma_wait3A_314 = tpu.memref_slice %arg20[%dma_wait3A_312, %dma_wait3A_313] : memref<10240x128xf32, #tpu.memory_space<vmem_shared>> -> memref<10240x128xf32, #tpu.memory_space<vmem_shared>>
        tpu.wait_indirect_dma semaphore(%arg23 : memref<!tpu.dma_semaphore, #tpu.memory_space<semaphore_mem>>) src(%arg6 : memref<128x128xf32, #tpu.memory_space<vmem>>) dst(%dma_wait3A_314 : memref<10240x128xf32, #tpu.memory_space<vmem_shared>>)
        %add3A_315 = arith.constant 3 : i32
        %add3A_316 = arith.addi %add3A_285, %add3A_315 : i32
        %lt3A_317 = arith.cmpi slt, %add3A_316, %select_n3A : i32
        %convert_element_type3A_318 = arith.extui %lt3A_317 : i1 to i32
        %cond3A_319 = arith.constant 0 : i32
        %cond3A_320 = arith.cmpi ne, %convert_element_type3A_318, %cond3A_319 : i32
        scf.if %cond3A_320 {
          %add3A_321 = arith.constant 3 : i32
          %add3A_322 = arith.addi %add3A_285, %add3A_321 : i32
          %add3A_323 = arith.addi %select_n3A_8, %add3A_322 : i32
          %dma_start3A_324 = arith.constant 0 : i32
          %dma_start3A_325 = tpu.memref_slice %arg3[%add3A_323, %dma_start3A_324] : memref<2560x128xi32, #tpu.memory_space<hbm>> -> memref<1x64xi32, #tpu.memory_space<hbm>>
          %dma_start3A_326 = tpu.memref_squeeze %dma_start3A_325 : memref<1x64xi32, #tpu.memory_space<hbm>> -> memref<64xi32, #tpu.memory_space<hbm>>
          %dma_start3A_327 = arith.constant 0 : i32
          %dma_start3A_328 = tpu.memref_slice %arg3[%add3A_323, %dma_start3A_327] : memref<2560x128xi32, #tpu.memory_space<hbm>> -> memref<1x64xi32, #tpu.memory_space<hbm>>
          %dma_start3A_329 = tpu.memref_squeeze %dma_start3A_328 : memref<1x64xi32, #tpu.memory_space<hbm>> -> memref<64xi32, #tpu.memory_space<hbm>>
          tpu.enqueue_dma source(%dma_start3A_329 : memref<64xi32, #tpu.memory_space<hbm>>) target(%arg12 : memref<64xi32, #tpu.memory_space<vmem>>) target_semaphore(%arg27 : memref<!tpu.dma_semaphore, #tpu.memory_space<semaphore_mem>>)
          %add3A_330 = arith.addi %select_n3A_8, %add3A_322 : i32
          %dma_start3A_331 = arith.constant 64 : i32
          %dma_start3A_332 = tpu.memref_slice %arg3[%add3A_330, %dma_start3A_331] : memref<2560x128xi32, #tpu.memory_space<hbm>> -> memref<1x64xi32, #tpu.memory_space<hbm>>
          %dma_start3A_333 = tpu.memref_squeeze %dma_start3A_332 : memref<1x64xi32, #tpu.memory_space<hbm>> -> memref<64xi32, #tpu.memory_space<hbm>>
          %dma_start3A_334 = arith.constant 64 : i32
          %dma_start3A_335 = tpu.memref_slice %arg3[%add3A_330, %dma_start3A_334] : memref<2560x128xi32, #tpu.memory_space<hbm>> -> memref<1x64xi32, #tpu.memory_space<hbm>>
          %dma_start3A_336 = tpu.memref_squeeze %dma_start3A_335 : memref<1x64xi32, #tpu.memory_space<hbm>> -> memref<64xi32, #tpu.memory_space<hbm>>
          tpu.enqueue_dma source(%dma_start3A_336 : memref<64xi32, #tpu.memory_space<hbm>>) target(%arg13 : memref<64xi32, #tpu.memory_space<vmem>>) target_semaphore(%arg27 : memref<!tpu.dma_semaphore, #tpu.memory_space<semaphore_mem>>)
          %add3A_337 = arith.addi %select_n3A_8, %add3A_322 : i32
          %dma_start3A_338 = arith.constant 0 : i32
          %dma_start3A_339 = tpu.memref_slice %arg4[%add3A_337, %dma_start3A_338] : memref<2560x128xi32, #tpu.memory_space<hbm>> -> memref<1x128xi32, #tpu.memory_space<hbm>>
          %dma_start3A_340 = tpu.memref_squeeze %dma_start3A_339 : memref<1x128xi32, #tpu.memory_space<hbm>> -> memref<128xi32, #tpu.memory_space<hbm>>
          %dma_start3A_341 = arith.constant 0 : i32
          %dma_start3A_342 = tpu.memref_slice %arg4[%add3A_337, %dma_start3A_341] : memref<2560x128xi32, #tpu.memory_space<hbm>> -> memref<1x128xi32, #tpu.memory_space<hbm>>
          %dma_start3A_343 = tpu.memref_squeeze %dma_start3A_342 : memref<1x128xi32, #tpu.memory_space<hbm>> -> memref<128xi32, #tpu.memory_space<hbm>>
          tpu.enqueue_dma source(%dma_start3A_343 : memref<128xi32, #tpu.memory_space<hbm>>) target(%arg18 : memref<128xi32, #tpu.memory_space<vmem>>) target_semaphore(%arg27 : memref<!tpu.dma_semaphore, #tpu.memory_space<semaphore_mem>>)
        } else {
        }
      } else {
      }
      %add3A_291 = arith.constant 1 : i32
      %add3A_292 = arith.addi %add3A_285, %add3A_291 : i32
      %lt3A_293 = arith.cmpi slt, %add3A_292, %select_n3A : i32
      %convert_element_type3A_294 = arith.extui %lt3A_293 : i1 to i32
      %cond3A_295 = arith.constant 0 : i32
      %cond3A_296 = arith.cmpi ne, %convert_element_type3A_294, %cond3A_295 : i32
      scf.if %cond3A_296 {
        %add3A_312 = arith.constant 1 : i32
        %add3A_313 = arith.addi %add3A_285, %add3A_312 : i32
        %add3A_314 = arith.addi %select_n3A_8, %add3A_313 : i32
        %dma_wait3A_315 = arith.constant 0 : i32
        %dma_wait3A_316 = tpu.memref_slice %arg3[%add3A_314, %dma_wait3A_315] : memref<2560x128xi32, #tpu.memory_space<hbm>> -> memref<1x64xi32, #tpu.memory_space<hbm>>
        %dma_wait3A_317 = tpu.memref_squeeze %dma_wait3A_316 : memref<1x64xi32, #tpu.memory_space<hbm>> -> memref<64xi32, #tpu.memory_space<hbm>>
        %dma_wait3A_318 = arith.constant 0 : i32
        %dma_wait3A_319 = tpu.memref_slice %arg3[%add3A_314, %dma_wait3A_318] : memref<2560x128xi32, #tpu.memory_space<hbm>> -> memref<1x64xi32, #tpu.memory_space<hbm>>
        %dma_wait3A_320 = tpu.memref_squeeze %dma_wait3A_319 : memref<1x64xi32, #tpu.memory_space<hbm>> -> memref<64xi32, #tpu.memory_space<hbm>>
        tpu.wait_dma2 semaphore(%arg25 : memref<!tpu.dma_semaphore, #tpu.memory_space<semaphore_mem>>) src(%dma_wait3A_320 : memref<64xi32, #tpu.memory_space<hbm>>) dst(%arg8 : memref<64xi32, #tpu.memory_space<vmem>>)
        %add3A_321 = arith.addi %select_n3A_8, %add3A_313 : i32
        %dma_wait3A_322 = arith.constant 64 : i32
        %dma_wait3A_323 = tpu.memref_slice %arg3[%add3A_321, %dma_wait3A_322] : memref<2560x128xi32, #tpu.memory_space<hbm>> -> memref<1x64xi32, #tpu.memory_space<hbm>>
        %dma_wait3A_324 = tpu.memref_squeeze %dma_wait3A_323 : memref<1x64xi32, #tpu.memory_space<hbm>> -> memref<64xi32, #tpu.memory_space<hbm>>
        %dma_wait3A_325 = arith.constant 64 : i32
        %dma_wait3A_326 = tpu.memref_slice %arg3[%add3A_321, %dma_wait3A_325] : memref<2560x128xi32, #tpu.memory_space<hbm>> -> memref<1x64xi32, #tpu.memory_space<hbm>>
        %dma_wait3A_327 = tpu.memref_squeeze %dma_wait3A_326 : memref<1x64xi32, #tpu.memory_space<hbm>> -> memref<64xi32, #tpu.memory_space<hbm>>
        tpu.wait_dma2 semaphore(%arg25 : memref<!tpu.dma_semaphore, #tpu.memory_space<semaphore_mem>>) src(%dma_wait3A_327 : memref<64xi32, #tpu.memory_space<hbm>>) dst(%arg9 : memref<64xi32, #tpu.memory_space<vmem>>)
        %add3A_328 = arith.addi %select_n3A_8, %add3A_313 : i32
        %dma_wait3A_329 = arith.constant 0 : i32
        %dma_wait3A_330 = tpu.memref_slice %arg4[%add3A_328, %dma_wait3A_329] : memref<2560x128xi32, #tpu.memory_space<hbm>> -> memref<1x128xi32, #tpu.memory_space<hbm>>
        %dma_wait3A_331 = tpu.memref_squeeze %dma_wait3A_330 : memref<1x128xi32, #tpu.memory_space<hbm>> -> memref<128xi32, #tpu.memory_space<hbm>>
        %dma_wait3A_332 = arith.constant 0 : i32
        %dma_wait3A_333 = tpu.memref_slice %arg4[%add3A_328, %dma_wait3A_332] : memref<2560x128xi32, #tpu.memory_space<hbm>> -> memref<1x128xi32, #tpu.memory_space<hbm>>
        %dma_wait3A_334 = tpu.memref_squeeze %dma_wait3A_333 : memref<1x128xi32, #tpu.memory_space<hbm>> -> memref<128xi32, #tpu.memory_space<hbm>>
        tpu.wait_dma2 semaphore(%arg25 : memref<!tpu.dma_semaphore, #tpu.memory_space<semaphore_mem>>) src(%dma_wait3A_334 : memref<128xi32, #tpu.memory_space<hbm>>) dst(%arg16 : memref<128xi32, #tpu.memory_space<vmem>>)
        %dma_start3A_335 = arith.constant 0 : i32
        %dma_start3A_336 = arith.constant 0 : i32
        %dma_start3A_337 = tpu.memref_slice %arg6[%dma_start3A_335, %dma_start3A_336] : memref<128x128xf32, #tpu.memory_space<vmem>> -> memref<64x128xf32, #tpu.memory_space<vmem>>
        %dma_start3A_338 = arith.constant 0 : i32
        %dma_start3A_339 = arith.constant 0 : i32
        %dma_start3A_340 = tpu.memref_slice %arg2[%dma_start3A_338, %dma_start3A_339] : memref<10000x128xf32, #tpu.memory_space<hbm>> -> memref<10000x128xf32, #tpu.memory_space<hbm>>
        tpu.enqueue_indirect_dma source(%dma_start3A_340 : memref<10000x128xf32, #tpu.memory_space<hbm>>) target(%dma_start3A_337 : memref<64x128xf32, #tpu.memory_space<vmem>>) offsets(%arg8 : memref<64xi32, #tpu.memory_space<vmem>>) semaphore(%arg21 : memref<!tpu.dma_semaphore, #tpu.memory_space<semaphore_mem>>)
        %dma_start3A_341 = arith.constant 64 : i32
        %dma_start3A_342 = arith.constant 0 : i32
        %dma_start3A_343 = tpu.memref_slice %arg6[%dma_start3A_341, %dma_start3A_342] : memref<128x128xf32, #tpu.memory_space<vmem>> -> memref<64x128xf32, #tpu.memory_space<vmem>>
        %dma_start3A_344 = arith.constant 0 : i32
        %dma_start3A_345 = arith.constant 0 : i32
        %dma_start3A_346 = tpu.memref_slice %arg2[%dma_start3A_344, %dma_start3A_345] : memref<10000x128xf32, #tpu.memory_space<hbm>> -> memref<10000x128xf32, #tpu.memory_space<hbm>>
        tpu.enqueue_indirect_dma source(%dma_start3A_346 : memref<10000x128xf32, #tpu.memory_space<hbm>>) target(%dma_start3A_343 : memref<64x128xf32, #tpu.memory_space<vmem>>) offsets(%arg9 : memref<64xi32, #tpu.memory_space<vmem>>) semaphore(%arg21 : memref<!tpu.dma_semaphore, #tpu.memory_space<semaphore_mem>>)
      } else {
      }
      %dma_wait3A_297 = arith.constant 0 : i32
      %dma_wait3A_298 = arith.constant 0 : i32
      %dma_wait3A_299 = tpu.memref_slice %arg7[%dma_wait3A_297, %dma_wait3A_298] : memref<128x128xf32, #tpu.memory_space<vmem>> -> memref<64x128xf32, #tpu.memory_space<vmem>>
      %dma_wait3A_300 = arith.constant 0 : i32
      %dma_wait3A_301 = arith.constant 0 : i32
      %dma_wait3A_302 = tpu.memref_slice %arg2[%dma_wait3A_300, %dma_wait3A_301] : memref<10000x128xf32, #tpu.memory_space<hbm>> -> memref<10000x128xf32, #tpu.memory_space<hbm>>
      tpu.wait_indirect_dma semaphore(%arg22 : memref<!tpu.dma_semaphore, #tpu.memory_space<semaphore_mem>>) src(%dma_wait3A_302 : memref<10000x128xf32, #tpu.memory_space<hbm>>) dst(%dma_wait3A_299 : memref<64x128xf32, #tpu.memory_space<vmem>>)
      %dma_wait3A_303 = arith.constant 64 : i32
      %dma_wait3A_304 = arith.constant 0 : i32
      %dma_wait3A_305 = tpu.memref_slice %arg7[%dma_wait3A_303, %dma_wait3A_304] : memref<128x128xf32, #tpu.memory_space<vmem>> -> memref<64x128xf32, #tpu.memory_space<vmem>>
      %dma_wait3A_306 = arith.constant 0 : i32
      %dma_wait3A_307 = arith.constant 0 : i32
      %dma_wait3A_308 = tpu.memref_slice %arg2[%dma_wait3A_306, %dma_wait3A_307] : memref<10000x128xf32, #tpu.memory_space<hbm>> -> memref<10000x128xf32, #tpu.memory_space<hbm>>
      tpu.wait_indirect_dma semaphore(%arg22 : memref<!tpu.dma_semaphore, #tpu.memory_space<semaphore_mem>>) src(%dma_wait3A_308 : memref<10000x128xf32, #tpu.memory_space<hbm>>) dst(%dma_wait3A_305 : memref<64x128xf32, #tpu.memory_space<vmem>>)
      %dma_start3A_309 = arith.constant 0 : i32
      %dma_start3A_310 = arith.constant 0 : i32
      %dma_start3A_311 = tpu.memref_slice %arg20[%dma_start3A_309, %dma_start3A_310] : memref<10240x128xf32, #tpu.memory_space<vmem_shared>> -> memref<10240x128xf32, #tpu.memory_space<vmem_shared>>
      tpu.enqueue_indirect_dma source(%arg7 : memref<128x128xf32, #tpu.memory_space<vmem>>) target(%dma_start3A_311 : memref<10240x128xf32, #tpu.memory_space<vmem_shared>>) offsets(%arg19 : memref<128xi32, #tpu.memory_space<vmem>>) semaphore(%arg24 : memref<!tpu.dma_semaphore, #tpu.memory_space<semaphore_mem>>) {add = true}
    }
    %dma_wait3A_184 = arith.constant 0 : i32
    %dma_wait3A_185 = arith.constant 0 : i32
    %dma_wait3A_186 = tpu.memref_slice %arg20[%dma_wait3A_184, %dma_wait3A_185] : memref<10240x128xf32, #tpu.memory_space<vmem_shared>> -> memref<10240x128xf32, #tpu.memory_space<vmem_shared>>
    tpu.wait_indirect_dma semaphore(%arg24 : memref<!tpu.dma_semaphore, #tpu.memory_space<semaphore_mem>>) src(%arg7 : memref<128x128xf32, #tpu.memory_space<vmem>>) dst(%dma_wait3A_186 : memref<10240x128xf32, #tpu.memory_space<vmem_shared>>)
    %barrier3A_187 = arith.constant 0 : index
    tpu.barrier barrier_id(%barrier3A_187)
    %scan3A_188 = arith.constant 0 : i32
    %scan3A_189 = arith.constant 5 : i32
    %scan3A_190 = arith.addi %scan3A_188, %scan3A_189 : i32
    %scan3A_191 = arith.constant 1 : i32
    scf.for %scan3A_193 = %scan3A_188 to %scan3A_190 step %scan3A_191  : i32 {
      %mul3A_194 = arith.constant 1 : i32
      %mul3A_195 = arith.muli %scan3A_193, %mul3A_194 : i32
      %add3A_196 = arith.constant 0 : i32
      %add3A_197 = arith.addi %add3A_196, %mul3A_195 : i32
      %mul3A_198 = arith.constant 640 : i32
      %mul3A_199 = arith.muli %arg1, %mul3A_198 : i32
      %mul3A_200 = arith.constant 128 : i32
      %mul3A_201 = arith.muli %add3A_197, %mul3A_200 : i32
      %add3A_202 = arith.addi %mul3A_199, %mul3A_201 : i32
      "tpu.region"() ({
        %run_scoped3A = tpu.sem_alloc : memref<!tpu.dma_semaphore, #tpu.memory_space<semaphore_mem>>
        %dma_start3A_203 = arith.constant 0 : i32
        %dma_start3A_204 = tpu.memref_slice %arg5[%arg0, %add3A_202, %dma_start3A_203] : memref<2x10240x128xf32, #tpu.memory_space<hbm>> -> memref<1x128x128xf32, #tpu.memory_space<hbm>>
        %dma_start3A_205 = tpu.memref_squeeze %dma_start3A_204 : memref<1x128x128xf32, #tpu.memory_space<hbm>> -> memref<128x128xf32, #tpu.memory_space<hbm>>
        %dma_start3A_206 = arith.constant 0 : i32
        %dma_start3A_207 = tpu.memref_slice %arg20[%add3A_202, %dma_start3A_206] : memref<10240x128xf32, #tpu.memory_space<vmem_shared>> -> memref<128x128xf32, #tpu.memory_space<vmem_shared>>
        tpu.enqueue_dma source(%dma_start3A_207 : memref<128x128xf32, #tpu.memory_space<vmem_shared>>) target(%dma_start3A_205 : memref<128x128xf32, #tpu.memory_space<hbm>>) target_semaphore(%run_scoped3A : memref<!tpu.dma_semaphore, #tpu.memory_space<semaphore_mem>>)
        %dma_wait3A_208 = arith.constant 0 : i32
        %dma_wait3A_209 = tpu.memref_slice %arg5[%arg0, %add3A_202, %dma_wait3A_208] : memref<2x10240x128xf32, #tpu.memory_space<hbm>> -> memref<1x128x128xf32, #tpu.memory_space<hbm>>
        %dma_wait3A_210 = tpu.memref_squeeze %dma_wait3A_209 : memref<1x128x128xf32, #tpu.memory_space<hbm>> -> memref<128x128xf32, #tpu.memory_space<hbm>>
        %dma_wait3A_211 = arith.constant 0 : i32
        %dma_wait3A_212 = tpu.memref_slice %arg20[%add3A_202, %dma_wait3A_211] : memref<10240x128xf32, #tpu.memory_space<vmem_shared>> -> memref<128x128xf32, #tpu.memory_space<vmem_shared>>
        tpu.wait_dma2 semaphore(%run_scoped3A : memref<!tpu.dma_semaphore, #tpu.memory_space<semaphore_mem>>) src(%dma_wait3A_212 : memref<128x128xf32, #tpu.memory_space<vmem_shared>>) dst(%dma_wait3A_210 : memref<128x128xf32, #tpu.memory_space<hbm>>)
        tpu.yield
      }) : () -> ()
    }
    %scan3A_192 = arith.constant 5 : i32
    return
  }
}

module attributes {stable_mosaic.version = 14 : i64} {
  func.func @body(%arg0: i32, %arg1: memref<2x1000x128xf32, #tpu.memory_space<vmem>>, %arg2: memref<1000x128xf32, #tpu.memory_space<vmem>>, %arg3: memref<1000x128xf32, #tpu.memory_space<vmem>>, %arg4: memref<1000x1xf32, #tpu.memory_space<vmem>>) attributes {dimension_semantics = [#tpu.dimension_semantics<arbitrary>], iteration_bounds = array<i64: 10>, scalar_prefetch = 0 : i64, scratch_operands = 0 : i64, tpu.core_type = #tpu.core_type<tc>, window_params = [{transform_indices = @transform_0, window_bounds = array<i64: 2, 1000, 128>}, {transform_indices = @transform_1, window_bounds = array<i64: 1000, 128>}, {transform_indices = @transform_2, window_bounds = array<i64: 1000, 128>}, {transform_indices = @transform_3, window_bounds = array<i64: 1000, 1>}]} {
    %get3A = arith.constant 0 : index
    %get3A_0 = arith.constant 0 : index
    %get3A_1 = arith.constant 0 : index
    %get3A_2 = vector.load %arg1[%get3A, %get3A_0, %get3A_1] : memref<2x1000x128xf32, #tpu.memory_space<vmem>>, vector<1x1000x1xf32>
    %get3A_3 = vector.shape_cast %get3A_2 : vector<1x1000x1xf32> to vector<1000x1xf32>
    %get3A_4 = arith.constant 1 : index
    %get3A_5 = arith.constant 0 : index
    %get3A_6 = arith.constant 0 : index
    %get3A_7 = vector.load %arg1[%get3A_4, %get3A_5, %get3A_6] : memref<2x1000x128xf32, #tpu.memory_space<vmem>>, vector<1x1000x1xf32>
    %get3A_8 = vector.shape_cast %get3A_7 : vector<1x1000x1xf32> to vector<1000x1xf32>
    %add3A = arith.addf %get3A_3, %get3A_8 : vector<1000x1xf32>
    %sub3A = arith.constant 1.000000e+00 : f32
    %sub3A_9 = vector.broadcast %sub3A : f32 to vector<1000x1xf32>
    %sub3A_10 = arith.subf %add3A, %sub3A_9 : vector<1000x1xf32>
    %rsqrt3A = math.rsqrt %sub3A_10 : vector<1000x1xf32>
    %swap3A = arith.constant 0 : index
    %swap3A_11 = arith.constant 0 : index
    %swap3A_12 = vector.load %arg4[%swap3A, %swap3A_11] : memref<1000x1xf32, #tpu.memory_space<vmem>>, vector<1000x1xf32>
    tpu.vector_store %arg4[%swap3A, %swap3A_11], %rsqrt3A {strides = array<i32>} : memref<1000x1xf32, #tpu.memory_space<vmem>>, vector<1000x1xf32>,
    %get3A_13 = arith.constant 0 : index
    %get3A_14 = arith.constant 0 : index
    %get3A_15 = vector.load %arg2[%get3A_13, %get3A_14] : memref<1000x128xf32, #tpu.memory_space<vmem>>, vector<1000x128xf32>
    %mul3A = vector.broadcast %rsqrt3A : vector<1000x1xf32> to vector<1000x128xf32>
    %mul3A_16 = arith.mulf %get3A_15, %mul3A : vector<1000x128xf32>
    %swap3A_17 = arith.constant 0 : index
    %swap3A_18 = arith.constant 0 : index
    %swap3A_19 = vector.load %arg3[%swap3A_17, %swap3A_18] : memref<1000x128xf32, #tpu.memory_space<vmem>>, vector<1000x128xf32>
    tpu.vector_store %arg3[%swap3A_17, %swap3A_18], %mul3A_16 {strides = array<i32>} : memref<1000x128xf32, #tpu.memory_space<vmem>>, vector<1000x128xf32>,
    return
  }
  func.func @transform_0(%arg0: i32) -> (i32, i32, i32) {
    %c0_i32 = arith.constant 0 : i32
    %c0_i32_0 = arith.constant 0 : i32
    %c0_i32_1 = arith.constant 0 : i32
    return %c0_i32, %arg0, %c0_i32_0 : i32, i32, i32
  }
  func.func @transform_1(%arg0: i32) -> (i32, i32) {
    %c0_i32 = arith.constant 0 : i32
    %c0_i32_0 = arith.constant 0 : i32
    return %arg0, %c0_i32 : i32, i32
  }
  func.func @transform_2(%arg0: i32) -> (i32, i32) {
    %c0_i32 = arith.constant 0 : i32
    %c0_i32_0 = arith.constant 0 : i32
    return %arg0, %c0_i32 : i32, i32
  }
  func.func @transform_3(%arg0: i32) -> (i32, i32) {
    %c0_i32 = arith.constant 0 : i32
    %c0_i32_0 = arith.constant 0 : i32
    return %arg0, %c0_i32 : i32, i32
  }
}

module attributes {stable_mosaic.version = 14 : i64} {
  func.func @body(%arg0: i32, %arg1: memref<2x1000x128xf32, #tpu.memory_space<vmem>>, %arg2: memref<1000x128xf32, #tpu.memory_space<vmem>>, %arg3: memref<1000x1xf32, #tpu.memory_space<vmem>>, %arg4: memref<128x128xf32, #tpu.memory_space<vmem>>, %arg5: memref<1x128xf32, #tpu.memory_space<vmem>>, %arg6: memref<1000x128xf32, #tpu.memory_space<vmem>>, %arg7: memref<1000x128xf32, #tpu.memory_space<vmem>>) attributes {dimension_semantics = [#tpu.dimension_semantics<arbitrary>], iteration_bounds = array<i64: 10>, scalar_prefetch = 0 : i64, scratch_operands = 0 : i64, tpu.core_type = #tpu.core_type<tc>, window_params = [{transform_indices = @transform_0, window_bounds = array<i64: 2, 1000, 128>}, {transform_indices = @transform_1, window_bounds = array<i64: 1000, 128>}, {transform_indices = @transform_2, window_bounds = array<i64: 1000, 1>}, {pipeline_mode = #tpu.pipeline_mode<synchronous>, transform_indices = @transform_3, window_bounds = array<i64: 128, 128>}, {pipeline_mode = #tpu.pipeline_mode<synchronous>, transform_indices = @transform_4, window_bounds = array<i64: 1, 128>}, {transform_indices = @transform_5, window_bounds = array<i64: 1000, 128>}, {transform_indices = @transform_6, window_bounds = array<i64: 1000, 128>}]} {
    %get3A = arith.constant 0 : index
    %get3A_0 = arith.constant 0 : index
    %get3A_1 = vector.load %arg3[%get3A, %get3A_0] : memref<1000x1xf32, #tpu.memory_space<vmem>>, vector<1000x1xf32>
    %get3A_2 = arith.constant 0 : index
    %get3A_3 = arith.constant 0 : index
    %get3A_4 = arith.constant 0 : index
    %get3A_5 = vector.load %arg1[%get3A_2, %get3A_3, %get3A_4] : memref<2x1000x128xf32, #tpu.memory_space<vmem>>, vector<1x1000x128xf32>
    %get3A_6 = vector.shape_cast %get3A_5 : vector<1x1000x128xf32> to vector<1000x128xf32>
    %get3A_7 = arith.constant 1 : index
    %get3A_8 = arith.constant 0 : index
    %get3A_9 = arith.constant 0 : index
    %get3A_10 = vector.load %arg1[%get3A_7, %get3A_8, %get3A_9] : memref<2x1000x128xf32, #tpu.memory_space<vmem>>, vector<1x1000x128xf32>
    %get3A_11 = vector.shape_cast %get3A_10 : vector<1x1000x128xf32> to vector<1000x128xf32>
    %add3A = arith.addf %get3A_6, %get3A_11 : vector<1000x128xf32>
    %get3A_12 = arith.constant 0 : index
    %get3A_13 = arith.constant 0 : index
    %get3A_14 = vector.load %arg2[%get3A_12, %get3A_13] : memref<1000x128xf32, #tpu.memory_space<vmem>>, vector<1000x128xf32>
    %add3A_15 = arith.addf %add3A, %get3A_14 : vector<1000x128xf32>
    %mul3A = vector.broadcast %get3A_1 : vector<1000x1xf32> to vector<1000x128xf32>
    %mul3A_16 = arith.mulf %add3A_15, %mul3A : vector<1000x128xf32>
    %get3A_17 = arith.constant 0 : index
    %get3A_18 = arith.constant 0 : index
    %get3A_19 = vector.load %arg4[%get3A_17, %get3A_18] : memref<128x128xf32, #tpu.memory_space<vmem>>, vector<128x128xf32>
    %dot_general3A = arith.constant dense<0.000000e+00> : vector<1000x128xf32>
    %dot_general3A_20 = tpu.matmul %mul3A_16, %get3A_19, %dot_general3A {dimension_numbers = #tpu.dot_dimension_numbers<[1], [1], [0], [0], [0, 0, 1, 0], [], []>, transpose_lhs_hint = false} : vector<1000x128xf32>, vector<128x128xf32>, vector<1000x128xf32> -> vector<1000x128xf32>
    %get3A_21 = arith.constant 0 : index
    %get3A_22 = arith.constant 0 : index
    %get3A_23 = vector.load %arg5[%get3A_21, %get3A_22] : memref<1x128xf32, #tpu.memory_space<vmem>>, vector<1x128xf32>
    %add3A_24 = vector.broadcast %get3A_23 : vector<1x128xf32> to vector<1000x128xf32>
    %add3A_25 = arith.addf %dot_general3A_20, %add3A_24 : vector<1000x128xf32>
    %max3A = arith.constant 0.000000e+00 : f32
    %max3A_26 = vector.broadcast %max3A : f32 to vector<1000x128xf32>
    %max3A_27 = arith.maximumf %add3A_25, %max3A_26 : vector<1000x128xf32>
    %swap3A = arith.constant 0 : index
    %swap3A_28 = arith.constant 0 : index
    %swap3A_29 = vector.load %arg6[%swap3A, %swap3A_28] : memref<1000x128xf32, #tpu.memory_space<vmem>>, vector<1000x128xf32>
    tpu.vector_store %arg6[%swap3A, %swap3A_28], %max3A_27 {strides = array<i32>} : memref<1000x128xf32, #tpu.memory_space<vmem>>, vector<1000x128xf32>,
    %mul3A_30 = vector.broadcast %get3A_1 : vector<1000x1xf32> to vector<1000x128xf32>
    %mul3A_31 = arith.mulf %max3A_27, %mul3A_30 : vector<1000x128xf32>
    %swap3A_32 = arith.constant 0 : index
    %swap3A_33 = arith.constant 0 : index
    %swap3A_34 = vector.load %arg7[%swap3A_32, %swap3A_33] : memref<1000x128xf32, #tpu.memory_space<vmem>>, vector<1000x128xf32>
    tpu.vector_store %arg7[%swap3A_32, %swap3A_33], %mul3A_31 {strides = array<i32>} : memref<1000x128xf32, #tpu.memory_space<vmem>>, vector<1000x128xf32>,
    return
  }
  func.func @transform_0(%arg0: i32) -> (i32, i32, i32) {
    %c0_i32 = arith.constant 0 : i32
    %c0_i32_0 = arith.constant 0 : i32
    %c0_i32_1 = arith.constant 0 : i32
    return %c0_i32, %arg0, %c0_i32_0 : i32, i32, i32
  }
  func.func @transform_1(%arg0: i32) -> (i32, i32) {
    %c0_i32 = arith.constant 0 : i32
    %c0_i32_0 = arith.constant 0 : i32
    return %arg0, %c0_i32 : i32, i32
  }
  func.func @transform_2(%arg0: i32) -> (i32, i32) {
    %c0_i32 = arith.constant 0 : i32
    %c0_i32_0 = arith.constant 0 : i32
    return %arg0, %c0_i32 : i32, i32
  }
  func.func @transform_3(%arg0: i32) -> (i32, i32) {
    %c0_i32 = arith.constant 0 : i32
    %c0_i32_0 = arith.constant 0 : i32
    %c0_i32_1 = arith.constant 0 : i32
    return %c0_i32, %c0_i32_0 : i32, i32
  }
  func.func @transform_4(%arg0: i32) -> (i32, i32) {
    %c0_i32 = arith.constant 0 : i32
    %c0_i32_0 = arith.constant 0 : i32
    %c0_i32_1 = arith.constant 0 : i32
    return %c0_i32, %c0_i32_0 : i32, i32
  }
  func.func @transform_5(%arg0: i32) -> (i32, i32) {
    %c0_i32 = arith.constant 0 : i32
    %c0_i32_0 = arith.constant 0 : i32
    return %arg0, %c0_i32 : i32, i32
  }
  func.func @transform_6(%arg0: i32) -> (i32, i32) {
    %c0_i32 = arith.constant 0 : i32
    %c0_i32_0 = arith.constant 0 : i32
    return %arg0, %c0_i32 : i32, i32
  }
}

module attributes {stable_mosaic.version = 14 : i64} {
  func.func @body(%arg0: i32, %arg1: memref<2x1000x128xf32, #tpu.memory_space<vmem>>, %arg2: memref<1000x128xf32, #tpu.memory_space<vmem>>, %arg3: memref<1000x1xf32, #tpu.memory_space<vmem>>, %arg4: memref<128x128xf32, #tpu.memory_space<vmem>>, %arg5: memref<1x128xf32, #tpu.memory_space<vmem>>, %arg6: memref<1000x128xf32, #tpu.memory_space<vmem>>) attributes {dimension_semantics = [#tpu.dimension_semantics<arbitrary>], iteration_bounds = array<i64: 10>, scalar_prefetch = 0 : i64, scratch_operands = 0 : i64, tpu.core_type = #tpu.core_type<tc>, window_params = [{transform_indices = @transform_0, window_bounds = array<i64: 2, 1000, 128>}, {transform_indices = @transform_1, window_bounds = array<i64: 1000, 128>}, {transform_indices = @transform_2, window_bounds = array<i64: 1000, 1>}, {pipeline_mode = #tpu.pipeline_mode<synchronous>, transform_indices = @transform_3, window_bounds = array<i64: 128, 128>}, {pipeline_mode = #tpu.pipeline_mode<synchronous>, transform_indices = @transform_4, window_bounds = array<i64: 1, 128>}, {transform_indices = @transform_5, window_bounds = array<i64: 1000, 128>}]} {
    %get3A = arith.constant 0 : index
    %get3A_0 = arith.constant 0 : index
    %get3A_1 = arith.constant 0 : index
    %get3A_2 = vector.load %arg1[%get3A, %get3A_0, %get3A_1] : memref<2x1000x128xf32, #tpu.memory_space<vmem>>, vector<1x1000x128xf32>
    %get3A_3 = vector.shape_cast %get3A_2 : vector<1x1000x128xf32> to vector<1000x128xf32>
    %get3A_4 = arith.constant 1 : index
    %get3A_5 = arith.constant 0 : index
    %get3A_6 = arith.constant 0 : index
    %get3A_7 = vector.load %arg1[%get3A_4, %get3A_5, %get3A_6] : memref<2x1000x128xf32, #tpu.memory_space<vmem>>, vector<1x1000x128xf32>
    %get3A_8 = vector.shape_cast %get3A_7 : vector<1x1000x128xf32> to vector<1000x128xf32>
    %add3A = arith.addf %get3A_3, %get3A_8 : vector<1000x128xf32>
    %get3A_9 = arith.constant 0 : index
    %get3A_10 = arith.constant 0 : index
    %get3A_11 = vector.load %arg2[%get3A_9, %get3A_10] : memref<1000x128xf32, #tpu.memory_space<vmem>>, vector<1000x128xf32>
    %add3A_12 = arith.addf %add3A, %get3A_11 : vector<1000x128xf32>
    %get3A_13 = arith.constant 0 : index
    %get3A_14 = arith.constant 0 : index
    %get3A_15 = vector.load %arg3[%get3A_13, %get3A_14] : memref<1000x1xf32, #tpu.memory_space<vmem>>, vector<1000x1xf32>
    %mul3A = vector.broadcast %get3A_15 : vector<1000x1xf32> to vector<1000x128xf32>
    %mul3A_16 = arith.mulf %add3A_12, %mul3A : vector<1000x128xf32>
    %get3A_17 = arith.constant 0 : index
    %get3A_18 = arith.constant 0 : index
    %get3A_19 = vector.load %arg4[%get3A_17, %get3A_18] : memref<128x128xf32, #tpu.memory_space<vmem>>, vector<128x128xf32>
    %dot_general3A = arith.constant dense<0.000000e+00> : vector<1000x128xf32>
    %dot_general3A_20 = tpu.matmul %mul3A_16, %get3A_19, %dot_general3A {dimension_numbers = #tpu.dot_dimension_numbers<[1], [1], [0], [0], [0, 0, 1, 0], [], []>, transpose_lhs_hint = false} : vector<1000x128xf32>, vector<128x128xf32>, vector<1000x128xf32> -> vector<1000x128xf32>
    %get3A_21 = arith.constant 0 : index
    %get3A_22 = arith.constant 0 : index
    %get3A_23 = vector.load %arg5[%get3A_21, %get3A_22] : memref<1x128xf32, #tpu.memory_space<vmem>>, vector<1x128xf32>
    %add3A_24 = vector.broadcast %get3A_23 : vector<1x128xf32> to vector<1000x128xf32>
    %add3A_25 = arith.addf %dot_general3A_20, %add3A_24 : vector<1000x128xf32>
    %swap3A = arith.constant 0 : index
    %swap3A_26 = arith.constant 0 : index
    %swap3A_27 = vector.load %arg6[%swap3A, %swap3A_26] : memref<1000x128xf32, #tpu.memory_space<vmem>>, vector<1000x128xf32>
    tpu.vector_store %arg6[%swap3A, %swap3A_26], %add3A_25 {strides = array<i32>} : memref<1000x128xf32, #tpu.memory_space<vmem>>, vector<1000x128xf32>,
    return
  }
  func.func @transform_0(%arg0: i32) -> (i32, i32, i32) {
    %c0_i32 = arith.constant 0 : i32
    %c0_i32_0 = arith.constant 0 : i32
    %c0_i32_1 = arith.constant 0 : i32
    return %c0_i32, %arg0, %c0_i32_0 : i32, i32, i32
  }
  func.func @transform_1(%arg0: i32) -> (i32, i32) {
    %c0_i32 = arith.constant 0 : i32
    %c0_i32_0 = arith.constant 0 : i32
    return %arg0, %c0_i32 : i32, i32
  }
  func.func @transform_2(%arg0: i32) -> (i32, i32) {
    %c0_i32 = arith.constant 0 : i32
    %c0_i32_0 = arith.constant 0 : i32
    return %arg0, %c0_i32 : i32, i32
  }
  func.func @transform_3(%arg0: i32) -> (i32, i32) {
    %c0_i32 = arith.constant 0 : i32
    %c0_i32_0 = arith.constant 0 : i32
    %c0_i32_1 = arith.constant 0 : i32
    return %c0_i32, %c0_i32_0 : i32, i32
  }
  func.func @transform_4(%arg0: i32) -> (i32, i32) {
    %c0_i32 = arith.constant 0 : i32
    %c0_i32_0 = arith.constant 0 : i32
    %c0_i32_1 = arith.constant 0 : i32
    return %c0_i32, %c0_i32_0 : i32, i32
  }
  func.func @transform_5(%arg0: i32) -> (i32, i32) {
    %c0_i32 = arith.constant 0 : i32
    %c0_i32_0 = arith.constant 0 : i32
    return %arg0, %c0_i32 : i32, i32
  }
}

</mosaic_0001>

<sc_bundles>
// kernel: kernel.11.cloned.1.call-start
scs
__scs_entry_jumppad:
0x0: {  	(pc) =	sbr.rel $0x88, $3  }
0x1: {  	(tag) =	ssettag $0x0;
	lr =	simm.s32 $0x1  }
0x2: {  	[smem:$0x3F9B] =	sst lr;
	_ =	strace $0xD0000000  }
0x3: {  	_ = 	snop  }
0x4: {  	_ = 	snop  }
0x5: {  	_ = 	snop  }
0x6: {  	_ = 	snop  }
0x7: {  	_ = 	snop  }
__scs_overlays_trampoline_lowered:
0x8: {  	[smem:$0x3FAA] =	sst s0  }
0x9: {  	[smem:$0x3FAB] =	sst s1  }
0xa: {  	[smem:$0x3FAC] =	sst s2  }
0xb: {  	[smem:$0x3FAD] =	sst s3  }
0xc: {  	[smem:$0x3FAE] =	sst s4  }
0xd: {  	[smem:$0x3FAF] =	sst s5  }
0xe: {  	[smem:$0x3FB0] =	sst s6  }
0xf: {  	[smem:$0x3FB1] =	sst s7  }
0x10: {  	[smem:$0x3FB2] =	sst s8  }
0x11: {  	[smem:$0x3FB3] =	sst s9;
	s0 =	simm.s32 @!p0 $0x0  }
0x12: {  	s1 =	sld [smem:$0x3F99];
	s0 =	simm.s32 @p0 $0x1  }
0x13: {  	[smem:$0x3FB4] =	sst s0;
	s0 =	simm.s32 @!p1 $0x0  }
0x14: {  	s2 =	sld [smem:$0x3F98];
	s0 =	simm.s32 @p1 $0x1  }
0x15: {  	[smem:$0x3FB5] =	sst s0;
	s0 =	simm.s32 @!p2 $0x0  }
0x16: {  	s3 =	sld [smem:$0x3FDB];
	s0 =	simm.s32 @p2 $0x1  }
0x17: {  	s4 =	simm.s32 $0x1BF5;
	[smem:$0x3FB7] =	sst s0  }
0x18: {  	s0 =	sld [smem:$0x3F9A];
	_ =	swait.ge [sflag:s4], $0x0  }
0x19: {  	s7 =	sld [smem:$0x3F9B]  }
0x1a: {  	s8 =	sadd.s32 $0xFFFFE003, lr  }
0x1b: {  	s9 =	sadd.s32 $0xFFFFFEF7, lr;
	s5 =	simm.s32 $0xFFFFFFFF;
	p2 =	slt.u32 s8, $0xFFFFF086  }
0x1c: {  	p1 =	slt.u32 s9, $0xF7A;
	s5 =	simm.s32 @!p2 $0x0  }
0x1d: {  	s5 =	simm.s32 @p1 $0x1;
	p0 =	seq.s32 s7, s2  }
0x1e: {  	s7 =	smul.u32 @!p0 $0xF7A, s2;
	p2 =	seq.s32 @!p0 s5, $0x0  }
0x1f: {  	s9 =	smul.u32 $0xF7A, s1;
	s8 =	simm.s32 @!p0 $0x1BF5;
	p2 =	por !p2, p0  }
0x20: {  	[sflag:s8] =	ssyncset.s32 @!p0 $0xFFFFF086;
	s6 =	sadd.s32 @!p0 s3, s7;
	s7 =	simm.s32 @!p0 $0x108  }
0x21: {  	s3 =	sadd.s32 s3, s9;
	s6 =	sadd.s32 @!p0 $0x88, s6;
	s7 =	simm.s32 @p2 $0x1082  }
0x22: {  	[simem:s7], [sflag:s8] =	dma.local @!p0 [hbm:s6], $0xF7A  }
0x23: {  	s9 =	sor.u32 $0xD0000000, s2;
	s6 =	simm.s32 $0x108;
	_ =	swait.ge @!p0 [sflag:s8], $0x0  }
0x24: {  	s3 =	sadd.s32 $0x88, s3;
	s6 =	simm.s32 @!p1 $0x1082;
	[sflag:s4] =	ssyncset.s32 $0xFFFFF086  }
0x25: {  	[simem:s6], [sflag:s4] =	dma.local [hbm:s3], $0xF7A  }
0x26: {  	[smem:$0x3F9B] =	sst s1;
	(tag) =	ssettag s2;
	_ =	strace s9  }
0x27: {  	s1 =	sld [smem:$0x3FAB]  }
0x28: {  	s2 =	sld [smem:$0x3FAC]  }
0x29: {  	s4 =	sld [smem:$0x3FAE]  }
0x2a: {  	p0 =	seq.s32 s5, $0x0;
	s5 =	sld [smem:$0x3FAF]  }
0x2b: {  	s6 =	sld [smem:$0x3FB0]  }
0x2c: {  	s7 =	sld [smem:$0x3FB1]  }
0x2d: {  	s3 =	simm.s32 $0x108;
	s8 =	sld [smem:$0x3FB2]  }
0x2e: {  	s3 =	simm.s32 @!p0 $0x1082;
	s9 =	sld [smem:$0x3FB3]  }
0x2f: {  	lr =	sadd.s32 s0, s3;
	s0 =	sld [smem:$0x3FAA]  }
0x30: {  	s3 =	sld [smem:$0x3FAD]  }
0x31: {  	[smem:$0x3FB6] =	sst s10  }
0x32: {  	s10 =	sld [smem:$0x3FB4];
	_ =	sdelay $0x3  }
0x33: {  	p0 =	seq.s32 s10, $0x1;
	s10 =	sld [smem:$0x3FB6];
	_ =	sdelay $0x3  }
0x34: {  	[smem:$0x3FB6] =	sst s10  }
0x35: {  	s10 =	sld [smem:$0x3FB5];
	_ =	sdelay $0x3  }
0x36: {  	p1 =	seq.s32 s10, $0x1;
	s10 =	sld [smem:$0x3FB6];
	_ =	sdelay $0x3  }
0x37: {  	[smem:$0x3FB6] =	sst s10  }
0x38: {  	s10 =	sld [smem:$0x3FB7]  }
0x39: {  	_ = 	snop;
	(pc) =	sbr.ind lr, $3  }
0x3a: {  	_ = 	snop  }
0x3b: {  	_ = 	snop  }
0x3c: {  	p2 =	seq.s32 s10, $0x1;
	s10 =	sld [smem:$0x3FB6]  }
0x3d: {  	_ =	shalt  }
0x3e: {  	_ =	shalt  }
0x3f: {  	_ =	shalt  }
0x40: {  	_ =	shalt  }
0x41: {  	_ =	shalt  }
0x42: {  	_ =	shalt  }
0x43: {  	_ =	shalt  }
0x44: {  	_ =	shalt  }
0x45: {  	_ =	shalt  }
0x46: {  	_ =	shalt  }
0x47: {  	_ =	shalt  }
0x48: {  	_ =	shalt  }
0x49: {  	_ =	shalt  }
0x4a: {  	_ =	shalt  }
0x4b: {  	_ =	shalt  }
0x4c: {  	_ =	shalt  }
0x4d: {  	_ =	shalt  }
0x4e: {  	_ =	shalt  }
0x4f: {  	_ =	shalt  }
0x50: {  	_ =	shalt  }
0x51: {  	_ =	shalt  }
0x52: {  	_ =	shalt  }
0x53: {  	_ =	shalt  }
0x54: {  	_ =	shalt  }
0x55: {  	_ =	shalt  }
0x56: {  	_ =	shalt  }
0x57: {  	_ =	shalt  }
0x58: {  	_ =	shalt  }
0x59: {  	_ =	shalt  }
0x5a: {  	_ =	shalt  }
0x5b: {  	_ =	shalt  }
0x5c: {  	_ =	shalt  }
0x5d: {  	_ =	shalt  }
0x5e: {  	_ =	shalt  }
0x5f: {  	_ =	shalt  }
0x60: {  	_ =	shalt  }
0x61: {  	_ =	shalt  }
0x62: {  	_ =	shalt  }
0x63: {  	_ =	shalt  }
0x64: {  	_ =	shalt  }
0x65: {  	_ =	shalt  }
0x66: {  	_ =	shalt  }
0x67: {  	_ =	shalt  }
0x68: {  	_ =	shalt  }
0x69: {  	_ =	shalt  }
0x6a: {  	_ =	shalt  }
0x6b: {  	_ =	shalt  }
0x6c: {  	_ =	shalt  }
0x6d: {  	_ =	shalt  }
0x6e: {  	_ =	shalt  }
0x6f: {  	_ =	shalt  }
0x70: {  	_ =	shalt  }
0x71: {  	_ =	shalt  }
0x72: {  	_ =	shalt  }
0x73: {  	_ =	shalt  }
0x74: {  	_ =	shalt  }
0x75: {  	_ =	shalt  }
0x76: {  	_ =	shalt  }
0x77: {  	_ =	shalt  }
0x78: {  	_ =	shalt  }
0x79: {  	_ =	shalt  }
0x7a: {  	_ =	shalt  }
0x7b: {  	_ =	shalt  }
0x7c: {  	_ =	shalt  }
0x7d: {  	_ =	shalt  }
0x7e: {  	_ =	shalt  }
0x7f: {  	_ =	shalt  }
0x80: {  	_ =	shalt  }
0x81: {  	_ =	shalt  }
0x82: {  	_ =	shalt  }
0x83: {  	_ =	shalt  }
0x84: {  	_ =	shalt  }
0x85: {  	_ =	shalt  }
0x86: {  	_ =	shalt  }
0x87: {  	_ =	shalt  }
.Lfunc_end0:
.L_simem_size_0:
called_computation.1_lowered:
.L_overlay_start_0:
0x88: {  	s2 =	sld [smem:$0x3FD9]  }
0x89: {  	s3 =	sld [smem:$0x3FFE];
	_ =	sdelay $0x1  }
0x8a: {  	s1 =	srdreg.scid  }
0x8b: {  	s0 =	sand.u32 $0x1, s1  }
0x8c: {  	s14 =	sshll.u32 s0, $0xA;
	s2 =	sadd.s32 s3, s2  }
0x8d: {  	s2 =	sadd.s32 s2, s14  }
0x8e: {  	[smem:$0x3FC2] =	sst s2  }
0x8f: {  	_ = 	snop  }
0x90: {  	s2 =	sld [smem:$0x3FD0];
	_ =	sdelay $0x2  }
0x91: {  	s15 =	simm.s32 $0xA;
	s4 =	simm.s32 $0x10  }
0x92: {  	[smem:s4], [sflag:s15] =	dma.local [hbm:s2], $0x1  }
0x93: {  	_ =	swait.eq [sflag:s15], $0x1  }
0x94: {  	[sflag:s15] =	ssyncset.done $0x0  }
0x95: {  	[sflag:s15] =	ssyncadd.s32 $0xFFFFFFFF  }
0x96: {  	s16 =	sld [smem:$0x11];
	(tm) =	ssettm $0x1  }
0x97: {  	s17 =	sld [smem:$0x3FFB];
	_ =	sdelay $0x3  }
0x98: {  	_ =	strace s17  }
0x99: {  	s3 =	sld [smem:$0x3FFC];
	_ =	sdelay $0x3  }
0x9a: {  	_ =	strace s3  }
0x9b: {  	s3 =	sld [smem:$0x3FFD];
	_ =	sdelay $0x3  }
0x9c: {  	_ =	strace s3  }
0x9d: {  	_ =	strace $0x8FFFFFFF  }
0x9e: {  	s18 =	sld [smem:$0x3FDB];
	_ =	sdelay $0x1  }
0x9f: {  	s19 =	simm.s32 $_scs_section_size  }
0xa0: {  	s5 =	simm.s32 $_size__tile_overlayer_lowered;
	s6 =	simm.s32 $_tile_overlayer_lowered  }
0xa1: {  	s22 =	simm.s32 $0x1BFF;
	s21 =	sshll.u32 s6, $0x1;
	s3 =	sadd.s32 s19, s18  }
0xa2: {  	s7 =	simm.s32 $0x0;
	s20 =	sshll.u32 s5, $0x1;
	s5 =	sadd.s32 s21, s3  }
0xa3: {  	[timem:s7], [sflag:s22] =	dma.local [hbm:s5], s20  }
0xa4: {  	_ =	swait.ge [sflag:s22], s20  }
0xa5: {  	s4 =	ssub.s32 $0x0, s20;
	[sflag:s22] =	ssyncset.done $0x0  }
0xa6: {  	[sflag:s22] =	ssyncadd.s32 s4;
	_ =	sdelay $0x1  }
0xa7: {  	s23 =	simm.s32 $0x1B8B  }
0xa8: {  	_ =	swait.ge [sflag:s23], $0x1  }
0xa9: {  	[sflag:s23] =	ssyncset.done $0x0  }
0xaa: {  	s25 =	simm.s32 $0x1B8E;
	s24 =	sld [smem:$0x3FFE];
	[sflag:s23] =	ssyncadd.s32 $0xFFFFFFFF  }
0xab: {  	s26 =	simm.s32 $execute0_lowered;
	[smem:$0x3FD2] =	sst s25  }
0xac: {  	s5 =	sshll.u32 s26, $0x1;
	_ =	strace $0x80000049;
	[dreg:$0x1] =	wrdreg $0xFFFFFFFF  }
0xad: {  	s28 =	simm.s32 $_size_execute0_lowered;
	s3 =	sadd.s32 s3, s5;
	[dreg:$0x0] =	wrdreg $0x0  }
0xae: {  	s5 =	sshll.u32 s28, $0x1;
	[dreg:$0x2] =	wrdreg s3  }
0xaf: {  	[dreg:$0x3] =	wrdreg s5  }
0xb0: {  	[dreg:$0x4] =	wrdreg $0xC0  }
0xb1: {  	_ =	task [dreg:s7], $0x5FFFF  }
0xb2: {  	[dreg:$0x1] =	wrdreg $0xFFFFFFFF  }
0xb3: {  	[dreg:$0x0] =	wrdreg $0x60  }
0xb4: {  	[dreg:$0x2] =	wrdreg s16  }
0xb5: {  	[dreg:$0x3] =	wrdreg s24  }
0xb6: {  	[dreg:$0x4] =	wrdreg $0x86000  }
0xb7: {  	[dreg:$0x5] =	wrdreg $0x9  }
0xb8: {  	_ =	task.clear_ibuf [dreg:s7], $0x6FFFF;
	_ =	strace $0x90000049  }
0xb9: {  	s29 =	simm.s32 $0x9;
	_ =	strace $0x8000004B  }
0xba: {  	_ =	swait.ge [sflag:s29], $0x1  }
0xbb: {  	[sflag:s29] =	ssyncadd.s32 $0xFFFFFFFF  }
0xbc: {  	_ =	strace $0x9000004B  }
0xbd: {  	_ =	sfence  }
0xbe: {  	s30 =	sld [smem:$0x0];
	_ =	sdelay $0x2  }
0xbf: {  	s31 =	sshll.u32 s1, $0xD;
	s1 =	sshrl.u32 s1, $0x2  }
0xc0: {  	s3 =	sand.u32 $0x4000, s31;
	s1 =	sadd.s32 s1, s30  }
0xc1: {  	s0 =	sor.u32 s3, s0;
	s1 =	sshll.u32 s1, $0x11  }
0xc2: {  	s0 =	sor.u32 s1, s0  }
0xc3: {  	s0 =	sadd.s32 $0x8F2B, s0  }
0xc4: {  	[sflag:s0] =	ssyncadd.remote.s32 $0x1  }
0xc5: {  	_ =	sfence.sel $0xFFFF  }
0xc6: {  	[dreg:$0x0] =	wrdreg $0xFFFFFFFF;
	(pc) =	sbr.abs _section_cstart, $3  }
0xc7: {  	[dreg:$0x1] =	wrdreg $0xFFFFFFFF  }
0xc8: {  	_ =	task.clear_ibuf [dreg:s7], $0x2FFFF;
	_ =	strace $0x9FFFFFFF  }
0xc9: {  	(tm) =	ssettm $0x7FFFFFFF  }
tec
execute0_lowered:
.L_overlay_start_1:
0x0: {  	(tag) =	ssettag $0x1  }
0x1: {  	s1 =	rddreg [dreg:$0x0]  }
0x2: {  	s0 =	rddreg [dreg:$0x1]  }
0x3: {  	s2 =	rddreg [dreg:$0x2]  }
0x4: {  	s3 =	simm.s32 $0x0;
	s5 =	srdreg.scid;
	s15 =	stileid.u32  }
0x5: {  	s28 =	simm.s32 $0x8080;
	[smem:$0x7FF] =	sst s3;
	s4 =	sadd.s32 $0x5CE00, s0  }
0x6: {  	s7 =	sadd.s32 $0x52E00, s0;
	s9 =	sand.u32 $0x1, s5;
	s5 =	smul.u32 $0x9C, s15  }
0x7: {  	s6 =	sshll.u32 s15, $0x2;
	s10 =	sadd.s32 $0x2E00, s0;
	s0 =	sadd.s32 $0x5CE08, s0  }
0x8: {  	s19 =	smul.u32 $0x14000, s15;
	p0 =	seq.s32 s9, $0x0;
	s6 =	sor.u32 $0x9C0, s6  }
0x9: {  	_ =	strace $0x8000004A;
	s8 =	ssub.s32 $0x2, s9;
	s6 =	smov.u32 @p0 s5  }
0xa: {  	s9 =	smul.u32 $0x140000, s9;
	s5 =	simm.s32 $0x9C;
	s12 =	sshll.u32 s6, $0x4  }
0xb: {  	s11 =	sshrl.u32 s8, $0x1;
	s5 =	simm.s32 @!p0 $0x4;
	s23 =	sadd.s32 s12, s0  }
0xc: {  	s22 =	sadd.s32 $0x4000, s19;
	s16 =	sadd.s32 $0xFFFFFFFF, s5;
	[dreg:$0x9] =	wrdreg s23  }
0xd: {  	s11 =	ssub.s32 s8, s11;
	s17 =	sadd.s32 $0xFFFFFFFE, s5;
	[dreg:$0x4] =	wrdreg s16  }
0xe: {  	s20 =	sadd.s32 s9, s19;
	s18 =	sadd.s32 $0xFFFFFFFD, s5;
	[dreg:$0x5] =	wrdreg s17  }
0xf: {  	s13 =	sor.u32 $0x10, s12;
	s21 =	sadd.s32 $0xFFFFFFFC, s5;
	[dreg:$0x6] =	wrdreg s18  }
0x10: {  	s6 =	sadd.s32 s4, s12;
	s14 =	sadd.s32 s4, s13;
	[dreg:$0x7] =	wrdreg s21  }
0x11: {  	s8 =	sadd.s32 s7, s12;
	s24 =	sadd.s32 s13, s0;
	[dreg:$0xa] =	wrdreg s14  }
0x12: {  	s25 =	sor.u32 $0x20, s12;
	s13 =	sadd.s32 s7, s13;
	[dreg:$0xb] =	wrdreg s24  }
0x13: {  	s12 =	sor.u32 $0x30, s12;
	s26 =	sadd.s32 s4, s25;
	[dreg:$0xc] =	wrdreg s13  }
0x14: {  	s29 =	sadd.s32 s25, s0;
	s30 =	sadd.s32 s7, s25;
	[dreg:$0xd] =	wrdreg s26  }
0x15: {  	s4 =	sadd.s32 s4, s12;
	s0 =	sadd.s32 s12, s0;
	[dreg:$0xe] =	wrdreg s29  }
0x16: {  	s7 =	sadd.s32 s7, s12;
	s23 =	sadd.s32 s9, s22;
	[dreg:$0xf] =	wrdreg s30  }
0x17: {  	s25 =	sadd.s32 $0x8000, s19;
	s18 =	sshll.u32 s5, $0x4;
	[dreg:$0x10] =	wrdreg s4  }
0x18: {  	s12 =	simm.s32 $0x8500;
	[dreg:$0x11] =	wrdreg s0;
	s14 =	smul.u32 $0x50000, s15  }
0x19: {  	[dreg:$0x12] =	wrdreg s7;
	s4 =	sshrl.u32 s20, $0x3;
	s24 =	sshrl.u32 s23, $0x3  }
0x1a: {  	s26 =	sadd.s32 s9, s25;
	s29 =	sadd.s32 $0xC000, s19;
	s13 =	sadd.s32 $0x10000, s19  }
0x1b: {  	[dreg:$0x8] =	wrdreg s18;
	s19 =	smax.u32 s11, $0x1;
	s20 =	sadd.s32 s22, s2  }
0x1c: {  	s21 =	sadd.s32 s25, s2;
	s11 =	simm.s32 $0x8480;
	s15 =	simm.s32 $0x5  }
0x1d: {  	s18 =	simm.s32 $0x80;
	s4 =	sadd.s32 s10, s4;
	s30 =	sadd.s32 s9, s29  }
0x1e: {  	s9 =	sadd.s32 s9, s13;
	[dreg:$0x18] =	wrdreg s19;
	s22 =	sadd.s32 s29, s2  }
0x1f: {  	s25 =	sshrl.u32 s21, $0x3;
	s19 =	simm.s32 $0x3;
	s21 =	simm.s32 $0x4000  }
0x20: {  	s0 =	sshrl.u32 s14, $0x2;
	[dreg:$0x13] =	wrdreg s4;
	s4 =	sadd.s32 s10, s24  }
0x21: {  	s16 =	sshrl.u32 s30, $0x3;
	s17 =	sshrl.u32 s9, $0x3;
	s24 =	sadd.s32 s13, s2  }
0x22: {  	[dreg:$0x1a] =	wrdreg s25;
	s9 =	simm.s32 $0x8000;
	s13 =	simm.s32 $0x8580  }
0x23: {  	s14 =	simm.s32 $0x9;
	[dreg:$0x14] =	wrdreg s4;
	s4 =	sshrl.u32 s26, $0x3  }
0x24: {  	s23 =	sadd.s32 s0, s2;
	s0 =	sshrl.u32 s20, $0x3;
	s26 =	sshrl.u32 s22, $0x3  }
0x25: {  	s29 =	sshrl.u32 s24, $0x3;
	s20 =	simm.s32 $0x2;
	[dreg:$0x19] =	wrdreg s0  }
0x26: {  	s22 =	simm.s32 $0x4;
	s24 =	simm.s32 $0x0;
	[dreg:$0x1b] =	wrdreg s26  }
0x27: {  	s4 =	sadd.s32 s10, s4;
	[dreg:$0x1c] =	wrdreg s29;
	s30 =	sadd.s32 $0x4000, s23  }
0x28: {  	s31 =	sadd.s32 $0x8000, s23;
	s0 =	sadd.s32 $0xC000, s23;
	[dreg:$0x15] =	wrdreg s4  }
0x29: {  	s4 =	sadd.s32 s10, s16;
	[dreg:$0x1d] =	wrdreg s30;
	s16 =	simm.s32 $0x40  }
0x2a: {  	[dreg:$0x16] =	wrdreg s4;
	s4 =	sadd.s32 s10, s17;
	s10 =	simm.s32 $0x8400  }
0x2b: {  	v0 =	vimm.f32 $0.0e+00;
	s17 =	simm.s32 $0x1;
	[dreg:$0x17] =	wrdreg s4;
	s4 =	sadd.s32 $0x10000, s23  }
.LBB2_1:
0x2c: {  	[tilespmem:s9], [sflag:$0x5] =	stream.linear.gather [hbm4b:s6+s3], $0x40, $0x38;
	[tilespmem:$0x1C600] =	vst v63  }
0x2d: {  	s7 =	rddreg [dreg:$0x9]  }
0x2e: {  	[tilespmem:s28], [sflag:$0x5] =	stream.linear.gather [hbm4b:s7+s3], $0x40, $0x38;
	[tilespmem:$0x1C600] =	vst v63  }
0x2f: {  	_ = 	snop  }
0x30: {  	[tilespmem:s10], [sflag:$0x5] =	stream.linear.gather [hbm4b:s8+s3], $0x80, $0x38;
	[tilespmem:$0x1C600] =	vst v63  }
0x31: {  	s30 =	rddreg [dreg:$0xa];
	s25 =	simm.s32 $0x8100  }
0x32: {  	[tilespmem:s25], [sflag:$0x6] =	stream.linear.gather [hbm4b:s30+s3], $0x40, $0x38;
	[tilespmem:$0x1C600] =	vst v63  }
0x33: {  	s26 =	rddreg [dreg:$0xb];
	s29 =	simm.s32 $0x8180  }
0x34: {  	[tilespmem:s29], [sflag:$0x6] =	stream.linear.gather [hbm4b:s26+s3], $0x40, $0x38;
	[tilespmem:$0x1C600] =	vst v63  }
0x35: {  	s30 =	rddreg [dreg:$0xc]  }
0x36: {  	[tilespmem:s11], [sflag:$0x6] =	stream.linear.gather [hbm4b:s30+s3], $0x80, $0x38;
	[tilespmem:$0x1C600] =	vst v63  }
0x37: {  	s25 =	rddreg [dreg:$0xd];
	s26 =	simm.s32 $0x8200  }
0x38: {  	[tilespmem:s26], [sflag:$0x7] =	stream.linear.gather [hbm4b:s25+s3], $0x40, $0x38;
	[tilespmem:$0x1C600] =	vst v63  }
0x39: {  	s29 =	rddreg [dreg:$0xe];
	s30 =	simm.s32 $0x8280  }
0x3a: {  	[tilespmem:s30], [sflag:$0x7] =	stream.linear.gather [hbm4b:s29+s3], $0x40, $0x38;
	[tilespmem:$0x1C600] =	vst v63  }
0x3b: {  	s26 =	rddreg [dreg:$0xf]  }
0x3c: {  	[tilespmem:s12], [sflag:$0x7] =	stream.linear.gather [hbm4b:s26+s3], $0x80, $0x38;
	[tilespmem:$0x1C600] =	vst v63  }
0x3d: {  	s29 =	rddreg [dreg:$0x10];
	s30 =	simm.s32 $0x8300  }
0x3e: {  	[tilespmem:s30], [sflag:$0x8] =	stream.linear.gather [hbm4b:s29+s3], $0x40, $0x38;
	[tilespmem:$0x1C600] =	vst v63  }
0x3f: {  	s26 =	rddreg [dreg:$0x11];
	s29 =	simm.s32 $0x8380  }
0x40: {  	[tilespmem:s29], [sflag:$0x8] =	stream.linear.gather [hbm4b:s26+s3], $0x40, $0x38;
	[tilespmem:$0x1C600] =	vst v63  }
0x41: {  	s25 =	simm.s32 $0x0;
	s30 =	rddreg [dreg:$0x12];
	s26 =	simm.s32 $0x200  }
0x42: {  	[tilespmem:s13], [sflag:$0x8] =	stream.linear.gather [hbm4b:s30+s3], $0x80, $0x38;
	[tilespmem:$0x1C600] =	vst v63  }
.LBB2_2:
0x43: {  	p0 =	sne.s32 s26, $0xFE00;
	[tilespmem:s25+$0x70] =	vst v0  }
0x44: {  	[tilespmem:s25+$0x0] =	vst v0  }
0x45: {  	[tilespmem:s25+$0x10] =	vst v0  }
.Ltmp0:
0x46: {  	[tilespmem:s25+$0x20] =	vst v0;
	(pc) =	sbr.rel @p0 .LBB2_2-.Ltmp0, $4  }
0x47: {  	[tilespmem:s25+$0x30] =	vst v0  }
0x48: {  	[tilespmem:s25+$0x40] =	vst v0  }
0x49: {  	[tilespmem:s25+$0x50] =	vst v0  }
0x4a: {  	[tilespmem:s25+$0x60] =	vst v0;
	s25 =	sshra.s32 s26, $0x2;
	s26 =	sadd.s32 $0x200, s26  }
0x4b: {  	[tilespmem:s25+$0x70] =	vst v0  }
0x4c: {  	[tilespmem:s25+$0x0] =	vst v0  }
0x4d: {  	[tilespmem:s25+$0x10] =	vst v0  }
0x4e: {  	[tilespmem:s25+$0x20] =	vst v0  }
0x4f: {  	[tilespmem:s25+$0x30] =	vst v0  }
0x50: {  	[tilespmem:s25+$0x40] =	vst v0  }
0x51: {  	[tilespmem:s25+$0x50] =	vst v0  }
0x52: {  	[tilespmem:s25+$0x60] =	vst v0;
	s25 =	simm.s32 $0x0  }
0x53: {  	[spmem:s23] =	stream.linear.scatter [tilespmem:s25], [sflag:$0x9], $0x4000, $0x38;
	[tilespmem:$0x1C600] =	vst v63  }
0x54: {  	_ =	swait.ge [sflag:s14], $0x4000  }
0x55: {  	[sflag:s14] =	ssyncset.done $0x0  }
0x56: {  	s7 =	rddreg [dreg:$0x1d];
	[sflag:s14] =	ssyncadd.s32 $0xFFFFC000  }
0x57: {  	[spmem:s7] =	stream.linear.scatter [tilespmem:s25], [sflag:$0x9], $0x4000, $0x38;
	[tilespmem:$0x1C600] =	vst v63  }
0x58: {  	_ =	swait.ge [sflag:s14], $0x4000  }
0x59: {  	[sflag:s14] =	ssyncset.done $0x0  }
0x5a: {  	[sflag:s14] =	ssyncadd.s32 $0xFFFFC000  }
0x5b: {  	[spmem:s31] =	stream.linear.scatter [tilespmem:s25], [sflag:$0x9], $0x4000, $0x38;
	[tilespmem:$0x1C600] =	vst v63  }
0x5c: {  	_ =	swait.ge [sflag:s14], $0x4000  }
0x5d: {  	[sflag:s14] =	ssyncset.done $0x0  }
0x5e: {  	[sflag:s14] =	ssyncadd.s32 $0xFFFFC000  }
0x5f: {  	[spmem:s0] =	stream.linear.scatter [tilespmem:s25], [sflag:$0x9], $0x4000, $0x38;
	[tilespmem:$0x1C600] =	vst v63  }
0x60: {  	_ =	swait.ge [sflag:s14], $0x4000  }
0x61: {  	[sflag:s14] =	ssyncset.done $0x0  }
0x62: {  	[sflag:s14] =	ssyncadd.s32 $0xFFFFC000  }
0x63: {  	[spmem:s4] =	stream.linear.scatter [tilespmem:s25], [sflag:$0x9], $0x4000, $0x38;
	[tilespmem:$0x1C600] =	vst v63  }
0x64: {  	_ =	swait.ge [sflag:s14], $0x4000  }
0x65: {  	[sflag:s14] =	ssyncset.done $0x0  }
0x66: {  	[sflag:s14] =	ssyncadd.s32 $0xFFFFC000  }
0x67: {  	[bflag:$0x0] =	sbarrier.arrive $0xFFFF  }
0x68: {  	_ =	swait.ge [sflag:s15], $0x40  }
0x69: {  	[sflag:s15] =	ssyncset.done $0x0  }
0x6a: {  	[sflag:s15] =	ssyncadd.s32 $0xFFFFFFC0  }
0x6b: {  	_ =	swait.ge [sflag:s15], $0x40  }
0x6c: {  	[sflag:s15] =	ssyncset.done $0x0  }
0x6d: {  	[sflag:s15] =	ssyncadd.s32 $0xFFFFFFC0  }
0x6e: {  	_ =	swait.ge [sflag:s15], $0x80  }
0x6f: {  	[sflag:s15] =	ssyncset.done $0x0  }
0x70: {  	[sflag:s15] =	ssyncadd.s32 $0xFFFFFF80  }
0x71: {  	[tilespmem:s25], [sflag:$0x1] =	stream.indirect.gather [hbm4b:s1+s16], $0x80, s9, s16, $0xb8;
	[tilespmem:$0x1C600] =	vst v63  }
0x72: {  	s30 =	simm.s32 $0x2000;
	s26 =	simm.s32 $0x0  }
0x73: {  	[tilespmem:s30], [sflag:$0x1] =	stream.indirect.gather [hbm4b:s1+s16], $0x80, s28, s16, $0xb8;
	[tilespmem:$0x1C600] =	vst v63  }
.LBB2_4:
0x74: {  	p0 =	seq.s32 s26, $0x0  }
0x75: {  	s28 =	simm.s32 @!p0 $0x4;
	s7 =	sadd.s32 @!p0 $0x3, s25  }
0x76: {  	_ =	swait.ge @!p0 [sflag:s28], $0x4000;
	p1 =	sge.u32 @!p0 s7, s5  }
0x77: {  	[sflag:s28] =	ssyncset.done @!p0 $0x0;
	p1 =	por p1, p0  }
0x78: {  	[sflag:s28] =	ssyncadd.s32 @!p0 $0xFFFFC000;
	s7 =	sadd.s32 @!p1 s26, s6  }
0x79: {  	s29 =	simm.s32 @!p1 $0x0;
	s9 =	simm.s32 @!p1 $0x8300;
	s28 =	sadd.s32 @!p1 $0x30, s7  }
0x7a: {  	[tilespmem:s9], [sflag:$0x8] =	stream.linear.gather @!p1 [hbm4b:s28+s29], $0x40, $0x38;
	[tilespmem:$0x1C600] =	vst v63  }
0x7b: {  	s7 =	sadd.s32 @!p1 $0x38, s7;
	s9 =	simm.s32 @!p1 $0x8380  }
0x7c: {  	[tilespmem:s9], [sflag:$0x8] =	stream.linear.gather @!p1 [hbm4b:s7+s29], $0x40, $0x38;
	[tilespmem:$0x1C600] =	vst v63  }
0x7d: {  	s30 =	rddreg [dreg:$0x4];
	s7 =	sadd.s32 @!p1 s26, s8  }
0x7e: {  	p0 =	sge.u32 s25, s30;
	s28 =	simm.s32 @!p1 $0x8580;
	s7 =	sadd.s32 @!p1 $0x30, s7  }
0x7f: {  	[tilespmem:s28], [sflag:$0x8] =	stream.linear.gather @!p1 [hbm4b:s7+s29], $0x80, $0x38;
	[tilespmem:$0x1C600] =	vst v63  }
0x80: {  	s7 =	simm.s32 @!p0 $0x6  }
0x81: {  	_ =	swait.ge @!p0 [sflag:s7], $0x40  }
0x82: {  	[sflag:s7] =	ssyncset.done @!p0 $0x0  }
0x83: {  	[sflag:s7] =	ssyncadd.s32 @!p0 $0xFFFFFFC0  }
0x84: {  	_ =	swait.ge @!p0 [sflag:s7], $0x40  }
0x85: {  	[sflag:s7] =	ssyncset.done @!p0 $0x0  }
0x86: {  	[sflag:s7] =	ssyncadd.s32 @!p0 $0xFFFFFFC0  }
0x87: {  	_ =	swait.ge @!p0 [sflag:s7], $0x80  }
0x88: {  	s9 =	simm.s32 @!p0 $0x8100;
	[sflag:s7] =	ssyncset.done @!p0 $0x0  }
0x89: {  	s28 =	simm.s32 @!p0 $0x4000;
	[sflag:s7] =	ssyncadd.s32 @!p0 $0xFFFFFF80;
	s7 =	simm.s32 @!p0 $0x40  }
0x8a: {  	[tilespmem:s28], [sflag:$0x2] =	stream.indirect.gather @!p0 [hbm4b:s1+s7], $0x80, s9, s7, $0xb8;
	[tilespmem:$0x1C600] =	vst v63  }
0x8b: {  	s9 =	simm.s32 @!p0 $0x8180;
	s28 =	simm.s32 @!p0 $0x6000  }
0x8c: {  	[tilespmem:s28], [sflag:$0x2] =	stream.indirect.gather @!p0 [hbm4b:s1+s7], $0x80, s9, s7, $0xb8;
	[tilespmem:$0x1C600] =	vst v63  }
0x8d: {  	_ =	swait.ge [sflag:s17], $0x2000  }
0x8e: {  	[sflag:s17] =	ssyncset.done $0x0  }
0x8f: {  	[sflag:s17] =	ssyncadd.s32 $0xFFFFE000  }
0x90: {  	_ =	swait.ge [sflag:s17], $0x2000  }
0x91: {  	[sflag:s17] =	ssyncset.done $0x0  }
0x92: {  	s28 =	sadd.s32 $0x4, s25;
	[sflag:s17] =	ssyncadd.s32 $0xFFFFE000  }
0x93: {  	[spmem:s2] =	stream.indirect.scatter.add.f32 [tilespmem:s3], [sflag:$0x3], $0x80, s10, s18, $0xb8;
	[tilespmem:$0x1C600] =	vst v63  }
0x94: {  	p0 =	sge.u32 s28, s5;
	_ =	swait.ge [sflag:s19], $0x4000  }
0x95: {  	s7 =	sadd.s32 @!p0 s26, s6;
	s29 =	simm.s32 @!p0 $0x0;
	[sflag:s19] =	ssyncset.done $0x0  }
0x96: {  	s30 =	simm.s32 @!p0 $0x8000;
	s9 =	sadd.s32 @!p0 $0x40, s7;
	[sflag:s19] =	ssyncadd.s32 $0xFFFFC000  }
0x97: {  	[tilespmem:s30], [sflag:$0x5] =	stream.linear.gather @!p0 [hbm4b:s9+s29], $0x40, $0x38;
	[tilespmem:$0x1C600] =	vst v63  }
0x98: {  	s7 =	sadd.s32 @!p0 $0x48, s7;
	s9 =	simm.s32 @!p0 $0x8080  }
0x99: {  	[tilespmem:s9], [sflag:$0x5] =	stream.linear.gather @!p0 [hbm4b:s7+s29], $0x40, $0x38;
	[tilespmem:$0x1C600] =	vst v63  }
0x9a: {  	s7 =	sadd.s32 @!p0 s26, s8  }
0x9b: {  	s30 =	simm.s32 @!p0 $0x8400;
	s9 =	rddreg [dreg:$0x5];
	s7 =	sadd.s32 @!p0 $0x40, s7  }
0x9c: {  	[tilespmem:s30], [sflag:$0x5] =	stream.linear.gather @!p0 [hbm4b:s7+s29], $0x80, $0x38;
	[tilespmem:$0x1C600] =	vst v63  }
0x9d: {  	p0 =	sge.u32 s25, s9  }
0x9e: {  	s7 =	simm.s32 @!p0 $0x7  }
0x9f: {  	_ =	swait.ge @!p0 [sflag:s7], $0x40  }
0xa0: {  	[sflag:s7] =	ssyncset.done @!p0 $0x0  }
0xa1: {  	[sflag:s7] =	ssyncadd.s32 @!p0 $0xFFFFFFC0  }
0xa2: {  	_ =	swait.ge @!p0 [sflag:s7], $0x40  }
0xa3: {  	[sflag:s7] =	ssyncset.done @!p0 $0x0  }
0xa4: {  	[sflag:s7] =	ssyncadd.s32 @!p0 $0xFFFFFFC0  }
0xa5: {  	_ =	swait.ge @!p0 [sflag:s7], $0x80  }
0xa6: {  	s9 =	simm.s32 @!p0 $0x8200;
	[sflag:s7] =	ssyncset.done @!p0 $0x0  }
0xa7: {  	s29 =	simm.s32 @!p0 $0x0;
	[sflag:s7] =	ssyncadd.s32 @!p0 $0xFFFFFF80;
	s7 =	simm.s32 @!p0 $0x40  }
0xa8: {  	[tilespmem:s29], [sflag:$0x1] =	stream.indirect.gather @!p0 [hbm4b:s1+s7], $0x80, s9, s7, $0xb8;
	[tilespmem:$0x1C600] =	vst v63  }
0xa9: {  	s9 =	simm.s32 @!p0 $0x8280;
	s29 =	simm.s32 @!p0 $0x2000  }
0xaa: {  	[tilespmem:s29], [sflag:$0x1] =	stream.indirect.gather @!p0 [hbm4b:s1+s7], $0x80, s9, s7, $0xb8;
	[tilespmem:$0x1C600] =	vst v63  }
0xab: {  	_ =	swait.ge [sflag:s20], $0x2000  }
0xac: {  	[sflag:s20] =	ssyncset.done $0x0  }
0xad: {  	[sflag:s20] =	ssyncadd.s32 $0xFFFFE000  }
0xae: {  	_ =	swait.ge [sflag:s20], $0x2000  }
0xaf: {  	[sflag:s20] =	ssyncset.done $0x0  }
0xb0: {  	s9 =	sadd.s32 $0x5, s25;
	[sflag:s20] =	ssyncadd.s32 $0xFFFFE000  }
0xb1: {  	[spmem:s2] =	stream.indirect.scatter.add.f32 [tilespmem:s21], [sflag:$0x4], $0x80, s11, s18, $0xb8;
	[tilespmem:$0x1C600] =	vst v63  }
0xb2: {  	p0 =	sge.u32 s9, s5;
	_ =	swait.ge [sflag:s22], $0x4000  }
0xb3: {  	s7 =	sadd.s32 @!p0 s26, s6;
	s29 =	simm.s32 @!p0 $0x0;
	[sflag:s22] =	ssyncset.done $0x0  }
0xb4: {  	s30 =	simm.s32 @!p0 $0x8100;
	s9 =	sadd.s32 @!p0 $0x50, s7;
	[sflag:s22] =	ssyncadd.s32 $0xFFFFC000  }
0xb5: {  	[tilespmem:s30], [sflag:$0x6] =	stream.linear.gather @!p0 [hbm4b:s9+s29], $0x40, $0x38;
	[tilespmem:$0x1C600] =	vst v63  }
0xb6: {  	s7 =	sadd.s32 @!p0 $0x58, s7;
	s9 =	simm.s32 @!p0 $0x8180  }
0xb7: {  	[tilespmem:s9], [sflag:$0x6] =	stream.linear.gather @!p0 [hbm4b:s7+s29], $0x40, $0x38;
	[tilespmem:$0x1C600] =	vst v63  }
0xb8: {  	s7 =	sadd.s32 @!p0 s26, s8  }
0xb9: {  	s30 =	simm.s32 @!p0 $0x8480;
	s9 =	rddreg [dreg:$0x6];
	s7 =	sadd.s32 @!p0 $0x50, s7  }
0xba: {  	[tilespmem:s30], [sflag:$0x6] =	stream.linear.gather @!p0 [hbm4b:s7+s29], $0x80, $0x38;
	[tilespmem:$0x1C600] =	vst v63  }
0xbb: {  	p0 =	sge.u32 s25, s9  }
0xbc: {  	s7 =	simm.s32 @!p0 $0x8  }
0xbd: {  	_ =	swait.ge @!p0 [sflag:s7], $0x40  }
0xbe: {  	[sflag:s7] =	ssyncset.done @!p0 $0x0  }
0xbf: {  	[sflag:s7] =	ssyncadd.s32 @!p0 $0xFFFFFFC0  }
0xc0: {  	_ =	swait.ge @!p0 [sflag:s7], $0x40  }
0xc1: {  	[sflag:s7] =	ssyncset.done @!p0 $0x0  }
0xc2: {  	[sflag:s7] =	ssyncadd.s32 @!p0 $0xFFFFFFC0  }
0xc3: {  	_ =	swait.ge @!p0 [sflag:s7], $0x80  }
0xc4: {  	s9 =	simm.s32 @!p0 $0x8300;
	[sflag:s7] =	ssyncset.done @!p0 $0x0  }
0xc5: {  	s29 =	simm.s32 @!p0 $0x4000;
	[sflag:s7] =	ssyncadd.s32 @!p0 $0xFFFFFF80;
	s7 =	simm.s32 @!p0 $0x40  }
0xc6: {  	[tilespmem:s29], [sflag:$0x2] =	stream.indirect.gather @!p0 [hbm4b:s1+s7], $0x80, s9, s7, $0xb8;
	[tilespmem:$0x1C600] =	vst v63  }
0xc7: {  	s9 =	simm.s32 @!p0 $0x8380;
	s29 =	simm.s32 @!p0 $0x6000  }
0xc8: {  	[tilespmem:s29], [sflag:$0x2] =	stream.indirect.gather @!p0 [hbm4b:s1+s7], $0x80, s9, s7, $0xb8;
	[tilespmem:$0x1C600] =	vst v63  }
0xc9: {  	_ =	swait.ge [sflag:s17], $0x2000  }
0xca: {  	[sflag:s17] =	ssyncset.done $0x0  }
0xcb: {  	[sflag:s17] =	ssyncadd.s32 $0xFFFFE000  }
0xcc: {  	_ =	swait.ge [sflag:s17], $0x2000  }
0xcd: {  	[sflag:s17] =	ssyncset.done $0x0  }
0xce: {  	s29 =	sadd.s32 $0x6, s25;
	[sflag:s17] =	ssyncadd.s32 $0xFFFFE000  }
0xcf: {  	[spmem:s2] =	stream.indirect.scatter.add.f32 [tilespmem:s3], [sflag:$0x3], $0x80, s12, s18, $0xb8;
	[tilespmem:$0x1C600] =	vst v63  }
0xd0: {  	p0 =	sge.u32 s29, s5;
	_ =	swait.ge [sflag:s19], $0x4000  }
0xd1: {  	s7 =	sadd.s32 @!p0 s26, s6;
	s29 =	simm.s32 @!p0 $0x0;
	[sflag:s19] =	ssyncset.done $0x0  }
0xd2: {  	s30 =	simm.s32 @!p0 $0x8200;
	s9 =	sadd.s32 @!p0 $0x60, s7;
	[sflag:s19] =	ssyncadd.s32 $0xFFFFC000  }
0xd3: {  	[tilespmem:s30], [sflag:$0x7] =	stream.linear.gather @!p0 [hbm4b:s9+s29], $0x40, $0x38;
	[tilespmem:$0x1C600] =	vst v63  }
0xd4: {  	s7 =	sadd.s32 @!p0 $0x68, s7;
	s9 =	simm.s32 @!p0 $0x8280  }
0xd5: {  	[tilespmem:s9], [sflag:$0x7] =	stream.linear.gather @!p0 [hbm4b:s7+s29], $0x40, $0x38;
	[tilespmem:$0x1C600] =	vst v63  }
0xd6: {  	s7 =	sadd.s32 @!p0 s26, s8  }
0xd7: {  	s30 =	simm.s32 @!p0 $0x8500;
	s9 =	rddreg [dreg:$0x7];
	s7 =	sadd.s32 @!p0 $0x60, s7  }
0xd8: {  	[tilespmem:s30], [sflag:$0x7] =	stream.linear.gather @!p0 [hbm4b:s7+s29], $0x80, $0x38;
	[tilespmem:$0x1C600] =	vst v63  }
0xd9: {  	p0 =	sge.u32 s25, s9  }
0xda: {  	s7 =	simm.s32 @!p0 $0x5  }
0xdb: {  	_ =	swait.ge @!p0 [sflag:s7], $0x40  }
0xdc: {  	[sflag:s7] =	ssyncset.done @!p0 $0x0  }
0xdd: {  	[sflag:s7] =	ssyncadd.s32 @!p0 $0xFFFFFFC0  }
0xde: {  	_ =	swait.ge @!p0 [sflag:s7], $0x40  }
0xdf: {  	[sflag:s7] =	ssyncset.done @!p0 $0x0  }
0xe0: {  	[sflag:s7] =	ssyncadd.s32 @!p0 $0xFFFFFFC0  }
0xe1: {  	_ =	swait.ge @!p0 [sflag:s7], $0x80  }
0xe2: {  	s9 =	simm.s32 @!p0 $0x8000;
	[sflag:s7] =	ssyncset.done @!p0 $0x0  }
0xe3: {  	s25 =	simm.s32 @!p0 $0x0;
	[sflag:s7] =	ssyncadd.s32 @!p0 $0xFFFFFF80;
	s7 =	simm.s32 @!p0 $0x40  }
0xe4: {  	[tilespmem:s25], [sflag:$0x1] =	stream.indirect.gather @!p0 [hbm4b:s1+s7], $0x80, s9, s7, $0xb8;
	[tilespmem:$0x1C600] =	vst v63  }
0xe5: {  	s9 =	simm.s32 @!p0 $0x8080;
	s25 =	simm.s32 @!p0 $0x2000  }
0xe6: {  	[tilespmem:s25], [sflag:$0x1] =	stream.indirect.gather @!p0 [hbm4b:s1+s7], $0x80, s9, s7, $0xb8;
	[tilespmem:$0x1C600] =	vst v63  }
0xe7: {  	_ =	swait.ge [sflag:s20], $0x2000  }
0xe8: {  	[sflag:s20] =	ssyncset.done $0x0  }
0xe9: {  	[sflag:s20] =	ssyncadd.s32 $0xFFFFE000  }
0xea: {  	_ =	swait.ge [sflag:s20], $0x2000  }
0xeb: {  	s26 =	sadd.s32 $0x40, s26;
	s30 =	rddreg [dreg:$0x8]  }
0xec: {  	p0 =	sne.s32 s30, s26  }
.Ltmp1:
0xed: {  	_ = 	snop;
	(pc) =	sbr.rel @p0 .LBB2_4-.Ltmp1, $4  }
0xee: {  	_ = 	snop  }
0xef: {  	[sflag:s20] =	ssyncset.done $0x0  }
0xf0: {  	s25 =	smov.u32 s28;
	[sflag:s20] =	ssyncadd.s32 $0xFFFFE000  }
0xf1: {  	[spmem:s2] =	stream.indirect.scatter.add.f32 [tilespmem:s21], [sflag:$0x4], $0x80, s13, s18, $0xb8;
	[tilespmem:$0x1C600] =	vst v63  }
0xf2: {  	_ =	swait.ge [sflag:s22], $0x4000  }
0xf3: {  	[sflag:s22] =	ssyncset.done $0x0  }
0xf4: {  	s7 =	stileid.u32;
	[sflag:s22] =	ssyncadd.s32 $0xFFFFC000  }
0xf5: {  	s7 =	sshll.u32 s7, $0x6;
	[bflag:$0x0] =	sbarrier.arrive $0xFFFF  }
0xf6: {  	s9 =	sshrl.u32 s23, $0x3;
	s7 =	sor.u32 $0x1C09, s7;
	s25 =	rddreg [dreg:$0x13]  }
0xf7: {  	[hbm:s25], [sflag:s7] =	dma.local [spmem:s9], $0x800  }
0xf8: {  	_ =	swait.ge [sflag:s14], $0x800  }
0xf9: {  	[sflag:s14] =	ssyncset.done $0x0;
	s29 =	rddreg [dreg:$0x14]  }
0xfa: {  	s30 =	rddreg [dreg:$0x19];
	[sflag:s14] =	ssyncadd.s32 $0xFFFFF800  }
0xfb: {  	[hbm:s29], [sflag:s7] =	dma.local [spmem:s30], $0x800  }
0xfc: {  	_ =	swait.ge [sflag:s14], $0x800  }
0xfd: {  	[sflag:s14] =	ssyncset.done $0x0;
	s25 =	rddreg [dreg:$0x15]  }
0xfe: {  	s26 =	rddreg [dreg:$0x1a];
	[sflag:s14] =	ssyncadd.s32 $0xFFFFF800  }
0xff: {  	[hbm:s25], [sflag:s7] =	dma.local [spmem:s26], $0x800  }
0x100: {  	_ =	swait.ge [sflag:s14], $0x800  }
0x101: {  	[sflag:s14] =	ssyncset.done $0x0;
	s29 =	rddreg [dreg:$0x16]  }
0x102: {  	s30 =	rddreg [dreg:$0x1b];
	[sflag:s14] =	ssyncadd.s32 $0xFFFFF800  }
0x103: {  	[hbm:s29], [sflag:s7] =	dma.local [spmem:s30], $0x800  }
0x104: {  	_ =	swait.ge [sflag:s14], $0x800  }
0x105: {  	[sflag:s14] =	ssyncset.done $0x0;
	s26 =	rddreg [dreg:$0x17]  }
0x106: {  	s29 =	rddreg [dreg:$0x1c];
	[sflag:s14] =	ssyncadd.s32 $0xFFFFF800  }
0x107: {  	[hbm:s26], [sflag:s7] =	dma.local [spmem:s29], $0x800  }
0x108: {  	_ =	swait.ge [sflag:s14], $0x800  }
0x109: {  	s24 =	sadd.s32 $0x1, s24;
	s30 =	rddreg [dreg:$0x18]  }
0x10a: {  	p0 =	sne.s32 s24, s30  }
.Ltmp2:
0x10b: {  	_ = 	snop;
	(pc) =	sbr.rel @p0 .LBB2_1-.Ltmp2, $3  }
0x10c: {  	_ =	sdelay $0x1  }
0x10d: {  	[sflag:s14] =	ssyncset.done $0x0  }
0x10e: {  	s28 =	simm.s32 $0x8080;
	s9 =	simm.s32 $0x8000;
	[sflag:s14] =	ssyncadd.s32 $0xFFFFF800  }
0x10f: {  	_ =	sfence.sel $0x180000  }
0x110: {  	[bflag:$0x0] =	sbarrier.arrive $0xFFFF  }
0x111: {  	_ =	strace $0x9000004A  }
0x112: {  	s0 =	stileid.u32;
	[bflag:$0x2] =	sbarrier.arrive $0xFFFF  }
0x113: {  	p0 =	sne.s32 s0, $0x0;
	s0 =	rddreg [dreg:$0x3]  }
0x114: {  	s0 =	sadd.s32 @!p0 $0x100000, s0  }
0x115: {  	[sflag:s0] =	ssyncadd.tile.s32 @!p0 $0x1;
	_ =	shalt  }
.Lfunc_end2:
_tile_overlayer_lowered:
.L_overlay_start_2:
0x116: {  	(tag) =	ssettag $0x2  }
0x117: {  	s0 =	rddreg [dreg:$0x0];
	s2 =	stileid.u32  }
0x118: {  	s1 =	rddreg [dreg:$0x1];
	p0 =	sne.s32 s2, $0x0  }
0x119: {  	s3 =	rddreg [dreg:$0x2];
	[bflag:$0x3] =	sbarrier.arrive $0xFFFF;
	s2 =	simm.s32 @!p0 $0x1C09  }
0x11a: {  	[timem:s3], [sflag:s2] =	dma.local @!p0 [hbm:s0], s1  }
0x11b: {  	s0 =	simm.s32 @!p0 $0x9  }
0x11c: {  	_ =	swait.ge @!p0 [sflag:s0], s1  }
0x11d: {  	s1 =	ssub.s32 @!p0 $0x0, s1;
	[sflag:s0] =	ssyncset.done @!p0 $0x0  }
0x11e: {  	[sflag:s0] =	ssyncadd.s32 @!p0 s1  }
0x11f: {  	[bflag:$0x3] =	sbarrier.arrive $0xFFFF  }
0x120: {  	_ =	shalt  }

// kernel: kernel.14.cloned.1.call-start
scs
__scs_entry_jumppad:
0x0: {  	(pc) =	sbr.rel $0x88, $3  }
0x1: {  	(tag) =	ssettag $0x0;
	lr =	simm.s32 $0x1  }
0x2: {  	[smem:$0x3F9B] =	sst lr;
	_ =	strace $0xD0000000  }
0x3: {  	_ = 	snop  }
0x4: {  	_ = 	snop  }
0x5: {  	_ = 	snop  }
0x6: {  	_ = 	snop  }
0x7: {  	_ = 	snop  }
__scs_overlays_trampoline_lowered:
0x8: {  	[smem:$0x3FAA] =	sst s0  }
0x9: {  	[smem:$0x3FAB] =	sst s1  }
0xa: {  	[smem:$0x3FAC] =	sst s2  }
0xb: {  	[smem:$0x3FAD] =	sst s3  }
0xc: {  	[smem:$0x3FAE] =	sst s4  }
0xd: {  	[smem:$0x3FAF] =	sst s5  }
0xe: {  	[smem:$0x3FB0] =	sst s6  }
0xf: {  	[smem:$0x3FB1] =	sst s7  }
0x10: {  	[smem:$0x3FB2] =	sst s8  }
0x11: {  	[smem:$0x3FB3] =	sst s9;
	s0 =	simm.s32 @!p0 $0x0  }
0x12: {  	s1 =	sld [smem:$0x3F99];
	s0 =	simm.s32 @p0 $0x1  }
0x13: {  	[smem:$0x3FB4] =	sst s0;
	s0 =	simm.s32 @!p1 $0x0  }
0x14: {  	s2 =	sld [smem:$0x3F98];
	s0 =	simm.s32 @p1 $0x1  }
0x15: {  	[smem:$0x3FB5] =	sst s0;
	s0 =	simm.s32 @!p2 $0x0  }
0x16: {  	s3 =	sld [smem:$0x3FDB];
	s0 =	simm.s32 @p2 $0x1  }
0x17: {  	s4 =	simm.s32 $0x1BF5;
	[smem:$0x3FB7] =	sst s0  }
0x18: {  	s0 =	sld [smem:$0x3F9A];
	_ =	swait.ge [sflag:s4], $0x0  }
0x19: {  	s7 =	sld [smem:$0x3F9B]  }
0x1a: {  	s8 =	sadd.s32 $0xFFFFE003, lr  }
0x1b: {  	s9 =	sadd.s32 $0xFFFFFEF7, lr;
	s5 =	simm.s32 $0xFFFFFFFF;
	p2 =	slt.u32 s8, $0xFFFFF086  }
0x1c: {  	p1 =	slt.u32 s9, $0xF7A;
	s5 =	simm.s32 @!p2 $0x0  }
0x1d: {  	s5 =	simm.s32 @p1 $0x1;
	p0 =	seq.s32 s7, s2  }
0x1e: {  	s7 =	smul.u32 @!p0 $0xF7A, s2;
	p2 =	seq.s32 @!p0 s5, $0x0  }
0x1f: {  	s9 =	smul.u32 $0xF7A, s1;
	s8 =	simm.s32 @!p0 $0x1BF5;
	p2 =	por !p2, p0  }
0x20: {  	[sflag:s8] =	ssyncset.s32 @!p0 $0xFFFFF086;
	s6 =	sadd.s32 @!p0 s3, s7;
	s7 =	simm.s32 @!p0 $0x108  }
0x21: {  	s3 =	sadd.s32 s3, s9;
	s6 =	sadd.s32 @!p0 $0x88, s6;
	s7 =	simm.s32 @p2 $0x1082  }
0x22: {  	[simem:s7], [sflag:s8] =	dma.local @!p0 [hbm:s6], $0xF7A  }
0x23: {  	s9 =	sor.u32 $0xD0000000, s2;
	s6 =	simm.s32 $0x108;
	_ =	swait.ge @!p0 [sflag:s8], $0x0  }
0x24: {  	s3 =	sadd.s32 $0x88, s3;
	s6 =	simm.s32 @!p1 $0x1082;
	[sflag:s4] =	ssyncset.s32 $0xFFFFF086  }
0x25: {  	[simem:s6], [sflag:s4] =	dma.local [hbm:s3], $0xF7A  }
0x26: {  	[smem:$0x3F9B] =	sst s1;
	(tag) =	ssettag s2;
	_ =	strace s9  }
0x27: {  	s1 =	sld [smem:$0x3FAB]  }
0x28: {  	s2 =	sld [smem:$0x3FAC]  }
0x29: {  	s4 =	sld [smem:$0x3FAE]  }
0x2a: {  	p0 =	seq.s32 s5, $0x0;
	s5 =	sld [smem:$0x3FAF]  }
0x2b: {  	s6 =	sld [smem:$0x3FB0]  }
0x2c: {  	s7 =	sld [smem:$0x3FB1]  }
0x2d: {  	s3 =	simm.s32 $0x108;
	s8 =	sld [smem:$0x3FB2]  }
0x2e: {  	s3 =	simm.s32 @!p0 $0x1082;
	s9 =	sld [smem:$0x3FB3]  }
0x2f: {  	lr =	sadd.s32 s0, s3;
	s0 =	sld [smem:$0x3FAA]  }
0x30: {  	s3 =	sld [smem:$0x3FAD]  }
0x31: {  	[smem:$0x3FB6] =	sst s10  }
0x32: {  	s10 =	sld [smem:$0x3FB4];
	_ =	sdelay $0x3  }
0x33: {  	p0 =	seq.s32 s10, $0x1;
	s10 =	sld [smem:$0x3FB6];
	_ =	sdelay $0x3  }
0x34: {  	[smem:$0x3FB6] =	sst s10  }
0x35: {  	s10 =	sld [smem:$0x3FB5];
	_ =	sdelay $0x3  }
0x36: {  	p1 =	seq.s32 s10, $0x1;
	s10 =	sld [smem:$0x3FB6];
	_ =	sdelay $0x3  }
0x37: {  	[smem:$0x3FB6] =	sst s10  }
0x38: {  	s10 =	sld [smem:$0x3FB7]  }
0x39: {  	_ = 	snop;
	(pc) =	sbr.ind lr, $3  }
0x3a: {  	_ = 	snop  }
0x3b: {  	_ = 	snop  }
0x3c: {  	p2 =	seq.s32 s10, $0x1;
	s10 =	sld [smem:$0x3FB6]  }
0x3d: {  	_ =	shalt  }
0x3e: {  	_ =	shalt  }
0x3f: {  	_ =	shalt  }
0x40: {  	_ =	shalt  }
0x41: {  	_ =	shalt  }
0x42: {  	_ =	shalt  }
0x43: {  	_ =	shalt  }
0x44: {  	_ =	shalt  }
0x45: {  	_ =	shalt  }
0x46: {  	_ =	shalt  }
0x47: {  	_ =	shalt  }
0x48: {  	_ =	shalt  }
0x49: {  	_ =	shalt  }
0x4a: {  	_ =	shalt  }
0x4b: {  	_ =	shalt  }
0x4c: {  	_ =	shalt  }
0x4d: {  	_ =	shalt  }
0x4e: {  	_ =	shalt  }
0x4f: {  	_ =	shalt  }
0x50: {  	_ =	shalt  }
0x51: {  	_ =	shalt  }
0x52: {  	_ =	shalt  }
0x53: {  	_ =	shalt  }
0x54: {  	_ =	shalt  }
0x55: {  	_ =	shalt  }
0x56: {  	_ =	shalt  }
0x57: {  	_ =	shalt  }
0x58: {  	_ =	shalt  }
0x59: {  	_ =	shalt  }
0x5a: {  	_ =	shalt  }
0x5b: {  	_ =	shalt  }
0x5c: {  	_ =	shalt  }
0x5d: {  	_ =	shalt  }
0x5e: {  	_ =	shalt  }
0x5f: {  	_ =	shalt  }
0x60: {  	_ =	shalt  }
0x61: {  	_ =	shalt  }
0x62: {  	_ =	shalt  }
0x63: {  	_ =	shalt  }
0x64: {  	_ =	shalt  }
0x65: {  	_ =	shalt  }
0x66: {  	_ =	shalt  }
0x67: {  	_ =	shalt  }
0x68: {  	_ =	shalt  }
0x69: {  	_ =	shalt  }
0x6a: {  	_ =	shalt  }
0x6b: {  	_ =	shalt  }
0x6c: {  	_ =	shalt  }
0x6d: {  	_ =	shalt  }
0x6e: {  	_ =	shalt  }
0x6f: {  	_ =	shalt  }
0x70: {  	_ =	shalt  }
0x71: {  	_ =	shalt  }
0x72: {  	_ =	shalt  }
0x73: {  	_ =	shalt  }
0x74: {  	_ =	shalt  }
0x75: {  	_ =	shalt  }
0x76: {  	_ =	shalt  }
0x77: {  	_ =	shalt  }
0x78: {  	_ =	shalt  }
0x79: {  	_ =	shalt  }
0x7a: {  	_ =	shalt  }
0x7b: {  	_ =	shalt  }
0x7c: {  	_ =	shalt  }
0x7d: {  	_ =	shalt  }
0x7e: {  	_ =	shalt  }
0x7f: {  	_ =	shalt  }
0x80: {  	_ =	shalt  }
0x81: {  	_ =	shalt  }
0x82: {  	_ =	shalt  }
0x83: {  	_ =	shalt  }
0x84: {  	_ =	shalt  }
0x85: {  	_ =	shalt  }
0x86: {  	_ =	shalt  }
0x87: {  	_ =	shalt  }
.Lfunc_end0:
.L_simem_size_0:
called_computation.2_lowered:
.L_overlay_start_0:
0x88: {  	s2 =	sld [smem:$0x3FD9]  }
0x89: {  	s3 =	sld [smem:$0x3FFE];
	_ =	sdelay $0x1  }
0x8a: {  	s1 =	srdreg.scid  }
0x8b: {  	s0 =	sand.u32 $0x1, s1  }
0x8c: {  	s14 =	sshll.u32 s0, $0xA;
	s2 =	sadd.s32 s3, s2  }
0x8d: {  	s2 =	sadd.s32 s2, s14  }
0x8e: {  	[smem:$0x3FC2] =	sst s2  }
0x8f: {  	_ = 	snop  }
0x90: {  	s2 =	sld [smem:$0x3FD0];
	_ =	sdelay $0x2  }
0x91: {  	s15 =	simm.s32 $0xA;
	s4 =	simm.s32 $0x10  }
0x92: {  	[smem:s4], [sflag:s15] =	dma.local [hbm:s2], $0x1  }
0x93: {  	_ =	swait.eq [sflag:s15], $0x1  }
0x94: {  	[sflag:s15] =	ssyncset.done $0x0  }
0x95: {  	[sflag:s15] =	ssyncadd.s32 $0xFFFFFFFF  }
0x96: {  	s16 =	sld [smem:$0x11];
	(tm) =	ssettm $0x1  }
0x97: {  	s17 =	sld [smem:$0x3FFB];
	_ =	sdelay $0x3  }
0x98: {  	_ =	strace s17  }
0x99: {  	s3 =	sld [smem:$0x3FFC];
	_ =	sdelay $0x3  }
0x9a: {  	_ =	strace s3  }
0x9b: {  	s3 =	sld [smem:$0x3FFD];
	_ =	sdelay $0x3  }
0x9c: {  	_ =	strace s3  }
0x9d: {  	_ =	strace $0x8FFFFFFF  }
0x9e: {  	s18 =	sld [smem:$0x3FDB];
	_ =	sdelay $0x1  }
0x9f: {  	s19 =	simm.s32 $_scs_section_size  }
0xa0: {  	s5 =	simm.s32 $_size__tile_overlayer_lowered;
	s6 =	simm.s32 $_tile_overlayer_lowered  }
0xa1: {  	s22 =	simm.s32 $0x1BFF;
	s21 =	sshll.u32 s6, $0x1;
	s3 =	sadd.s32 s19, s18  }
0xa2: {  	s7 =	simm.s32 $0x0;
	s20 =	sshll.u32 s5, $0x1;
	s5 =	sadd.s32 s21, s3  }
0xa3: {  	[timem:s7], [sflag:s22] =	dma.local [hbm:s5], s20  }
0xa4: {  	_ =	swait.ge [sflag:s22], s20  }
0xa5: {  	s4 =	ssub.s32 $0x0, s20;
	[sflag:s22] =	ssyncset.done $0x0  }
0xa6: {  	[sflag:s22] =	ssyncadd.s32 s4;
	_ =	sdelay $0x1  }
0xa7: {  	s23 =	simm.s32 $0x1B8B  }
0xa8: {  	_ =	swait.ge [sflag:s23], $0x1  }
0xa9: {  	[sflag:s23] =	ssyncset.done $0x0  }
0xaa: {  	s25 =	simm.s32 $0x1B8E;
	s24 =	sld [smem:$0x3FFE];
	[sflag:s23] =	ssyncadd.s32 $0xFFFFFFFF  }
0xab: {  	s26 =	simm.s32 $execute0_lowered;
	[smem:$0x3FD2] =	sst s25  }
0xac: {  	s5 =	sshll.u32 s26, $0x1;
	_ =	strace $0x8000004C;
	[dreg:$0x1] =	wrdreg $0xFFFFFFFF  }
0xad: {  	s28 =	simm.s32 $_size_execute0_lowered;
	s3 =	sadd.s32 s3, s5;
	[dreg:$0x0] =	wrdreg $0x0  }
0xae: {  	s5 =	sshll.u32 s28, $0x1;
	[dreg:$0x2] =	wrdreg s3  }
0xaf: {  	[dreg:$0x3] =	wrdreg s5  }
0xb0: {  	[dreg:$0x4] =	wrdreg $0xC0  }
0xb1: {  	_ =	task [dreg:s7], $0x5FFFF  }
0xb2: {  	[dreg:$0x1] =	wrdreg $0xFFFFFFFF  }
0xb3: {  	[dreg:$0x0] =	wrdreg $0x60  }
0xb4: {  	[dreg:$0x2] =	wrdreg s16  }
0xb5: {  	[dreg:$0x3] =	wrdreg s24  }
0xb6: {  	[dreg:$0x4] =	wrdreg $0x86000  }
0xb7: {  	[dreg:$0x5] =	wrdreg $0x9  }
0xb8: {  	_ =	task.clear_ibuf [dreg:s7], $0x6FFFF;
	_ =	strace $0x9000004C  }
0xb9: {  	s29 =	simm.s32 $0x9;
	_ =	strace $0x8000004E  }
0xba: {  	_ =	swait.ge [sflag:s29], $0x1  }
0xbb: {  	[sflag:s29] =	ssyncadd.s32 $0xFFFFFFFF  }
0xbc: {  	_ =	strace $0x9000004E  }
0xbd: {  	_ =	sfence  }
0xbe: {  	s30 =	sld [smem:$0x0];
	_ =	sdelay $0x2  }
0xbf: {  	s31 =	sshll.u32 s1, $0xD;
	s1 =	sshrl.u32 s1, $0x2  }
0xc0: {  	s3 =	sand.u32 $0x4000, s31;
	s1 =	sadd.s32 s1, s30  }
0xc1: {  	s0 =	sor.u32 s3, s0;
	s1 =	sshll.u32 s1, $0x11  }
0xc2: {  	s0 =	sor.u32 s1, s0  }
0xc3: {  	s0 =	sadd.s32 $0x8F2B, s0  }
0xc4: {  	[sflag:s0] =	ssyncadd.remote.s32 $0x1  }
0xc5: {  	_ =	sfence.sel $0xFFFF  }
0xc6: {  	[dreg:$0x0] =	wrdreg $0xFFFFFFFF;
	(pc) =	sbr.abs _section_cstart, $3  }
0xc7: {  	[dreg:$0x1] =	wrdreg $0xFFFFFFFF  }
0xc8: {  	_ =	task.clear_ibuf [dreg:s7], $0x2FFFF;
	_ =	strace $0x9FFFFFFF  }
0xc9: {  	(tm) =	ssettm $0x7FFFFFFF  }
tec
execute0_lowered:
.L_overlay_start_1:
0x0: {  	(tag) =	ssettag $0x1  }
0x1: {  	s1 =	rddreg [dreg:$0x0]  }
0x2: {  	s0 =	rddreg [dreg:$0x1]  }
0x3: {  	s2 =	rddreg [dreg:$0x2]  }
0x4: {  	s3 =	simm.s32 $0x0;
	s5 =	srdreg.scid;
	s15 =	stileid.u32  }
0x5: {  	s28 =	simm.s32 $0x8080;
	[smem:$0x7FF] =	sst s3;
	s4 =	sadd.s32 $0x5CE00, s0  }
0x6: {  	s7 =	sadd.s32 $0x52E00, s0;
	s9 =	sand.u32 $0x1, s5;
	s5 =	smul.u32 $0x9C, s15  }
0x7: {  	s6 =	sshll.u32 s15, $0x2;
	s10 =	sadd.s32 $0x2E00, s0;
	s0 =	sadd.s32 $0x5CE08, s0  }
0x8: {  	s19 =	smul.u32 $0x14000, s15;
	p0 =	seq.s32 s9, $0x0;
	s6 =	sor.u32 $0x9C0, s6  }
0x9: {  	_ =	strace $0x8000004D;
	s8 =	ssub.s32 $0x2, s9;
	s6 =	smov.u32 @p0 s5  }
0xa: {  	s9 =	smul.u32 $0x140000, s9;
	s5 =	simm.s32 $0x9C;
	s12 =	sshll.u32 s6, $0x4  }
0xb: {  	s11 =	sshrl.u32 s8, $0x1;
	s5 =	simm.s32 @!p0 $0x4;
	s23 =	sadd.s32 s12, s0  }
0xc: {  	s22 =	sadd.s32 $0x4000, s19;
	s16 =	sadd.s32 $0xFFFFFFFF, s5;
	[dreg:$0x9] =	wrdreg s23  }
0xd: {  	s11 =	ssub.s32 s8, s11;
	s17 =	sadd.s32 $0xFFFFFFFE, s5;
	[dreg:$0x4] =	wrdreg s16  }
0xe: {  	s20 =	sadd.s32 s9, s19;
	s18 =	sadd.s32 $0xFFFFFFFD, s5;
	[dreg:$0x5] =	wrdreg s17  }
0xf: {  	s13 =	sor.u32 $0x10, s12;
	s21 =	sadd.s32 $0xFFFFFFFC, s5;
	[dreg:$0x6] =	wrdreg s18  }
0x10: {  	s6 =	sadd.s32 s4, s12;
	s14 =	sadd.s32 s4, s13;
	[dreg:$0x7] =	wrdreg s21  }
0x11: {  	s8 =	sadd.s32 s7, s12;
	s24 =	sadd.s32 s13, s0;
	[dreg:$0xa] =	wrdreg s14  }
0x12: {  	s25 =	sor.u32 $0x20, s12;
	s13 =	sadd.s32 s7, s13;
	[dreg:$0xb] =	wrdreg s24  }
0x13: {  	s12 =	sor.u32 $0x30, s12;
	s26 =	sadd.s32 s4, s25;
	[dreg:$0xc] =	wrdreg s13  }
0x14: {  	s29 =	sadd.s32 s25, s0;
	s30 =	sadd.s32 s7, s25;
	[dreg:$0xd] =	wrdreg s26  }
0x15: {  	s4 =	sadd.s32 s4, s12;
	s0 =	sadd.s32 s12, s0;
	[dreg:$0xe] =	wrdreg s29  }
0x16: {  	s7 =	sadd.s32 s7, s12;
	s23 =	sadd.s32 s9, s22;
	[dreg:$0xf] =	wrdreg s30  }
0x17: {  	s25 =	sadd.s32 $0x8000, s19;
	s18 =	sshll.u32 s5, $0x4;
	[dreg:$0x10] =	wrdreg s4  }
0x18: {  	s12 =	simm.s32 $0x8500;
	[dreg:$0x11] =	wrdreg s0;
	s14 =	smul.u32 $0x50000, s15  }
0x19: {  	[dreg:$0x12] =	wrdreg s7;
	s4 =	sshrl.u32 s20, $0x3;
	s24 =	sshrl.u32 s23, $0x3  }
0x1a: {  	s26 =	sadd.s32 s9, s25;
	s29 =	sadd.s32 $0xC000, s19;
	s13 =	sadd.s32 $0x10000, s19  }
0x1b: {  	[dreg:$0x8] =	wrdreg s18;
	s19 =	smax.u32 s11, $0x1;
	s20 =	sadd.s32 s22, s2  }
0x1c: {  	s21 =	sadd.s32 s25, s2;
	s11 =	simm.s32 $0x8480;
	s15 =	simm.s32 $0x5  }
0x1d: {  	s18 =	simm.s32 $0x80;
	s4 =	sadd.s32 s10, s4;
	s30 =	sadd.s32 s9, s29  }
0x1e: {  	s9 =	sadd.s32 s9, s13;
	[dreg:$0x18] =	wrdreg s19;
	s22 =	sadd.s32 s29, s2  }
0x1f: {  	s25 =	sshrl.u32 s21, $0x3;
	s19 =	simm.s32 $0x3;
	s21 =	simm.s32 $0x4000  }
0x20: {  	s0 =	sshrl.u32 s14, $0x2;
	[dreg:$0x13] =	wrdreg s4;
	s4 =	sadd.s32 s10, s24  }
0x21: {  	s16 =	sshrl.u32 s30, $0x3;
	s17 =	sshrl.u32 s9, $0x3;
	s24 =	sadd.s32 s13, s2  }
0x22: {  	[dreg:$0x1a] =	wrdreg s25;
	s9 =	simm.s32 $0x8000;
	s13 =	simm.s32 $0x8580  }
0x23: {  	s14 =	simm.s32 $0x9;
	[dreg:$0x14] =	wrdreg s4;
	s4 =	sshrl.u32 s26, $0x3  }
0x24: {  	s23 =	sadd.s32 s0, s2;
	s0 =	sshrl.u32 s20, $0x3;
	s26 =	sshrl.u32 s22, $0x3  }
0x25: {  	s29 =	sshrl.u32 s24, $0x3;
	s20 =	simm.s32 $0x2;
	[dreg:$0x19] =	wrdreg s0  }
0x26: {  	s22 =	simm.s32 $0x4;
	s24 =	simm.s32 $0x0;
	[dreg:$0x1b] =	wrdreg s26  }
0x27: {  	s4 =	sadd.s32 s10, s4;
	[dreg:$0x1c] =	wrdreg s29;
	s30 =	sadd.s32 $0x4000, s23  }
0x28: {  	s31 =	sadd.s32 $0x8000, s23;
	s0 =	sadd.s32 $0xC000, s23;
	[dreg:$0x15] =	wrdreg s4  }
0x29: {  	s4 =	sadd.s32 s10, s16;
	[dreg:$0x1d] =	wrdreg s30;
	s16 =	simm.s32 $0x40  }
0x2a: {  	[dreg:$0x16] =	wrdreg s4;
	s4 =	sadd.s32 s10, s17;
	s10 =	simm.s32 $0x8400  }
0x2b: {  	v0 =	vimm.f32 $0.0e+00;
	s17 =	simm.s32 $0x1;
	[dreg:$0x17] =	wrdreg s4;
	s4 =	sadd.s32 $0x10000, s23  }
.LBB2_1:
0x2c: {  	[tilespmem:s9], [sflag:$0x5] =	stream.linear.gather [hbm4b:s6+s3], $0x40, $0x38;
	[tilespmem:$0x1C600] =	vst v63  }
0x2d: {  	s7 =	rddreg [dreg:$0x9]  }
0x2e: {  	[tilespmem:s28], [sflag:$0x5] =	stream.linear.gather [hbm4b:s7+s3], $0x40, $0x38;
	[tilespmem:$0x1C600] =	vst v63  }
0x2f: {  	_ = 	snop  }
0x30: {  	[tilespmem:s10], [sflag:$0x5] =	stream.linear.gather [hbm4b:s8+s3], $0x80, $0x38;
	[tilespmem:$0x1C600] =	vst v63  }
0x31: {  	s30 =	rddreg [dreg:$0xa];
	s25 =	simm.s32 $0x8100  }
0x32: {  	[tilespmem:s25], [sflag:$0x6] =	stream.linear.gather [hbm4b:s30+s3], $0x40, $0x38;
	[tilespmem:$0x1C600] =	vst v63  }
0x33: {  	s26 =	rddreg [dreg:$0xb];
	s29 =	simm.s32 $0x8180  }
0x34: {  	[tilespmem:s29], [sflag:$0x6] =	stream.linear.gather [hbm4b:s26+s3], $0x40, $0x38;
	[tilespmem:$0x1C600] =	vst v63  }
0x35: {  	s30 =	rddreg [dreg:$0xc]  }
0x36: {  	[tilespmem:s11], [sflag:$0x6] =	stream.linear.gather [hbm4b:s30+s3], $0x80, $0x38;
	[tilespmem:$0x1C600] =	vst v63  }
0x37: {  	s25 =	rddreg [dreg:$0xd];
	s26 =	simm.s32 $0x8200  }
0x38: {  	[tilespmem:s26], [sflag:$0x7] =	stream.linear.gather [hbm4b:s25+s3], $0x40, $0x38;
	[tilespmem:$0x1C600] =	vst v63  }
0x39: {  	s29 =	rddreg [dreg:$0xe];
	s30 =	simm.s32 $0x8280  }
0x3a: {  	[tilespmem:s30], [sflag:$0x7] =	stream.linear.gather [hbm4b:s29+s3], $0x40, $0x38;
	[tilespmem:$0x1C600] =	vst v63  }
0x3b: {  	s26 =	rddreg [dreg:$0xf]  }
0x3c: {  	[tilespmem:s12], [sflag:$0x7] =	stream.linear.gather [hbm4b:s26+s3], $0x80, $0x38;
	[tilespmem:$0x1C600] =	vst v63  }
0x3d: {  	s29 =	rddreg [dreg:$0x10];
	s30 =	simm.s32 $0x8300  }
0x3e: {  	[tilespmem:s30], [sflag:$0x8] =	stream.linear.gather [hbm4b:s29+s3], $0x40, $0x38;
	[tilespmem:$0x1C600] =	vst v63  }
0x3f: {  	s26 =	rddreg [dreg:$0x11];
	s29 =	simm.s32 $0x8380  }
0x40: {  	[tilespmem:s29], [sflag:$0x8] =	stream.linear.gather [hbm4b:s26+s3], $0x40, $0x38;
	[tilespmem:$0x1C600] =	vst v63  }
0x41: {  	s25 =	simm.s32 $0x0;
	s30 =	rddreg [dreg:$0x12];
	s26 =	simm.s32 $0x200  }
0x42: {  	[tilespmem:s13], [sflag:$0x8] =	stream.linear.gather [hbm4b:s30+s3], $0x80, $0x38;
	[tilespmem:$0x1C600] =	vst v63  }
.LBB2_2:
0x43: {  	p0 =	sne.s32 s26, $0xFE00;
	[tilespmem:s25+$0x70] =	vst v0  }
0x44: {  	[tilespmem:s25+$0x0] =	vst v0  }
0x45: {  	[tilespmem:s25+$0x10] =	vst v0  }
.Ltmp0:
0x46: {  	[tilespmem:s25+$0x20] =	vst v0;
	(pc) =	sbr.rel @p0 .LBB2_2-.Ltmp0, $4  }
0x47: {  	[tilespmem:s25+$0x30] =	vst v0  }
0x48: {  	[tilespmem:s25+$0x40] =	vst v0  }
0x49: {  	[tilespmem:s25+$0x50] =	vst v0  }
0x4a: {  	[tilespmem:s25+$0x60] =	vst v0;
	s25 =	sshra.s32 s26, $0x2;
	s26 =	sadd.s32 $0x200, s26  }
0x4b: {  	[tilespmem:s25+$0x70] =	vst v0  }
0x4c: {  	[tilespmem:s25+$0x0] =	vst v0  }
0x4d: {  	[tilespmem:s25+$0x10] =	vst v0  }
0x4e: {  	[tilespmem:s25+$0x20] =	vst v0  }
0x4f: {  	[tilespmem:s25+$0x30] =	vst v0  }
0x50: {  	[tilespmem:s25+$0x40] =	vst v0  }
0x51: {  	[tilespmem:s25+$0x50] =	vst v0  }
0x52: {  	[tilespmem:s25+$0x60] =	vst v0;
	s25 =	simm.s32 $0x0  }
0x53: {  	[spmem:s23] =	stream.linear.scatter [tilespmem:s25], [sflag:$0x9], $0x4000, $0x38;
	[tilespmem:$0x1C600] =	vst v63  }
0x54: {  	_ =	swait.ge [sflag:s14], $0x4000  }
0x55: {  	[sflag:s14] =	ssyncset.done $0x0  }
0x56: {  	s7 =	rddreg [dreg:$0x1d];
	[sflag:s14] =	ssyncadd.s32 $0xFFFFC000  }
0x57: {  	[spmem:s7] =	stream.linear.scatter [tilespmem:s25], [sflag:$0x9], $0x4000, $0x38;
	[tilespmem:$0x1C600] =	vst v63  }
0x58: {  	_ =	swait.ge [sflag:s14], $0x4000  }
0x59: {  	[sflag:s14] =	ssyncset.done $0x0  }
0x5a: {  	[sflag:s14] =	ssyncadd.s32 $0xFFFFC000  }
0x5b: {  	[spmem:s31] =	stream.linear.scatter [tilespmem:s25], [sflag:$0x9], $0x4000, $0x38;
	[tilespmem:$0x1C600] =	vst v63  }
0x5c: {  	_ =	swait.ge [sflag:s14], $0x4000  }
0x5d: {  	[sflag:s14] =	ssyncset.done $0x0  }
0x5e: {  	[sflag:s14] =	ssyncadd.s32 $0xFFFFC000  }
0x5f: {  	[spmem:s0] =	stream.linear.scatter [tilespmem:s25], [sflag:$0x9], $0x4000, $0x38;
	[tilespmem:$0x1C600] =	vst v63  }
0x60: {  	_ =	swait.ge [sflag:s14], $0x4000  }
0x61: {  	[sflag:s14] =	ssyncset.done $0x0  }
0x62: {  	[sflag:s14] =	ssyncadd.s32 $0xFFFFC000  }
0x63: {  	[spmem:s4] =	stream.linear.scatter [tilespmem:s25], [sflag:$0x9], $0x4000, $0x38;
	[tilespmem:$0x1C600] =	vst v63  }
0x64: {  	_ =	swait.ge [sflag:s14], $0x4000  }
0x65: {  	[sflag:s14] =	ssyncset.done $0x0  }
0x66: {  	[sflag:s14] =	ssyncadd.s32 $0xFFFFC000  }
0x67: {  	[bflag:$0x0] =	sbarrier.arrive $0xFFFF  }
0x68: {  	_ =	swait.ge [sflag:s15], $0x40  }
0x69: {  	[sflag:s15] =	ssyncset.done $0x0  }
0x6a: {  	[sflag:s15] =	ssyncadd.s32 $0xFFFFFFC0  }
0x6b: {  	_ =	swait.ge [sflag:s15], $0x40  }
0x6c: {  	[sflag:s15] =	ssyncset.done $0x0  }
0x6d: {  	[sflag:s15] =	ssyncadd.s32 $0xFFFFFFC0  }
0x6e: {  	_ =	swait.ge [sflag:s15], $0x80  }
0x6f: {  	[sflag:s15] =	ssyncset.done $0x0  }
0x70: {  	[sflag:s15] =	ssyncadd.s32 $0xFFFFFF80  }
0x71: {  	[tilespmem:s25], [sflag:$0x1] =	stream.indirect.gather [hbm4b:s1+s16], $0x80, s9, s16, $0xb8;
	[tilespmem:$0x1C600] =	vst v63  }
0x72: {  	s30 =	simm.s32 $0x2000;
	s26 =	simm.s32 $0x0  }
0x73: {  	[tilespmem:s30], [sflag:$0x1] =	stream.indirect.gather [hbm4b:s1+s16], $0x80, s28, s16, $0xb8;
	[tilespmem:$0x1C600] =	vst v63  }
.LBB2_4:
0x74: {  	p0 =	seq.s32 s26, $0x0  }
0x75: {  	s28 =	simm.s32 @!p0 $0x4;
	s7 =	sadd.s32 @!p0 $0x3, s25  }
0x76: {  	_ =	swait.ge @!p0 [sflag:s28], $0x4000;
	p1 =	sge.u32 @!p0 s7, s5  }
0x77: {  	[sflag:s28] =	ssyncset.done @!p0 $0x0;
	p1 =	por p1, p0  }
0x78: {  	[sflag:s28] =	ssyncadd.s32 @!p0 $0xFFFFC000;
	s7 =	sadd.s32 @!p1 s26, s6  }
0x79: {  	s29 =	simm.s32 @!p1 $0x0;
	s9 =	simm.s32 @!p1 $0x8300;
	s28 =	sadd.s32 @!p1 $0x30, s7  }
0x7a: {  	[tilespmem:s9], [sflag:$0x8] =	stream.linear.gather @!p1 [hbm4b:s28+s29], $0x40, $0x38;
	[tilespmem:$0x1C600] =	vst v63  }
0x7b: {  	s7 =	sadd.s32 @!p1 $0x38, s7;
	s9 =	simm.s32 @!p1 $0x8380  }
0x7c: {  	[tilespmem:s9], [sflag:$0x8] =	stream.linear.gather @!p1 [hbm4b:s7+s29], $0x40, $0x38;
	[tilespmem:$0x1C600] =	vst v63  }
0x7d: {  	s30 =	rddreg [dreg:$0x4];
	s7 =	sadd.s32 @!p1 s26, s8  }
0x7e: {  	p0 =	sge.u32 s25, s30;
	s28 =	simm.s32 @!p1 $0x8580;
	s7 =	sadd.s32 @!p1 $0x30, s7  }
0x7f: {  	[tilespmem:s28], [sflag:$0x8] =	stream.linear.gather @!p1 [hbm4b:s7+s29], $0x80, $0x38;
	[tilespmem:$0x1C600] =	vst v63  }
0x80: {  	s7 =	simm.s32 @!p0 $0x6  }
0x81: {  	_ =	swait.ge @!p0 [sflag:s7], $0x40  }
0x82: {  	[sflag:s7] =	ssyncset.done @!p0 $0x0  }
0x83: {  	[sflag:s7] =	ssyncadd.s32 @!p0 $0xFFFFFFC0  }
0x84: {  	_ =	swait.ge @!p0 [sflag:s7], $0x40  }
0x85: {  	[sflag:s7] =	ssyncset.done @!p0 $0x0  }
0x86: {  	[sflag:s7] =	ssyncadd.s32 @!p0 $0xFFFFFFC0  }
0x87: {  	_ =	swait.ge @!p0 [sflag:s7], $0x80  }
0x88: {  	s9 =	simm.s32 @!p0 $0x8100;
	[sflag:s7] =	ssyncset.done @!p0 $0x0  }
0x89: {  	s28 =	simm.s32 @!p0 $0x4000;
	[sflag:s7] =	ssyncadd.s32 @!p0 $0xFFFFFF80;
	s7 =	simm.s32 @!p0 $0x40  }
0x8a: {  	[tilespmem:s28], [sflag:$0x2] =	stream.indirect.gather @!p0 [hbm4b:s1+s7], $0x80, s9, s7, $0xb8;
	[tilespmem:$0x1C600] =	vst v63  }
0x8b: {  	s9 =	simm.s32 @!p0 $0x8180;
	s28 =	simm.s32 @!p0 $0x6000  }
0x8c: {  	[tilespmem:s28], [sflag:$0x2] =	stream.indirect.gather @!p0 [hbm4b:s1+s7], $0x80, s9, s7, $0xb8;
	[tilespmem:$0x1C600] =	vst v63  }
0x8d: {  	_ =	swait.ge [sflag:s17], $0x2000  }
0x8e: {  	[sflag:s17] =	ssyncset.done $0x0  }
0x8f: {  	[sflag:s17] =	ssyncadd.s32 $0xFFFFE000  }
0x90: {  	_ =	swait.ge [sflag:s17], $0x2000  }
0x91: {  	[sflag:s17] =	ssyncset.done $0x0  }
0x92: {  	s28 =	sadd.s32 $0x4, s25;
	[sflag:s17] =	ssyncadd.s32 $0xFFFFE000  }
0x93: {  	[spmem:s2] =	stream.indirect.scatter.add.f32 [tilespmem:s3], [sflag:$0x3], $0x80, s10, s18, $0xb8;
	[tilespmem:$0x1C600] =	vst v63  }
0x94: {  	p0 =	sge.u32 s28, s5;
	_ =	swait.ge [sflag:s19], $0x4000  }
0x95: {  	s7 =	sadd.s32 @!p0 s26, s6;
	s29 =	simm.s32 @!p0 $0x0;
	[sflag:s19] =	ssyncset.done $0x0  }
0x96: {  	s30 =	simm.s32 @!p0 $0x8000;
	s9 =	sadd.s32 @!p0 $0x40, s7;
	[sflag:s19] =	ssyncadd.s32 $0xFFFFC000  }
0x97: {  	[tilespmem:s30], [sflag:$0x5] =	stream.linear.gather @!p0 [hbm4b:s9+s29], $0x40, $0x38;
	[tilespmem:$0x1C600] =	vst v63  }
0x98: {  	s7 =	sadd.s32 @!p0 $0x48, s7;
	s9 =	simm.s32 @!p0 $0x8080  }
0x99: {  	[tilespmem:s9], [sflag:$0x5] =	stream.linear.gather @!p0 [hbm4b:s7+s29], $0x40, $0x38;
	[tilespmem:$0x1C600] =	vst v63  }
0x9a: {  	s7 =	sadd.s32 @!p0 s26, s8  }
0x9b: {  	s30 =	simm.s32 @!p0 $0x8400;
	s9 =	rddreg [dreg:$0x5];
	s7 =	sadd.s32 @!p0 $0x40, s7  }
0x9c: {  	[tilespmem:s30], [sflag:$0x5] =	stream.linear.gather @!p0 [hbm4b:s7+s29], $0x80, $0x38;
	[tilespmem:$0x1C600] =	vst v63  }
0x9d: {  	p0 =	sge.u32 s25, s9  }
0x9e: {  	s7 =	simm.s32 @!p0 $0x7  }
0x9f: {  	_ =	swait.ge @!p0 [sflag:s7], $0x40  }
0xa0: {  	[sflag:s7] =	ssyncset.done @!p0 $0x0  }
0xa1: {  	[sflag:s7] =	ssyncadd.s32 @!p0 $0xFFFFFFC0  }
0xa2: {  	_ =	swait.ge @!p0 [sflag:s7], $0x40  }
0xa3: {  	[sflag:s7] =	ssyncset.done @!p0 $0x0  }
0xa4: {  	[sflag:s7] =	ssyncadd.s32 @!p0 $0xFFFFFFC0  }
0xa5: {  	_ =	swait.ge @!p0 [sflag:s7], $0x80  }
0xa6: {  	s9 =	simm.s32 @!p0 $0x8200;
	[sflag:s7] =	ssyncset.done @!p0 $0x0  }
0xa7: {  	s29 =	simm.s32 @!p0 $0x0;
	[sflag:s7] =	ssyncadd.s32 @!p0 $0xFFFFFF80;
	s7 =	simm.s32 @!p0 $0x40  }
0xa8: {  	[tilespmem:s29], [sflag:$0x1] =	stream.indirect.gather @!p0 [hbm4b:s1+s7], $0x80, s9, s7, $0xb8;
	[tilespmem:$0x1C600] =	vst v63  }
0xa9: {  	s9 =	simm.s32 @!p0 $0x8280;
	s29 =	simm.s32 @!p0 $0x2000  }
0xaa: {  	[tilespmem:s29], [sflag:$0x1] =	stream.indirect.gather @!p0 [hbm4b:s1+s7], $0x80, s9, s7, $0xb8;
	[tilespmem:$0x1C600] =	vst v63  }
0xab: {  	_ =	swait.ge [sflag:s20], $0x2000  }
0xac: {  	[sflag:s20] =	ssyncset.done $0x0  }
0xad: {  	[sflag:s20] =	ssyncadd.s32 $0xFFFFE000  }
0xae: {  	_ =	swait.ge [sflag:s20], $0x2000  }
0xaf: {  	[sflag:s20] =	ssyncset.done $0x0  }
0xb0: {  	s9 =	sadd.s32 $0x5, s25;
	[sflag:s20] =	ssyncadd.s32 $0xFFFFE000  }
0xb1: {  	[spmem:s2] =	stream.indirect.scatter.add.f32 [tilespmem:s21], [sflag:$0x4], $0x80, s11, s18, $0xb8;
	[tilespmem:$0x1C600] =	vst v63  }
0xb2: {  	p0 =	sge.u32 s9, s5;
	_ =	swait.ge [sflag:s22], $0x4000  }
0xb3: {  	s7 =	sadd.s32 @!p0 s26, s6;
	s29 =	simm.s32 @!p0 $0x0;
	[sflag:s22] =	ssyncset.done $0x0  }
0xb4: {  	s30 =	simm.s32 @!p0 $0x8100;
	s9 =	sadd.s32 @!p0 $0x50, s7;
	[sflag:s22] =	ssyncadd.s32 $0xFFFFC000  }
0xb5: {  	[tilespmem:s30], [sflag:$0x6] =	stream.linear.gather @!p0 [hbm4b:s9+s29], $0x40, $0x38;
	[tilespmem:$0x1C600] =	vst v63  }
0xb6: {  	s7 =	sadd.s32 @!p0 $0x58, s7;
	s9 =	simm.s32 @!p0 $0x8180  }
0xb7: {  	[tilespmem:s9], [sflag:$0x6] =	stream.linear.gather @!p0 [hbm4b:s7+s29], $0x40, $0x38;
	[tilespmem:$0x1C600] =	vst v63  }
0xb8: {  	s7 =	sadd.s32 @!p0 s26, s8  }
0xb9: {  	s30 =	simm.s32 @!p0 $0x8480;
	s9 =	rddreg [dreg:$0x6];
	s7 =	sadd.s32 @!p0 $0x50, s7  }
0xba: {  	[tilespmem:s30], [sflag:$0x6] =	stream.linear.gather @!p0 [hbm4b:s7+s29], $0x80, $0x38;
	[tilespmem:$0x1C600] =	vst v63  }
0xbb: {  	p0 =	sge.u32 s25, s9  }
0xbc: {  	s7 =	simm.s32 @!p0 $0x8  }
0xbd: {  	_ =	swait.ge @!p0 [sflag:s7], $0x40  }
0xbe: {  	[sflag:s7] =	ssyncset.done @!p0 $0x0  }
0xbf: {  	[sflag:s7] =	ssyncadd.s32 @!p0 $0xFFFFFFC0  }
0xc0: {  	_ =	swait.ge @!p0 [sflag:s7], $0x40  }
0xc1: {  	[sflag:s7] =	ssyncset.done @!p0 $0x0  }
0xc2: {  	[sflag:s7] =	ssyncadd.s32 @!p0 $0xFFFFFFC0  }
0xc3: {  	_ =	swait.ge @!p0 [sflag:s7], $0x80  }
0xc4: {  	s9 =	simm.s32 @!p0 $0x8300;
	[sflag:s7] =	ssyncset.done @!p0 $0x0  }
0xc5: {  	s29 =	simm.s32 @!p0 $0x4000;
	[sflag:s7] =	ssyncadd.s32 @!p0 $0xFFFFFF80;
	s7 =	simm.s32 @!p0 $0x40  }
0xc6: {  	[tilespmem:s29], [sflag:$0x2] =	stream.indirect.gather @!p0 [hbm4b:s1+s7], $0x80, s9, s7, $0xb8;
	[tilespmem:$0x1C600] =	vst v63  }
0xc7: {  	s9 =	simm.s32 @!p0 $0x8380;
	s29 =	simm.s32 @!p0 $0x6000  }
0xc8: {  	[tilespmem:s29], [sflag:$0x2] =	stream.indirect.gather @!p0 [hbm4b:s1+s7], $0x80, s9, s7, $0xb8;
	[tilespmem:$0x1C600] =	vst v63  }
0xc9: {  	_ =	swait.ge [sflag:s17], $0x2000  }
0xca: {  	[sflag:s17] =	ssyncset.done $0x0  }
0xcb: {  	[sflag:s17] =	ssyncadd.s32 $0xFFFFE000  }
0xcc: {  	_ =	swait.ge [sflag:s17], $0x2000  }
0xcd: {  	[sflag:s17] =	ssyncset.done $0x0  }
0xce: {  	s29 =	sadd.s32 $0x6, s25;
	[sflag:s17] =	ssyncadd.s32 $0xFFFFE000  }
0xcf: {  	[spmem:s2] =	stream.indirect.scatter.add.f32 [tilespmem:s3], [sflag:$0x3], $0x80, s12, s18, $0xb8;
	[tilespmem:$0x1C600] =	vst v63  }
0xd0: {  	p0 =	sge.u32 s29, s5;
	_ =	swait.ge [sflag:s19], $0x4000  }
0xd1: {  	s7 =	sadd.s32 @!p0 s26, s6;
	s29 =	simm.s32 @!p0 $0x0;
	[sflag:s19] =	ssyncset.done $0x0  }
0xd2: {  	s30 =	simm.s32 @!p0 $0x8200;
	s9 =	sadd.s32 @!p0 $0x60, s7;
	[sflag:s19] =	ssyncadd.s32 $0xFFFFC000  }
0xd3: {  	[tilespmem:s30], [sflag:$0x7] =	stream.linear.gather @!p0 [hbm4b:s9+s29], $0x40, $0x38;
	[tilespmem:$0x1C600] =	vst v63  }
0xd4: {  	s7 =	sadd.s32 @!p0 $0x68, s7;
	s9 =	simm.s32 @!p0 $0x8280  }
0xd5: {  	[tilespmem:s9], [sflag:$0x7] =	stream.linear.gather @!p0 [hbm4b:s7+s29], $0x40, $0x38;
	[tilespmem:$0x1C600] =	vst v63  }
0xd6: {  	s7 =	sadd.s32 @!p0 s26, s8  }
0xd7: {  	s30 =	simm.s32 @!p0 $0x8500;
	s9 =	rddreg [dreg:$0x7];
	s7 =	sadd.s32 @!p0 $0x60, s7  }
0xd8: {  	[tilespmem:s30], [sflag:$0x7] =	stream.linear.gather @!p0 [hbm4b:s7+s29], $0x80, $0x38;
	[tilespmem:$0x1C600] =	vst v63  }
0xd9: {  	p0 =	sge.u32 s25, s9  }
0xda: {  	s7 =	simm.s32 @!p0 $0x5  }
0xdb: {  	_ =	swait.ge @!p0 [sflag:s7], $0x40  }
0xdc: {  	[sflag:s7] =	ssyncset.done @!p0 $0x0  }
0xdd: {  	[sflag:s7] =	ssyncadd.s32 @!p0 $0xFFFFFFC0  }
0xde: {  	_ =	swait.ge @!p0 [sflag:s7], $0x40  }
0xdf: {  	[sflag:s7] =	ssyncset.done @!p0 $0x0  }
0xe0: {  	[sflag:s7] =	ssyncadd.s32 @!p0 $0xFFFFFFC0  }
0xe1: {  	_ =	swait.ge @!p0 [sflag:s7], $0x80  }
0xe2: {  	s9 =	simm.s32 @!p0 $0x8000;
	[sflag:s7] =	ssyncset.done @!p0 $0x0  }
0xe3: {  	s25 =	simm.s32 @!p0 $0x0;
	[sflag:s7] =	ssyncadd.s32 @!p0 $0xFFFFFF80;
	s7 =	simm.s32 @!p0 $0x40  }
0xe4: {  	[tilespmem:s25], [sflag:$0x1] =	stream.indirect.gather @!p0 [hbm4b:s1+s7], $0x80, s9, s7, $0xb8;
	[tilespmem:$0x1C600] =	vst v63  }
0xe5: {  	s9 =	simm.s32 @!p0 $0x8080;
	s25 =	simm.s32 @!p0 $0x2000  }
0xe6: {  	[tilespmem:s25], [sflag:$0x1] =	stream.indirect.gather @!p0 [hbm4b:s1+s7], $0x80, s9, s7, $0xb8;
	[tilespmem:$0x1C600] =	vst v63  }
0xe7: {  	_ =	swait.ge [sflag:s20], $0x2000  }
0xe8: {  	[sflag:s20] =	ssyncset.done $0x0  }
0xe9: {  	[sflag:s20] =	ssyncadd.s32 $0xFFFFE000  }
0xea: {  	_ =	swait.ge [sflag:s20], $0x2000  }
0xeb: {  	s26 =	sadd.s32 $0x40, s26;
	s30 =	rddreg [dreg:$0x8]  }
0xec: {  	p0 =	sne.s32 s30, s26  }
.Ltmp1:
0xed: {  	_ = 	snop;
	(pc) =	sbr.rel @p0 .LBB2_4-.Ltmp1, $4  }
0xee: {  	_ = 	snop  }
0xef: {  	[sflag:s20] =	ssyncset.done $0x0  }
0xf0: {  	s25 =	smov.u32 s28;
	[sflag:s20] =	ssyncadd.s32 $0xFFFFE000  }
0xf1: {  	[spmem:s2] =	stream.indirect.scatter.add.f32 [tilespmem:s21], [sflag:$0x4], $0x80, s13, s18, $0xb8;
	[tilespmem:$0x1C600] =	vst v63  }
0xf2: {  	_ =	swait.ge [sflag:s22], $0x4000  }
0xf3: {  	[sflag:s22] =	ssyncset.done $0x0  }
0xf4: {  	s7 =	stileid.u32;
	[sflag:s22] =	ssyncadd.s32 $0xFFFFC000  }
0xf5: {  	s7 =	sshll.u32 s7, $0x6;
	[bflag:$0x0] =	sbarrier.arrive $0xFFFF  }
0xf6: {  	s9 =	sshrl.u32 s23, $0x3;
	s7 =	sor.u32 $0x1C09, s7;
	s25 =	rddreg [dreg:$0x13]  }
0xf7: {  	[hbm:s25], [sflag:s7] =	dma.local [spmem:s9], $0x800  }
0xf8: {  	_ =	swait.ge [sflag:s14], $0x800  }
0xf9: {  	[sflag:s14] =	ssyncset.done $0x0;
	s29 =	rddreg [dreg:$0x14]  }
0xfa: {  	s30 =	rddreg [dreg:$0x19];
	[sflag:s14] =	ssyncadd.s32 $0xFFFFF800  }
0xfb: {  	[hbm:s29], [sflag:s7] =	dma.local [spmem:s30], $0x800  }
0xfc: {  	_ =	swait.ge [sflag:s14], $0x800  }
0xfd: {  	[sflag:s14] =	ssyncset.done $0x0;
	s25 =	rddreg [dreg:$0x15]  }
0xfe: {  	s26 =	rddreg [dreg:$0x1a];
	[sflag:s14] =	ssyncadd.s32 $0xFFFFF800  }
0xff: {  	[hbm:s25], [sflag:s7] =	dma.local [spmem:s26], $0x800  }
0x100: {  	_ =	swait.ge [sflag:s14], $0x800  }
0x101: {  	[sflag:s14] =	ssyncset.done $0x0;
	s29 =	rddreg [dreg:$0x16]  }
0x102: {  	s30 =	rddreg [dreg:$0x1b];
	[sflag:s14] =	ssyncadd.s32 $0xFFFFF800  }
0x103: {  	[hbm:s29], [sflag:s7] =	dma.local [spmem:s30], $0x800  }
0x104: {  	_ =	swait.ge [sflag:s14], $0x800  }
0x105: {  	[sflag:s14] =	ssyncset.done $0x0;
	s26 =	rddreg [dreg:$0x17]  }
0x106: {  	s29 =	rddreg [dreg:$0x1c];
	[sflag:s14] =	ssyncadd.s32 $0xFFFFF800  }
0x107: {  	[hbm:s26], [sflag:s7] =	dma.local [spmem:s29], $0x800  }
0x108: {  	_ =	swait.ge [sflag:s14], $0x800  }
0x109: {  	s24 =	sadd.s32 $0x1, s24;
	s30 =	rddreg [dreg:$0x18]  }
0x10a: {  	p0 =	sne.s32 s24, s30  }
.Ltmp2:
0x10b: {  	_ = 	snop;
	(pc) =	sbr.rel @p0 .LBB2_1-.Ltmp2, $3  }
0x10c: {  	_ =	sdelay $0x1  }
0x10d: {  	[sflag:s14] =	ssyncset.done $0x0  }
0x10e: {  	s28 =	simm.s32 $0x8080;
	s9 =	simm.s32 $0x8000;
	[sflag:s14] =	ssyncadd.s32 $0xFFFFF800  }
0x10f: {  	_ =	sfence.sel $0x180000  }
0x110: {  	[bflag:$0x0] =	sbarrier.arrive $0xFFFF  }
0x111: {  	_ =	strace $0x9000004D  }
0x112: {  	s0 =	stileid.u32;
	[bflag:$0x2] =	sbarrier.arrive $0xFFFF  }
0x113: {  	p0 =	sne.s32 s0, $0x0;
	s0 =	rddreg [dreg:$0x3]  }
0x114: {  	s0 =	sadd.s32 @!p0 $0x100000, s0  }
0x115: {  	[sflag:s0] =	ssyncadd.tile.s32 @!p0 $0x1;
	_ =	shalt  }
.Lfunc_end2:
_tile_overlayer_lowered:
.L_overlay_start_2:
0x116: {  	(tag) =	ssettag $0x2  }
0x117: {  	s0 =	rddreg [dreg:$0x0];
	s2 =	stileid.u32  }
0x118: {  	s1 =	rddreg [dreg:$0x1];
	p0 =	sne.s32 s2, $0x0  }
0x119: {  	s3 =	rddreg [dreg:$0x2];
	[bflag:$0x3] =	sbarrier.arrive $0xFFFF;
	s2 =	simm.s32 @!p0 $0x1C09  }
0x11a: {  	[timem:s3], [sflag:s2] =	dma.local @!p0 [hbm:s0], s1  }
0x11b: {  	s0 =	simm.s32 @!p0 $0x9  }
0x11c: {  	_ =	swait.ge @!p0 [sflag:s0], s1  }
0x11d: {  	s1 =	ssub.s32 @!p0 $0x0, s1;
	[sflag:s0] =	ssyncset.done @!p0 $0x0  }
0x11e: {  	[sflag:s0] =	ssyncadd.s32 @!p0 s1  }
0x11f: {  	[bflag:$0x3] =	sbarrier.arrive $0xFFFF  }
0x120: {  	_ =	shalt  }

// kernel: kernel.8.cloned.1.call-start
scs
__scs_entry_jumppad:
0x0: {  	(pc) =	sbr.rel $0x88, $3  }
0x1: {  	(tag) =	ssettag $0x0;
	lr =	simm.s32 $0x1  }
0x2: {  	[smem:$0x3F9B] =	sst lr;
	_ =	strace $0xD0000000  }
0x3: {  	_ = 	snop  }
0x4: {  	_ = 	snop  }
0x5: {  	_ = 	snop  }
0x6: {  	_ = 	snop  }
0x7: {  	_ = 	snop  }
__scs_overlays_trampoline_lowered:
0x8: {  	[smem:$0x3FAA] =	sst s0  }
0x9: {  	[smem:$0x3FAB] =	sst s1  }
0xa: {  	[smem:$0x3FAC] =	sst s2  }
0xb: {  	[smem:$0x3FAD] =	sst s3  }
0xc: {  	[smem:$0x3FAE] =	sst s4  }
0xd: {  	[smem:$0x3FAF] =	sst s5  }
0xe: {  	[smem:$0x3FB0] =	sst s6  }
0xf: {  	[smem:$0x3FB1] =	sst s7  }
0x10: {  	[smem:$0x3FB2] =	sst s8  }
0x11: {  	[smem:$0x3FB3] =	sst s9;
	s0 =	simm.s32 @!p0 $0x0  }
0x12: {  	s1 =	sld [smem:$0x3F99];
	s0 =	simm.s32 @p0 $0x1  }
0x13: {  	[smem:$0x3FB4] =	sst s0;
	s0 =	simm.s32 @!p1 $0x0  }
0x14: {  	s2 =	sld [smem:$0x3F98];
	s0 =	simm.s32 @p1 $0x1  }
0x15: {  	[smem:$0x3FB5] =	sst s0;
	s0 =	simm.s32 @!p2 $0x0  }
0x16: {  	s3 =	sld [smem:$0x3FDB];
	s0 =	simm.s32 @p2 $0x1  }
0x17: {  	s4 =	simm.s32 $0x1BF5;
	[smem:$0x3FB7] =	sst s0  }
0x18: {  	s0 =	sld [smem:$0x3F9A];
	_ =	swait.ge [sflag:s4], $0x0  }
0x19: {  	s7 =	sld [smem:$0x3F9B]  }
0x1a: {  	s8 =	sadd.s32 $0xFFFFE003, lr  }
0x1b: {  	s9 =	sadd.s32 $0xFFFFFEF7, lr;
	s5 =	simm.s32 $0xFFFFFFFF;
	p2 =	slt.u32 s8, $0xFFFFF086  }
0x1c: {  	p1 =	slt.u32 s9, $0xF7A;
	s5 =	simm.s32 @!p2 $0x0  }
0x1d: {  	s5 =	simm.s32 @p1 $0x1;
	p0 =	seq.s32 s7, s2  }
0x1e: {  	s7 =	smul.u32 @!p0 $0xF7A, s2;
	p2 =	seq.s32 @!p0 s5, $0x0  }
0x1f: {  	s9 =	smul.u32 $0xF7A, s1;
	s8 =	simm.s32 @!p0 $0x1BF5;
	p2 =	por !p2, p0  }
0x20: {  	[sflag:s8] =	ssyncset.s32 @!p0 $0xFFFFF086;
	s6 =	sadd.s32 @!p0 s3, s7;
	s7 =	simm.s32 @!p0 $0x108  }
0x21: {  	s3 =	sadd.s32 s3, s9;
	s6 =	sadd.s32 @!p0 $0x88, s6;
	s7 =	simm.s32 @p2 $0x1082  }
0x22: {  	[simem:s7], [sflag:s8] =	dma.local @!p0 [hbm:s6], $0xF7A  }
0x23: {  	s9 =	sor.u32 $0xD0000000, s2;
	s6 =	simm.s32 $0x108;
	_ =	swait.ge @!p0 [sflag:s8], $0x0  }
0x24: {  	s3 =	sadd.s32 $0x88, s3;
	s6 =	simm.s32 @!p1 $0x1082;
	[sflag:s4] =	ssyncset.s32 $0xFFFFF086  }
0x25: {  	[simem:s6], [sflag:s4] =	dma.local [hbm:s3], $0xF7A  }
0x26: {  	[smem:$0x3F9B] =	sst s1;
	(tag) =	ssettag s2;
	_ =	strace s9  }
0x27: {  	s1 =	sld [smem:$0x3FAB]  }
0x28: {  	s2 =	sld [smem:$0x3FAC]  }
0x29: {  	s4 =	sld [smem:$0x3FAE]  }
0x2a: {  	p0 =	seq.s32 s5, $0x0;
	s5 =	sld [smem:$0x3FAF]  }
0x2b: {  	s6 =	sld [smem:$0x3FB0]  }
0x2c: {  	s7 =	sld [smem:$0x3FB1]  }
0x2d: {  	s3 =	simm.s32 $0x108;
	s8 =	sld [smem:$0x3FB2]  }
0x2e: {  	s3 =	simm.s32 @!p0 $0x1082;
	s9 =	sld [smem:$0x3FB3]  }
0x2f: {  	lr =	sadd.s32 s0, s3;
	s0 =	sld [smem:$0x3FAA]  }
0x30: {  	s3 =	sld [smem:$0x3FAD]  }
0x31: {  	[smem:$0x3FB6] =	sst s10  }
0x32: {  	s10 =	sld [smem:$0x3FB4];
	_ =	sdelay $0x3  }
0x33: {  	p0 =	seq.s32 s10, $0x1;
	s10 =	sld [smem:$0x3FB6];
	_ =	sdelay $0x3  }
0x34: {  	[smem:$0x3FB6] =	sst s10  }
0x35: {  	s10 =	sld [smem:$0x3FB5];
	_ =	sdelay $0x3  }
0x36: {  	p1 =	seq.s32 s10, $0x1;
	s10 =	sld [smem:$0x3FB6];
	_ =	sdelay $0x3  }
0x37: {  	[smem:$0x3FB6] =	sst s10  }
0x38: {  	s10 =	sld [smem:$0x3FB7]  }
0x39: {  	_ = 	snop;
	(pc) =	sbr.ind lr, $3  }
0x3a: {  	_ = 	snop  }
0x3b: {  	_ = 	snop  }
0x3c: {  	p2 =	seq.s32 s10, $0x1;
	s10 =	sld [smem:$0x3FB6]  }
0x3d: {  	_ =	shalt  }
0x3e: {  	_ =	shalt  }
0x3f: {  	_ =	shalt  }
0x40: {  	_ =	shalt  }
0x41: {  	_ =	shalt  }
0x42: {  	_ =	shalt  }
0x43: {  	_ =	shalt  }
0x44: {  	_ =	shalt  }
0x45: {  	_ =	shalt  }
0x46: {  	_ =	shalt  }
0x47: {  	_ =	shalt  }
0x48: {  	_ =	shalt  }
0x49: {  	_ =	shalt  }
0x4a: {  	_ =	shalt  }
0x4b: {  	_ =	shalt  }
0x4c: {  	_ =	shalt  }
0x4d: {  	_ =	shalt  }
0x4e: {  	_ =	shalt  }
0x4f: {  	_ =	shalt  }
0x50: {  	_ =	shalt  }
0x51: {  	_ =	shalt  }
0x52: {  	_ =	shalt  }
0x53: {  	_ =	shalt  }
0x54: {  	_ =	shalt  }
0x55: {  	_ =	shalt  }
0x56: {  	_ =	shalt  }
0x57: {  	_ =	shalt  }
0x58: {  	_ =	shalt  }
0x59: {  	_ =	shalt  }
0x5a: {  	_ =	shalt  }
0x5b: {  	_ =	shalt  }
0x5c: {  	_ =	shalt  }
0x5d: {  	_ =	shalt  }
0x5e: {  	_ =	shalt  }
0x5f: {  	_ =	shalt  }
0x60: {  	_ =	shalt  }
0x61: {  	_ =	shalt  }
0x62: {  	_ =	shalt  }
0x63: {  	_ =	shalt  }
0x64: {  	_ =	shalt  }
0x65: {  	_ =	shalt  }
0x66: {  	_ =	shalt  }
0x67: {  	_ =	shalt  }
0x68: {  	_ =	shalt  }
0x69: {  	_ =	shalt  }
0x6a: {  	_ =	shalt  }
0x6b: {  	_ =	shalt  }
0x6c: {  	_ =	shalt  }
0x6d: {  	_ =	shalt  }
0x6e: {  	_ =	shalt  }
0x6f: {  	_ =	shalt  }
0x70: {  	_ =	shalt  }
0x71: {  	_ =	shalt  }
0x72: {  	_ =	shalt  }
0x73: {  	_ =	shalt  }
0x74: {  	_ =	shalt  }
0x75: {  	_ =	shalt  }
0x76: {  	_ =	shalt  }
0x77: {  	_ =	shalt  }
0x78: {  	_ =	shalt  }
0x79: {  	_ =	shalt  }
0x7a: {  	_ =	shalt  }
0x7b: {  	_ =	shalt  }
0x7c: {  	_ =	shalt  }
0x7d: {  	_ =	shalt  }
0x7e: {  	_ =	shalt  }
0x7f: {  	_ =	shalt  }
0x80: {  	_ =	shalt  }
0x81: {  	_ =	shalt  }
0x82: {  	_ =	shalt  }
0x83: {  	_ =	shalt  }
0x84: {  	_ =	shalt  }
0x85: {  	_ =	shalt  }
0x86: {  	_ =	shalt  }
0x87: {  	_ =	shalt  }
.Lfunc_end0:
.L_simem_size_0:
called_computation_lowered:
.L_overlay_start_0:
0x88: {  	s2 =	sld [smem:$0x3FD9]  }
0x89: {  	s3 =	sld [smem:$0x3FFE];
	_ =	sdelay $0x1  }
0x8a: {  	s1 =	srdreg.scid  }
0x8b: {  	s0 =	sand.u32 $0x1, s1  }
0x8c: {  	s14 =	sshll.u32 s0, $0xA;
	s2 =	sadd.s32 s3, s2  }
0x8d: {  	s2 =	sadd.s32 s2, s14  }
0x8e: {  	[smem:$0x3FC2] =	sst s2  }
0x8f: {  	_ = 	snop  }
0x90: {  	s2 =	sld [smem:$0x3FD0];
	_ =	sdelay $0x2  }
0x91: {  	s15 =	simm.s32 $0xA;
	s4 =	simm.s32 $0x10  }
0x92: {  	[smem:s4], [sflag:s15] =	dma.local [hbm:s2], $0x1  }
0x93: {  	_ =	swait.eq [sflag:s15], $0x1  }
0x94: {  	[sflag:s15] =	ssyncset.done $0x0  }
0x95: {  	[sflag:s15] =	ssyncadd.s32 $0xFFFFFFFF  }
0x96: {  	s16 =	sld [smem:$0x11];
	(tm) =	ssettm $0x1  }
0x97: {  	s17 =	sld [smem:$0x3FFB];
	_ =	sdelay $0x3  }
0x98: {  	_ =	strace s17  }
0x99: {  	s3 =	sld [smem:$0x3FFC];
	_ =	sdelay $0x3  }
0x9a: {  	_ =	strace s3  }
0x9b: {  	s3 =	sld [smem:$0x3FFD];
	_ =	sdelay $0x3  }
0x9c: {  	_ =	strace s3  }
0x9d: {  	_ =	strace $0x8FFFFFFF  }
0x9e: {  	s18 =	sld [smem:$0x3FDB];
	_ =	sdelay $0x1  }
0x9f: {  	s19 =	simm.s32 $_scs_section_size  }
0xa0: {  	s5 =	simm.s32 $_size__tile_overlayer_lowered;
	s6 =	simm.s32 $_tile_overlayer_lowered  }
0xa1: {  	s22 =	simm.s32 $0x1BFF;
	s21 =	sshll.u32 s6, $0x1;
	s3 =	sadd.s32 s19, s18  }
0xa2: {  	s7 =	simm.s32 $0x0;
	s20 =	sshll.u32 s5, $0x1;
	s5 =	sadd.s32 s21, s3  }
0xa3: {  	[timem:s7], [sflag:s22] =	dma.local [hbm:s5], s20  }
0xa4: {  	_ =	swait.ge [sflag:s22], s20  }
0xa5: {  	s4 =	ssub.s32 $0x0, s20;
	[sflag:s22] =	ssyncset.done $0x0  }
0xa6: {  	[sflag:s22] =	ssyncadd.s32 s4;
	_ =	sdelay $0x1  }
0xa7: {  	s23 =	simm.s32 $0x1B8B  }
0xa8: {  	_ =	swait.ge [sflag:s23], $0x1  }
0xa9: {  	[sflag:s23] =	ssyncset.done $0x0  }
0xaa: {  	s25 =	simm.s32 $0x1B8E;
	s24 =	sld [smem:$0x3FFE];
	[sflag:s23] =	ssyncadd.s32 $0xFFFFFFFF  }
0xab: {  	s26 =	simm.s32 $execute0_lowered;
	[smem:$0x3FD2] =	sst s25  }
0xac: {  	s5 =	sshll.u32 s26, $0x1;
	_ =	strace $0x80000046;
	[dreg:$0x1] =	wrdreg $0xFFFFFFFF  }
0xad: {  	s28 =	simm.s32 $_size_execute0_lowered;
	s3 =	sadd.s32 s3, s5;
	[dreg:$0x0] =	wrdreg $0x0  }
0xae: {  	s5 =	sshll.u32 s28, $0x1;
	[dreg:$0x2] =	wrdreg s3  }
0xaf: {  	[dreg:$0x3] =	wrdreg s5  }
0xb0: {  	[dreg:$0x4] =	wrdreg $0xC0  }
0xb1: {  	_ =	task [dreg:s7], $0x5FFFF  }
0xb2: {  	[dreg:$0x1] =	wrdreg $0xFFFFFFFF  }
0xb3: {  	[dreg:$0x0] =	wrdreg $0x60  }
0xb4: {  	[dreg:$0x2] =	wrdreg s16  }
0xb5: {  	[dreg:$0x3] =	wrdreg s24  }
0xb6: {  	[dreg:$0x4] =	wrdreg $0x42000  }
0xb7: {  	[dreg:$0x5] =	wrdreg $0x9  }
0xb8: {  	_ =	task.clear_ibuf [dreg:s7], $0x6FFFF;
	_ =	strace $0x90000046  }
0xb9: {  	s29 =	simm.s32 $0x9;
	_ =	strace $0x80000048  }
0xba: {  	_ =	swait.ge [sflag:s29], $0x1  }
0xbb: {  	[sflag:s29] =	ssyncadd.s32 $0xFFFFFFFF  }
0xbc: {  	_ =	strace $0x90000048  }
0xbd: {  	_ =	sfence  }
0xbe: {  	s30 =	sld [smem:$0x0];
	_ =	sdelay $0x2  }
0xbf: {  	s31 =	sshll.u32 s1, $0xD;
	s1 =	sshrl.u32 s1, $0x2  }
0xc0: {  	s3 =	sand.u32 $0x4000, s31;
	s1 =	sadd.s32 s1, s30  }
0xc1: {  	s0 =	sor.u32 s3, s0;
	s1 =	sshll.u32 s1, $0x11  }
0xc2: {  	s0 =	sor.u32 s1, s0  }
0xc3: {  	s0 =	sadd.s32 $0x8F2B, s0  }
0xc4: {  	[sflag:s0] =	ssyncadd.remote.s32 $0x1  }
0xc5: {  	_ =	sfence.sel $0xFFFF  }
0xc6: {  	[dreg:$0x0] =	wrdreg $0xFFFFFFFF;
	(pc) =	sbr.abs _section_cstart, $3  }
0xc7: {  	[dreg:$0x1] =	wrdreg $0xFFFFFFFF  }
0xc8: {  	_ =	task.clear_ibuf [dreg:s7], $0x2FFFF;
	_ =	strace $0x9FFFFFFF  }
0xc9: {  	(tm) =	ssettm $0x7FFFFFFF  }
tec
execute0_lowered:
.L_overlay_start_1:
0x0: {  	(tag) =	ssettag $0x1  }
0x1: {  	s1 =	rddreg [dreg:$0x0]  }
0x2: {  	s0 =	rddreg [dreg:$0x1]  }
0x3: {  	s2 =	rddreg [dreg:$0x2];
	s3 =	simm.s32 $0x0;
	s4 =	srdreg.scid  }
0x4: {  	s18 =	stileid.u32;
	s28 =	simm.s32 $0x4080;
	s29 =	simm.s32 $0x4100  }
0x5: {  	[smem:$0x7FF] =	sst s3;
	s4 =	sand.u32 $0x1, s4;
	s7 =	smul.u32 $0x14000, s18  }
0x6: {  	s0 =	sadd.s32 $0x2E00, s0;
	s26 =	smul.u32 $0x50000, s18;
	_ =	strace $0x80000047  }
0x7: {  	s6 =	smul.u32 $0x140000, s4;
	s5 =	ssub.s32 $0x2, s4;
	[dreg:$0x4] =	wrdreg s28  }
0x8: {  	s4 =	sshll.u32 s4, $0x4;
	[dreg:$0x5] =	wrdreg s29;
	s8 =	sshrl.u32 s5, $0x1  }
0x9: {  	s4 =	sor.u32 s18, s4;
	s9 =	sor.u32 $0x2000, s7;
	s10 =	sadd.s32 $0x4000, s7  }
0xa: {  	s12 =	sadd.s32 $0x6000, s7;
	s13 =	sadd.s32 $0xA000, s7;
	s22 =	sadd.s32 $0xE000, s7  }
0xb: {  	s30 =	sshrl.u32 s26, $0x2;
	s8 =	ssub.s32 s5, s8;
	s5 =	smul.u32 $0x2800, s4  }
0xc: {  	s14 =	sadd.s32 s6, s7;
	s15 =	sadd.s32 s6, s9;
	s11 =	sadd.s32 s6, s10  }
0xd: {  	s17 =	sadd.s32 s6, s12;
	s23 =	sadd.s32 s6, s22;
	s4 =	sshrl.u32 s14, $0x3  }
0xe: {  	s11 =	sshrl.u32 s11, $0x3;
	s14 =	sadd.s32 s6, s13;
	s4 =	sadd.s32 s0, s4  }
0xf: {  	s16 =	sadd.s32 s0, s11;
	s11 =	sadd.s32 $0x8000, s7;
	s14 =	sshrl.u32 s14, $0x3  }
0x10: {  	s31 =	sshrl.u32 s5, $0x3;
	[dreg:$0x6] =	wrdreg s4;
	s4 =	sshrl.u32 s15, $0x3  }
0x11: {  	[dreg:$0x8] =	wrdreg s16;
	s19 =	sadd.s32 s6, s11;
	s15 =	sadd.s32 $0xC000, s7  }
0x12: {  	s20 =	sadd.s32 s0, s14;
	s16 =	sadd.s32 $0x10000, s7;
	s7 =	sadd.s32 $0x12000, s7  }
0x13: {  	s11 =	sadd.s32 s11, s2;
	s14 =	simm.s32 $0x4180;
	s4 =	sadd.s32 s0, s4  }
0x14: {  	[dreg:$0xb] =	wrdreg s20;
	s21 =	sadd.s32 s6, s15;
	s25 =	sadd.s32 s6, s7  }
0x15: {  	s18 =	sadd.s32 s16, s2;
	s7 =	sadd.s32 s7, s2;
	[dreg:$0x7] =	wrdreg s4  }
0x16: {  	s4 =	sshrl.u32 s17, $0x3;
	s17 =	sadd.s32 s6, s16;
	s6 =	smax.u32 s8, $0x1  }
0x17: {  	s8 =	sadd.s32 s9, s2;
	s9 =	sadd.s32 s10, s2;
	s10 =	sadd.s32 s12, s2  }
0x18: {  	s12 =	sadd.s32 s13, s2;
	s13 =	sadd.s32 s15, s2;
	s15 =	sadd.s32 s22, s2  }
0x19: {  	s26 =	sshrl.u32 s7, $0x3;
	s16 =	simm.s32 $0x5;
	[dreg:$0x11] =	wrdreg s6  }
0x1a: {  	s4 =	sadd.s32 s0, s4;
	s17 =	sshrl.u32 s17, $0x3;
	[dreg:$0x1a] =	wrdreg s26  }
0x1b: {  	s20 =	sshrl.u32 s10, $0x3;
	s22 =	sshrl.u32 s12, $0x3;
	[dreg:$0x9] =	wrdreg s4  }
0x1c: {  	s10 =	simm.s32 $0x4000;
	s12 =	simm.s32 $0x1;
	[dreg:$0x14] =	wrdreg s20  }
0x1d: {  	s4 =	sshrl.u32 s19, $0x3;
	s24 =	sadd.s32 s0, s17;
	[dreg:$0x16] =	wrdreg s22  }
0x1e: {  	s17 =	sadd.s32 s30, s2;
	s19 =	sshrl.u32 s9, $0x3;
	[dreg:$0xe] =	wrdreg s24  }
0x1f: {  	s20 =	simm.s32 $0x7;
	s4 =	sadd.s32 s0, s4;
	[dreg:$0x13] =	wrdreg s19  }
0x20: {  	s22 =	simm.s32 $0x0;
	s24 =	sshrl.u32 s15, $0x3;
	[dreg:$0xa] =	wrdreg s4  }
0x21: {  	s28 =	sadd.s32 $0x2000, s17;
	s29 =	sadd.s32 $0x4000, s17;
	[dreg:$0x18] =	wrdreg s24  }
0x22: {  	s30 =	sadd.s32 $0x6000, s17;
	s6 =	sadd.s32 $0xC000, s17;
	[dreg:$0x1b] =	wrdreg s28  }
0x23: {  	s7 =	sadd.s32 $0xE000, s17;
	s9 =	sadd.s32 $0x12000, s17;
	[dreg:$0x1c] =	wrdreg s29  }
0x24: {  	s4 =	sshrl.u32 s21, $0x3;
	s21 =	sshrl.u32 s11, $0x3;
	[dreg:$0x1d] =	wrdreg s30  }
0x25: {  	s15 =	simm.s32 $0x3;
	s4 =	sadd.s32 s0, s4;
	[dreg:$0x15] =	wrdreg s21  }
0x26: {  	[dreg:$0xc] =	wrdreg s4;
	s4 =	sshrl.u32 s23, $0x3;
	s23 =	sshrl.u32 s13, $0x3  }
0x27: {  	s19 =	simm.s32 $0x6;
	s4 =	sadd.s32 s0, s4;
	[dreg:$0x17] =	wrdreg s23  }
0x28: {  	[dreg:$0xd] =	wrdreg s4;
	s4 =	sshrl.u32 s25, $0x3;
	s25 =	sshrl.u32 s18, $0x3  }
0x29: {  	s11 =	simm.s32 $0x9;
	s0 =	sadd.s32 s0, s4;
	[dreg:$0x19] =	wrdreg s25  }
0x2a: {  	s21 =	simm.s32 $0x8;
	s4 =	sadd.s32 s1, s31;
	[dreg:$0xf] =	wrdreg s0  }
0x2b: {  	s13 =	simm.s32 $0x80;
	s31 =	sadd.s32 $0x8000, s17;
	[dreg:$0x10] =	wrdreg s4  }
0x2c: {  	s18 =	simm.s32 $0x4;
	s0 =	sshrl.u32 s8, $0x3;
	[dreg:$0x1e] =	wrdreg s31  }
0x2d: {  	v0 =	vimm.f32 $1.000000000e+00;
	s4 =	sadd.s32 $0xA000, s17;
	s8 =	sadd.s32 $0x10000, s17;
	[dreg:$0x12] =	wrdreg s0  }
.LBB2_1:
0x2e: {  	s0 =	rddreg [dreg:$0x10];
	s23 =	simm.s32 $0x0;
	s24 =	simm.s32 $0x200  }
0x2f: {  	[tilespmem:s10], [sflag:$0x1] =	stream.linear.gather [hbm4b:s0+s3], $0x80, $0x38;
	[tilespmem:$0x18200] =	vst v63  }
.LBB2_2:
0x30: {  	p0 =	sne.s32 s24, $0xFE00;
	[tilespmem:s23+$0x70] =	vst v0  }
0x31: {  	[tilespmem:s23+$0x0] =	vst v0  }
0x32: {  	[tilespmem:s23+$0x10] =	vst v0  }
.Ltmp0:
0x33: {  	[tilespmem:s23+$0x20] =	vst v0;
	(pc) =	sbr.rel @p0 .LBB2_2-.Ltmp0, $4  }
0x34: {  	[tilespmem:s23+$0x30] =	vst v0  }
0x35: {  	[tilespmem:s23+$0x40] =	vst v0  }
0x36: {  	[tilespmem:s23+$0x50] =	vst v0  }
0x37: {  	[tilespmem:s23+$0x60] =	vst v0;
	s23 =	sshra.s32 s24, $0x2;
	s24 =	sadd.s32 $0x200, s24  }
0x38: {  	[tilespmem:s23+$0x70] =	vst v0  }
0x39: {  	[tilespmem:s23+$0x0] =	vst v0  }
0x3a: {  	[tilespmem:s23+$0x10] =	vst v0  }
0x3b: {  	[tilespmem:s23+$0x20] =	vst v0  }
0x3c: {  	[tilespmem:s23+$0x30] =	vst v0  }
0x3d: {  	[tilespmem:s23+$0x40] =	vst v0  }
0x3e: {  	[tilespmem:s23+$0x50] =	vst v0  }
0x3f: {  	[tilespmem:s23+$0x60] =	vst v0;
	s26 =	simm.s32 $0x0  }
0x40: {  	[spmem:s17] =	stream.linear.scatter [tilespmem:s26], [sflag:$0x9], $0x2000, $0x38;
	[tilespmem:$0x18200] =	vst v63  }
0x41: {  	_ =	swait.ge [sflag:s11], $0x2000  }
0x42: {  	[sflag:s11] =	ssyncset.done $0x0  }
0x43: {  	s0 =	rddreg [dreg:$0x1b];
	[sflag:s11] =	ssyncadd.s32 $0xFFFFE000  }
0x44: {  	[spmem:s0] =	stream.linear.scatter [tilespmem:s26], [sflag:$0x9], $0x2000, $0x38;
	[tilespmem:$0x18200] =	vst v63  }
0x45: {  	_ =	swait.ge [sflag:s11], $0x2000  }
0x46: {  	[sflag:s11] =	ssyncset.done $0x0  }
0x47: {  	s29 =	rddreg [dreg:$0x1c];
	[sflag:s11] =	ssyncadd.s32 $0xFFFFE000  }
0x48: {  	[spmem:s29] =	stream.linear.scatter [tilespmem:s26], [sflag:$0x9], $0x2000, $0x38;
	[tilespmem:$0x18200] =	vst v63  }
0x49: {  	_ =	swait.ge [sflag:s11], $0x2000  }
0x4a: {  	[sflag:s11] =	ssyncset.done $0x0  }
0x4b: {  	s30 =	rddreg [dreg:$0x1d];
	[sflag:s11] =	ssyncadd.s32 $0xFFFFE000  }
0x4c: {  	[spmem:s30] =	stream.linear.scatter [tilespmem:s26], [sflag:$0x9], $0x2000, $0x38;
	[tilespmem:$0x18200] =	vst v63  }
0x4d: {  	_ =	swait.ge [sflag:s11], $0x2000  }
0x4e: {  	[sflag:s11] =	ssyncset.done $0x0  }
0x4f: {  	s31 =	rddreg [dreg:$0x1e];
	[sflag:s11] =	ssyncadd.s32 $0xFFFFE000  }
0x50: {  	[spmem:s31] =	stream.linear.scatter [tilespmem:s26], [sflag:$0x9], $0x2000, $0x38;
	[tilespmem:$0x18200] =	vst v63  }
0x51: {  	_ =	swait.ge [sflag:s11], $0x2000  }
0x52: {  	[sflag:s11] =	ssyncset.done $0x0  }
0x53: {  	[sflag:s11] =	ssyncadd.s32 $0xFFFFE000  }
0x54: {  	[spmem:s4] =	stream.linear.scatter [tilespmem:s26], [sflag:$0x9], $0x2000, $0x38;
	[tilespmem:$0x18200] =	vst v63  }
0x55: {  	_ =	swait.ge [sflag:s11], $0x2000  }
0x56: {  	[sflag:s11] =	ssyncset.done $0x0  }
0x57: {  	[sflag:s11] =	ssyncadd.s32 $0xFFFFE000  }
0x58: {  	[spmem:s6] =	stream.linear.scatter [tilespmem:s26], [sflag:$0x9], $0x2000, $0x38;
	[tilespmem:$0x18200] =	vst v63  }
0x59: {  	_ =	swait.ge [sflag:s11], $0x2000  }
0x5a: {  	[sflag:s11] =	ssyncset.done $0x0  }
0x5b: {  	[sflag:s11] =	ssyncadd.s32 $0xFFFFE000  }
0x5c: {  	[spmem:s7] =	stream.linear.scatter [tilespmem:s26], [sflag:$0x9], $0x2000, $0x38;
	[tilespmem:$0x18200] =	vst v63  }
0x5d: {  	_ =	swait.ge [sflag:s11], $0x2000  }
0x5e: {  	[sflag:s11] =	ssyncset.done $0x0  }
0x5f: {  	[sflag:s11] =	ssyncadd.s32 $0xFFFFE000  }
0x60: {  	[spmem:s8] =	stream.linear.scatter [tilespmem:s26], [sflag:$0x9], $0x2000, $0x38;
	[tilespmem:$0x18200] =	vst v63  }
0x61: {  	_ =	swait.ge [sflag:s11], $0x2000  }
0x62: {  	[sflag:s11] =	ssyncset.done $0x0  }
0x63: {  	[sflag:s11] =	ssyncadd.s32 $0xFFFFE000  }
0x64: {  	[spmem:s9] =	stream.linear.scatter [tilespmem:s26], [sflag:$0x9], $0x2000, $0x38;
	[tilespmem:$0x18200] =	vst v63  }
0x65: {  	_ =	swait.ge [sflag:s11], $0x2000  }
0x66: {  	p0 =	por $0x1, $0x1;
	s24 =	sand.u32 $0x3C00, s26;
	[sflag:s11] =	ssyncset.done $0x0  }
0x67: {  	s23 =	sand.u32 $0x200, s26;
	s24 =	sadd.s32 s5, s24;
	[sflag:s11] =	ssyncadd.s32 $0xFFFFE000  }
0x68: {  	s25 =	simm.s32 @!p0 $0x6;
	s23 =	sor.u32 s23, s24;
	[bflag:$0x0] =	sbarrier.arrive $0xFFFF  }
0x69: {  	s23 =	sshrl.u32 s23, $0x3;
	_ =	swait.ge @!p0 [sflag:s25], $0x4000  }
0x6a: {  	s26 =	sadd.s32 s23, s1;
	[sflag:s25] =	ssyncset.done @!p0 $0x0  }
0x6b: {  	s29 =	sadd.s32 $0x10, s26;
	s0 =	rddreg [dreg:$0x4];
	[sflag:s25] =	ssyncadd.s32 @!p0 $0xFFFFC000  }
0x6c: {  	[tilespmem:s0], [sflag:$0x2] =	stream.linear.gather [hbm4b:s29+s3], $0x80, $0x38;
	[tilespmem:$0x18200] =	vst v63  }
0x6d: {  	_ =	swait.ge [sflag:s12], $0x80  }
0x6e: {  	[sflag:s12] =	ssyncset.done $0x0  }
0x6f: {  	s24 =	sadd.s32 @p0 s23, s1;
	[sflag:s12] =	ssyncadd.s32 $0xFFFFFF80  }
0x70: {  	[spmem:s2] =	stream.indirect.scatter.add.f32 [tilespmem:s3], [sflag:$0x5], $0x80, s10, s13, $0xb8;
	[tilespmem:$0x18200] =	vst v63  }
0x71: {  	s28 =	simm.s32 @p0 $0x4100;
	s24 =	sadd.s32 @p0 $0x20, s24;
	s25 =	simm.s32 @p0 $0x0  }
0x72: {  	[tilespmem:s28], [sflag:$0x3] =	stream.linear.gather @p0 [hbm4b:s24+s25], $0x80, $0x38;
	[tilespmem:$0x18200] =	vst v63  }
0x73: {  	s24 =	simm.s32 @p0 $0x2  }
0x74: {  	_ =	swait.ge @p0 [sflag:s24], $0x80  }
0x75: {  	[sflag:s24] =	ssyncset.done @p0 $0x0  }
0x76: {  	s28 =	simm.s32 @p0 $0x4080;
	[sflag:s24] =	ssyncadd.s32 @p0 $0xFFFFFF80;
	s24 =	simm.s32 @p0 $0x80  }
0x77: {  	[spmem:s2] =	stream.indirect.scatter.add.f32 @p0 [tilespmem:s25], [sflag:$0x6], $0x80, s28, s24, $0xb8;
	[tilespmem:$0x18200] =	vst v63  }
0x78: {  	s24 =	simm.s32 @!p0 $0x7  }
0x79: {  	s23 =	sadd.s32 @!p0 s23, s1;
	_ =	swait.ge @!p0 [sflag:s24], $0x4000  }
0x7a: {  	s23 =	sadd.s32 @!p0 $0x20, s23;
	[sflag:s24] =	ssyncset.done @!p0 $0x0  }
0x7b: {  	s25 =	simm.s32 @!p0 $0x4100;
	[sflag:s24] =	ssyncadd.s32 @!p0 $0xFFFFC000;
	s24 =	simm.s32 @!p0 $0x0  }
0x7c: {  	[tilespmem:s25], [sflag:$0x3] =	stream.linear.gather @!p0 [hbm4b:s23+s24], $0x80, $0x38;
	[tilespmem:$0x18200] =	vst v63  }
0x7d: {  	s23 =	simm.s32 @!p0 $0x2  }
0x7e: {  	_ =	swait.ge @!p0 [sflag:s23], $0x80  }
0x7f: {  	[sflag:s23] =	ssyncset.done @!p0 $0x0  }
0x80: {  	s25 =	simm.s32 @!p0 $0x4080;
	[sflag:s23] =	ssyncadd.s32 @!p0 $0xFFFFFF80;
	s23 =	simm.s32 @!p0 $0x80  }
0x81: {  	[spmem:s2] =	stream.indirect.scatter.add.f32 @!p0 [tilespmem:s24], [sflag:$0x6], $0x80, s25, s23, $0xb8;
	[tilespmem:$0x18200] =	vst v63  }
0x82: {  	s23 =	simm.s32 @!p0 $0x8  }
0x83: {  	_ =	swait.ge @!p0 [sflag:s23], $0x4000  }
0x84: {  	p2 =	por $0x0, $0x0;
	s30 =	sadd.s32 $0x30, s26;
	[sflag:s23] =	ssyncset.done @!p0 $0x0  }
0x85: {  	s28 =	simm.s32 @!p2 $0x4000;
	s24 =	simm.s32 @!p2 $0x200;
	[sflag:s23] =	ssyncadd.s32 @!p0 $0xFFFFC000  }
0x86: {  	[tilespmem:s14], [sflag:$0x4] =	stream.linear.gather [hbm4b:s30+s3], $0x80, $0x38;
	[tilespmem:$0x18200] =	vst v63  }
0x87: {  	s23 =	sand.u32 @!p2 $0x7C00, s24;
	s24 =	sand.u32 @!p2 $0x200, s24;
	_ =	swait.ge [sflag:s15], $0x80  }
0x88: {  	p0 =	por $0x0, $0x0;
	s23 =	sadd.s32 @!p2 s5, s23;
	[sflag:s15] =	ssyncset.done $0x0  }
0x89: {  	s24 =	sor.u32 @!p2 s24, s23;
	s31 =	rddreg [dreg:$0x5];
	[sflag:s15] =	ssyncadd.s32 $0xFFFFFF80  }
0x8a: {  	[spmem:s2] =	stream.indirect.scatter.add.f32 [tilespmem:s3], [sflag:$0x7], $0x80, s31, s13, $0xb8;
	[tilespmem:$0x18200] =	vst v63  }
0x8b: {  	s23 =	simm.s32 $0x200;
	s26 =	sshrl.u32 @!p2 s24, $0x3;
	_ =	swait.ge [sflag:s16], $0x4000  }
0x8c: {  	s24 =	simm.s32 $0x400;
	s26 =	sadd.s32 @!p2 s1, s26;
	[sflag:s16] =	ssyncset.done $0x0  }
.LBB2_4:
0x8d: {  	s31 =	simm.s32 @!p2 $0x0;
	[sflag:s16] =	ssyncadd.s32 $0xFFFFC000  }
0x8e: {  	[tilespmem:s28], [sflag:$0x1] =	stream.linear.gather @!p2 [hbm4b:s26+s31], $0x80, $0x38;
	[tilespmem:$0x18200] =	vst v63  }
0x8f: {  	s30 =	sand.u32 $0x3C00, s23;
	_ =	swait.ge [sflag:s18], $0x80  }
0x90: {  	s0 =	sand.u32 $0x200, s23;
	s30 =	sadd.s32 s5, s30;
	[sflag:s18] =	ssyncset.done $0x0  }
0x91: {  	s29 =	simm.s32 @!p0 $0x6;
	s0 =	sor.u32 s0, s30;
	[sflag:s18] =	ssyncadd.s32 $0xFFFFFF80  }
0x92: {  	[spmem:s2] =	stream.indirect.scatter.add.f32 [tilespmem:s3], [sflag:$0x8], $0x80, s14, s13, $0xb8;
	[tilespmem:$0x18200] =	vst v63  }
0x93: {  	s0 =	sshrl.u32 s0, $0x3;
	_ =	swait.ge @!p0 [sflag:s29], $0x4000  }
0x94: {  	s26 =	sadd.s32 s0, s1;
	[sflag:s29] =	ssyncset.done @!p0 $0x0  }
0x95: {  	s31 =	sadd.s32 $0x10, s26;
	s30 =	rddreg [dreg:$0x4];
	[sflag:s29] =	ssyncadd.s32 @!p0 $0xFFFFC000  }
0x96: {  	[tilespmem:s30], [sflag:$0x2] =	stream.linear.gather [hbm4b:s31+s3], $0x80, $0x38;
	[tilespmem:$0x18200] =	vst v63  }
0x97: {  	_ =	swait.ge [sflag:s12], $0x80  }
0x98: {  	s28 =	sadd.s32 @p0 s0, s1;
	[sflag:s12] =	ssyncset.done $0x0  }
0x99: {  	s28 =	sadd.s32 @p0 $0x20, s28;
	[sflag:s12] =	ssyncadd.s32 $0xFFFFFF80  }
0x9a: {  	[spmem:s2] =	stream.indirect.scatter.add.f32 [tilespmem:s3], [sflag:$0x5], $0x80, s10, s13, $0xb8;
	[tilespmem:$0x18200] =	vst v63  }
0x9b: {  	s29 =	simm.s32 @p0 $0x2;
	s30 =	simm.s32 @p0 $0x0;
	s31 =	simm.s32 @p0 $0x4100  }
0x9c: {  	[tilespmem:s31], [sflag:$0x3] =	stream.linear.gather @p0 [hbm4b:s28+s30], $0x80, $0x38;
	[tilespmem:$0x18200] =	vst v63  }
0x9d: {  	_ =	swait.ge @p0 [sflag:s29], $0x80  }
0x9e: {  	s28 =	simm.s32 @!p0 $0x7;
	[sflag:s29] =	ssyncset.done @p0 $0x0  }
0x9f: {  	s31 =	simm.s32 @p0 $0x4080;
	[sflag:s29] =	ssyncadd.s32 @p0 $0xFFFFFF80;
	s29 =	simm.s32 @p0 $0x80  }
0xa0: {  	[spmem:s2] =	stream.indirect.scatter.add.f32 @p0 [tilespmem:s30], [sflag:$0x6], $0x80, s31, s29, $0xb8;
	[tilespmem:$0x18200] =	vst v63  }
0xa1: {  	s0 =	sadd.s32 @!p0 s0, s1;
	_ =	swait.ge @!p0 [sflag:s28], $0x4000  }
0xa2: {  	s0 =	sadd.s32 @!p0 $0x20, s0;
	s29 =	simm.s32 @!p0 $0x4100;
	[sflag:s28] =	ssyncset.done @!p0 $0x0  }
0xa3: {  	s30 =	simm.s32 @!p0 $0x2;
	[sflag:s28] =	ssyncadd.s32 @!p0 $0xFFFFC000;
	s28 =	simm.s32 @!p0 $0x0  }
0xa4: {  	[tilespmem:s29], [sflag:$0x3] =	stream.linear.gather @!p0 [hbm4b:s0+s28], $0x80, $0x38;
	[tilespmem:$0x18200] =	vst v63  }
0xa5: {  	_ =	swait.ge @!p0 [sflag:s30], $0x80  }
0xa6: {  	s25 =	smov.u32 s24;
	s0 =	simm.s32 @!p0 $0x8;
	[sflag:s30] =	ssyncset.done @!p0 $0x0  }
0xa7: {  	s29 =	simm.s32 @!p0 $0x80;
	[sflag:s30] =	ssyncadd.s32 @!p0 $0xFFFFFF80;
	s30 =	simm.s32 @!p0 $0x4080  }
0xa8: {  	[spmem:s2] =	stream.indirect.scatter.add.f32 @!p0 [tilespmem:s28], [sflag:$0x6], $0x80, s30, s29, $0xb8;
	[tilespmem:$0x18200] =	vst v63  }
0xa9: {  	s24 =	sadd.s32 $0x200, s24;
	p2 =	seq.s32 s23, $0x2600;
	_ =	swait.ge @!p0 [sflag:s0], $0x4000  }
0xaa: {  	s28 =	sadd.s32 @!p2 $0x200, s23;
	s23 =	smov.u32 s25;
	[sflag:s0] =	ssyncset.done @!p0 $0x0  }
0xab: {  	s30 =	sadd.s32 $0x30, s26;
	s25 =	sand.u32 @!p2 $0x7C00, s28;
	[sflag:s0] =	ssyncadd.s32 @!p0 $0xFFFFC000  }
0xac: {  	[tilespmem:s14], [sflag:$0x4] =	stream.linear.gather [hbm4b:s30+s3], $0x80, $0x38;
	[tilespmem:$0x18200] =	vst v63  }
0xad: {  	p1 =	sne.s32 s24, $0x2800;
	s25 =	sadd.s32 @!p2 s5, s25;
	_ =	swait.ge [sflag:s15], $0x80  }
.Ltmp1:
0xae: {  	s0 =	sand.u32 @!p2 $0x200, s28;
	[sflag:s15] =	ssyncset.done $0x0;
	(pc) =	sbr.rel @p1 .LBB2_4-.Ltmp1, $4  }
0xaf: {  	s0 =	sor.u32 @!p2 s0, s25;
	s31 =	rddreg [dreg:$0x5];
	[sflag:s15] =	ssyncadd.s32 $0xFFFFFF80  }
0xb0: {  	[spmem:s2] =	stream.indirect.scatter.add.f32 [tilespmem:s3], [sflag:$0x7], $0x80, s31, s13, $0xb8;
	[tilespmem:$0x18200] =	vst v63  }
0xb1: {  	p0 =	seq.s32 s23, $0x0;
	s0 =	sshrl.u32 @!p2 s0, $0x3;
	_ =	swait.ge [sflag:s16], $0x4000  }
0xb2: {  	s28 =	simm.s32 @!p2 $0x4000;
	s26 =	sadd.s32 @!p2 s1, s0;
	[sflag:s16] =	ssyncset.done $0x0  }
0xb3: {  	s0 =	simm.s32 @!p2 $0x0;
	[sflag:s16] =	ssyncadd.s32 $0xFFFFC000  }
0xb4: {  	[tilespmem:s28], [sflag:$0x1] =	stream.linear.gather @!p2 [hbm4b:s26+s0], $0x80, $0x38;
	[tilespmem:$0x18200] =	vst v63  }
0xb5: {  	s24 =	sand.u32 $0x3C00, s23;
	_ =	swait.ge [sflag:s18], $0x80  }
0xb6: {  	s25 =	sand.u32 $0x200, s23;
	s24 =	sadd.s32 s5, s24;
	[sflag:s18] =	ssyncset.done $0x0  }
0xb7: {  	s0 =	simm.s32 @!p0 $0x6;
	s24 =	sor.u32 s25, s24;
	[sflag:s18] =	ssyncadd.s32 $0xFFFFFF80  }
0xb8: {  	[spmem:s2] =	stream.indirect.scatter.add.f32 [tilespmem:s3], [sflag:$0x8], $0x80, s14, s13, $0xb8;
	[tilespmem:$0x18200] =	vst v63  }
0xb9: {  	s24 =	sshrl.u32 s24, $0x3;
	_ =	swait.ge @!p0 [sflag:s0], $0x4000  }
0xba: {  	s30 =	sadd.s32 s24, s1;
	[sflag:s0] =	ssyncset.done @!p0 $0x0  }
0xbb: {  	s31 =	sadd.s32 $0x10, s30;
	s29 =	rddreg [dreg:$0x4];
	[sflag:s0] =	ssyncadd.s32 @!p0 $0xFFFFC000  }
0xbc: {  	[tilespmem:s29], [sflag:$0x2] =	stream.linear.gather [hbm4b:s31+s3], $0x80, $0x38;
	[tilespmem:$0x18200] =	vst v63  }
0xbd: {  	_ =	swait.ge [sflag:s12], $0x80  }
0xbe: {  	[sflag:s12] =	ssyncset.done $0x0  }
0xbf: {  	s0 =	sadd.s32 @p0 s24, s1;
	[sflag:s12] =	ssyncadd.s32 $0xFFFFFF80  }
0xc0: {  	[spmem:s2] =	stream.indirect.scatter.add.f32 [tilespmem:s3], [sflag:$0x5], $0x80, s10, s13, $0xb8;
	[tilespmem:$0x18200] =	vst v63  }
0xc1: {  	s28 =	simm.s32 @p0 $0x4100;
	s25 =	simm.s32 @p0 $0x0;
	s0 =	sadd.s32 @p0 $0x20, s0  }
0xc2: {  	[tilespmem:s28], [sflag:$0x3] =	stream.linear.gather @p0 [hbm4b:s0+s25], $0x80, $0x38;
	[tilespmem:$0x18200] =	vst v63  }
0xc3: {  	s0 =	simm.s32 @p0 $0x2  }
0xc4: {  	_ =	swait.ge @p0 [sflag:s0], $0x80  }
0xc5: {  	[sflag:s0] =	ssyncset.done @p0 $0x0  }
0xc6: {  	s28 =	simm.s32 @p0 $0x4080;
	[sflag:s0] =	ssyncadd.s32 @p0 $0xFFFFFF80;
	s0 =	simm.s32 @p0 $0x80  }
0xc7: {  	[spmem:s2] =	stream.indirect.scatter.add.f32 @p0 [tilespmem:s25], [sflag:$0x6], $0x80, s28, s0, $0xb8;
	[tilespmem:$0x18200] =	vst v63  }
0xc8: {  	s0 =	simm.s32 @!p0 $0x7  }
0xc9: {  	_ =	swait.ge @!p0 [sflag:s0], $0x4000  }
0xca: {  	s24 =	sadd.s32 @!p0 s24, s1;
	s25 =	simm.s32 @!p0 $0x4100;
	[sflag:s0] =	ssyncset.done @!p0 $0x0  }
0xcb: {  	[sflag:s0] =	ssyncadd.s32 @!p0 $0xFFFFC000;
	s0 =	sadd.s32 @!p0 $0x20, s24;
	s24 =	simm.s32 @!p0 $0x0  }
0xcc: {  	[tilespmem:s25], [sflag:$0x3] =	stream.linear.gather @!p0 [hbm4b:s0+s24], $0x80, $0x38;
	[tilespmem:$0x18200] =	vst v63  }
0xcd: {  	s0 =	simm.s32 @!p0 $0x2  }
0xce: {  	_ =	swait.ge @!p0 [sflag:s0], $0x80  }
0xcf: {  	[sflag:s0] =	ssyncset.done @!p0 $0x0  }
0xd0: {  	s25 =	simm.s32 @!p0 $0x4080;
	[sflag:s0] =	ssyncadd.s32 @!p0 $0xFFFFFF80;
	s0 =	simm.s32 @!p0 $0x80  }
0xd1: {  	[spmem:s2] =	stream.indirect.scatter.add.f32 @!p0 [tilespmem:s24], [sflag:$0x6], $0x80, s25, s0, $0xb8;
	[tilespmem:$0x18200] =	vst v63  }
0xd2: {  	s0 =	simm.s32 @!p0 $0x8  }
0xd3: {  	_ =	swait.ge @!p0 [sflag:s0], $0x4000  }
0xd4: {  	[sflag:s0] =	ssyncset.done @!p0 $0x0  }
0xd5: {  	p1 =	seq.s32 s23, $0x2600;
	s26 =	sadd.s32 $0x30, s30;
	[sflag:s0] =	ssyncadd.s32 @!p0 $0xFFFFC000  }
0xd6: {  	[tilespmem:s14], [sflag:$0x4] =	stream.linear.gather [hbm4b:s26+s3], $0x80, $0x38;
	[tilespmem:$0x18200] =	vst v63  }
0xd7: {  	s0 =	sadd.s32 @!p1 $0x200, s23;
	_ =	swait.ge [sflag:s15], $0x80  }
0xd8: {  	s23 =	sand.u32 @!p1 $0x7C00, s0;
	s0 =	sand.u32 @!p1 $0x200, s0;
	[sflag:s15] =	ssyncset.done $0x0  }
0xd9: {  	s23 =	sadd.s32 @!p1 s5, s23;
	s28 =	rddreg [dreg:$0x5];
	[sflag:s15] =	ssyncadd.s32 $0xFFFFFF80  }
0xda: {  	[spmem:s2] =	stream.indirect.scatter.add.f32 [tilespmem:s3], [sflag:$0x7], $0x80, s28, s13, $0xb8;
	[tilespmem:$0x18200] =	vst v63  }
0xdb: {  	s0 =	sor.u32 @!p1 s0, s23;
	_ =	swait.ge [sflag:s16], $0x4000  }
0xdc: {  	s24 =	simm.s32 @!p1 $0x0;
	s0 =	sshrl.u32 @!p1 s0, $0x3;
	[sflag:s16] =	ssyncset.done $0x0  }
0xdd: {  	s23 =	simm.s32 @!p1 $0x4000;
	s0 =	sadd.s32 @!p1 s1, s0;
	[sflag:s16] =	ssyncadd.s32 $0xFFFFC000  }
0xde: {  	[tilespmem:s23], [sflag:$0x1] =	stream.linear.gather @!p1 [hbm4b:s0+s24], $0x80, $0x38;
	[tilespmem:$0x18200] =	vst v63  }
0xdf: {  	_ =	swait.ge [sflag:s18], $0x80  }
0xe0: {  	[sflag:s18] =	ssyncset.done $0x0  }
0xe1: {  	[sflag:s18] =	ssyncadd.s32 $0xFFFFFF80  }
0xe2: {  	[spmem:s2] =	stream.indirect.scatter.add.f32 [tilespmem:s3], [sflag:$0x8], $0x80, s14, s13, $0xb8;
	[tilespmem:$0x18200] =	vst v63  }
0xe3: {  	_ =	swait.ge [sflag:s19], $0x4000  }
0xe4: {  	[sflag:s19] =	ssyncset.done $0x0  }
0xe5: {  	[sflag:s19] =	ssyncadd.s32 $0xFFFFC000  }
0xe6: {  	_ =	swait.ge [sflag:s20], $0x4000  }
0xe7: {  	[sflag:s20] =	ssyncset.done $0x0  }
0xe8: {  	[sflag:s20] =	ssyncadd.s32 $0xFFFFC000  }
0xe9: {  	_ =	swait.ge [sflag:s21], $0x4000  }
0xea: {  	[sflag:s21] =	ssyncset.done $0x0  }
0xeb: {  	s29 =	stileid.u32;
	[sflag:s21] =	ssyncadd.s32 $0xFFFFC000  }
0xec: {  	s0 =	sshll.u32 s29, $0x6;
	[bflag:$0x0] =	sbarrier.arrive $0xFFFF  }
0xed: {  	s30 =	sshrl.u32 s17, $0x3;
	s0 =	sor.u32 $0x1C09, s0;
	s31 =	rddreg [dreg:$0x6]  }
0xee: {  	[hbm:s31], [sflag:s0] =	dma.local [spmem:s30], $0x400  }
0xef: {  	_ =	swait.ge [sflag:s11], $0x400  }
0xf0: {  	[sflag:s11] =	ssyncset.done $0x0;
	s25 =	rddreg [dreg:$0x7]  }
0xf1: {  	s26 =	rddreg [dreg:$0x12];
	[sflag:s11] =	ssyncadd.s32 $0xFFFFFC00  }
0xf2: {  	[hbm:s25], [sflag:s0] =	dma.local [spmem:s26], $0x400  }
0xf3: {  	_ =	swait.ge [sflag:s11], $0x400  }
0xf4: {  	[sflag:s11] =	ssyncset.done $0x0;
	s28 =	rddreg [dreg:$0x8]  }
0xf5: {  	s29 =	rddreg [dreg:$0x13];
	[sflag:s11] =	ssyncadd.s32 $0xFFFFFC00  }
0xf6: {  	[hbm:s28], [sflag:s0] =	dma.local [spmem:s29], $0x400  }
0xf7: {  	_ =	swait.ge [sflag:s11], $0x400  }
0xf8: {  	[sflag:s11] =	ssyncset.done $0x0;
	s30 =	rddreg [dreg:$0x9]  }
0xf9: {  	s31 =	rddreg [dreg:$0x14];
	[sflag:s11] =	ssyncadd.s32 $0xFFFFFC00  }
0xfa: {  	[hbm:s30], [sflag:s0] =	dma.local [spmem:s31], $0x400  }
0xfb: {  	_ =	swait.ge [sflag:s11], $0x400  }
0xfc: {  	[sflag:s11] =	ssyncset.done $0x0;
	s25 =	rddreg [dreg:$0xa]  }
0xfd: {  	s26 =	rddreg [dreg:$0x15];
	[sflag:s11] =	ssyncadd.s32 $0xFFFFFC00  }
0xfe: {  	[hbm:s25], [sflag:s0] =	dma.local [spmem:s26], $0x400  }
0xff: {  	_ =	swait.ge [sflag:s11], $0x400  }
0x100: {  	[sflag:s11] =	ssyncset.done $0x0;
	s28 =	rddreg [dreg:$0xb]  }
0x101: {  	s29 =	rddreg [dreg:$0x16];
	[sflag:s11] =	ssyncadd.s32 $0xFFFFFC00  }
0x102: {  	[hbm:s28], [sflag:s0] =	dma.local [spmem:s29], $0x400  }
0x103: {  	_ =	swait.ge [sflag:s11], $0x400  }
0x104: {  	[sflag:s11] =	ssyncset.done $0x0;
	s30 =	rddreg [dreg:$0xc]  }
0x105: {  	s31 =	rddreg [dreg:$0x17];
	[sflag:s11] =	ssyncadd.s32 $0xFFFFFC00  }
0x106: {  	[hbm:s30], [sflag:s0] =	dma.local [spmem:s31], $0x400  }
0x107: {  	_ =	swait.ge [sflag:s11], $0x400  }
0x108: {  	[sflag:s11] =	ssyncset.done $0x0;
	s24 =	rddreg [dreg:$0xd]  }
0x109: {  	s25 =	rddreg [dreg:$0x18];
	[sflag:s11] =	ssyncadd.s32 $0xFFFFFC00  }
0x10a: {  	[hbm:s24], [sflag:s0] =	dma.local [spmem:s25], $0x400  }
0x10b: {  	_ =	swait.ge [sflag:s11], $0x400  }
0x10c: {  	[sflag:s11] =	ssyncset.done $0x0;
	s26 =	rddreg [dreg:$0xe]  }
0x10d: {  	s28 =	rddreg [dreg:$0x19];
	[sflag:s11] =	ssyncadd.s32 $0xFFFFFC00  }
0x10e: {  	[hbm:s26], [sflag:s0] =	dma.local [spmem:s28], $0x400  }
0x10f: {  	_ =	swait.ge [sflag:s11], $0x400  }
0x110: {  	[sflag:s11] =	ssyncset.done $0x0;
	s29 =	rddreg [dreg:$0xf]  }
0x111: {  	s30 =	rddreg [dreg:$0x1a];
	[sflag:s11] =	ssyncadd.s32 $0xFFFFFC00  }
0x112: {  	[hbm:s29], [sflag:s0] =	dma.local [spmem:s30], $0x400  }
0x113: {  	_ =	swait.ge [sflag:s11], $0x400  }
0x114: {  	s22 =	sadd.s32 $0x1, s22;
	s31 =	rddreg [dreg:$0x11]  }
0x115: {  	p0 =	sne.s32 s22, s31  }
.Ltmp2:
0x116: {  	_ = 	snop;
	(pc) =	sbr.rel @p0 .LBB2_1-.Ltmp2, $3  }
0x117: {  	_ =	sdelay $0x1  }
0x118: {  	[sflag:s11] =	ssyncset.done $0x0  }
0x119: {  	[sflag:s11] =	ssyncadd.s32 $0xFFFFFC00  }
0x11a: {  	_ =	sfence.sel $0x180000  }
0x11b: {  	[bflag:$0x0] =	sbarrier.arrive $0xFFFF  }
0x11c: {  	_ =	strace $0x90000047  }
0x11d: {  	s0 =	stileid.u32;
	[bflag:$0x2] =	sbarrier.arrive $0xFFFF  }
0x11e: {  	p0 =	sne.s32 s0, $0x0;
	s0 =	rddreg [dreg:$0x3]  }
0x11f: {  	s0 =	sadd.s32 @!p0 $0x100000, s0  }
0x120: {  	[sflag:s0] =	ssyncadd.tile.s32 @!p0 $0x1;
	_ =	shalt  }
.Lfunc_end2:
_tile_overlayer_lowered:
.L_overlay_start_2:
0x121: {  	(tag) =	ssettag $0x2  }
0x122: {  	s0 =	rddreg [dreg:$0x0];
	s2 =	stileid.u32  }
0x123: {  	s1 =	rddreg [dreg:$0x1];
	p0 =	sne.s32 s2, $0x0  }
0x124: {  	s3 =	rddreg [dreg:$0x2];
	[bflag:$0x3] =	sbarrier.arrive $0xFFFF;
	s2 =	simm.s32 @!p0 $0x1C09  }
0x125: {  	[timem:s3], [sflag:s2] =	dma.local @!p0 [hbm:s0], s1  }
0x126: {  	s0 =	simm.s32 @!p0 $0x9  }
0x127: {  	_ =	swait.ge @!p0 [sflag:s0], s1  }
0x128: {  	s1 =	ssub.s32 @!p0 $0x0, s1;
	[sflag:s0] =	ssyncset.done @!p0 $0x0  }
0x129: {  	[sflag:s0] =	ssyncadd.s32 @!p0 s1  }
0x12a: {  	[bflag:$0x3] =	sbarrier.arrive $0xFFFF  }
0x12b: {  	_ =	shalt  }

</sc_bundles>
